<compile_context>
chip_gen: v7x
topology: tpu7x:2x2x1
jax: 0.10.2.dev20260603
libtpu: 0.0.44.dev20260713+nightly
codegen_flags: <defaults>
</compile_context>

<pallas_src>
import functools

import jax
import jax.numpy as jnp
import numpy as np
from jax import lax
from jax.experimental import pallas as pl
from jax.experimental.pallas import tpu as pltpu
from jax.experimental.pallas import tpu_sc as plsc

N = 10000
E = 320000
DIM = 128
H = 8
HID = 512
DA = 16

NC = 2
NS = 16
NW = NC * NS
K = 64
NCHUNK = 159
EPT = NCHUNK * K
EP = NW * EPT
NPAD = 10240
RPT = NPAD // NS
RZ = 64

BLK = 400
GRID = N // BLK



def _tc1_body(h_ref, win_ref, bin_ref, wa_ref, ba_ref, wb_ref, bb_ref,
              hl_ref, ua_ref, ub_ref):
    hblk = h_ref[...]
    hl_ref[...] = jnp.dot(hblk, win_ref[...],
                          preferred_element_type=jnp.float32) + bin_ref[...]
    ua_ref[...] = jnp.dot(hblk, wa_ref[...],
                          preferred_element_type=jnp.float32) + ba_ref[...]
    ub_ref[...] = jnp.dot(hblk, wb_ref[...],
                          preferred_element_type=jnp.float32) + bb_ref[...]


def _tc1(h, win, bin_, wa, ba, wb, bb):
    return pl.pallas_call(
        _tc1_body,
        grid=(NPAD // BLK + 1,),
        in_specs=[
            pl.BlockSpec((BLK, DIM), lambda i: (i, 0)),
            pl.BlockSpec((DIM, DIM), lambda i: (0, 0)),
            pl.BlockSpec((1, DIM), lambda i: (0, 0)),
            pl.BlockSpec((DIM, DA), lambda i: (0, 0)),
            pl.BlockSpec((1, DA), lambda i: (0, 0)),
            pl.BlockSpec((DIM, DA), lambda i: (0, 0)),
            pl.BlockSpec((1, DA), lambda i: (0, 0)),
        ],
        out_specs=[
            pl.BlockSpec((BLK, DIM), lambda i: (i, 0)),
            pl.BlockSpec((BLK, DA), lambda i: (i, 0)),
            pl.BlockSpec((BLK, DA), lambda i: (i, 0)),
        ],
        out_shape=[
            jax.ShapeDtypeStruct((NPAD, DIM), jnp.float32),
            jax.ShapeDtypeStruct((NPAD, DA), jnp.float32),
            jax.ShapeDtypeStruct((NPAD, DA), jnp.float32),
        ],
    )(h, win, bin_, wa, ba, wb, bb)



def _sc_edges(hlf, uva, uvb, src, dst):
    mesh = plsc.VectorSubcoreMesh(core_axis_name="c", subcore_axis_name="s")

    @functools.partial(
        pl.kernel,
        mesh=mesh,
        out_type=[
            jax.ShapeDtypeStruct((NC, NPAD, DIM), jnp.float32),
            jax.ShapeDtypeStruct((NC, NPAD, DA), jnp.float32),
        ],
        scratch_types=[
            pltpu.VMEM((K,), jnp.int32), pltpu.VMEM((K,), jnp.int32),
            pltpu.VMEM((K,), jnp.int32), pltpu.VMEM((K,), jnp.int32),
            pltpu.VMEM((K,), jnp.int32), pltpu.VMEM((K,), jnp.int32),
            pltpu.VMEM((K, DIM), jnp.float32),
            pltpu.VMEM((K, DIM), jnp.float32),
            pltpu.VMEM((K, DIM), jnp.float32),
            pltpu.VMEM((K, DA), jnp.float32),
            pltpu.VMEM((K, DA), jnp.float32),
            pltpu.VMEM((K, DA), jnp.float32),
            pltpu.VMEM((K, DA), jnp.float32),
            pltpu.VMEM((K, DA), jnp.float32),
            pltpu.VMEM((K, DA), jnp.float32),
            pltpu.VMEM((K, DA), jnp.float32),
            pltpu.VMEM((K, DA), jnp.float32),
            pltpu.VMEM((K, DA), jnp.float32),
            pltpu.VMEM_SHARED((NPAD, DIM), jnp.float32),
            pltpu.VMEM_SHARED((NPAD, DA), jnp.float32),
            pltpu.SemaphoreType.DMA, pltpu.SemaphoreType.DMA,
            pltpu.SemaphoreType.DMA,
            pltpu.SemaphoreType.DMA, pltpu.SemaphoreType.DMA,
            pltpu.SemaphoreType.DMA,
            pltpu.SemaphoreType.DMA, pltpu.SemaphoreType.DMA,
            pltpu.SemaphoreType.DMA,
        ],
        compiler_params=pltpu.CompilerParams(use_tc_tiling_on_sc=False),
    )
    def body(hl_r, uva_r, uvb_r, src_r, dst_r, outm_r, outd_r,
             s0, s1, s2, d0, d1, d2, v0, v1, v2,
             a0, a1, a2, b0, b1, b2, e0b, e1b, e2b,
             accm, accd, si0, si1, si2, sg0, sg1, sg2, ss0, ss1, ss2):
        cid = lax.axis_index("c")
        sid = lax.axis_index("s")
        tile = cid * NS + sid
        ebase = tile * EPT

        SV = (s0, s1, s2)
        DD = (d0, d1, d2)
        VB = (v0, v1, v2)
        AB = (a0, a1, a2)
        BB = (b0, b1, b2)
        EB = (e0b, e1b, e2b)
        SI = (si0, si1, si2)
        SG = (sg0, sg1, sg2)
        SS = (ss0, ss1, ss2)

        def zrow(i, _):
            for g in range(DIM // 16):
                v0[i, pl.ds(g * 16, 16)] = jnp.zeros((16,), jnp.float32)
            e0b[i, pl.ds(0, 16)] = jnp.zeros((16,), jnp.float32)
            return 0
        lax.fori_loop(0, RZ, zrow, 0)
        for b in range(RPT // RZ):
            r0 = sid * RPT + b * RZ
            pltpu.sync_copy(v0, accm.at[pl.ds(r0, RZ)])
            pltpu.sync_copy(e0b, accd.at[pl.ds(r0, RZ)])
        plsc.subcore_barrier()

        def issue_idx(j, p):
            e0 = ebase + j * K
            pltpu.async_copy(src_r.at[pl.ds(e0, K)], SV[p], SI[p])
            pltpu.async_copy(dst_r.at[pl.ds(e0, K)], DD[p], SI[p])

        def wait_idx(j, p):
            e0 = ebase + j * K
            pltpu.make_async_copy(src_r.at[pl.ds(e0, K)], SV[p], SI[p]).wait()
            pltpu.make_async_copy(dst_r.at[pl.ds(e0, K)], DD[p], SI[p]).wait()

        def issue_gathers(p):
            pltpu.async_copy(hl_r.at[SV[p]], VB[p], SG[p])
            pltpu.async_copy(uva_r.at[SV[p]], AB[p], SG[p])
            pltpu.async_copy(uvb_r.at[DD[p]], BB[p], SG[p])

        def wait_gathers(p):
            pltpu.make_async_copy(hl_r.at[SV[p]], VB[p], SG[p]).wait()
            pltpu.make_async_copy(uva_r.at[SV[p]], AB[p], SG[p]).wait()
            pltpu.make_async_copy(uvb_r.at[DD[p]], BB[p], SG[p]).wait()

        def issue_scatter(p):
            pltpu.async_copy(VB[p], accm.at[DD[p]], SS[p], add=True)
            pltpu.async_copy(EB[p], accd.at[DD[p]], SS[p], add=True)

        def wait_scatter(p):
            pltpu.make_async_copy(VB[p], accm.at[DD[p]], SS[p]).wait()
            pltpu.make_async_copy(EB[p], accd.at[DD[p]], SS[p]).wait()

        idxrep = (lax.iota(jnp.int32, 16) & 7)[:, None]
        gdn = lax.GatherDimensionNumbers(
            offset_dims=(), collapsed_slice_dims=(0,), start_index_map=(0,))

        def compute(p):
            vb, ab, bb, eb = VB[p], AB[p], BB[p], EB[p]

            @plsc.parallel_loop(0, K, unroll=4)
            def edge(e):
                s = ab[e, pl.ds(0, 16)] + bb[e, pl.ds(0, 16)]
                s = jnp.maximum(s, 0.2 * s)
                ex = jnp.exp(s)
                eb[e, pl.ds(0, 16)] = ex
                exrep = lax.gather(
                    ex, idxrep, dimension_numbers=gdn, slice_sizes=(1,),
                    mode=lax.GatherScatterMode.PROMISE_IN_BOUNDS)
                for g in range(DIM // 16):
                    vb[e, pl.ds(g * 16, 16)] = vb[e, pl.ds(g * 16, 16)] * exrep

        def step(j, p):
            pm1 = (p + 2) % 3
            wait_gathers(p)
            compute(p)
            issue_scatter(p)

            @pl.when(j > 0)
            def _():
                wait_scatter(pm1)

            @pl.when(j + 2 < NCHUNK)
            def _():
                wait_idx(j + 2, pm1)
                issue_gathers(pm1)

            @pl.when(j + 3 < NCHUNK)
            def _():
                issue_idx(j + 3, p)

        issue_idx(0, 0)
        issue_idx(1, 1)
        issue_idx(2, 2)
        wait_idx(0, 0)
        issue_gathers(0)
        wait_idx(1, 1)
        issue_gathers(1)

        def tri(t, _):
            j0 = t * 3
            step(j0, 0)
            step(j0 + 1, 1)
            step(j0 + 2, 2)
            return 0
        lax.fori_loop(0, NCHUNK // 3, tri, 0)
        wait_scatter((NCHUNK - 1) % 3)
        plsc.subcore_barrier()

        for b in range(RPT // RZ):
            r0 = sid * RPT + b * RZ
            pltpu.sync_copy(accm.at[pl.ds(r0, RZ)], v0)
            pltpu.sync_copy(v0, outm_r.at[cid, pl.ds(r0, RZ)])
            pltpu.sync_copy(accd.at[pl.ds(r0, RZ)], e0b)
            pltpu.sync_copy(e0b, outd_r.at[cid, pl.ds(r0, RZ)])

    return body(hlf, uva, uvb, src, dst)



def _tc2_body(accm_ref, accd_ref, hl_ref, r_ref, w1t_ref, w1b_ref, b1_ref,
              w2_ref, b2_ref, out_ref):
    msgr = accm_ref[0] + accm_ref[1]
    den16 = accd_ref[0] + accd_ref[1]
    den = den16[:, :H]
    recip = jnp.where(den > 0.0, 1.0 / den, 0.0)
    drep = jnp.dot(recip, r_ref[...], preferred_element_type=jnp.float32)
    msg = msgr * drep
    x = (jnp.dot(hl_ref[...], w1t_ref[...], preferred_element_type=jnp.float32)
         + jnp.dot(msg, w1b_ref[...], preferred_element_type=jnp.float32)
         + b1_ref[...])
    x = x * 0.5 * (1.0 + lax.erf(x * np.float32(1.0 / np.sqrt(2.0))))
    out_ref[...] = (jnp.dot(x, w2_ref[...], preferred_element_type=jnp.float32)
                    + b2_ref[...])


def _tc2(accm, accd, hlf, rmat, w1t, w1b, b1, w2, b2):
    return pl.pallas_call(
        _tc2_body,
        grid=(GRID,),
        in_specs=[
            pl.BlockSpec((NC, BLK, DIM), lambda i: (0, i, 0)),
            pl.BlockSpec((NC, BLK, DA), lambda i: (0, i, 0)),
            pl.BlockSpec((BLK, DIM), lambda i: (i, 0)),
            pl.BlockSpec((H, DIM), lambda i: (0, 0)),
            pl.BlockSpec((DIM, HID), lambda i: (0, 0)),
            pl.BlockSpec((DIM, HID), lambda i: (0, 0)),
            pl.BlockSpec((1, HID), lambda i: (0, 0)),
            pl.BlockSpec((HID, DIM), lambda i: (0, 0)),
            pl.BlockSpec((1, DIM), lambda i: (0, 0)),
        ],
        out_specs=pl.BlockSpec((BLK, DIM), lambda i: (i, 0)),
        out_shape=jax.ShapeDtypeStruct((N, DIM), jnp.float32),
    )(accm, accd, hlf, rmat, w1t, w1b, b1, w2, b2)



def kernel(h, edge_index, W_in, b_in, Wu, bu, Wv, W1, b1, W2, b2):
    padt = EPT - E // NW
    src2 = edge_index[0].astype(jnp.int32).reshape(NW, E // NW)
    dst2 = edge_index[1].astype(jnp.int32).reshape(NW, E // NW)
    pad_s = jnp.broadcast_to(jnp.arange(padt, dtype=jnp.int32), (NW, padt))
    pad_d = pad_s + N
    srcp = jnp.concatenate([src2, pad_s], axis=1).reshape(-1)
    dstp = jnp.concatenate([dst2, pad_d], axis=1).reshape(-1)

    z8 = jnp.zeros((DIM, H), jnp.float32)
    z8b = jnp.zeros((H,), jnp.float32)
    wa = jnp.concatenate([W_in @ Wu, z8], axis=1)
    ba = jnp.concatenate([b_in @ Wu + bu, z8b])[None, :]
    wb = jnp.concatenate([W_in @ Wv, z8], axis=1)
    bb = jnp.concatenate([b_in @ Wv, z8b])[None, :]

    rnp = np.zeros((H, DIM), np.float32)
    rnp[np.arange(DIM) % H, np.arange(DIM)] = 1.0
    rmat = jnp.asarray(rnp)

    hlf, uva, uvb = _tc1(h, W_in, b_in[None, :], wa, ba, wb, bb)
    accm, accd = _sc_edges(hlf, uva, uvb, srcp, dstp)
    return _tc2(accm, accd, hlf, rmat, W1[:DIM], W1[DIM:], b1[None, :],
                W2, b2[None, :])

# --- scband reference (transcript-rebuilt; emitter-appended) ---
"""Pipeline reference for scband-gatsep-module-17042430231189 (READ-ONLY COPY).

The authoritative reference and input builder live on the scoring server;
editing this copy changes nothing except your own understanding.
"""

import jax, jax.numpy as jnp
import numpy as np

N = 10000
E = 320000
DIM = 128
H = 8
HEAD = DIM // H  # 16
HID = int(DIM * 4.0)  # 512


def setup_inputs(seed: int = 0) -> dict:
    key = jax.random.key(seed)
    ks = jax.random.split(key, 12)
    h = jax.random.normal(ks[0], (N, DIM), dtype=jnp.float32)
    edge_index = jax.random.randint(ks[1], (2, E), 0, N)
    s = 1.0 / np.sqrt(DIM)
    W_in = jax.random.normal(ks[2], (DIM, DIM), dtype=jnp.float32) * s
    b_in = jax.random.normal(ks[3], (DIM,), dtype=jnp.float32) * s
    Wu = jax.random.normal(ks[4], (DIM, H), dtype=jnp.float32) * s
    bu = jax.random.normal(ks[5], (H,), dtype=jnp.float32) * s
    Wv = jax.random.normal(ks[6], (DIM, H), dtype=jnp.float32) * s
    W1 = jax.random.normal(ks[7], (2 * DIM, HID), dtype=jnp.float32) * (1.0 / np.sqrt(2 * DIM))
    b1 = jax.random.normal(ks[8], (HID,), dtype=jnp.float32) * 0.01
    W2 = jax.random.normal(ks[9], (HID, DIM), dtype=jnp.float32) * (1.0 / np.sqrt(HID))
    b2 = jax.random.normal(ks[10], (DIM,), dtype=jnp.float32) * 0.01
    return {"h": h, "edge_index": edge_index, "W_in": W_in, "b_in": b_in,
            "Wu": Wu, "bu": bu, "Wv": Wv, "W1": W1, "b1": b1, "W2": W2, "b2": b2}


def reference(h, edge_index, W_in, b_in, Wu, bu, Wv, W1, b1, W2, b2):
    src = edge_index[0]
    dst = edge_index[1]
    # input_linear
    hl = h @ W_in + b_in
    # attention projections
    au = hl @ Wu + bu            # [N, H]
    av = hl @ Wv                 # [N, H] (no bias)
    # ops.u_add_v: per-edge score from source (u) and destination (v)
    e = au[src] + av[dst]        # [E, H]
    # LeakyReLU(0.2)
    e = jnp.where(e > 0, e, 0.2 * e)
    # edge_softmax over incoming edges of each dst node
    m = jax.ops.segment_max(e, dst, num_segments=N)
    m = jnp.where(jnp.isfinite(m), m, 0.0)
    ex = jnp.exp(e - m[dst])
    denom = jax.ops.segment_sum(ex, dst, num_segments=N)
    probs = ex / denom[dst]      # [E, H]
    # u_mul_e_sum with h reshaped to [N, head_dim, num_heads]
    h_heads = hl.reshape(N, HEAD, H)
    msg_e = h_heads[src] * probs[:, None, :]   # [E, HEAD, H]
    message = jax.ops.segment_sum(msg_e, dst, num_segments=N).reshape(N, DIM)
    combined = jnp.concatenate([hl, message], axis=1)   # [N, 2*DIM]
    # feed forward (dropout = identity at eval)
    x = combined @ W1 + b1
    x = jax.nn.gelu(x, approximate=False)
    x = x @ W2 + b2
    return x

if __name__ == "__main__":
    import jax
    _d = setup_inputs()
    print(jax.jit(kernel)(*tuple(_d.values())))

</pallas_src>

<mosaic_0001>
#map = affine_map<(d0, d1) -> (0, 0)>
#map1 = affine_map<(d0, d1) -> (0)>
#map2 = affine_map<(d0, d1) -> (0, 0, 0)>
module attributes {stable_mosaic.version = 14 : i64} {
  func.func @body(%arg0: i32, %arg1: i32, %arg2: memref<10240x128xf32, #tpu.memory_space<hbm>>, %arg3: memref<10240x16xf32, #tpu.memory_space<hbm>>, %arg4: memref<10240x16xf32, #tpu.memory_space<hbm>>, %arg5: memref<325632xi32, #tpu.memory_space<hbm>>, %arg6: memref<325632xi32, #tpu.memory_space<hbm>>, %arg7: memref<2x10240x128xf32, #tpu.memory_space<hbm>>, %arg8: memref<2x10240x16xf32, #tpu.memory_space<hbm>>, %arg9: memref<64xi32, #tpu.memory_space<vmem>>, %arg10: memref<64xi32, #tpu.memory_space<vmem>>, %arg11: memref<64xi32, #tpu.memory_space<vmem>>, %arg12: memref<64xi32, #tpu.memory_space<vmem>>, %arg13: memref<64xi32, #tpu.memory_space<vmem>>, %arg14: memref<64xi32, #tpu.memory_space<vmem>>, %arg15: memref<64x128xf32, #tpu.memory_space<vmem>>, %arg16: memref<64x128xf32, #tpu.memory_space<vmem>>, %arg17: memref<64x128xf32, #tpu.memory_space<vmem>>, %arg18: memref<64x16xf32, #tpu.memory_space<vmem>>, %arg19: memref<64x16xf32, #tpu.memory_space<vmem>>, %arg20: memref<64x16xf32, #tpu.memory_space<vmem>>, %arg21: memref<64x16xf32, #tpu.memory_space<vmem>>, %arg22: memref<64x16xf32, #tpu.memory_space<vmem>>, %arg23: memref<64x16xf32, #tpu.memory_space<vmem>>, %arg24: memref<64x16xf32, #tpu.memory_space<vmem>>, %arg25: memref<64x16xf32, #tpu.memory_space<vmem>>, %arg26: memref<64x16xf32, #tpu.memory_space<vmem>>, %arg27: memref<10240x128xf32, #tpu.memory_space<vmem_shared>>, %arg28: memref<10240x16xf32, #tpu.memory_space<vmem_shared>>, %arg29: memref<!tpu.dma_semaphore, #tpu.memory_space<semaphore_mem>>, %arg30: memref<!tpu.dma_semaphore, #tpu.memory_space<semaphore_mem>>, %arg31: memref<!tpu.dma_semaphore, #tpu.memory_space<semaphore_mem>>, %arg32: memref<!tpu.dma_semaphore, #tpu.memory_space<semaphore_mem>>, %arg33: memref<!tpu.dma_semaphore, #tpu.memory_space<semaphore_mem>>, %arg34: memref<!tpu.dma_semaphore, #tpu.memory_space<semaphore_mem>>, %arg35: memref<!tpu.dma_semaphore, #tpu.memory_space<semaphore_mem>>, %arg36: memref<!tpu.dma_semaphore, #tpu.memory_space<semaphore_mem>>, %arg37: memref<!tpu.dma_semaphore, #tpu.memory_space<semaphore_mem>>) attributes {dimension_semantics = [#tpu.dimension_semantics<core_parallel>, #tpu.dimension_semantics<subcore_parallel>], iteration_bounds = array<i64: 2, 16>, scalar_prefetch = 0 : i64, scratch_operands = 29 : i64, tpu.core_type = #tpu.core_type<sc_vector_subcore>, window_params = [{transform_indices = #map}, {transform_indices = #map}, {transform_indices = #map}, {transform_indices = #map1}, {transform_indices = #map1}, {transform_indices = #map2}, {transform_indices = #map2}]} {
    %mul3A = arith.constant 16 : i32
    %mul3A_0 = arith.muli %arg0, %mul3A : i32
    %add3A = arith.addi %mul3A_0, %arg1 : i32
    %mul3A_1 = arith.constant 10176 : i32
    %mul3A_2 = arith.muli %add3A, %mul3A_1 : i32
    %scan3A = arith.constant 0 : i32
    %scan3A_3 = arith.constant 0 : i32
    %scan3A_4 = arith.constant 64 : i32
    %scan3A_5 = arith.addi %scan3A_3, %scan3A_4 : i32
    %scan3A_6 = arith.constant 1 : i32
    %scan3A_7 = scf.for %scan3A_151 = %scan3A_3 to %scan3A_5 step %scan3A_6 iter_args(%scan3A_152 = %scan3A) -> (i32)  : i32 {
      %broadcast_in_dim3A_153 = arith.constant 0.000000e+00 : f32
      %broadcast_in_dim3A_154 = vector.broadcast %broadcast_in_dim3A_153 : f32 to vector<16xf32>
      %swap3A = arith.index_cast %scan3A_151 : i32 to index
      %swap3A_155 = arith.constant 0 : index
      %swap3A_156 = tpu.vector_load %arg15[%swap3A, %swap3A_155] {strides = array<i32>} : memref<64x128xf32, #tpu.memory_space<vmem>>, vector<1x16xf32>,
      %swap3A_157 = vector.shape_cast %swap3A_156 : vector<1x16xf32> to vector<16xf32>
      %swap3A_158 = vector.shape_cast %broadcast_in_dim3A_154 : vector<16xf32> to vector<1x16xf32>
      tpu.vector_store %arg15[%swap3A, %swap3A_155], %swap3A_158 {strides = array<i32>} : memref<64x128xf32, #tpu.memory_space<vmem>>, vector<1x16xf32>,
      %broadcast_in_dim3A_159 = arith.constant 0.000000e+00 : f32
      %broadcast_in_dim3A_160 = vector.broadcast %broadcast_in_dim3A_159 : f32 to vector<16xf32>
      %swap3A_161 = arith.index_cast %scan3A_151 : i32 to index
      %swap3A_162 = arith.constant 16 : index
      %swap3A_163 = tpu.vector_load %arg15[%swap3A_161, %swap3A_162] {strides = array<i32>} : memref<64x128xf32, #tpu.memory_space<vmem>>, vector<1x16xf32>,
      %swap3A_164 = vector.shape_cast %swap3A_163 : vector<1x16xf32> to vector<16xf32>
      %swap3A_165 = vector.shape_cast %broadcast_in_dim3A_160 : vector<16xf32> to vector<1x16xf32>
      tpu.vector_store %arg15[%swap3A_161, %swap3A_162], %swap3A_165 {strides = array<i32>} : memref<64x128xf32, #tpu.memory_space<vmem>>, vector<1x16xf32>,
      %broadcast_in_dim3A_166 = arith.constant 0.000000e+00 : f32
      %broadcast_in_dim3A_167 = vector.broadcast %broadcast_in_dim3A_166 : f32 to vector<16xf32>
      %swap3A_168 = arith.index_cast %scan3A_151 : i32 to index
      %swap3A_169 = arith.constant 32 : index
      %swap3A_170 = tpu.vector_load %arg15[%swap3A_168, %swap3A_169] {strides = array<i32>} : memref<64x128xf32, #tpu.memory_space<vmem>>, vector<1x16xf32>,
      %swap3A_171 = vector.shape_cast %swap3A_170 : vector<1x16xf32> to vector<16xf32>
      %swap3A_172 = vector.shape_cast %broadcast_in_dim3A_167 : vector<16xf32> to vector<1x16xf32>
      tpu.vector_store %arg15[%swap3A_168, %swap3A_169], %swap3A_172 {strides = array<i32>} : memref<64x128xf32, #tpu.memory_space<vmem>>, vector<1x16xf32>,
      %broadcast_in_dim3A_173 = arith.constant 0.000000e+00 : f32
      %broadcast_in_dim3A_174 = vector.broadcast %broadcast_in_dim3A_173 : f32 to vector<16xf32>
      %swap3A_175 = arith.index_cast %scan3A_151 : i32 to index
      %swap3A_176 = arith.constant 48 : index
      %swap3A_177 = tpu.vector_load %arg15[%swap3A_175, %swap3A_176] {strides = array<i32>} : memref<64x128xf32, #tpu.memory_space<vmem>>, vector<1x16xf32>,
      %swap3A_178 = vector.shape_cast %swap3A_177 : vector<1x16xf32> to vector<16xf32>
      %swap3A_179 = vector.shape_cast %broadcast_in_dim3A_174 : vector<16xf32> to vector<1x16xf32>
      tpu.vector_store %arg15[%swap3A_175, %swap3A_176], %swap3A_179 {strides = array<i32>} : memref<64x128xf32, #tpu.memory_space<vmem>>, vector<1x16xf32>,
      %broadcast_in_dim3A_180 = arith.constant 0.000000e+00 : f32
      %broadcast_in_dim3A_181 = vector.broadcast %broadcast_in_dim3A_180 : f32 to vector<16xf32>
      %swap3A_182 = arith.index_cast %scan3A_151 : i32 to index
      %swap3A_183 = arith.constant 64 : index
      %swap3A_184 = tpu.vector_load %arg15[%swap3A_182, %swap3A_183] {strides = array<i32>} : memref<64x128xf32, #tpu.memory_space<vmem>>, vector<1x16xf32>,
      %swap3A_185 = vector.shape_cast %swap3A_184 : vector<1x16xf32> to vector<16xf32>
      %swap3A_186 = vector.shape_cast %broadcast_in_dim3A_181 : vector<16xf32> to vector<1x16xf32>
      tpu.vector_store %arg15[%swap3A_182, %swap3A_183], %swap3A_186 {strides = array<i32>} : memref<64x128xf32, #tpu.memory_space<vmem>>, vector<1x16xf32>,
      %broadcast_in_dim3A_187 = arith.constant 0.000000e+00 : f32
      %broadcast_in_dim3A_188 = vector.broadcast %broadcast_in_dim3A_187 : f32 to vector<16xf32>
      %swap3A_189 = arith.index_cast %scan3A_151 : i32 to index
      %swap3A_190 = arith.constant 80 : index
      %swap3A_191 = tpu.vector_load %arg15[%swap3A_189, %swap3A_190] {strides = array<i32>} : memref<64x128xf32, #tpu.memory_space<vmem>>, vector<1x16xf32>,
      %swap3A_192 = vector.shape_cast %swap3A_191 : vector<1x16xf32> to vector<16xf32>
      %swap3A_193 = vector.shape_cast %broadcast_in_dim3A_188 : vector<16xf32> to vector<1x16xf32>
      tpu.vector_store %arg15[%swap3A_189, %swap3A_190], %swap3A_193 {strides = array<i32>} : memref<64x128xf32, #tpu.memory_space<vmem>>, vector<1x16xf32>,
      %broadcast_in_dim3A_194 = arith.constant 0.000000e+00 : f32
      %broadcast_in_dim3A_195 = vector.broadcast %broadcast_in_dim3A_194 : f32 to vector<16xf32>
      %swap3A_196 = arith.index_cast %scan3A_151 : i32 to index
      %swap3A_197 = arith.constant 96 : index
      %swap3A_198 = tpu.vector_load %arg15[%swap3A_196, %swap3A_197] {strides = array<i32>} : memref<64x128xf32, #tpu.memory_space<vmem>>, vector<1x16xf32>,
      %swap3A_199 = vector.shape_cast %swap3A_198 : vector<1x16xf32> to vector<16xf32>
      %swap3A_200 = vector.shape_cast %broadcast_in_dim3A_195 : vector<16xf32> to vector<1x16xf32>
      tpu.vector_store %arg15[%swap3A_196, %swap3A_197], %swap3A_200 {strides = array<i32>} : memref<64x128xf32, #tpu.memory_space<vmem>>, vector<1x16xf32>,
      %broadcast_in_dim3A_201 = arith.constant 0.000000e+00 : f32
      %broadcast_in_dim3A_202 = vector.broadcast %broadcast_in_dim3A_201 : f32 to vector<16xf32>
      %swap3A_203 = arith.index_cast %scan3A_151 : i32 to index
      %swap3A_204 = arith.constant 112 : index
      %swap3A_205 = tpu.vector_load %arg15[%swap3A_203, %swap3A_204] {strides = array<i32>} : memref<64x128xf32, #tpu.memory_space<vmem>>, vector<1x16xf32>,
      %swap3A_206 = vector.shape_cast %swap3A_205 : vector<1x16xf32> to vector<16xf32>
      %swap3A_207 = vector.shape_cast %broadcast_in_dim3A_202 : vector<16xf32> to vector<1x16xf32>
      tpu.vector_store %arg15[%swap3A_203, %swap3A_204], %swap3A_207 {strides = array<i32>} : memref<64x128xf32, #tpu.memory_space<vmem>>, vector<1x16xf32>,
      %broadcast_in_dim3A_208 = arith.constant 0.000000e+00 : f32
      %broadcast_in_dim3A_209 = vector.broadcast %broadcast_in_dim3A_208 : f32 to vector<16xf32>
      %swap3A_210 = arith.index_cast %scan3A_151 : i32 to index
      %swap3A_211 = arith.constant 0 : index
      %swap3A_212 = tpu.vector_load %arg24[%swap3A_210, %swap3A_211] {strides = array<i32>} : memref<64x16xf32, #tpu.memory_space<vmem>>, vector<1x16xf32>,
      %swap3A_213 = vector.shape_cast %swap3A_212 : vector<1x16xf32> to vector<16xf32>
      %swap3A_214 = vector.shape_cast %broadcast_in_dim3A_209 : vector<16xf32> to vector<1x16xf32>
      tpu.vector_store %arg24[%swap3A_210, %swap3A_211], %swap3A_214 {strides = array<i32>} : memref<64x16xf32, #tpu.memory_space<vmem>>, vector<1x16xf32>,
      %scan3A_215 = arith.constant 0 : i32
      scf.yield %scan3A_215 : i32
    }
    %scan3A_8 = arith.constant 64 : i32
    %mul3A_9 = arith.constant 640 : i32
    %mul3A_10 = arith.muli %arg1, %mul3A_9 : i32
    %add3A_11 = arith.constant 0 : i32
    %add3A_12 = arith.addi %mul3A_10, %add3A_11 : i32
    "tpu.region"() ({
      %run_scoped3A = tpu.sem_alloc : memref<!tpu.dma_semaphore, #tpu.memory_space<semaphore_mem>>
      %dma_start3A_151 = arith.constant 0 : i32
      %dma_start3A_152 = tpu.memref_slice %arg27[%add3A_12, %dma_start3A_151] : memref<10240x128xf32, #tpu.memory_space<vmem_shared>> -> memref<64x128xf32, #tpu.memory_space<vmem_shared>>
      %dma_start3A_153 = arith.constant 0 : i32
      %dma_start3A_154 = tpu.memref_slice %arg27[%add3A_12, %dma_start3A_153] : memref<10240x128xf32, #tpu.memory_space<vmem_shared>> -> memref<64x128xf32, #tpu.memory_space<vmem_shared>>
      tpu.enqueue_dma source(%arg15 : memref<64x128xf32, #tpu.memory_space<vmem>>) target(%dma_start3A_154 : memref<64x128xf32, #tpu.memory_space<vmem_shared>>) target_semaphore(%run_scoped3A : memref<!tpu.dma_semaphore, #tpu.memory_space<semaphore_mem>>)
      %dma_wait3A_155 = arith.constant 0 : i32
      %dma_wait3A_156 = tpu.memref_slice %arg27[%add3A_12, %dma_wait3A_155] : memref<10240x128xf32, #tpu.memory_space<vmem_shared>> -> memref<64x128xf32, #tpu.memory_space<vmem_shared>>
      %dma_wait3A_157 = arith.constant 0 : i32
      %dma_wait3A_158 = tpu.memref_slice %arg27[%add3A_12, %dma_wait3A_157] : memref<10240x128xf32, #tpu.memory_space<vmem_shared>> -> memref<64x128xf32, #tpu.memory_space<vmem_shared>>
      tpu.wait_dma2 semaphore(%run_scoped3A : memref<!tpu.dma_semaphore, #tpu.memory_space<semaphore_mem>>) src(%arg15 : memref<64x128xf32, #tpu.memory_space<vmem>>) dst(%dma_wait3A_158 : memref<64x128xf32, #tpu.memory_space<vmem_shared>>)
      tpu.yield
    }) : () -> ()
    "tpu.region"() ({
      %run_scoped3A = tpu.sem_alloc : memref<!tpu.dma_semaphore, #tpu.memory_space<semaphore_mem>>
      %dma_start3A_151 = arith.constant 0 : i32
      %dma_start3A_152 = tpu.memref_slice %arg28[%add3A_12, %dma_start3A_151] : memref<10240x16xf32, #tpu.memory_space<vmem_shared>> -> memref<64x16xf32, #tpu.memory_space<vmem_shared>>
      %dma_start3A_153 = arith.constant 0 : i32
      %dma_start3A_154 = tpu.memref_slice %arg28[%add3A_12, %dma_start3A_153] : memref<10240x16xf32, #tpu.memory_space<vmem_shared>> -> memref<64x16xf32, #tpu.memory_space<vmem_shared>>
      tpu.enqueue_dma source(%arg24 : memref<64x16xf32, #tpu.memory_space<vmem>>) target(%dma_start3A_154 : memref<64x16xf32, #tpu.memory_space<vmem_shared>>) target_semaphore(%run_scoped3A : memref<!tpu.dma_semaphore, #tpu.memory_space<semaphore_mem>>)
      %dma_wait3A_155 = arith.constant 0 : i32
      %dma_wait3A_156 = tpu.memref_slice %arg28[%add3A_12, %dma_wait3A_155] : memref<10240x16xf32, #tpu.memory_space<vmem_shared>> -> memref<64x16xf32, #tpu.memory_space<vmem_shared>>
      %dma_wait3A_157 = arith.constant 0 : i32
      %dma_wait3A_158 = tpu.memref_slice %arg28[%add3A_12, %dma_wait3A_157] : memref<10240x16xf32, #tpu.memory_space<vmem_shared>> -> memref<64x16xf32, #tpu.memory_space<vmem_shared>>
      tpu.wait_dma2 semaphore(%run_scoped3A : memref<!tpu.dma_semaphore, #tpu.memory_space<semaphore_mem>>) src(%arg24 : memref<64x16xf32, #tpu.memory_space<vmem>>) dst(%dma_wait3A_158 : memref<64x16xf32, #tpu.memory_space<vmem_shared>>)
      tpu.yield
    }) : () -> ()
    %mul3A_13 = arith.constant 640 : i32
    %mul3A_14 = arith.muli %arg1, %mul3A_13 : i32
    %add3A_15 = arith.constant 64 : i32
    %add3A_16 = arith.addi %mul3A_14, %add3A_15 : i32
    "tpu.region"() ({
      %run_scoped3A = tpu.sem_alloc : memref<!tpu.dma_semaphore, #tpu.memory_space<semaphore_mem>>
      %dma_start3A_151 = arith.constant 0 : i32
      %dma_start3A_152 = tpu.memref_slice %arg27[%add3A_16, %dma_start3A_151] : memref<10240x128xf32, #tpu.memory_space<vmem_shared>> -> memref<64x128xf32, #tpu.memory_space<vmem_shared>>
      %dma_start3A_153 = arith.constant 0 : i32
      %dma_start3A_154 = tpu.memref_slice %arg27[%add3A_16, %dma_start3A_153] : memref<10240x128xf32, #tpu.memory_space<vmem_shared>> -> memref<64x128xf32, #tpu.memory_space<vmem_shared>>
      tpu.enqueue_dma source(%arg15 : memref<64x128xf32, #tpu.memory_space<vmem>>) target(%dma_start3A_154 : memref<64x128xf32, #tpu.memory_space<vmem_shared>>) target_semaphore(%run_scoped3A : memref<!tpu.dma_semaphore, #tpu.memory_space<semaphore_mem>>)
      %dma_wait3A_155 = arith.constant 0 : i32
      %dma_wait3A_156 = tpu.memref_slice %arg27[%add3A_16, %dma_wait3A_155] : memref<10240x128xf32, #tpu.memory_space<vmem_shared>> -> memref<64x128xf32, #tpu.memory_space<vmem_shared>>
      %dma_wait3A_157 = arith.constant 0 : i32
      %dma_wait3A_158 = tpu.memref_slice %arg27[%add3A_16, %dma_wait3A_157] : memref<10240x128xf32, #tpu.memory_space<vmem_shared>> -> memref<64x128xf32, #tpu.memory_space<vmem_shared>>
      tpu.wait_dma2 semaphore(%run_scoped3A : memref<!tpu.dma_semaphore, #tpu.memory_space<semaphore_mem>>) src(%arg15 : memref<64x128xf32, #tpu.memory_space<vmem>>) dst(%dma_wait3A_158 : memref<64x128xf32, #tpu.memory_space<vmem_shared>>)
      tpu.yield
    }) : () -> ()
    "tpu.region"() ({
      %run_scoped3A = tpu.sem_alloc : memref<!tpu.dma_semaphore, #tpu.memory_space<semaphore_mem>>
      %dma_start3A_151 = arith.constant 0 : i32
      %dma_start3A_152 = tpu.memref_slice %arg28[%add3A_16, %dma_start3A_151] : memref<10240x16xf32, #tpu.memory_space<vmem_shared>> -> memref<64x16xf32, #tpu.memory_space<vmem_shared>>
      %dma_start3A_153 = arith.constant 0 : i32
      %dma_start3A_154 = tpu.memref_slice %arg28[%add3A_16, %dma_start3A_153] : memref<10240x16xf32, #tpu.memory_space<vmem_shared>> -> memref<64x16xf32, #tpu.memory_space<vmem_shared>>
      tpu.enqueue_dma source(%arg24 : memref<64x16xf32, #tpu.memory_space<vmem>>) target(%dma_start3A_154 : memref<64x16xf32, #tpu.memory_space<vmem_shared>>) target_semaphore(%run_scoped3A : memref<!tpu.dma_semaphore, #tpu.memory_space<semaphore_mem>>)
      %dma_wait3A_155 = arith.constant 0 : i32
      %dma_wait3A_156 = tpu.memref_slice %arg28[%add3A_16, %dma_wait3A_155] : memref<10240x16xf32, #tpu.memory_space<vmem_shared>> -> memref<64x16xf32, #tpu.memory_space<vmem_shared>>
      %dma_wait3A_157 = arith.constant 0 : i32
      %dma_wait3A_158 = tpu.memref_slice %arg28[%add3A_16, %dma_wait3A_157] : memref<10240x16xf32, #tpu.memory_space<vmem_shared>> -> memref<64x16xf32, #tpu.memory_space<vmem_shared>>
      tpu.wait_dma2 semaphore(%run_scoped3A : memref<!tpu.dma_semaphore, #tpu.memory_space<semaphore_mem>>) src(%arg24 : memref<64x16xf32, #tpu.memory_space<vmem>>) dst(%dma_wait3A_158 : memref<64x16xf32, #tpu.memory_space<vmem_shared>>)
      tpu.yield
    }) : () -> ()
    %mul3A_17 = arith.constant 640 : i32
    %mul3A_18 = arith.muli %arg1, %mul3A_17 : i32
    %add3A_19 = arith.constant 128 : i32
    %add3A_20 = arith.addi %mul3A_18, %add3A_19 : i32
    "tpu.region"() ({
      %run_scoped3A = tpu.sem_alloc : memref<!tpu.dma_semaphore, #tpu.memory_space<semaphore_mem>>
      %dma_start3A_151 = arith.constant 0 : i32
      %dma_start3A_152 = tpu.memref_slice %arg27[%add3A_20, %dma_start3A_151] : memref<10240x128xf32, #tpu.memory_space<vmem_shared>> -> memref<64x128xf32, #tpu.memory_space<vmem_shared>>
      %dma_start3A_153 = arith.constant 0 : i32
      %dma_start3A_154 = tpu.memref_slice %arg27[%add3A_20, %dma_start3A_153] : memref<10240x128xf32, #tpu.memory_space<vmem_shared>> -> memref<64x128xf32, #tpu.memory_space<vmem_shared>>
      tpu.enqueue_dma source(%arg15 : memref<64x128xf32, #tpu.memory_space<vmem>>) target(%dma_start3A_154 : memref<64x128xf32, #tpu.memory_space<vmem_shared>>) target_semaphore(%run_scoped3A : memref<!tpu.dma_semaphore, #tpu.memory_space<semaphore_mem>>)
      %dma_wait3A_155 = arith.constant 0 : i32
      %dma_wait3A_156 = tpu.memref_slice %arg27[%add3A_20, %dma_wait3A_155] : memref<10240x128xf32, #tpu.memory_space<vmem_shared>> -> memref<64x128xf32, #tpu.memory_space<vmem_shared>>
      %dma_wait3A_157 = arith.constant 0 : i32
      %dma_wait3A_158 = tpu.memref_slice %arg27[%add3A_20, %dma_wait3A_157] : memref<10240x128xf32, #tpu.memory_space<vmem_shared>> -> memref<64x128xf32, #tpu.memory_space<vmem_shared>>
      tpu.wait_dma2 semaphore(%run_scoped3A : memref<!tpu.dma_semaphore, #tpu.memory_space<semaphore_mem>>) src(%arg15 : memref<64x128xf32, #tpu.memory_space<vmem>>) dst(%dma_wait3A_158 : memref<64x128xf32, #tpu.memory_space<vmem_shared>>)
      tpu.yield
    }) : () -> ()
    "tpu.region"() ({
      %run_scoped3A = tpu.sem_alloc : memref<!tpu.dma_semaphore, #tpu.memory_space<semaphore_mem>>
      %dma_start3A_151 = arith.constant 0 : i32
      %dma_start3A_152 = tpu.memref_slice %arg28[%add3A_20, %dma_start3A_151] : memref<10240x16xf32, #tpu.memory_space<vmem_shared>> -> memref<64x16xf32, #tpu.memory_space<vmem_shared>>
      %dma_start3A_153 = arith.constant 0 : i32
      %dma_start3A_154 = tpu.memref_slice %arg28[%add3A_20, %dma_start3A_153] : memref<10240x16xf32, #tpu.memory_space<vmem_shared>> -> memref<64x16xf32, #tpu.memory_space<vmem_shared>>
      tpu.enqueue_dma source(%arg24 : memref<64x16xf32, #tpu.memory_space<vmem>>) target(%dma_start3A_154 : memref<64x16xf32, #tpu.memory_space<vmem_shared>>) target_semaphore(%run_scoped3A : memref<!tpu.dma_semaphore, #tpu.memory_space<semaphore_mem>>)
      %dma_wait3A_155 = arith.constant 0 : i32
      %dma_wait3A_156 = tpu.memref_slice %arg28[%add3A_20, %dma_wait3A_155] : memref<10240x16xf32, #tpu.memory_space<vmem_shared>> -> memref<64x16xf32, #tpu.memory_space<vmem_shared>>
      %dma_wait3A_157 = arith.constant 0 : i32
      %dma_wait3A_158 = tpu.memref_slice %arg28[%add3A_20, %dma_wait3A_157] : memref<10240x16xf32, #tpu.memory_space<vmem_shared>> -> memref<64x16xf32, #tpu.memory_space<vmem_shared>>
      tpu.wait_dma2 semaphore(%run_scoped3A : memref<!tpu.dma_semaphore, #tpu.memory_space<semaphore_mem>>) src(%arg24 : memref<64x16xf32, #tpu.memory_space<vmem>>) dst(%dma_wait3A_158 : memref<64x16xf32, #tpu.memory_space<vmem_shared>>)
      tpu.yield
    }) : () -> ()
    %mul3A_21 = arith.constant 640 : i32
    %mul3A_22 = arith.muli %arg1, %mul3A_21 : i32
    %add3A_23 = arith.constant 192 : i32
    %add3A_24 = arith.addi %mul3A_22, %add3A_23 : i32
    "tpu.region"() ({
      %run_scoped3A = tpu.sem_alloc : memref<!tpu.dma_semaphore, #tpu.memory_space<semaphore_mem>>
      %dma_start3A_151 = arith.constant 0 : i32
      %dma_start3A_152 = tpu.memref_slice %arg27[%add3A_24, %dma_start3A_151] : memref<10240x128xf32, #tpu.memory_space<vmem_shared>> -> memref<64x128xf32, #tpu.memory_space<vmem_shared>>
      %dma_start3A_153 = arith.constant 0 : i32
      %dma_start3A_154 = tpu.memref_slice %arg27[%add3A_24, %dma_start3A_153] : memref<10240x128xf32, #tpu.memory_space<vmem_shared>> -> memref<64x128xf32, #tpu.memory_space<vmem_shared>>
      tpu.enqueue_dma source(%arg15 : memref<64x128xf32, #tpu.memory_space<vmem>>) target(%dma_start3A_154 : memref<64x128xf32, #tpu.memory_space<vmem_shared>>) target_semaphore(%run_scoped3A : memref<!tpu.dma_semaphore, #tpu.memory_space<semaphore_mem>>)
      %dma_wait3A_155 = arith.constant 0 : i32
      %dma_wait3A_156 = tpu.memref_slice %arg27[%add3A_24, %dma_wait3A_155] : memref<10240x128xf32, #tpu.memory_space<vmem_shared>> -> memref<64x128xf32, #tpu.memory_space<vmem_shared>>
      %dma_wait3A_157 = arith.constant 0 : i32
      %dma_wait3A_158 = tpu.memref_slice %arg27[%add3A_24, %dma_wait3A_157] : memref<10240x128xf32, #tpu.memory_space<vmem_shared>> -> memref<64x128xf32, #tpu.memory_space<vmem_shared>>
      tpu.wait_dma2 semaphore(%run_scoped3A : memref<!tpu.dma_semaphore, #tpu.memory_space<semaphore_mem>>) src(%arg15 : memref<64x128xf32, #tpu.memory_space<vmem>>) dst(%dma_wait3A_158 : memref<64x128xf32, #tpu.memory_space<vmem_shared>>)
      tpu.yield
    }) : () -> ()
    "tpu.region"() ({
      %run_scoped3A = tpu.sem_alloc : memref<!tpu.dma_semaphore, #tpu.memory_space<semaphore_mem>>
      %dma_start3A_151 = arith.constant 0 : i32
      %dma_start3A_152 = tpu.memref_slice %arg28[%add3A_24, %dma_start3A_151] : memref<10240x16xf32, #tpu.memory_space<vmem_shared>> -> memref<64x16xf32, #tpu.memory_space<vmem_shared>>
      %dma_start3A_153 = arith.constant 0 : i32
      %dma_start3A_154 = tpu.memref_slice %arg28[%add3A_24, %dma_start3A_153] : memref<10240x16xf32, #tpu.memory_space<vmem_shared>> -> memref<64x16xf32, #tpu.memory_space<vmem_shared>>
      tpu.enqueue_dma source(%arg24 : memref<64x16xf32, #tpu.memory_space<vmem>>) target(%dma_start3A_154 : memref<64x16xf32, #tpu.memory_space<vmem_shared>>) target_semaphore(%run_scoped3A : memref<!tpu.dma_semaphore, #tpu.memory_space<semaphore_mem>>)
      %dma_wait3A_155 = arith.constant 0 : i32
      %dma_wait3A_156 = tpu.memref_slice %arg28[%add3A_24, %dma_wait3A_155] : memref<10240x16xf32, #tpu.memory_space<vmem_shared>> -> memref<64x16xf32, #tpu.memory_space<vmem_shared>>
      %dma_wait3A_157 = arith.constant 0 : i32
      %dma_wait3A_158 = tpu.memref_slice %arg28[%add3A_24, %dma_wait3A_157] : memref<10240x16xf32, #tpu.memory_space<vmem_shared>> -> memref<64x16xf32, #tpu.memory_space<vmem_shared>>
      tpu.wait_dma2 semaphore(%run_scoped3A : memref<!tpu.dma_semaphore, #tpu.memory_space<semaphore_mem>>) src(%arg24 : memref<64x16xf32, #tpu.memory_space<vmem>>) dst(%dma_wait3A_158 : memref<64x16xf32, #tpu.memory_space<vmem_shared>>)
      tpu.yield
    }) : () -> ()
    %mul3A_25 = arith.constant 640 : i32
    %mul3A_26 = arith.muli %arg1, %mul3A_25 : i32
    %add3A_27 = arith.constant 256 : i32
    %add3A_28 = arith.addi %mul3A_26, %add3A_27 : i32
    "tpu.region"() ({
      %run_scoped3A = tpu.sem_alloc : memref<!tpu.dma_semaphore, #tpu.memory_space<semaphore_mem>>
      %dma_start3A_151 = arith.constant 0 : i32
      %dma_start3A_152 = tpu.memref_slice %arg27[%add3A_28, %dma_start3A_151] : memref<10240x128xf32, #tpu.memory_space<vmem_shared>> -> memref<64x128xf32, #tpu.memory_space<vmem_shared>>
      %dma_start3A_153 = arith.constant 0 : i32
      %dma_start3A_154 = tpu.memref_slice %arg27[%add3A_28, %dma_start3A_153] : memref<10240x128xf32, #tpu.memory_space<vmem_shared>> -> memref<64x128xf32, #tpu.memory_space<vmem_shared>>
      tpu.enqueue_dma source(%arg15 : memref<64x128xf32, #tpu.memory_space<vmem>>) target(%dma_start3A_154 : memref<64x128xf32, #tpu.memory_space<vmem_shared>>) target_semaphore(%run_scoped3A : memref<!tpu.dma_semaphore, #tpu.memory_space<semaphore_mem>>)
      %dma_wait3A_155 = arith.constant 0 : i32
      %dma_wait3A_156 = tpu.memref_slice %arg27[%add3A_28, %dma_wait3A_155] : memref<10240x128xf32, #tpu.memory_space<vmem_shared>> -> memref<64x128xf32, #tpu.memory_space<vmem_shared>>
      %dma_wait3A_157 = arith.constant 0 : i32
      %dma_wait3A_158 = tpu.memref_slice %arg27[%add3A_28, %dma_wait3A_157] : memref<10240x128xf32, #tpu.memory_space<vmem_shared>> -> memref<64x128xf32, #tpu.memory_space<vmem_shared>>
      tpu.wait_dma2 semaphore(%run_scoped3A : memref<!tpu.dma_semaphore, #tpu.memory_space<semaphore_mem>>) src(%arg15 : memref<64x128xf32, #tpu.memory_space<vmem>>) dst(%dma_wait3A_158 : memref<64x128xf32, #tpu.memory_space<vmem_shared>>)
      tpu.yield
    }) : () -> ()
    "tpu.region"() ({
      %run_scoped3A = tpu.sem_alloc : memref<!tpu.dma_semaphore, #tpu.memory_space<semaphore_mem>>
      %dma_start3A_151 = arith.constant 0 : i32
      %dma_start3A_152 = tpu.memref_slice %arg28[%add3A_28, %dma_start3A_151] : memref<10240x16xf32, #tpu.memory_space<vmem_shared>> -> memref<64x16xf32, #tpu.memory_space<vmem_shared>>
      %dma_start3A_153 = arith.constant 0 : i32
      %dma_start3A_154 = tpu.memref_slice %arg28[%add3A_28, %dma_start3A_153] : memref<10240x16xf32, #tpu.memory_space<vmem_shared>> -> memref<64x16xf32, #tpu.memory_space<vmem_shared>>
      tpu.enqueue_dma source(%arg24 : memref<64x16xf32, #tpu.memory_space<vmem>>) target(%dma_start3A_154 : memref<64x16xf32, #tpu.memory_space<vmem_shared>>) target_semaphore(%run_scoped3A : memref<!tpu.dma_semaphore, #tpu.memory_space<semaphore_mem>>)
      %dma_wait3A_155 = arith.constant 0 : i32
      %dma_wait3A_156 = tpu.memref_slice %arg28[%add3A_28, %dma_wait3A_155] : memref<10240x16xf32, #tpu.memory_space<vmem_shared>> -> memref<64x16xf32, #tpu.memory_space<vmem_shared>>
      %dma_wait3A_157 = arith.constant 0 : i32
      %dma_wait3A_158 = tpu.memref_slice %arg28[%add3A_28, %dma_wait3A_157] : memref<10240x16xf32, #tpu.memory_space<vmem_shared>> -> memref<64x16xf32, #tpu.memory_space<vmem_shared>>
      tpu.wait_dma2 semaphore(%run_scoped3A : memref<!tpu.dma_semaphore, #tpu.memory_space<semaphore_mem>>) src(%arg24 : memref<64x16xf32, #tpu.memory_space<vmem>>) dst(%dma_wait3A_158 : memref<64x16xf32, #tpu.memory_space<vmem_shared>>)
      tpu.yield
    }) : () -> ()
    %mul3A_29 = arith.constant 640 : i32
    %mul3A_30 = arith.muli %arg1, %mul3A_29 : i32
    %add3A_31 = arith.constant 320 : i32
    %add3A_32 = arith.addi %mul3A_30, %add3A_31 : i32
    "tpu.region"() ({
      %run_scoped3A = tpu.sem_alloc : memref<!tpu.dma_semaphore, #tpu.memory_space<semaphore_mem>>
      %dma_start3A_151 = arith.constant 0 : i32
      %dma_start3A_152 = tpu.memref_slice %arg27[%add3A_32, %dma_start3A_151] : memref<10240x128xf32, #tpu.memory_space<vmem_shared>> -> memref<64x128xf32, #tpu.memory_space<vmem_shared>>
      %dma_start3A_153 = arith.constant 0 : i32
      %dma_start3A_154 = tpu.memref_slice %arg27[%add3A_32, %dma_start3A_153] : memref<10240x128xf32, #tpu.memory_space<vmem_shared>> -> memref<64x128xf32, #tpu.memory_space<vmem_shared>>
      tpu.enqueue_dma source(%arg15 : memref<64x128xf32, #tpu.memory_space<vmem>>) target(%dma_start3A_154 : memref<64x128xf32, #tpu.memory_space<vmem_shared>>) target_semaphore(%run_scoped3A : memref<!tpu.dma_semaphore, #tpu.memory_space<semaphore_mem>>)
      %dma_wait3A_155 = arith.constant 0 : i32
      %dma_wait3A_156 = tpu.memref_slice %arg27[%add3A_32, %dma_wait3A_155] : memref<10240x128xf32, #tpu.memory_space<vmem_shared>> -> memref<64x128xf32, #tpu.memory_space<vmem_shared>>
      %dma_wait3A_157 = arith.constant 0 : i32
      %dma_wait3A_158 = tpu.memref_slice %arg27[%add3A_32, %dma_wait3A_157] : memref<10240x128xf32, #tpu.memory_space<vmem_shared>> -> memref<64x128xf32, #tpu.memory_space<vmem_shared>>
      tpu.wait_dma2 semaphore(%run_scoped3A : memref<!tpu.dma_semaphore, #tpu.memory_space<semaphore_mem>>) src(%arg15 : memref<64x128xf32, #tpu.memory_space<vmem>>) dst(%dma_wait3A_158 : memref<64x128xf32, #tpu.memory_space<vmem_shared>>)
      tpu.yield
    }) : () -> ()
    "tpu.region"() ({
      %run_scoped3A = tpu.sem_alloc : memref<!tpu.dma_semaphore, #tpu.memory_space<semaphore_mem>>
      %dma_start3A_151 = arith.constant 0 : i32
      %dma_start3A_152 = tpu.memref_slice %arg28[%add3A_32, %dma_start3A_151] : memref<10240x16xf32, #tpu.memory_space<vmem_shared>> -> memref<64x16xf32, #tpu.memory_space<vmem_shared>>
      %dma_start3A_153 = arith.constant 0 : i32
      %dma_start3A_154 = tpu.memref_slice %arg28[%add3A_32, %dma_start3A_153] : memref<10240x16xf32, #tpu.memory_space<vmem_shared>> -> memref<64x16xf32, #tpu.memory_space<vmem_shared>>
      tpu.enqueue_dma source(%arg24 : memref<64x16xf32, #tpu.memory_space<vmem>>) target(%dma_start3A_154 : memref<64x16xf32, #tpu.memory_space<vmem_shared>>) target_semaphore(%run_scoped3A : memref<!tpu.dma_semaphore, #tpu.memory_space<semaphore_mem>>)
      %dma_wait3A_155 = arith.constant 0 : i32
      %dma_wait3A_156 = tpu.memref_slice %arg28[%add3A_32, %dma_wait3A_155] : memref<10240x16xf32, #tpu.memory_space<vmem_shared>> -> memref<64x16xf32, #tpu.memory_space<vmem_shared>>
      %dma_wait3A_157 = arith.constant 0 : i32
      %dma_wait3A_158 = tpu.memref_slice %arg28[%add3A_32, %dma_wait3A_157] : memref<10240x16xf32, #tpu.memory_space<vmem_shared>> -> memref<64x16xf32, #tpu.memory_space<vmem_shared>>
      tpu.wait_dma2 semaphore(%run_scoped3A : memref<!tpu.dma_semaphore, #tpu.memory_space<semaphore_mem>>) src(%arg24 : memref<64x16xf32, #tpu.memory_space<vmem>>) dst(%dma_wait3A_158 : memref<64x16xf32, #tpu.memory_space<vmem_shared>>)
      tpu.yield
    }) : () -> ()
    %mul3A_33 = arith.constant 640 : i32
    %mul3A_34 = arith.muli %arg1, %mul3A_33 : i32
    %add3A_35 = arith.constant 384 : i32
    %add3A_36 = arith.addi %mul3A_34, %add3A_35 : i32
    "tpu.region"() ({
      %run_scoped3A = tpu.sem_alloc : memref<!tpu.dma_semaphore, #tpu.memory_space<semaphore_mem>>
      %dma_start3A_151 = arith.constant 0 : i32
      %dma_start3A_152 = tpu.memref_slice %arg27[%add3A_36, %dma_start3A_151] : memref<10240x128xf32, #tpu.memory_space<vmem_shared>> -> memref<64x128xf32, #tpu.memory_space<vmem_shared>>
      %dma_start3A_153 = arith.constant 0 : i32
      %dma_start3A_154 = tpu.memref_slice %arg27[%add3A_36, %dma_start3A_153] : memref<10240x128xf32, #tpu.memory_space<vmem_shared>> -> memref<64x128xf32, #tpu.memory_space<vmem_shared>>
      tpu.enqueue_dma source(%arg15 : memref<64x128xf32, #tpu.memory_space<vmem>>) target(%dma_start3A_154 : memref<64x128xf32, #tpu.memory_space<vmem_shared>>) target_semaphore(%run_scoped3A : memref<!tpu.dma_semaphore, #tpu.memory_space<semaphore_mem>>)
      %dma_wait3A_155 = arith.constant 0 : i32
      %dma_wait3A_156 = tpu.memref_slice %arg27[%add3A_36, %dma_wait3A_155] : memref<10240x128xf32, #tpu.memory_space<vmem_shared>> -> memref<64x128xf32, #tpu.memory_space<vmem_shared>>
      %dma_wait3A_157 = arith.constant 0 : i32
      %dma_wait3A_158 = tpu.memref_slice %arg27[%add3A_36, %dma_wait3A_157] : memref<10240x128xf32, #tpu.memory_space<vmem_shared>> -> memref<64x128xf32, #tpu.memory_space<vmem_shared>>
      tpu.wait_dma2 semaphore(%run_scoped3A : memref<!tpu.dma_semaphore, #tpu.memory_space<semaphore_mem>>) src(%arg15 : memref<64x128xf32, #tpu.memory_space<vmem>>) dst(%dma_wait3A_158 : memref<64x128xf32, #tpu.memory_space<vmem_shared>>)
      tpu.yield
    }) : () -> ()
    "tpu.region"() ({
      %run_scoped3A = tpu.sem_alloc : memref<!tpu.dma_semaphore, #tpu.memory_space<semaphore_mem>>
      %dma_start3A_151 = arith.constant 0 : i32
      %dma_start3A_152 = tpu.memref_slice %arg28[%add3A_36, %dma_start3A_151] : memref<10240x16xf32, #tpu.memory_space<vmem_shared>> -> memref<64x16xf32, #tpu.memory_space<vmem_shared>>
      %dma_start3A_153 = arith.constant 0 : i32
      %dma_start3A_154 = tpu.memref_slice %arg28[%add3A_36, %dma_start3A_153] : memref<10240x16xf32, #tpu.memory_space<vmem_shared>> -> memref<64x16xf32, #tpu.memory_space<vmem_shared>>
      tpu.enqueue_dma source(%arg24 : memref<64x16xf32, #tpu.memory_space<vmem>>) target(%dma_start3A_154 : memref<64x16xf32, #tpu.memory_space<vmem_shared>>) target_semaphore(%run_scoped3A : memref<!tpu.dma_semaphore, #tpu.memory_space<semaphore_mem>>)
      %dma_wait3A_155 = arith.constant 0 : i32
      %dma_wait3A_156 = tpu.memref_slice %arg28[%add3A_36, %dma_wait3A_155] : memref<10240x16xf32, #tpu.memory_space<vmem_shared>> -> memref<64x16xf32, #tpu.memory_space<vmem_shared>>
      %dma_wait3A_157 = arith.constant 0 : i32
      %dma_wait3A_158 = tpu.memref_slice %arg28[%add3A_36, %dma_wait3A_157] : memref<10240x16xf32, #tpu.memory_space<vmem_shared>> -> memref<64x16xf32, #tpu.memory_space<vmem_shared>>
      tpu.wait_dma2 semaphore(%run_scoped3A : memref<!tpu.dma_semaphore, #tpu.memory_space<semaphore_mem>>) src(%arg24 : memref<64x16xf32, #tpu.memory_space<vmem>>) dst(%dma_wait3A_158 : memref<64x16xf32, #tpu.memory_space<vmem_shared>>)
      tpu.yield
    }) : () -> ()
    %mul3A_37 = arith.constant 640 : i32
    %mul3A_38 = arith.muli %arg1, %mul3A_37 : i32
    %add3A_39 = arith.constant 448 : i32
    %add3A_40 = arith.addi %mul3A_38, %add3A_39 : i32
    "tpu.region"() ({
      %run_scoped3A = tpu.sem_alloc : memref<!tpu.dma_semaphore, #tpu.memory_space<semaphore_mem>>
      %dma_start3A_151 = arith.constant 0 : i32
      %dma_start3A_152 = tpu.memref_slice %arg27[%add3A_40, %dma_start3A_151] : memref<10240x128xf32, #tpu.memory_space<vmem_shared>> -> memref<64x128xf32, #tpu.memory_space<vmem_shared>>
      %dma_start3A_153 = arith.constant 0 : i32
      %dma_start3A_154 = tpu.memref_slice %arg27[%add3A_40, %dma_start3A_153] : memref<10240x128xf32, #tpu.memory_space<vmem_shared>> -> memref<64x128xf32, #tpu.memory_space<vmem_shared>>
      tpu.enqueue_dma source(%arg15 : memref<64x128xf32, #tpu.memory_space<vmem>>) target(%dma_start3A_154 : memref<64x128xf32, #tpu.memory_space<vmem_shared>>) target_semaphore(%run_scoped3A : memref<!tpu.dma_semaphore, #tpu.memory_space<semaphore_mem>>)
      %dma_wait3A_155 = arith.constant 0 : i32
      %dma_wait3A_156 = tpu.memref_slice %arg27[%add3A_40, %dma_wait3A_155] : memref<10240x128xf32, #tpu.memory_space<vmem_shared>> -> memref<64x128xf32, #tpu.memory_space<vmem_shared>>
      %dma_wait3A_157 = arith.constant 0 : i32
      %dma_wait3A_158 = tpu.memref_slice %arg27[%add3A_40, %dma_wait3A_157] : memref<10240x128xf32, #tpu.memory_space<vmem_shared>> -> memref<64x128xf32, #tpu.memory_space<vmem_shared>>
      tpu.wait_dma2 semaphore(%run_scoped3A : memref<!tpu.dma_semaphore, #tpu.memory_space<semaphore_mem>>) src(%arg15 : memref<64x128xf32, #tpu.memory_space<vmem>>) dst(%dma_wait3A_158 : memref<64x128xf32, #tpu.memory_space<vmem_shared>>)
      tpu.yield
    }) : () -> ()
    "tpu.region"() ({
      %run_scoped3A = tpu.sem_alloc : memref<!tpu.dma_semaphore, #tpu.memory_space<semaphore_mem>>
      %dma_start3A_151 = arith.constant 0 : i32
      %dma_start3A_152 = tpu.memref_slice %arg28[%add3A_40, %dma_start3A_151] : memref<10240x16xf32, #tpu.memory_space<vmem_shared>> -> memref<64x16xf32, #tpu.memory_space<vmem_shared>>
      %dma_start3A_153 = arith.constant 0 : i32
      %dma_start3A_154 = tpu.memref_slice %arg28[%add3A_40, %dma_start3A_153] : memref<10240x16xf32, #tpu.memory_space<vmem_shared>> -> memref<64x16xf32, #tpu.memory_space<vmem_shared>>
      tpu.enqueue_dma source(%arg24 : memref<64x16xf32, #tpu.memory_space<vmem>>) target(%dma_start3A_154 : memref<64x16xf32, #tpu.memory_space<vmem_shared>>) target_semaphore(%run_scoped3A : memref<!tpu.dma_semaphore, #tpu.memory_space<semaphore_mem>>)
      %dma_wait3A_155 = arith.constant 0 : i32
      %dma_wait3A_156 = tpu.memref_slice %arg28[%add3A_40, %dma_wait3A_155] : memref<10240x16xf32, #tpu.memory_space<vmem_shared>> -> memref<64x16xf32, #tpu.memory_space<vmem_shared>>
      %dma_wait3A_157 = arith.constant 0 : i32
      %dma_wait3A_158 = tpu.memref_slice %arg28[%add3A_40, %dma_wait3A_157] : memref<10240x16xf32, #tpu.memory_space<vmem_shared>> -> memref<64x16xf32, #tpu.memory_space<vmem_shared>>
      tpu.wait_dma2 semaphore(%run_scoped3A : memref<!tpu.dma_semaphore, #tpu.memory_space<semaphore_mem>>) src(%arg24 : memref<64x16xf32, #tpu.memory_space<vmem>>) dst(%dma_wait3A_158 : memref<64x16xf32, #tpu.memory_space<vmem_shared>>)
      tpu.yield
    }) : () -> ()
    %mul3A_41 = arith.constant 640 : i32
    %mul3A_42 = arith.muli %arg1, %mul3A_41 : i32
    %add3A_43 = arith.constant 512 : i32
    %add3A_44 = arith.addi %mul3A_42, %add3A_43 : i32
    "tpu.region"() ({
      %run_scoped3A = tpu.sem_alloc : memref<!tpu.dma_semaphore, #tpu.memory_space<semaphore_mem>>
      %dma_start3A_151 = arith.constant 0 : i32
      %dma_start3A_152 = tpu.memref_slice %arg27[%add3A_44, %dma_start3A_151] : memref<10240x128xf32, #tpu.memory_space<vmem_shared>> -> memref<64x128xf32, #tpu.memory_space<vmem_shared>>
      %dma_start3A_153 = arith.constant 0 : i32
      %dma_start3A_154 = tpu.memref_slice %arg27[%add3A_44, %dma_start3A_153] : memref<10240x128xf32, #tpu.memory_space<vmem_shared>> -> memref<64x128xf32, #tpu.memory_space<vmem_shared>>
      tpu.enqueue_dma source(%arg15 : memref<64x128xf32, #tpu.memory_space<vmem>>) target(%dma_start3A_154 : memref<64x128xf32, #tpu.memory_space<vmem_shared>>) target_semaphore(%run_scoped3A : memref<!tpu.dma_semaphore, #tpu.memory_space<semaphore_mem>>)
      %dma_wait3A_155 = arith.constant 0 : i32
      %dma_wait3A_156 = tpu.memref_slice %arg27[%add3A_44, %dma_wait3A_155] : memref<10240x128xf32, #tpu.memory_space<vmem_shared>> -> memref<64x128xf32, #tpu.memory_space<vmem_shared>>
      %dma_wait3A_157 = arith.constant 0 : i32
      %dma_wait3A_158 = tpu.memref_slice %arg27[%add3A_44, %dma_wait3A_157] : memref<10240x128xf32, #tpu.memory_space<vmem_shared>> -> memref<64x128xf32, #tpu.memory_space<vmem_shared>>
      tpu.wait_dma2 semaphore(%run_scoped3A : memref<!tpu.dma_semaphore, #tpu.memory_space<semaphore_mem>>) src(%arg15 : memref<64x128xf32, #tpu.memory_space<vmem>>) dst(%dma_wait3A_158 : memref<64x128xf32, #tpu.memory_space<vmem_shared>>)
      tpu.yield
    }) : () -> ()
    "tpu.region"() ({
      %run_scoped3A = tpu.sem_alloc : memref<!tpu.dma_semaphore, #tpu.memory_space<semaphore_mem>>
      %dma_start3A_151 = arith.constant 0 : i32
      %dma_start3A_152 = tpu.memref_slice %arg28[%add3A_44, %dma_start3A_151] : memref<10240x16xf32, #tpu.memory_space<vmem_shared>> -> memref<64x16xf32, #tpu.memory_space<vmem_shared>>
      %dma_start3A_153 = arith.constant 0 : i32
      %dma_start3A_154 = tpu.memref_slice %arg28[%add3A_44, %dma_start3A_153] : memref<10240x16xf32, #tpu.memory_space<vmem_shared>> -> memref<64x16xf32, #tpu.memory_space<vmem_shared>>
      tpu.enqueue_dma source(%arg24 : memref<64x16xf32, #tpu.memory_space<vmem>>) target(%dma_start3A_154 : memref<64x16xf32, #tpu.memory_space<vmem_shared>>) target_semaphore(%run_scoped3A : memref<!tpu.dma_semaphore, #tpu.memory_space<semaphore_mem>>)
      %dma_wait3A_155 = arith.constant 0 : i32
      %dma_wait3A_156 = tpu.memref_slice %arg28[%add3A_44, %dma_wait3A_155] : memref<10240x16xf32, #tpu.memory_space<vmem_shared>> -> memref<64x16xf32, #tpu.memory_space<vmem_shared>>
      %dma_wait3A_157 = arith.constant 0 : i32
      %dma_wait3A_158 = tpu.memref_slice %arg28[%add3A_44, %dma_wait3A_157] : memref<10240x16xf32, #tpu.memory_space<vmem_shared>> -> memref<64x16xf32, #tpu.memory_space<vmem_shared>>
      tpu.wait_dma2 semaphore(%run_scoped3A : memref<!tpu.dma_semaphore, #tpu.memory_space<semaphore_mem>>) src(%arg24 : memref<64x16xf32, #tpu.memory_space<vmem>>) dst(%dma_wait3A_158 : memref<64x16xf32, #tpu.memory_space<vmem_shared>>)
      tpu.yield
    }) : () -> ()
    %mul3A_45 = arith.constant 640 : i32
    %mul3A_46 = arith.muli %arg1, %mul3A_45 : i32
    %add3A_47 = arith.constant 576 : i32
    %add3A_48 = arith.addi %mul3A_46, %add3A_47 : i32
    "tpu.region"() ({
      %run_scoped3A = tpu.sem_alloc : memref<!tpu.dma_semaphore, #tpu.memory_space<semaphore_mem>>
      %dma_start3A_151 = arith.constant 0 : i32
      %dma_start3A_152 = tpu.memref_slice %arg27[%add3A_48, %dma_start3A_151] : memref<10240x128xf32, #tpu.memory_space<vmem_shared>> -> memref<64x128xf32, #tpu.memory_space<vmem_shared>>
      %dma_start3A_153 = arith.constant 0 : i32
      %dma_start3A_154 = tpu.memref_slice %arg27[%add3A_48, %dma_start3A_153] : memref<10240x128xf32, #tpu.memory_space<vmem_shared>> -> memref<64x128xf32, #tpu.memory_space<vmem_shared>>
      tpu.enqueue_dma source(%arg15 : memref<64x128xf32, #tpu.memory_space<vmem>>) target(%dma_start3A_154 : memref<64x128xf32, #tpu.memory_space<vmem_shared>>) target_semaphore(%run_scoped3A : memref<!tpu.dma_semaphore, #tpu.memory_space<semaphore_mem>>)
      %dma_wait3A_155 = arith.constant 0 : i32
      %dma_wait3A_156 = tpu.memref_slice %arg27[%add3A_48, %dma_wait3A_155] : memref<10240x128xf32, #tpu.memory_space<vmem_shared>> -> memref<64x128xf32, #tpu.memory_space<vmem_shared>>
      %dma_wait3A_157 = arith.constant 0 : i32
      %dma_wait3A_158 = tpu.memref_slice %arg27[%add3A_48, %dma_wait3A_157] : memref<10240x128xf32, #tpu.memory_space<vmem_shared>> -> memref<64x128xf32, #tpu.memory_space<vmem_shared>>
      tpu.wait_dma2 semaphore(%run_scoped3A : memref<!tpu.dma_semaphore, #tpu.memory_space<semaphore_mem>>) src(%arg15 : memref<64x128xf32, #tpu.memory_space<vmem>>) dst(%dma_wait3A_158 : memref<64x128xf32, #tpu.memory_space<vmem_shared>>)
      tpu.yield
    }) : () -> ()
    "tpu.region"() ({
      %run_scoped3A = tpu.sem_alloc : memref<!tpu.dma_semaphore, #tpu.memory_space<semaphore_mem>>
      %dma_start3A_151 = arith.constant 0 : i32
      %dma_start3A_152 = tpu.memref_slice %arg28[%add3A_48, %dma_start3A_151] : memref<10240x16xf32, #tpu.memory_space<vmem_shared>> -> memref<64x16xf32, #tpu.memory_space<vmem_shared>>
      %dma_start3A_153 = arith.constant 0 : i32
      %dma_start3A_154 = tpu.memref_slice %arg28[%add3A_48, %dma_start3A_153] : memref<10240x16xf32, #tpu.memory_space<vmem_shared>> -> memref<64x16xf32, #tpu.memory_space<vmem_shared>>
      tpu.enqueue_dma source(%arg24 : memref<64x16xf32, #tpu.memory_space<vmem>>) target(%dma_start3A_154 : memref<64x16xf32, #tpu.memory_space<vmem_shared>>) target_semaphore(%run_scoped3A : memref<!tpu.dma_semaphore, #tpu.memory_space<semaphore_mem>>)
      %dma_wait3A_155 = arith.constant 0 : i32
      %dma_wait3A_156 = tpu.memref_slice %arg28[%add3A_48, %dma_wait3A_155] : memref<10240x16xf32, #tpu.memory_space<vmem_shared>> -> memref<64x16xf32, #tpu.memory_space<vmem_shared>>
      %dma_wait3A_157 = arith.constant 0 : i32
      %dma_wait3A_158 = tpu.memref_slice %arg28[%add3A_48, %dma_wait3A_157] : memref<10240x16xf32, #tpu.memory_space<vmem_shared>> -> memref<64x16xf32, #tpu.memory_space<vmem_shared>>
      tpu.wait_dma2 semaphore(%run_scoped3A : memref<!tpu.dma_semaphore, #tpu.memory_space<semaphore_mem>>) src(%arg24 : memref<64x16xf32, #tpu.memory_space<vmem>>) dst(%dma_wait3A_158 : memref<64x16xf32, #tpu.memory_space<vmem_shared>>)
      tpu.yield
    }) : () -> ()
    %barrier3A = arith.constant 0 : index
    tpu.barrier barrier_id(%barrier3A)
    %iota3A = tpu.iota {dimensions = array<i32: 0>} : vector<16xi32>
    %and3A = arith.constant 7 : i32
    %and3A_49 = vector.broadcast %and3A : i32 to vector<16xi32>
    %and3A_50 = arith.andi %iota3A, %and3A_49 : vector<16xi32>
    %broadcast_in_dim3A = vector.shape_cast %and3A_50 : vector<16xi32> to vector<16x1xi32>
    %add3A_51 = arith.constant 0 : i32
    %add3A_52 = arith.addi %mul3A_2, %add3A_51 : i32
    %dma_start3A = tpu.memref_slice %arg5[%add3A_52] : memref<325632xi32, #tpu.memory_space<hbm>> -> memref<64xi32, #tpu.memory_space<hbm>>
    %dma_start3A_53 = tpu.memref_slice %arg5[%add3A_52] : memref<325632xi32, #tpu.memory_space<hbm>> -> memref<64xi32, #tpu.memory_space<hbm>>
    tpu.enqueue_dma source(%dma_start3A_53 : memref<64xi32, #tpu.memory_space<hbm>>) target(%arg9 : memref<64xi32, #tpu.memory_space<vmem>>) target_semaphore(%arg29 : memref<!tpu.dma_semaphore, #tpu.memory_space<semaphore_mem>>)
    %dma_start3A_54 = tpu.memref_slice %arg6[%add3A_52] : memref<325632xi32, #tpu.memory_space<hbm>> -> memref<64xi32, #tpu.memory_space<hbm>>
    %dma_start3A_55 = tpu.memref_slice %arg6[%add3A_52] : memref<325632xi32, #tpu.memory_space<hbm>> -> memref<64xi32, #tpu.memory_space<hbm>>
    tpu.enqueue_dma source(%dma_start3A_55 : memref<64xi32, #tpu.memory_space<hbm>>) target(%arg12 : memref<64xi32, #tpu.memory_space<vmem>>) target_semaphore(%arg29 : memref<!tpu.dma_semaphore, #tpu.memory_space<semaphore_mem>>)
    %add3A_56 = arith.constant 64 : i32
    %add3A_57 = arith.addi %mul3A_2, %add3A_56 : i32
    %dma_start3A_58 = tpu.memref_slice %arg5[%add3A_57] : memref<325632xi32, #tpu.memory_space<hbm>> -> memref<64xi32, #tpu.memory_space<hbm>>
    %dma_start3A_59 = tpu.memref_slice %arg5[%add3A_57] : memref<325632xi32, #tpu.memory_space<hbm>> -> memref<64xi32, #tpu.memory_space<hbm>>
    tpu.enqueue_dma source(%dma_start3A_59 : memref<64xi32, #tpu.memory_space<hbm>>) target(%arg10 : memref<64xi32, #tpu.memory_space<vmem>>) target_semaphore(%arg30 : memref<!tpu.dma_semaphore, #tpu.memory_space<semaphore_mem>>)
    %dma_start3A_60 = tpu.memref_slice %arg6[%add3A_57] : memref<325632xi32, #tpu.memory_space<hbm>> -> memref<64xi32, #tpu.memory_space<hbm>>
    %dma_start3A_61 = tpu.memref_slice %arg6[%add3A_57] : memref<325632xi32, #tpu.memory_space<hbm>> -> memref<64xi32, #tpu.memory_space<hbm>>
    tpu.enqueue_dma source(%dma_start3A_61 : memref<64xi32, #tpu.memory_space<hbm>>) target(%arg13 : memref<64xi32, #tpu.memory_space<vmem>>) target_semaphore(%arg30 : memref<!tpu.dma_semaphore, #tpu.memory_space<semaphore_mem>>)
    %add3A_62 = arith.constant 128 : i32
    %add3A_63 = arith.addi %mul3A_2, %add3A_62 : i32
    %dma_start3A_64 = tpu.memref_slice %arg5[%add3A_63] : memref<325632xi32, #tpu.memory_space<hbm>> -> memref<64xi32, #tpu.memory_space<hbm>>
    %dma_start3A_65 = tpu.memref_slice %arg5[%add3A_63] : memref<325632xi32, #tpu.memory_space<hbm>> -> memref<64xi32, #tpu.memory_space<hbm>>
    tpu.enqueue_dma source(%dma_start3A_65 : memref<64xi32, #tpu.memory_space<hbm>>) target(%arg11 : memref<64xi32, #tpu.memory_space<vmem>>) target_semaphore(%arg31 : memref<!tpu.dma_semaphore, #tpu.memory_space<semaphore_mem>>)
    %dma_start3A_66 = tpu.memref_slice %arg6[%add3A_63] : memref<325632xi32, #tpu.memory_space<hbm>> -> memref<64xi32, #tpu.memory_space<hbm>>
    %dma_start3A_67 = tpu.memref_slice %arg6[%add3A_63] : memref<325632xi32, #tpu.memory_space<hbm>> -> memref<64xi32, #tpu.memory_space<hbm>>
    tpu.enqueue_dma source(%dma_start3A_67 : memref<64xi32, #tpu.memory_space<hbm>>) target(%arg14 : memref<64xi32, #tpu.memory_space<vmem>>) target_semaphore(%arg31 : memref<!tpu.dma_semaphore, #tpu.memory_space<semaphore_mem>>)
    %add3A_68 = arith.constant 0 : i32
    %add3A_69 = arith.addi %mul3A_2, %add3A_68 : i32
    %dma_wait3A = tpu.memref_slice %arg5[%add3A_69] : memref<325632xi32, #tpu.memory_space<hbm>> -> memref<64xi32, #tpu.memory_space<hbm>>
    %dma_wait3A_70 = tpu.memref_slice %arg5[%add3A_69] : memref<325632xi32, #tpu.memory_space<hbm>> -> memref<64xi32, #tpu.memory_space<hbm>>
    tpu.wait_dma2 semaphore(%arg29 : memref<!tpu.dma_semaphore, #tpu.memory_space<semaphore_mem>>) src(%dma_wait3A_70 : memref<64xi32, #tpu.memory_space<hbm>>) dst(%arg9 : memref<64xi32, #tpu.memory_space<vmem>>)
    %dma_wait3A_71 = tpu.memref_slice %arg6[%add3A_69] : memref<325632xi32, #tpu.memory_space<hbm>> -> memref<64xi32, #tpu.memory_space<hbm>>
    %dma_wait3A_72 = tpu.memref_slice %arg6[%add3A_69] : memref<325632xi32, #tpu.memory_space<hbm>> -> memref<64xi32, #tpu.memory_space<hbm>>
    tpu.wait_dma2 semaphore(%arg29 : memref<!tpu.dma_semaphore, #tpu.memory_space<semaphore_mem>>) src(%dma_wait3A_72 : memref<64xi32, #tpu.memory_space<hbm>>) dst(%arg12 : memref<64xi32, #tpu.memory_space<vmem>>)
    %dma_start3A_73 = arith.constant 0 : i32
    %dma_start3A_74 = arith.constant 0 : i32
    %dma_start3A_75 = tpu.memref_slice %arg2[%dma_start3A_73, %dma_start3A_74] : memref<10240x128xf32, #tpu.memory_space<hbm>> -> memref<10240x128xf32, #tpu.memory_space<hbm>>
    tpu.enqueue_indirect_dma source(%dma_start3A_75 : memref<10240x128xf32, #tpu.memory_space<hbm>>) target(%arg15 : memref<64x128xf32, #tpu.memory_space<vmem>>) offsets(%arg9 : memref<64xi32, #tpu.memory_space<vmem>>) semaphore(%arg32 : memref<!tpu.dma_semaphore, #tpu.memory_space<semaphore_mem>>)
    %dma_start3A_76 = arith.constant 0 : i32
    %dma_start3A_77 = arith.constant 0 : i32
    %dma_start3A_78 = tpu.memref_slice %arg3[%dma_start3A_76, %dma_start3A_77] : memref<10240x16xf32, #tpu.memory_space<hbm>> -> memref<10240x16xf32, #tpu.memory_space<hbm>>
    tpu.enqueue_indirect_dma source(%dma_start3A_78 : memref<10240x16xf32, #tpu.memory_space<hbm>>) target(%arg18 : memref<64x16xf32, #tpu.memory_space<vmem>>) offsets(%arg9 : memref<64xi32, #tpu.memory_space<vmem>>) semaphore(%arg32 : memref<!tpu.dma_semaphore, #tpu.memory_space<semaphore_mem>>)
    %dma_start3A_79 = arith.constant 0 : i32
    %dma_start3A_80 = arith.constant 0 : i32
    %dma_start3A_81 = tpu.memref_slice %arg4[%dma_start3A_79, %dma_start3A_80] : memref<10240x16xf32, #tpu.memory_space<hbm>> -> memref<10240x16xf32, #tpu.memory_space<hbm>>
    tpu.enqueue_indirect_dma source(%dma_start3A_81 : memref<10240x16xf32, #tpu.memory_space<hbm>>) target(%arg21 : memref<64x16xf32, #tpu.memory_space<vmem>>) offsets(%arg12 : memref<64xi32, #tpu.memory_space<vmem>>) semaphore(%arg32 : memref<!tpu.dma_semaphore, #tpu.memory_space<semaphore_mem>>)
    %add3A_82 = arith.constant 64 : i32
    %add3A_83 = arith.addi %mul3A_2, %add3A_82 : i32
    %dma_wait3A_84 = tpu.memref_slice %arg5[%add3A_83] : memref<325632xi32, #tpu.memory_space<hbm>> -> memref<64xi32, #tpu.memory_space<hbm>>
    %dma_wait3A_85 = tpu.memref_slice %arg5[%add3A_83] : memref<325632xi32, #tpu.memory_space<hbm>> -> memref<64xi32, #tpu.memory_space<hbm>>
    tpu.wait_dma2 semaphore(%arg30 : memref<!tpu.dma_semaphore, #tpu.memory_space<semaphore_mem>>) src(%dma_wait3A_85 : memref<64xi32, #tpu.memory_space<hbm>>) dst(%arg10 : memref<64xi32, #tpu.memory_space<vmem>>)
    %dma_wait3A_86 = tpu.memref_slice %arg6[%add3A_83] : memref<325632xi32, #tpu.memory_space<hbm>> -> memref<64xi32, #tpu.memory_space<hbm>>
    %dma_wait3A_87 = tpu.memref_slice %arg6[%add3A_83] : memref<325632xi32, #tpu.memory_space<hbm>> -> memref<64xi32, #tpu.memory_space<hbm>>
    tpu.wait_dma2 semaphore(%arg30 : memref<!tpu.dma_semaphore, #tpu.memory_space<semaphore_mem>>) src(%dma_wait3A_87 : memref<64xi32, #tpu.memory_space<hbm>>) dst(%arg13 : memref<64xi32, #tpu.memory_space<vmem>>)
    %dma_start3A_88 = arith.constant 0 : i32
    %dma_start3A_89 = arith.constant 0 : i32
    %dma_start3A_90 = tpu.memref_slice %arg2[%dma_start3A_88, %dma_start3A_89] : memref<10240x128xf32, #tpu.memory_space<hbm>> -> memref<10240x128xf32, #tpu.memory_space<hbm>>
    tpu.enqueue_indirect_dma source(%dma_start3A_90 : memref<10240x128xf32, #tpu.memory_space<hbm>>) target(%arg16 : memref<64x128xf32, #tpu.memory_space<vmem>>) offsets(%arg10 : memref<64xi32, #tpu.memory_space<vmem>>) semaphore(%arg33 : memref<!tpu.dma_semaphore, #tpu.memory_space<semaphore_mem>>)
    %dma_start3A_91 = arith.constant 0 : i32
    %dma_start3A_92 = arith.constant 0 : i32
    %dma_start3A_93 = tpu.memref_slice %arg3[%dma_start3A_91, %dma_start3A_92] : memref<10240x16xf32, #tpu.memory_space<hbm>> -> memref<10240x16xf32, #tpu.memory_space<hbm>>
    tpu.enqueue_indirect_dma source(%dma_start3A_93 : memref<10240x16xf32, #tpu.memory_space<hbm>>) target(%arg19 : memref<64x16xf32, #tpu.memory_space<vmem>>) offsets(%arg10 : memref<64xi32, #tpu.memory_space<vmem>>) semaphore(%arg33 : memref<!tpu.dma_semaphore, #tpu.memory_space<semaphore_mem>>)
    %dma_start3A_94 = arith.constant 0 : i32
    %dma_start3A_95 = arith.constant 0 : i32
    %dma_start3A_96 = tpu.memref_slice %arg4[%dma_start3A_94, %dma_start3A_95] : memref<10240x16xf32, #tpu.memory_space<hbm>> -> memref<10240x16xf32, #tpu.memory_space<hbm>>
    tpu.enqueue_indirect_dma source(%dma_start3A_96 : memref<10240x16xf32, #tpu.memory_space<hbm>>) target(%arg22 : memref<64x16xf32, #tpu.memory_space<vmem>>) offsets(%arg13 : memref<64xi32, #tpu.memory_space<vmem>>) semaphore(%arg33 : memref<!tpu.dma_semaphore, #tpu.memory_space<semaphore_mem>>)
    %scan3A_97 = arith.constant 0 : i32
    %scan3A_98 = arith.constant 0 : i32
    %scan3A_99 = arith.constant 53 : i32
    %scan3A_100 = arith.addi %scan3A_98, %scan3A_99 : i32
    %scan3A_101 = arith.constant 1 : i32
    %scan3A_102 = scf.for %scan3A_151 = %scan3A_98 to %scan3A_100 step %scan3A_101 iter_args(%scan3A_152 = %scan3A_97) -> (i32)  : i32 {
      %mul3A_153 = arith.constant 3 : i32
      %mul3A_154 = arith.muli %scan3A_151, %mul3A_153 : i32
      %dma_wait3A_155 = arith.constant 0 : i32
      %dma_wait3A_156 = arith.constant 0 : i32
      %dma_wait3A_157 = tpu.memref_slice %arg2[%dma_wait3A_155, %dma_wait3A_156] : memref<10240x128xf32, #tpu.memory_space<hbm>> -> memref<10240x128xf32, #tpu.memory_space<hbm>>
      tpu.wait_indirect_dma semaphore(%arg32 : memref<!tpu.dma_semaphore, #tpu.memory_space<semaphore_mem>>) src(%dma_wait3A_157 : memref<10240x128xf32, #tpu.memory_space<hbm>>) dst(%arg15 : memref<64x128xf32, #tpu.memory_space<vmem>>)
      %dma_wait3A_158 = arith.constant 0 : i32
      %dma_wait3A_159 = arith.constant 0 : i32
      %dma_wait3A_160 = tpu.memref_slice %arg3[%dma_wait3A_158, %dma_wait3A_159] : memref<10240x16xf32, #tpu.memory_space<hbm>> -> memref<10240x16xf32, #tpu.memory_space<hbm>>
      tpu.wait_indirect_dma semaphore(%arg32 : memref<!tpu.dma_semaphore, #tpu.memory_space<semaphore_mem>>) src(%dma_wait3A_160 : memref<10240x16xf32, #tpu.memory_space<hbm>>) dst(%arg18 : memref<64x16xf32, #tpu.memory_space<vmem>>)
      %dma_wait3A_161 = arith.constant 0 : i32
      %dma_wait3A_162 = arith.constant 0 : i32
      %dma_wait3A_163 = tpu.memref_slice %arg4[%dma_wait3A_161, %dma_wait3A_162] : memref<10240x16xf32, #tpu.memory_space<hbm>> -> memref<10240x16xf32, #tpu.memory_space<hbm>>
      tpu.wait_indirect_dma semaphore(%arg32 : memref<!tpu.dma_semaphore, #tpu.memory_space<semaphore_mem>>) src(%dma_wait3A_163 : memref<10240x16xf32, #tpu.memory_space<hbm>>) dst(%arg21 : memref<64x16xf32, #tpu.memory_space<vmem>>)
      %parallel_loop3A = arith.constant 0 : i32
      %parallel_loop3A_164 = arith.constant 64 : i32
      %parallel_loop3A_165 = arith.constant 1 : i32
      scf.for %parallel_loop3A_266 = %parallel_loop3A to %parallel_loop3A_164 step %parallel_loop3A_165  : i32 {
        %parallel_loop3A_267 = arith.index_cast %parallel_loop3A_266 : i32 to index
        %parallel_loop3A_268 = arith.constant 0 : index
        %parallel_loop3A_269 = tpu.vector_load %arg18[%parallel_loop3A_267, %parallel_loop3A_268] {strides = array<i32>} : memref<64x16xf32, #tpu.memory_space<vmem>>, vector<1x16xf32>,
        %parallel_loop3A_270 = vector.shape_cast %parallel_loop3A_269 : vector<1x16xf32> to vector<16xf32>
        %parallel_loop3A_271 = arith.index_cast %parallel_loop3A_266 : i32 to index
        %parallel_loop3A_272 = arith.constant 0 : index
        %parallel_loop3A_273 = tpu.vector_load %arg21[%parallel_loop3A_271, %parallel_loop3A_272] {strides = array<i32>} : memref<64x16xf32, #tpu.memory_space<vmem>>, vector<1x16xf32>,
        %parallel_loop3A_274 = vector.shape_cast %parallel_loop3A_273 : vector<1x16xf32> to vector<16xf32>
        %parallel_loop3A_275 = arith.addf %parallel_loop3A_270, %parallel_loop3A_274 : vector<16xf32>
        %parallel_loop3A_276 = arith.constant 2.000000e-01 : f32
        %parallel_loop3A_277 = vector.broadcast %parallel_loop3A_276 : f32 to vector<16xf32>
        %parallel_loop3A_278 = arith.mulf %parallel_loop3A_277, %parallel_loop3A_275 : vector<16xf32>
        %parallel_loop3A_279 = arith.maximumf %parallel_loop3A_275, %parallel_loop3A_278 : vector<16xf32>
        %parallel_loop3A_280 = math.exp %parallel_loop3A_279 : vector<16xf32>
        %parallel_loop3A_281 = arith.index_cast %parallel_loop3A_266 : i32 to index
        %parallel_loop3A_282 = arith.constant 0 : index
        %parallel_loop3A_283 = tpu.vector_load %arg24[%parallel_loop3A_281, %parallel_loop3A_282] {strides = array<i32>} : memref<64x16xf32, #tpu.memory_space<vmem>>, vector<1x16xf32>,
        %parallel_loop3A_284 = vector.shape_cast %parallel_loop3A_283 : vector<1x16xf32> to vector<16xf32>
        %parallel_loop3A_285 = vector.shape_cast %parallel_loop3A_280 : vector<16xf32> to vector<1x16xf32>
        tpu.vector_store %arg24[%parallel_loop3A_281, %parallel_loop3A_282], %parallel_loop3A_285 {strides = array<i32>} : memref<64x16xf32, #tpu.memory_space<vmem>>, vector<1x16xf32>,
        %parallel_loop3A_286 = vector.shape_cast %broadcast_in_dim3A : vector<16x1xi32> to vector<16xi32>
        %parallel_loop3A_287 = tpu.dynamic_gather %parallel_loop3A_280[%parallel_loop3A_286] in [0] : vector<16xf32>, vector<16xi32> -> vector<16xf32>
        %parallel_loop3A_288 = arith.index_cast %parallel_loop3A_266 : i32 to index
        %parallel_loop3A_289 = arith.constant 0 : index
        %parallel_loop3A_290 = tpu.vector_load %arg15[%parallel_loop3A_288, %parallel_loop3A_289] {strides = array<i32>} : memref<64x128xf32, #tpu.memory_space<vmem>>, vector<1x16xf32>,
        %parallel_loop3A_291 = vector.shape_cast %parallel_loop3A_290 : vector<1x16xf32> to vector<16xf32>
        %parallel_loop3A_292 = arith.mulf %parallel_loop3A_291, %parallel_loop3A_287 : vector<16xf32>
        %parallel_loop3A_293 = arith.index_cast %parallel_loop3A_266 : i32 to index
        %parallel_loop3A_294 = arith.constant 0 : index
        %parallel_loop3A_295 = tpu.vector_load %arg15[%parallel_loop3A_293, %parallel_loop3A_294] {strides = array<i32>} : memref<64x128xf32, #tpu.memory_space<vmem>>, vector<1x16xf32>,
        %parallel_loop3A_296 = vector.shape_cast %parallel_loop3A_295 : vector<1x16xf32> to vector<16xf32>
        %parallel_loop3A_297 = vector.shape_cast %parallel_loop3A_292 : vector<16xf32> to vector<1x16xf32>
        tpu.vector_store %arg15[%parallel_loop3A_293, %parallel_loop3A_294], %parallel_loop3A_297 {strides = array<i32>} : memref<64x128xf32, #tpu.memory_space<vmem>>, vector<1x16xf32>,
        %parallel_loop3A_298 = arith.index_cast %parallel_loop3A_266 : i32 to index
        %parallel_loop3A_299 = arith.constant 16 : index
        %parallel_loop3A_300 = tpu.vector_load %arg15[%parallel_loop3A_298, %parallel_loop3A_299] {strides = array<i32>} : memref<64x128xf32, #tpu.memory_space<vmem>>, vector<1x16xf32>,
        %parallel_loop3A_301 = vector.shape_cast %parallel_loop3A_300 : vector<1x16xf32> to vector<16xf32>
        %parallel_loop3A_302 = arith.mulf %parallel_loop3A_301, %parallel_loop3A_287 : vector<16xf32>
        %parallel_loop3A_303 = arith.index_cast %parallel_loop3A_266 : i32 to index
        %parallel_loop3A_304 = arith.constant 16 : index
        %parallel_loop3A_305 = tpu.vector_load %arg15[%parallel_loop3A_303, %parallel_loop3A_304] {strides = array<i32>} : memref<64x128xf32, #tpu.memory_space<vmem>>, vector<1x16xf32>,
        %parallel_loop3A_306 = vector.shape_cast %parallel_loop3A_305 : vector<1x16xf32> to vector<16xf32>
        %parallel_loop3A_307 = vector.shape_cast %parallel_loop3A_302 : vector<16xf32> to vector<1x16xf32>
        tpu.vector_store %arg15[%parallel_loop3A_303, %parallel_loop3A_304], %parallel_loop3A_307 {strides = array<i32>} : memref<64x128xf32, #tpu.memory_space<vmem>>, vector<1x16xf32>,
        %parallel_loop3A_308 = arith.index_cast %parallel_loop3A_266 : i32 to index
        %parallel_loop3A_309 = arith.constant 32 : index
        %parallel_loop3A_310 = tpu.vector_load %arg15[%parallel_loop3A_308, %parallel_loop3A_309] {strides = array<i32>} : memref<64x128xf32, #tpu.memory_space<vmem>>, vector<1x16xf32>,
        %parallel_loop3A_311 = vector.shape_cast %parallel_loop3A_310 : vector<1x16xf32> to vector<16xf32>
        %parallel_loop3A_312 = arith.mulf %parallel_loop3A_311, %parallel_loop3A_287 : vector<16xf32>
        %parallel_loop3A_313 = arith.index_cast %parallel_loop3A_266 : i32 to index
        %parallel_loop3A_314 = arith.constant 32 : index
        %parallel_loop3A_315 = tpu.vector_load %arg15[%parallel_loop3A_313, %parallel_loop3A_314] {strides = array<i32>} : memref<64x128xf32, #tpu.memory_space<vmem>>, vector<1x16xf32>,
        %parallel_loop3A_316 = vector.shape_cast %parallel_loop3A_315 : vector<1x16xf32> to vector<16xf32>
        %parallel_loop3A_317 = vector.shape_cast %parallel_loop3A_312 : vector<16xf32> to vector<1x16xf32>
        tpu.vector_store %arg15[%parallel_loop3A_313, %parallel_loop3A_314], %parallel_loop3A_317 {strides = array<i32>} : memref<64x128xf32, #tpu.memory_space<vmem>>, vector<1x16xf32>,
        %parallel_loop3A_318 = arith.index_cast %parallel_loop3A_266 : i32 to index
        %parallel_loop3A_319 = arith.constant 48 : index
        %parallel_loop3A_320 = tpu.vector_load %arg15[%parallel_loop3A_318, %parallel_loop3A_319] {strides = array<i32>} : memref<64x128xf32, #tpu.memory_space<vmem>>, vector<1x16xf32>,
        %parallel_loop3A_321 = vector.shape_cast %parallel_loop3A_320 : vector<1x16xf32> to vector<16xf32>
        %parallel_loop3A_322 = arith.mulf %parallel_loop3A_321, %parallel_loop3A_287 : vector<16xf32>
        %parallel_loop3A_323 = arith.index_cast %parallel_loop3A_266 : i32 to index
        %parallel_loop3A_324 = arith.constant 48 : index
        %parallel_loop3A_325 = tpu.vector_load %arg15[%parallel_loop3A_323, %parallel_loop3A_324] {strides = array<i32>} : memref<64x128xf32, #tpu.memory_space<vmem>>, vector<1x16xf32>,
        %parallel_loop3A_326 = vector.shape_cast %parallel_loop3A_325 : vector<1x16xf32> to vector<16xf32>
        %parallel_loop3A_327 = vector.shape_cast %parallel_loop3A_322 : vector<16xf32> to vector<1x16xf32>
        tpu.vector_store %arg15[%parallel_loop3A_323, %parallel_loop3A_324], %parallel_loop3A_327 {strides = array<i32>} : memref<64x128xf32, #tpu.memory_space<vmem>>, vector<1x16xf32>,
        %parallel_loop3A_328 = arith.index_cast %parallel_loop3A_266 : i32 to index
        %parallel_loop3A_329 = arith.constant 64 : index
        %parallel_loop3A_330 = tpu.vector_load %arg15[%parallel_loop3A_328, %parallel_loop3A_329] {strides = array<i32>} : memref<64x128xf32, #tpu.memory_space<vmem>>, vector<1x16xf32>,
        %parallel_loop3A_331 = vector.shape_cast %parallel_loop3A_330 : vector<1x16xf32> to vector<16xf32>
        %parallel_loop3A_332 = arith.mulf %parallel_loop3A_331, %parallel_loop3A_287 : vector<16xf32>
        %parallel_loop3A_333 = arith.index_cast %parallel_loop3A_266 : i32 to index
        %parallel_loop3A_334 = arith.constant 64 : index
        %parallel_loop3A_335 = tpu.vector_load %arg15[%parallel_loop3A_333, %parallel_loop3A_334] {strides = array<i32>} : memref<64x128xf32, #tpu.memory_space<vmem>>, vector<1x16xf32>,
        %parallel_loop3A_336 = vector.shape_cast %parallel_loop3A_335 : vector<1x16xf32> to vector<16xf32>
        %parallel_loop3A_337 = vector.shape_cast %parallel_loop3A_332 : vector<16xf32> to vector<1x16xf32>
        tpu.vector_store %arg15[%parallel_loop3A_333, %parallel_loop3A_334], %parallel_loop3A_337 {strides = array<i32>} : memref<64x128xf32, #tpu.memory_space<vmem>>, vector<1x16xf32>,
        %parallel_loop3A_338 = arith.index_cast %parallel_loop3A_266 : i32 to index
        %parallel_loop3A_339 = arith.constant 80 : index
        %parallel_loop3A_340 = tpu.vector_load %arg15[%parallel_loop3A_338, %parallel_loop3A_339] {strides = array<i32>} : memref<64x128xf32, #tpu.memory_space<vmem>>, vector<1x16xf32>,
        %parallel_loop3A_341 = vector.shape_cast %parallel_loop3A_340 : vector<1x16xf32> to vector<16xf32>
        %parallel_loop3A_342 = arith.mulf %parallel_loop3A_341, %parallel_loop3A_287 : vector<16xf32>
        %parallel_loop3A_343 = arith.index_cast %parallel_loop3A_266 : i32 to index
        %parallel_loop3A_344 = arith.constant 80 : index
        %parallel_loop3A_345 = tpu.vector_load %arg15[%parallel_loop3A_343, %parallel_loop3A_344] {strides = array<i32>} : memref<64x128xf32, #tpu.memory_space<vmem>>, vector<1x16xf32>,
        %parallel_loop3A_346 = vector.shape_cast %parallel_loop3A_345 : vector<1x16xf32> to vector<16xf32>
        %parallel_loop3A_347 = vector.shape_cast %parallel_loop3A_342 : vector<16xf32> to vector<1x16xf32>
        tpu.vector_store %arg15[%parallel_loop3A_343, %parallel_loop3A_344], %parallel_loop3A_347 {strides = array<i32>} : memref<64x128xf32, #tpu.memory_space<vmem>>, vector<1x16xf32>,
        %parallel_loop3A_348 = arith.index_cast %parallel_loop3A_266 : i32 to index
        %parallel_loop3A_349 = arith.constant 96 : index
        %parallel_loop3A_350 = tpu.vector_load %arg15[%parallel_loop3A_348, %parallel_loop3A_349] {strides = array<i32>} : memref<64x128xf32, #tpu.memory_space<vmem>>, vector<1x16xf32>,
        %parallel_loop3A_351 = vector.shape_cast %parallel_loop3A_350 : vector<1x16xf32> to vector<16xf32>
        %parallel_loop3A_352 = arith.mulf %parallel_loop3A_351, %parallel_loop3A_287 : vector<16xf32>
        %parallel_loop3A_353 = arith.index_cast %parallel_loop3A_266 : i32 to index
        %parallel_loop3A_354 = arith.constant 96 : index
        %parallel_loop3A_355 = tpu.vector_load %arg15[%parallel_loop3A_353, %parallel_loop3A_354] {strides = array<i32>} : memref<64x128xf32, #tpu.memory_space<vmem>>, vector<1x16xf32>,
        %parallel_loop3A_356 = vector.shape_cast %parallel_loop3A_355 : vector<1x16xf32> to vector<16xf32>
        %parallel_loop3A_357 = vector.shape_cast %parallel_loop3A_352 : vector<16xf32> to vector<1x16xf32>
        tpu.vector_store %arg15[%parallel_loop3A_353, %parallel_loop3A_354], %parallel_loop3A_357 {strides = array<i32>} : memref<64x128xf32, #tpu.memory_space<vmem>>, vector<1x16xf32>,
        %parallel_loop3A_358 = arith.index_cast %parallel_loop3A_266 : i32 to index
        %parallel_loop3A_359 = arith.constant 112 : index
        %parallel_loop3A_360 = tpu.vector_load %arg15[%parallel_loop3A_358, %parallel_loop3A_359] {strides = array<i32>} : memref<64x128xf32, #tpu.memory_space<vmem>>, vector<1x16xf32>,
        %parallel_loop3A_361 = vector.shape_cast %parallel_loop3A_360 : vector<1x16xf32> to vector<16xf32>
        %parallel_loop3A_362 = arith.mulf %parallel_loop3A_361, %parallel_loop3A_287 : vector<16xf32>
        %parallel_loop3A_363 = arith.index_cast %parallel_loop3A_266 : i32 to index
        %parallel_loop3A_364 = arith.constant 112 : index
        %parallel_loop3A_365 = tpu.vector_load %arg15[%parallel_loop3A_363, %parallel_loop3A_364] {strides = array<i32>} : memref<64x128xf32, #tpu.memory_space<vmem>>, vector<1x16xf32>,
        %parallel_loop3A_366 = vector.shape_cast %parallel_loop3A_365 : vector<1x16xf32> to vector<16xf32>
        %parallel_loop3A_367 = vector.shape_cast %parallel_loop3A_362 : vector<16xf32> to vector<1x16xf32>
        tpu.vector_store %arg15[%parallel_loop3A_363, %parallel_loop3A_364], %parallel_loop3A_367 {strides = array<i32>} : memref<64x128xf32, #tpu.memory_space<vmem>>, vector<1x16xf32>,
      } {sc.loop_unroll_factor = 4 : i64, sc.parallel_access}
      %dma_start3A_166 = arith.constant 0 : i32
      %dma_start3A_167 = arith.constant 0 : i32
      %dma_start3A_168 = tpu.memref_slice %arg27[%dma_start3A_166, %dma_start3A_167] : memref<10240x128xf32, #tpu.memory_space<vmem_shared>> -> memref<10240x128xf32, #tpu.memory_space<vmem_shared>>
      tpu.enqueue_indirect_dma source(%arg15 : memref<64x128xf32, #tpu.memory_space<vmem>>) target(%dma_start3A_168 : memref<10240x128xf32, #tpu.memory_space<vmem_shared>>) offsets(%arg12 : memref<64xi32, #tpu.memory_space<vmem>>) semaphore(%arg35 : memref<!tpu.dma_semaphore, #tpu.memory_space<semaphore_mem>>) {add = true}
      %dma_start3A_169 = arith.constant 0 : i32
      %dma_start3A_170 = arith.constant 0 : i32
      %dma_start3A_171 = tpu.memref_slice %arg28[%dma_start3A_169, %dma_start3A_170] : memref<10240x16xf32, #tpu.memory_space<vmem_shared>> -> memref<10240x16xf32, #tpu.memory_space<vmem_shared>>
      tpu.enqueue_indirect_dma source(%arg24 : memref<64x16xf32, #tpu.memory_space<vmem>>) target(%dma_start3A_171 : memref<10240x16xf32, #tpu.memory_space<vmem_shared>>) offsets(%arg12 : memref<64xi32, #tpu.memory_space<vmem>>) semaphore(%arg35 : memref<!tpu.dma_semaphore, #tpu.memory_space<semaphore_mem>>) {add = true}
      %gt3A = arith.constant 0 : i32
      %gt3A_172 = arith.cmpi sgt, %mul3A_154, %gt3A : i32
      %convert_element_type3A = arith.extui %gt3A_172 : i1 to i32
      %cond3A = arith.constant 0 : i32
      %cond3A_173 = arith.cmpi ne, %convert_element_type3A, %cond3A : i32
      scf.if %cond3A_173 {
        %dma_wait3A_266 = arith.constant 0 : i32
        %dma_wait3A_267 = arith.constant 0 : i32
        %dma_wait3A_268 = tpu.memref_slice %arg27[%dma_wait3A_266, %dma_wait3A_267] : memref<10240x128xf32, #tpu.memory_space<vmem_shared>> -> memref<10240x128xf32, #tpu.memory_space<vmem_shared>>
        tpu.wait_indirect_dma semaphore(%arg37 : memref<!tpu.dma_semaphore, #tpu.memory_space<semaphore_mem>>) src(%arg17 : memref<64x128xf32, #tpu.memory_space<vmem>>) dst(%dma_wait3A_268 : memref<10240x128xf32, #tpu.memory_space<vmem_shared>>)
        %dma_wait3A_269 = arith.constant 0 : i32
        %dma_wait3A_270 = arith.constant 0 : i32
        %dma_wait3A_271 = tpu.memref_slice %arg28[%dma_wait3A_269, %dma_wait3A_270] : memref<10240x16xf32, #tpu.memory_space<vmem_shared>> -> memref<10240x16xf32, #tpu.memory_space<vmem_shared>>
        tpu.wait_indirect_dma semaphore(%arg37 : memref<!tpu.dma_semaphore, #tpu.memory_space<semaphore_mem>>) src(%arg26 : memref<64x16xf32, #tpu.memory_space<vmem>>) dst(%dma_wait3A_271 : memref<10240x16xf32, #tpu.memory_space<vmem_shared>>)
      } else {
      }
      %add3A_174 = arith.constant 2 : i32
      %add3A_175 = arith.addi %mul3A_154, %add3A_174 : i32
      %lt3A = arith.constant 159 : i32
      %lt3A_176 = arith.cmpi slt, %add3A_175, %lt3A : i32
      %convert_element_type3A_177 = arith.extui %lt3A_176 : i1 to i32
      %cond3A_178 = arith.constant 0 : i32
      %cond3A_179 = arith.cmpi ne, %convert_element_type3A_177, %cond3A_178 : i32
      scf.if %cond3A_179 {
        %add3A_266 = arith.constant 2 : i32
        %add3A_267 = arith.addi %mul3A_154, %add3A_266 : i32
        %mul3A_268 = arith.constant 64 : i32
        %mul3A_269 = arith.muli %add3A_267, %mul3A_268 : i32
        %add3A_270 = arith.addi %mul3A_2, %mul3A_269 : i32
        %dma_wait3A_271 = tpu.memref_slice %arg5[%add3A_270] : memref<325632xi32, #tpu.memory_space<hbm>> -> memref<64xi32, #tpu.memory_space<hbm>>
        %dma_wait3A_272 = tpu.memref_slice %arg5[%add3A_270] : memref<325632xi32, #tpu.memory_space<hbm>> -> memref<64xi32, #tpu.memory_space<hbm>>
        tpu.wait_dma2 semaphore(%arg31 : memref<!tpu.dma_semaphore, #tpu.memory_space<semaphore_mem>>) src(%dma_wait3A_272 : memref<64xi32, #tpu.memory_space<hbm>>) dst(%arg11 : memref<64xi32, #tpu.memory_space<vmem>>)
        %dma_wait3A_273 = tpu.memref_slice %arg6[%add3A_270] : memref<325632xi32, #tpu.memory_space<hbm>> -> memref<64xi32, #tpu.memory_space<hbm>>
        %dma_wait3A_274 = tpu.memref_slice %arg6[%add3A_270] : memref<325632xi32, #tpu.memory_space<hbm>> -> memref<64xi32, #tpu.memory_space<hbm>>
        tpu.wait_dma2 semaphore(%arg31 : memref<!tpu.dma_semaphore, #tpu.memory_space<semaphore_mem>>) src(%dma_wait3A_274 : memref<64xi32, #tpu.memory_space<hbm>>) dst(%arg14 : memref<64xi32, #tpu.memory_space<vmem>>)
        %dma_start3A_275 = arith.constant 0 : i32
        %dma_start3A_276 = arith.constant 0 : i32
        %dma_start3A_277 = tpu.memref_slice %arg2[%dma_start3A_275, %dma_start3A_276] : memref<10240x128xf32, #tpu.memory_space<hbm>> -> memref<10240x128xf32, #tpu.memory_space<hbm>>
        tpu.enqueue_indirect_dma source(%dma_start3A_277 : memref<10240x128xf32, #tpu.memory_space<hbm>>) target(%arg17 : memref<64x128xf32, #tpu.memory_space<vmem>>) offsets(%arg11 : memref<64xi32, #tpu.memory_space<vmem>>) semaphore(%arg34 : memref<!tpu.dma_semaphore, #tpu.memory_space<semaphore_mem>>)
        %dma_start3A_278 = arith.constant 0 : i32
        %dma_start3A_279 = arith.constant 0 : i32
        %dma_start3A_280 = tpu.memref_slice %arg3[%dma_start3A_278, %dma_start3A_279] : memref<10240x16xf32, #tpu.memory_space<hbm>> -> memref<10240x16xf32, #tpu.memory_space<hbm>>
        tpu.enqueue_indirect_dma source(%dma_start3A_280 : memref<10240x16xf32, #tpu.memory_space<hbm>>) target(%arg20 : memref<64x16xf32, #tpu.memory_space<vmem>>) offsets(%arg11 : memref<64xi32, #tpu.memory_space<vmem>>) semaphore(%arg34 : memref<!tpu.dma_semaphore, #tpu.memory_space<semaphore_mem>>)
        %dma_start3A_281 = arith.constant 0 : i32
        %dma_start3A_282 = arith.constant 0 : i32
        %dma_start3A_283 = tpu.memref_slice %arg4[%dma_start3A_281, %dma_start3A_282] : memref<10240x16xf32, #tpu.memory_space<hbm>> -> memref<10240x16xf32, #tpu.memory_space<hbm>>
        tpu.enqueue_indirect_dma source(%dma_start3A_283 : memref<10240x16xf32, #tpu.memory_space<hbm>>) target(%arg23 : memref<64x16xf32, #tpu.memory_space<vmem>>) offsets(%arg14 : memref<64xi32, #tpu.memory_space<vmem>>) semaphore(%arg34 : memref<!tpu.dma_semaphore, #tpu.memory_space<semaphore_mem>>)
      } else {
      }
      %add3A_180 = arith.constant 3 : i32
      %add3A_181 = arith.addi %mul3A_154, %add3A_180 : i32
      %lt3A_182 = arith.constant 159 : i32
      %lt3A_183 = arith.cmpi slt, %add3A_181, %lt3A_182 : i32
      %convert_element_type3A_184 = arith.extui %lt3A_183 : i1 to i32
      %cond3A_185 = arith.constant 0 : i32
      %cond3A_186 = arith.cmpi ne, %convert_element_type3A_184, %cond3A_185 : i32
      scf.if %cond3A_186 {
        %add3A_266 = arith.constant 3 : i32
        %add3A_267 = arith.addi %mul3A_154, %add3A_266 : i32
        %mul3A_268 = arith.constant 64 : i32
        %mul3A_269 = arith.muli %add3A_267, %mul3A_268 : i32
        %add3A_270 = arith.addi %mul3A_2, %mul3A_269 : i32
        %dma_start3A_271 = tpu.memref_slice %arg5[%add3A_270] : memref<325632xi32, #tpu.memory_space<hbm>> -> memref<64xi32, #tpu.memory_space<hbm>>
        %dma_start3A_272 = tpu.memref_slice %arg5[%add3A_270] : memref<325632xi32, #tpu.memory_space<hbm>> -> memref<64xi32, #tpu.memory_space<hbm>>
        tpu.enqueue_dma source(%dma_start3A_272 : memref<64xi32, #tpu.memory_space<hbm>>) target(%arg9 : memref<64xi32, #tpu.memory_space<vmem>>) target_semaphore(%arg29 : memref<!tpu.dma_semaphore, #tpu.memory_space<semaphore_mem>>)
        %dma_start3A_273 = tpu.memref_slice %arg6[%add3A_270] : memref<325632xi32, #tpu.memory_space<hbm>> -> memref<64xi32, #tpu.memory_space<hbm>>
        %dma_start3A_274 = tpu.memref_slice %arg6[%add3A_270] : memref<325632xi32, #tpu.memory_space<hbm>> -> memref<64xi32, #tpu.memory_space<hbm>>
        tpu.enqueue_dma source(%dma_start3A_274 : memref<64xi32, #tpu.memory_space<hbm>>) target(%arg12 : memref<64xi32, #tpu.memory_space<vmem>>) target_semaphore(%arg29 : memref<!tpu.dma_semaphore, #tpu.memory_space<semaphore_mem>>)
      } else {
      }
      %add3A_187 = arith.constant 1 : i32
      %add3A_188 = arith.addi %mul3A_154, %add3A_187 : i32
      %dma_wait3A_189 = arith.constant 0 : i32
      %dma_wait3A_190 = arith.constant 0 : i32
      %dma_wait3A_191 = tpu.memref_slice %arg2[%dma_wait3A_189, %dma_wait3A_190] : memref<10240x128xf32, #tpu.memory_space<hbm>> -> memref<10240x128xf32, #tpu.memory_space<hbm>>
      tpu.wait_indirect_dma semaphore(%arg33 : memref<!tpu.dma_semaphore, #tpu.memory_space<semaphore_mem>>) src(%dma_wait3A_191 : memref<10240x128xf32, #tpu.memory_space<hbm>>) dst(%arg16 : memref<64x128xf32, #tpu.memory_space<vmem>>)
      %dma_wait3A_192 = arith.constant 0 : i32
      %dma_wait3A_193 = arith.constant 0 : i32
      %dma_wait3A_194 = tpu.memref_slice %arg3[%dma_wait3A_192, %dma_wait3A_193] : memref<10240x16xf32, #tpu.memory_space<hbm>> -> memref<10240x16xf32, #tpu.memory_space<hbm>>
      tpu.wait_indirect_dma semaphore(%arg33 : memref<!tpu.dma_semaphore, #tpu.memory_space<semaphore_mem>>) src(%dma_wait3A_194 : memref<10240x16xf32, #tpu.memory_space<hbm>>) dst(%arg19 : memref<64x16xf32, #tpu.memory_space<vmem>>)
      %dma_wait3A_195 = arith.constant 0 : i32
      %dma_wait3A_196 = arith.constant 0 : i32
      %dma_wait3A_197 = tpu.memref_slice %arg4[%dma_wait3A_195, %dma_wait3A_196] : memref<10240x16xf32, #tpu.memory_space<hbm>> -> memref<10240x16xf32, #tpu.memory_space<hbm>>
      tpu.wait_indirect_dma semaphore(%arg33 : memref<!tpu.dma_semaphore, #tpu.memory_space<semaphore_mem>>) src(%dma_wait3A_197 : memref<10240x16xf32, #tpu.memory_space<hbm>>) dst(%arg22 : memref<64x16xf32, #tpu.memory_space<vmem>>)
      %parallel_loop3A_198 = arith.constant 0 : i32
      %parallel_loop3A_199 = arith.constant 64 : i32
      %parallel_loop3A_200 = arith.constant 1 : i32
      scf.for %parallel_loop3A_266 = %parallel_loop3A_198 to %parallel_loop3A_199 step %parallel_loop3A_200  : i32 {
        %parallel_loop3A_267 = arith.index_cast %parallel_loop3A_266 : i32 to index
        %parallel_loop3A_268 = arith.constant 0 : index
        %parallel_loop3A_269 = tpu.vector_load %arg19[%parallel_loop3A_267, %parallel_loop3A_268] {strides = array<i32>} : memref<64x16xf32, #tpu.memory_space<vmem>>, vector<1x16xf32>,
        %parallel_loop3A_270 = vector.shape_cast %parallel_loop3A_269 : vector<1x16xf32> to vector<16xf32>
        %parallel_loop3A_271 = arith.index_cast %parallel_loop3A_266 : i32 to index
        %parallel_loop3A_272 = arith.constant 0 : index
        %parallel_loop3A_273 = tpu.vector_load %arg22[%parallel_loop3A_271, %parallel_loop3A_272] {strides = array<i32>} : memref<64x16xf32, #tpu.memory_space<vmem>>, vector<1x16xf32>,
        %parallel_loop3A_274 = vector.shape_cast %parallel_loop3A_273 : vector<1x16xf32> to vector<16xf32>
        %parallel_loop3A_275 = arith.addf %parallel_loop3A_270, %parallel_loop3A_274 : vector<16xf32>
        %parallel_loop3A_276 = arith.constant 2.000000e-01 : f32
        %parallel_loop3A_277 = vector.broadcast %parallel_loop3A_276 : f32 to vector<16xf32>
        %parallel_loop3A_278 = arith.mulf %parallel_loop3A_277, %parallel_loop3A_275 : vector<16xf32>
        %parallel_loop3A_279 = arith.maximumf %parallel_loop3A_275, %parallel_loop3A_278 : vector<16xf32>
        %parallel_loop3A_280 = math.exp %parallel_loop3A_279 : vector<16xf32>
        %parallel_loop3A_281 = arith.index_cast %parallel_loop3A_266 : i32 to index
        %parallel_loop3A_282 = arith.constant 0 : index
        %parallel_loop3A_283 = tpu.vector_load %arg25[%parallel_loop3A_281, %parallel_loop3A_282] {strides = array<i32>} : memref<64x16xf32, #tpu.memory_space<vmem>>, vector<1x16xf32>,
        %parallel_loop3A_284 = vector.shape_cast %parallel_loop3A_283 : vector<1x16xf32> to vector<16xf32>
        %parallel_loop3A_285 = vector.shape_cast %parallel_loop3A_280 : vector<16xf32> to vector<1x16xf32>
        tpu.vector_store %arg25[%parallel_loop3A_281, %parallel_loop3A_282], %parallel_loop3A_285 {strides = array<i32>} : memref<64x16xf32, #tpu.memory_space<vmem>>, vector<1x16xf32>,
        %parallel_loop3A_286 = vector.shape_cast %broadcast_in_dim3A : vector<16x1xi32> to vector<16xi32>
        %parallel_loop3A_287 = tpu.dynamic_gather %parallel_loop3A_280[%parallel_loop3A_286] in [0] : vector<16xf32>, vector<16xi32> -> vector<16xf32>
        %parallel_loop3A_288 = arith.index_cast %parallel_loop3A_266 : i32 to index
        %parallel_loop3A_289 = arith.constant 0 : index
        %parallel_loop3A_290 = tpu.vector_load %arg16[%parallel_loop3A_288, %parallel_loop3A_289] {strides = array<i32>} : memref<64x128xf32, #tpu.memory_space<vmem>>, vector<1x16xf32>,
        %parallel_loop3A_291 = vector.shape_cast %parallel_loop3A_290 : vector<1x16xf32> to vector<16xf32>
        %parallel_loop3A_292 = arith.mulf %parallel_loop3A_291, %parallel_loop3A_287 : vector<16xf32>
        %parallel_loop3A_293 = arith.index_cast %parallel_loop3A_266 : i32 to index
        %parallel_loop3A_294 = arith.constant 0 : index
        %parallel_loop3A_295 = tpu.vector_load %arg16[%parallel_loop3A_293, %parallel_loop3A_294] {strides = array<i32>} : memref<64x128xf32, #tpu.memory_space<vmem>>, vector<1x16xf32>,
        %parallel_loop3A_296 = vector.shape_cast %parallel_loop3A_295 : vector<1x16xf32> to vector<16xf32>
        %parallel_loop3A_297 = vector.shape_cast %parallel_loop3A_292 : vector<16xf32> to vector<1x16xf32>
        tpu.vector_store %arg16[%parallel_loop3A_293, %parallel_loop3A_294], %parallel_loop3A_297 {strides = array<i32>} : memref<64x128xf32, #tpu.memory_space<vmem>>, vector<1x16xf32>,
        %parallel_loop3A_298 = arith.index_cast %parallel_loop3A_266 : i32 to index
        %parallel_loop3A_299 = arith.constant 16 : index
        %parallel_loop3A_300 = tpu.vector_load %arg16[%parallel_loop3A_298, %parallel_loop3A_299] {strides = array<i32>} : memref<64x128xf32, #tpu.memory_space<vmem>>, vector<1x16xf32>,
        %parallel_loop3A_301 = vector.shape_cast %parallel_loop3A_300 : vector<1x16xf32> to vector<16xf32>
        %parallel_loop3A_302 = arith.mulf %parallel_loop3A_301, %parallel_loop3A_287 : vector<16xf32>
        %parallel_loop3A_303 = arith.index_cast %parallel_loop3A_266 : i32 to index
        %parallel_loop3A_304 = arith.constant 16 : index
        %parallel_loop3A_305 = tpu.vector_load %arg16[%parallel_loop3A_303, %parallel_loop3A_304] {strides = array<i32>} : memref<64x128xf32, #tpu.memory_space<vmem>>, vector<1x16xf32>,
        %parallel_loop3A_306 = vector.shape_cast %parallel_loop3A_305 : vector<1x16xf32> to vector<16xf32>
        %parallel_loop3A_307 = vector.shape_cast %parallel_loop3A_302 : vector<16xf32> to vector<1x16xf32>
        tpu.vector_store %arg16[%parallel_loop3A_303, %parallel_loop3A_304], %parallel_loop3A_307 {strides = array<i32>} : memref<64x128xf32, #tpu.memory_space<vmem>>, vector<1x16xf32>,
        %parallel_loop3A_308 = arith.index_cast %parallel_loop3A_266 : i32 to index
        %parallel_loop3A_309 = arith.constant 32 : index
        %parallel_loop3A_310 = tpu.vector_load %arg16[%parallel_loop3A_308, %parallel_loop3A_309] {strides = array<i32>} : memref<64x128xf32, #tpu.memory_space<vmem>>, vector<1x16xf32>,
        %parallel_loop3A_311 = vector.shape_cast %parallel_loop3A_310 : vector<1x16xf32> to vector<16xf32>
        %parallel_loop3A_312 = arith.mulf %parallel_loop3A_311, %parallel_loop3A_287 : vector<16xf32>
        %parallel_loop3A_313 = arith.index_cast %parallel_loop3A_266 : i32 to index
        %parallel_loop3A_314 = arith.constant 32 : index
        %parallel_loop3A_315 = tpu.vector_load %arg16[%parallel_loop3A_313, %parallel_loop3A_314] {strides = array<i32>} : memref<64x128xf32, #tpu.memory_space<vmem>>, vector<1x16xf32>,
        %parallel_loop3A_316 = vector.shape_cast %parallel_loop3A_315 : vector<1x16xf32> to vector<16xf32>
        %parallel_loop3A_317 = vector.shape_cast %parallel_loop3A_312 : vector<16xf32> to vector<1x16xf32>
        tpu.vector_store %arg16[%parallel_loop3A_313, %parallel_loop3A_314], %parallel_loop3A_317 {strides = array<i32>} : memref<64x128xf32, #tpu.memory_space<vmem>>, vector<1x16xf32>,
        %parallel_loop3A_318 = arith.index_cast %parallel_loop3A_266 : i32 to index
        %parallel_loop3A_319 = arith.constant 48 : index
        %parallel_loop3A_320 = tpu.vector_load %arg16[%parallel_loop3A_318, %parallel_loop3A_319] {strides = array<i32>} : memref<64x128xf32, #tpu.memory_space<vmem>>, vector<1x16xf32>,
        %parallel_loop3A_321 = vector.shape_cast %parallel_loop3A_320 : vector<1x16xf32> to vector<16xf32>
        %parallel_loop3A_322 = arith.mulf %parallel_loop3A_321, %parallel_loop3A_287 : vector<16xf32>
        %parallel_loop3A_323 = arith.index_cast %parallel_loop3A_266 : i32 to index
        %parallel_loop3A_324 = arith.constant 48 : index
        %parallel_loop3A_325 = tpu.vector_load %arg16[%parallel_loop3A_323, %parallel_loop3A_324] {strides = array<i32>} : memref<64x128xf32, #tpu.memory_space<vmem>>, vector<1x16xf32>,
        %parallel_loop3A_326 = vector.shape_cast %parallel_loop3A_325 : vector<1x16xf32> to vector<16xf32>
        %parallel_loop3A_327 = vector.shape_cast %parallel_loop3A_322 : vector<16xf32> to vector<1x16xf32>
        tpu.vector_store %arg16[%parallel_loop3A_323, %parallel_loop3A_324], %parallel_loop3A_327 {strides = array<i32>} : memref<64x128xf32, #tpu.memory_space<vmem>>, vector<1x16xf32>,
        %parallel_loop3A_328 = arith.index_cast %parallel_loop3A_266 : i32 to index
        %parallel_loop3A_329 = arith.constant 64 : index
        %parallel_loop3A_330 = tpu.vector_load %arg16[%parallel_loop3A_328, %parallel_loop3A_329] {strides = array<i32>} : memref<64x128xf32, #tpu.memory_space<vmem>>, vector<1x16xf32>,
        %parallel_loop3A_331 = vector.shape_cast %parallel_loop3A_330 : vector<1x16xf32> to vector<16xf32>
        %parallel_loop3A_332 = arith.mulf %parallel_loop3A_331, %parallel_loop3A_287 : vector<16xf32>
        %parallel_loop3A_333 = arith.index_cast %parallel_loop3A_266 : i32 to index
        %parallel_loop3A_334 = arith.constant 64 : index
        %parallel_loop3A_335 = tpu.vector_load %arg16[%parallel_loop3A_333, %parallel_loop3A_334] {strides = array<i32>} : memref<64x128xf32, #tpu.memory_space<vmem>>, vector<1x16xf32>,
        %parallel_loop3A_336 = vector.shape_cast %parallel_loop3A_335 : vector<1x16xf32> to vector<16xf32>
        %parallel_loop3A_337 = vector.shape_cast %parallel_loop3A_332 : vector<16xf32> to vector<1x16xf32>
        tpu.vector_store %arg16[%parallel_loop3A_333, %parallel_loop3A_334], %parallel_loop3A_337 {strides = array<i32>} : memref<64x128xf32, #tpu.memory_space<vmem>>, vector<1x16xf32>,
        %parallel_loop3A_338 = arith.index_cast %parallel_loop3A_266 : i32 to index
        %parallel_loop3A_339 = arith.constant 80 : index
        %parallel_loop3A_340 = tpu.vector_load %arg16[%parallel_loop3A_338, %parallel_loop3A_339] {strides = array<i32>} : memref<64x128xf32, #tpu.memory_space<vmem>>, vector<1x16xf32>,
        %parallel_loop3A_341 = vector.shape_cast %parallel_loop3A_340 : vector<1x16xf32> to vector<16xf32>
        %parallel_loop3A_342 = arith.mulf %parallel_loop3A_341, %parallel_loop3A_287 : vector<16xf32>
        %parallel_loop3A_343 = arith.index_cast %parallel_loop3A_266 : i32 to index
        %parallel_loop3A_344 = arith.constant 80 : index
        %parallel_loop3A_345 = tpu.vector_load %arg16[%parallel_loop3A_343, %parallel_loop3A_344] {strides = array<i32>} : memref<64x128xf32, #tpu.memory_space<vmem>>, vector<1x16xf32>,
        %parallel_loop3A_346 = vector.shape_cast %parallel_loop3A_345 : vector<1x16xf32> to vector<16xf32>
        %parallel_loop3A_347 = vector.shape_cast %parallel_loop3A_342 : vector<16xf32> to vector<1x16xf32>
        tpu.vector_store %arg16[%parallel_loop3A_343, %parallel_loop3A_344], %parallel_loop3A_347 {strides = array<i32>} : memref<64x128xf32, #tpu.memory_space<vmem>>, vector<1x16xf32>,
        %parallel_loop3A_348 = arith.index_cast %parallel_loop3A_266 : i32 to index
        %parallel_loop3A_349 = arith.constant 96 : index
        %parallel_loop3A_350 = tpu.vector_load %arg16[%parallel_loop3A_348, %parallel_loop3A_349] {strides = array<i32>} : memref<64x128xf32, #tpu.memory_space<vmem>>, vector<1x16xf32>,
        %parallel_loop3A_351 = vector.shape_cast %parallel_loop3A_350 : vector<1x16xf32> to vector<16xf32>
        %parallel_loop3A_352 = arith.mulf %parallel_loop3A_351, %parallel_loop3A_287 : vector<16xf32>
        %parallel_loop3A_353 = arith.index_cast %parallel_loop3A_266 : i32 to index
        %parallel_loop3A_354 = arith.constant 96 : index
        %parallel_loop3A_355 = tpu.vector_load %arg16[%parallel_loop3A_353, %parallel_loop3A_354] {strides = array<i32>} : memref<64x128xf32, #tpu.memory_space<vmem>>, vector<1x16xf32>,
        %parallel_loop3A_356 = vector.shape_cast %parallel_loop3A_355 : vector<1x16xf32> to vector<16xf32>
        %parallel_loop3A_357 = vector.shape_cast %parallel_loop3A_352 : vector<16xf32> to vector<1x16xf32>
        tpu.vector_store %arg16[%parallel_loop3A_353, %parallel_loop3A_354], %parallel_loop3A_357 {strides = array<i32>} : memref<64x128xf32, #tpu.memory_space<vmem>>, vector<1x16xf32>,
        %parallel_loop3A_358 = arith.index_cast %parallel_loop3A_266 : i32 to index
        %parallel_loop3A_359 = arith.constant 112 : index
        %parallel_loop3A_360 = tpu.vector_load %arg16[%parallel_loop3A_358, %parallel_loop3A_359] {strides = array<i32>} : memref<64x128xf32, #tpu.memory_space<vmem>>, vector<1x16xf32>,
        %parallel_loop3A_361 = vector.shape_cast %parallel_loop3A_360 : vector<1x16xf32> to vector<16xf32>
        %parallel_loop3A_362 = arith.mulf %parallel_loop3A_361, %parallel_loop3A_287 : vector<16xf32>
        %parallel_loop3A_363 = arith.index_cast %parallel_loop3A_266 : i32 to index
        %parallel_loop3A_364 = arith.constant 112 : index
        %parallel_loop3A_365 = tpu.vector_load %arg16[%parallel_loop3A_363, %parallel_loop3A_364] {strides = array<i32>} : memref<64x128xf32, #tpu.memory_space<vmem>>, vector<1x16xf32>,
        %parallel_loop3A_366 = vector.shape_cast %parallel_loop3A_365 : vector<1x16xf32> to vector<16xf32>
        %parallel_loop3A_367 = vector.shape_cast %parallel_loop3A_362 : vector<16xf32> to vector<1x16xf32>
        tpu.vector_store %arg16[%parallel_loop3A_363, %parallel_loop3A_364], %parallel_loop3A_367 {strides = array<i32>} : memref<64x128xf32, #tpu.memory_space<vmem>>, vector<1x16xf32>,
      } {sc.loop_unroll_factor = 4 : i64, sc.parallel_access}
      %dma_start3A_201 = arith.constant 0 : i32
      %dma_start3A_202 = arith.constant 0 : i32
      %dma_start3A_203 = tpu.memref_slice %arg27[%dma_start3A_201, %dma_start3A_202] : memref<10240x128xf32, #tpu.memory_space<vmem_shared>> -> memref<10240x128xf32, #tpu.memory_space<vmem_shared>>
      tpu.enqueue_indirect_dma source(%arg16 : memref<64x128xf32, #tpu.memory_space<vmem>>) target(%dma_start3A_203 : memref<10240x128xf32, #tpu.memory_space<vmem_shared>>) offsets(%arg13 : memref<64xi32, #tpu.memory_space<vmem>>) semaphore(%arg36 : memref<!tpu.dma_semaphore, #tpu.memory_space<semaphore_mem>>) {add = true}
      %dma_start3A_204 = arith.constant 0 : i32
      %dma_start3A_205 = arith.constant 0 : i32
      %dma_start3A_206 = tpu.memref_slice %arg28[%dma_start3A_204, %dma_start3A_205] : memref<10240x16xf32, #tpu.memory_space<vmem_shared>> -> memref<10240x16xf32, #tpu.memory_space<vmem_shared>>
      tpu.enqueue_indirect_dma source(%arg25 : memref<64x16xf32, #tpu.memory_space<vmem>>) target(%dma_start3A_206 : memref<10240x16xf32, #tpu.memory_space<vmem_shared>>) offsets(%arg13 : memref<64xi32, #tpu.memory_space<vmem>>) semaphore(%arg36 : memref<!tpu.dma_semaphore, #tpu.memory_space<semaphore_mem>>) {add = true}
      %gt3A_207 = arith.constant 0 : i32
      %gt3A_208 = arith.cmpi sgt, %add3A_188, %gt3A_207 : i32
      %convert_element_type3A_209 = arith.extui %gt3A_208 : i1 to i32
      %cond3A_210 = arith.constant 0 : i32
      %cond3A_211 = arith.cmpi ne, %convert_element_type3A_209, %cond3A_210 : i32
      scf.if %cond3A_211 {
        %dma_wait3A_266 = arith.constant 0 : i32
        %dma_wait3A_267 = arith.constant 0 : i32
        %dma_wait3A_268 = tpu.memref_slice %arg27[%dma_wait3A_266, %dma_wait3A_267] : memref<10240x128xf32, #tpu.memory_space<vmem_shared>> -> memref<10240x128xf32, #tpu.memory_space<vmem_shared>>
        tpu.wait_indirect_dma semaphore(%arg35 : memref<!tpu.dma_semaphore, #tpu.memory_space<semaphore_mem>>) src(%arg15 : memref<64x128xf32, #tpu.memory_space<vmem>>) dst(%dma_wait3A_268 : memref<10240x128xf32, #tpu.memory_space<vmem_shared>>)
        %dma_wait3A_269 = arith.constant 0 : i32
        %dma_wait3A_270 = arith.constant 0 : i32
        %dma_wait3A_271 = tpu.memref_slice %arg28[%dma_wait3A_269, %dma_wait3A_270] : memref<10240x16xf32, #tpu.memory_space<vmem_shared>> -> memref<10240x16xf32, #tpu.memory_space<vmem_shared>>
        tpu.wait_indirect_dma semaphore(%arg35 : memref<!tpu.dma_semaphore, #tpu.memory_space<semaphore_mem>>) src(%arg24 : memref<64x16xf32, #tpu.memory_space<vmem>>) dst(%dma_wait3A_271 : memref<10240x16xf32, #tpu.memory_space<vmem_shared>>)
      } else {
      }
      %add3A_212 = arith.constant 2 : i32
      %add3A_213 = arith.addi %add3A_188, %add3A_212 : i32
      %lt3A_214 = arith.constant 159 : i32
      %lt3A_215 = arith.cmpi slt, %add3A_213, %lt3A_214 : i32
      %convert_element_type3A_216 = arith.extui %lt3A_215 : i1 to i32
      %cond3A_217 = arith.constant 0 : i32
      %cond3A_218 = arith.cmpi ne, %convert_element_type3A_216, %cond3A_217 : i32
      scf.if %cond3A_218 {
        %add3A_266 = arith.constant 2 : i32
        %add3A_267 = arith.addi %add3A_188, %add3A_266 : i32
        %mul3A_268 = arith.constant 64 : i32
        %mul3A_269 = arith.muli %add3A_267, %mul3A_268 : i32
        %add3A_270 = arith.addi %mul3A_2, %mul3A_269 : i32
        %dma_wait3A_271 = tpu.memref_slice %arg5[%add3A_270] : memref<325632xi32, #tpu.memory_space<hbm>> -> memref<64xi32, #tpu.memory_space<hbm>>
        %dma_wait3A_272 = tpu.memref_slice %arg5[%add3A_270] : memref<325632xi32, #tpu.memory_space<hbm>> -> memref<64xi32, #tpu.memory_space<hbm>>
        tpu.wait_dma2 semaphore(%arg29 : memref<!tpu.dma_semaphore, #tpu.memory_space<semaphore_mem>>) src(%dma_wait3A_272 : memref<64xi32, #tpu.memory_space<hbm>>) dst(%arg9 : memref<64xi32, #tpu.memory_space<vmem>>)
        %dma_wait3A_273 = tpu.memref_slice %arg6[%add3A_270] : memref<325632xi32, #tpu.memory_space<hbm>> -> memref<64xi32, #tpu.memory_space<hbm>>
        %dma_wait3A_274 = tpu.memref_slice %arg6[%add3A_270] : memref<325632xi32, #tpu.memory_space<hbm>> -> memref<64xi32, #tpu.memory_space<hbm>>
        tpu.wait_dma2 semaphore(%arg29 : memref<!tpu.dma_semaphore, #tpu.memory_space<semaphore_mem>>) src(%dma_wait3A_274 : memref<64xi32, #tpu.memory_space<hbm>>) dst(%arg12 : memref<64xi32, #tpu.memory_space<vmem>>)
        %dma_start3A_275 = arith.constant 0 : i32
        %dma_start3A_276 = arith.constant 0 : i32
        %dma_start3A_277 = tpu.memref_slice %arg2[%dma_start3A_275, %dma_start3A_276] : memref<10240x128xf32, #tpu.memory_space<hbm>> -> memref<10240x128xf32, #tpu.memory_space<hbm>>
        tpu.enqueue_indirect_dma source(%dma_start3A_277 : memref<10240x128xf32, #tpu.memory_space<hbm>>) target(%arg15 : memref<64x128xf32, #tpu.memory_space<vmem>>) offsets(%arg9 : memref<64xi32, #tpu.memory_space<vmem>>) semaphore(%arg32 : memref<!tpu.dma_semaphore, #tpu.memory_space<semaphore_mem>>)
        %dma_start3A_278 = arith.constant 0 : i32
        %dma_start3A_279 = arith.constant 0 : i32
        %dma_start3A_280 = tpu.memref_slice %arg3[%dma_start3A_278, %dma_start3A_279] : memref<10240x16xf32, #tpu.memory_space<hbm>> -> memref<10240x16xf32, #tpu.memory_space<hbm>>
        tpu.enqueue_indirect_dma source(%dma_start3A_280 : memref<10240x16xf32, #tpu.memory_space<hbm>>) target(%arg18 : memref<64x16xf32, #tpu.memory_space<vmem>>) offsets(%arg9 : memref<64xi32, #tpu.memory_space<vmem>>) semaphore(%arg32 : memref<!tpu.dma_semaphore, #tpu.memory_space<semaphore_mem>>)
        %dma_start3A_281 = arith.constant 0 : i32
        %dma_start3A_282 = arith.constant 0 : i32
        %dma_start3A_283 = tpu.memref_slice %arg4[%dma_start3A_281, %dma_start3A_282] : memref<10240x16xf32, #tpu.memory_space<hbm>> -> memref<10240x16xf32, #tpu.memory_space<hbm>>
        tpu.enqueue_indirect_dma source(%dma_start3A_283 : memref<10240x16xf32, #tpu.memory_space<hbm>>) target(%arg21 : memref<64x16xf32, #tpu.memory_space<vmem>>) offsets(%arg12 : memref<64xi32, #tpu.memory_space<vmem>>) semaphore(%arg32 : memref<!tpu.dma_semaphore, #tpu.memory_space<semaphore_mem>>)
      } else {
      }
      %add3A_219 = arith.constant 3 : i32
      %add3A_220 = arith.addi %add3A_188, %add3A_219 : i32
      %lt3A_221 = arith.constant 159 : i32
      %lt3A_222 = arith.cmpi slt, %add3A_220, %lt3A_221 : i32
      %convert_element_type3A_223 = arith.extui %lt3A_222 : i1 to i32
      %cond3A_224 = arith.constant 0 : i32
      %cond3A_225 = arith.cmpi ne, %convert_element_type3A_223, %cond3A_224 : i32
      scf.if %cond3A_225 {
        %add3A_266 = arith.constant 3 : i32
        %add3A_267 = arith.addi %add3A_188, %add3A_266 : i32
        %mul3A_268 = arith.constant 64 : i32
        %mul3A_269 = arith.muli %add3A_267, %mul3A_268 : i32
        %add3A_270 = arith.addi %mul3A_2, %mul3A_269 : i32
        %dma_start3A_271 = tpu.memref_slice %arg5[%add3A_270] : memref<325632xi32, #tpu.memory_space<hbm>> -> memref<64xi32, #tpu.memory_space<hbm>>
        %dma_start3A_272 = tpu.memref_slice %arg5[%add3A_270] : memref<325632xi32, #tpu.memory_space<hbm>> -> memref<64xi32, #tpu.memory_space<hbm>>
        tpu.enqueue_dma source(%dma_start3A_272 : memref<64xi32, #tpu.memory_space<hbm>>) target(%arg10 : memref<64xi32, #tpu.memory_space<vmem>>) target_semaphore(%arg30 : memref<!tpu.dma_semaphore, #tpu.memory_space<semaphore_mem>>)
        %dma_start3A_273 = tpu.memref_slice %arg6[%add3A_270] : memref<325632xi32, #tpu.memory_space<hbm>> -> memref<64xi32, #tpu.memory_space<hbm>>
        %dma_start3A_274 = tpu.memref_slice %arg6[%add3A_270] : memref<325632xi32, #tpu.memory_space<hbm>> -> memref<64xi32, #tpu.memory_space<hbm>>
        tpu.enqueue_dma source(%dma_start3A_274 : memref<64xi32, #tpu.memory_space<hbm>>) target(%arg13 : memref<64xi32, #tpu.memory_space<vmem>>) target_semaphore(%arg30 : memref<!tpu.dma_semaphore, #tpu.memory_space<semaphore_mem>>)
      } else {
      }
      %add3A_226 = arith.constant 2 : i32
      %add3A_227 = arith.addi %mul3A_154, %add3A_226 : i32
      %dma_wait3A_228 = arith.constant 0 : i32
      %dma_wait3A_229 = arith.constant 0 : i32
      %dma_wait3A_230 = tpu.memref_slice %arg2[%dma_wait3A_228, %dma_wait3A_229] : memref<10240x128xf32, #tpu.memory_space<hbm>> -> memref<10240x128xf32, #tpu.memory_space<hbm>>
      tpu.wait_indirect_dma semaphore(%arg34 : memref<!tpu.dma_semaphore, #tpu.memory_space<semaphore_mem>>) src(%dma_wait3A_230 : memref<10240x128xf32, #tpu.memory_space<hbm>>) dst(%arg17 : memref<64x128xf32, #tpu.memory_space<vmem>>)
      %dma_wait3A_231 = arith.constant 0 : i32
      %dma_wait3A_232 = arith.constant 0 : i32
      %dma_wait3A_233 = tpu.memref_slice %arg3[%dma_wait3A_231, %dma_wait3A_232] : memref<10240x16xf32, #tpu.memory_space<hbm>> -> memref<10240x16xf32, #tpu.memory_space<hbm>>
      tpu.wait_indirect_dma semaphore(%arg34 : memref<!tpu.dma_semaphore, #tpu.memory_space<semaphore_mem>>) src(%dma_wait3A_233 : memref<10240x16xf32, #tpu.memory_space<hbm>>) dst(%arg20 : memref<64x16xf32, #tpu.memory_space<vmem>>)
      %dma_wait3A_234 = arith.constant 0 : i32
      %dma_wait3A_235 = arith.constant 0 : i32
      %dma_wait3A_236 = tpu.memref_slice %arg4[%dma_wait3A_234, %dma_wait3A_235] : memref<10240x16xf32, #tpu.memory_space<hbm>> -> memref<10240x16xf32, #tpu.memory_space<hbm>>
      tpu.wait_indirect_dma semaphore(%arg34 : memref<!tpu.dma_semaphore, #tpu.memory_space<semaphore_mem>>) src(%dma_wait3A_236 : memref<10240x16xf32, #tpu.memory_space<hbm>>) dst(%arg23 : memref<64x16xf32, #tpu.memory_space<vmem>>)
      %parallel_loop3A_237 = arith.constant 0 : i32
      %parallel_loop3A_238 = arith.constant 64 : i32
      %parallel_loop3A_239 = arith.constant 1 : i32
      scf.for %parallel_loop3A_266 = %parallel_loop3A_237 to %parallel_loop3A_238 step %parallel_loop3A_239  : i32 {
        %parallel_loop3A_267 = arith.index_cast %parallel_loop3A_266 : i32 to index
        %parallel_loop3A_268 = arith.constant 0 : index
        %parallel_loop3A_269 = tpu.vector_load %arg20[%parallel_loop3A_267, %parallel_loop3A_268] {strides = array<i32>} : memref<64x16xf32, #tpu.memory_space<vmem>>, vector<1x16xf32>,
        %parallel_loop3A_270 = vector.shape_cast %parallel_loop3A_269 : vector<1x16xf32> to vector<16xf32>
        %parallel_loop3A_271 = arith.index_cast %parallel_loop3A_266 : i32 to index
        %parallel_loop3A_272 = arith.constant 0 : index
        %parallel_loop3A_273 = tpu.vector_load %arg23[%parallel_loop3A_271, %parallel_loop3A_272] {strides = array<i32>} : memref<64x16xf32, #tpu.memory_space<vmem>>, vector<1x16xf32>,
        %parallel_loop3A_274 = vector.shape_cast %parallel_loop3A_273 : vector<1x16xf32> to vector<16xf32>
        %parallel_loop3A_275 = arith.addf %parallel_loop3A_270, %parallel_loop3A_274 : vector<16xf32>
        %parallel_loop3A_276 = arith.constant 2.000000e-01 : f32
        %parallel_loop3A_277 = vector.broadcast %parallel_loop3A_276 : f32 to vector<16xf32>
        %parallel_loop3A_278 = arith.mulf %parallel_loop3A_277, %parallel_loop3A_275 : vector<16xf32>
        %parallel_loop3A_279 = arith.maximumf %parallel_loop3A_275, %parallel_loop3A_278 : vector<16xf32>
        %parallel_loop3A_280 = math.exp %parallel_loop3A_279 : vector<16xf32>
        %parallel_loop3A_281 = arith.index_cast %parallel_loop3A_266 : i32 to index
        %parallel_loop3A_282 = arith.constant 0 : index
        %parallel_loop3A_283 = tpu.vector_load %arg26[%parallel_loop3A_281, %parallel_loop3A_282] {strides = array<i32>} : memref<64x16xf32, #tpu.memory_space<vmem>>, vector<1x16xf32>,
        %parallel_loop3A_284 = vector.shape_cast %parallel_loop3A_283 : vector<1x16xf32> to vector<16xf32>
        %parallel_loop3A_285 = vector.shape_cast %parallel_loop3A_280 : vector<16xf32> to vector<1x16xf32>
        tpu.vector_store %arg26[%parallel_loop3A_281, %parallel_loop3A_282], %parallel_loop3A_285 {strides = array<i32>} : memref<64x16xf32, #tpu.memory_space<vmem>>, vector<1x16xf32>,
        %parallel_loop3A_286 = vector.shape_cast %broadcast_in_dim3A : vector<16x1xi32> to vector<16xi32>
        %parallel_loop3A_287 = tpu.dynamic_gather %parallel_loop3A_280[%parallel_loop3A_286] in [0] : vector<16xf32>, vector<16xi32> -> vector<16xf32>
        %parallel_loop3A_288 = arith.index_cast %parallel_loop3A_266 : i32 to index
        %parallel_loop3A_289 = arith.constant 0 : index
        %parallel_loop3A_290 = tpu.vector_load %arg17[%parallel_loop3A_288, %parallel_loop3A_289] {strides = array<i32>} : memref<64x128xf32, #tpu.memory_space<vmem>>, vector<1x16xf32>,
        %parallel_loop3A_291 = vector.shape_cast %parallel_loop3A_290 : vector<1x16xf32> to vector<16xf32>
        %parallel_loop3A_292 = arith.mulf %parallel_loop3A_291, %parallel_loop3A_287 : vector<16xf32>
        %parallel_loop3A_293 = arith.index_cast %parallel_loop3A_266 : i32 to index
        %parallel_loop3A_294 = arith.constant 0 : index
        %parallel_loop3A_295 = tpu.vector_load %arg17[%parallel_loop3A_293, %parallel_loop3A_294] {strides = array<i32>} : memref<64x128xf32, #tpu.memory_space<vmem>>, vector<1x16xf32>,
        %parallel_loop3A_296 = vector.shape_cast %parallel_loop3A_295 : vector<1x16xf32> to vector<16xf32>
        %parallel_loop3A_297 = vector.shape_cast %parallel_loop3A_292 : vector<16xf32> to vector<1x16xf32>
        tpu.vector_store %arg17[%parallel_loop3A_293, %parallel_loop3A_294], %parallel_loop3A_297 {strides = array<i32>} : memref<64x128xf32, #tpu.memory_space<vmem>>, vector<1x16xf32>,
        %parallel_loop3A_298 = arith.index_cast %parallel_loop3A_266 : i32 to index
        %parallel_loop3A_299 = arith.constant 16 : index
        %parallel_loop3A_300 = tpu.vector_load %arg17[%parallel_loop3A_298, %parallel_loop3A_299] {strides = array<i32>} : memref<64x128xf32, #tpu.memory_space<vmem>>, vector<1x16xf32>,
        %parallel_loop3A_301 = vector.shape_cast %parallel_loop3A_300 : vector<1x16xf32> to vector<16xf32>
        %parallel_loop3A_302 = arith.mulf %parallel_loop3A_301, %parallel_loop3A_287 : vector<16xf32>
        %parallel_loop3A_303 = arith.index_cast %parallel_loop3A_266 : i32 to index
        %parallel_loop3A_304 = arith.constant 16 : index
        %parallel_loop3A_305 = tpu.vector_load %arg17[%parallel_loop3A_303, %parallel_loop3A_304] {strides = array<i32>} : memref<64x128xf32, #tpu.memory_space<vmem>>, vector<1x16xf32>,
        %parallel_loop3A_306 = vector.shape_cast %parallel_loop3A_305 : vector<1x16xf32> to vector<16xf32>
        %parallel_loop3A_307 = vector.shape_cast %parallel_loop3A_302 : vector<16xf32> to vector<1x16xf32>
        tpu.vector_store %arg17[%parallel_loop3A_303, %parallel_loop3A_304], %parallel_loop3A_307 {strides = array<i32>} : memref<64x128xf32, #tpu.memory_space<vmem>>, vector<1x16xf32>,
        %parallel_loop3A_308 = arith.index_cast %parallel_loop3A_266 : i32 to index
        %parallel_loop3A_309 = arith.constant 32 : index
        %parallel_loop3A_310 = tpu.vector_load %arg17[%parallel_loop3A_308, %parallel_loop3A_309] {strides = array<i32>} : memref<64x128xf32, #tpu.memory_space<vmem>>, vector<1x16xf32>,
        %parallel_loop3A_311 = vector.shape_cast %parallel_loop3A_310 : vector<1x16xf32> to vector<16xf32>
        %parallel_loop3A_312 = arith.mulf %parallel_loop3A_311, %parallel_loop3A_287 : vector<16xf32>
        %parallel_loop3A_313 = arith.index_cast %parallel_loop3A_266 : i32 to index
        %parallel_loop3A_314 = arith.constant 32 : index
        %parallel_loop3A_315 = tpu.vector_load %arg17[%parallel_loop3A_313, %parallel_loop3A_314] {strides = array<i32>} : memref<64x128xf32, #tpu.memory_space<vmem>>, vector<1x16xf32>,
        %parallel_loop3A_316 = vector.shape_cast %parallel_loop3A_315 : vector<1x16xf32> to vector<16xf32>
        %parallel_loop3A_317 = vector.shape_cast %parallel_loop3A_312 : vector<16xf32> to vector<1x16xf32>
        tpu.vector_store %arg17[%parallel_loop3A_313, %parallel_loop3A_314], %parallel_loop3A_317 {strides = array<i32>} : memref<64x128xf32, #tpu.memory_space<vmem>>, vector<1x16xf32>,
        %parallel_loop3A_318 = arith.index_cast %parallel_loop3A_266 : i32 to index
        %parallel_loop3A_319 = arith.constant 48 : index
        %parallel_loop3A_320 = tpu.vector_load %arg17[%parallel_loop3A_318, %parallel_loop3A_319] {strides = array<i32>} : memref<64x128xf32, #tpu.memory_space<vmem>>, vector<1x16xf32>,
        %parallel_loop3A_321 = vector.shape_cast %parallel_loop3A_320 : vector<1x16xf32> to vector<16xf32>
        %parallel_loop3A_322 = arith.mulf %parallel_loop3A_321, %parallel_loop3A_287 : vector<16xf32>
        %parallel_loop3A_323 = arith.index_cast %parallel_loop3A_266 : i32 to index
        %parallel_loop3A_324 = arith.constant 48 : index
        %parallel_loop3A_325 = tpu.vector_load %arg17[%parallel_loop3A_323, %parallel_loop3A_324] {strides = array<i32>} : memref<64x128xf32, #tpu.memory_space<vmem>>, vector<1x16xf32>,
        %parallel_loop3A_326 = vector.shape_cast %parallel_loop3A_325 : vector<1x16xf32> to vector<16xf32>
        %parallel_loop3A_327 = vector.shape_cast %parallel_loop3A_322 : vector<16xf32> to vector<1x16xf32>
        tpu.vector_store %arg17[%parallel_loop3A_323, %parallel_loop3A_324], %parallel_loop3A_327 {strides = array<i32>} : memref<64x128xf32, #tpu.memory_space<vmem>>, vector<1x16xf32>,
        %parallel_loop3A_328 = arith.index_cast %parallel_loop3A_266 : i32 to index
        %parallel_loop3A_329 = arith.constant 64 : index
        %parallel_loop3A_330 = tpu.vector_load %arg17[%parallel_loop3A_328, %parallel_loop3A_329] {strides = array<i32>} : memref<64x128xf32, #tpu.memory_space<vmem>>, vector<1x16xf32>,
        %parallel_loop3A_331 = vector.shape_cast %parallel_loop3A_330 : vector<1x16xf32> to vector<16xf32>
        %parallel_loop3A_332 = arith.mulf %parallel_loop3A_331, %parallel_loop3A_287 : vector<16xf32>
        %parallel_loop3A_333 = arith.index_cast %parallel_loop3A_266 : i32 to index
        %parallel_loop3A_334 = arith.constant 64 : index
        %parallel_loop3A_335 = tpu.vector_load %arg17[%parallel_loop3A_333, %parallel_loop3A_334] {strides = array<i32>} : memref<64x128xf32, #tpu.memory_space<vmem>>, vector<1x16xf32>,
        %parallel_loop3A_336 = vector.shape_cast %parallel_loop3A_335 : vector<1x16xf32> to vector<16xf32>
        %parallel_loop3A_337 = vector.shape_cast %parallel_loop3A_332 : vector<16xf32> to vector<1x16xf32>
        tpu.vector_store %arg17[%parallel_loop3A_333, %parallel_loop3A_334], %parallel_loop3A_337 {strides = array<i32>} : memref<64x128xf32, #tpu.memory_space<vmem>>, vector<1x16xf32>,
        %parallel_loop3A_338 = arith.index_cast %parallel_loop3A_266 : i32 to index
        %parallel_loop3A_339 = arith.constant 80 : index
        %parallel_loop3A_340 = tpu.vector_load %arg17[%parallel_loop3A_338, %parallel_loop3A_339] {strides = array<i32>} : memref<64x128xf32, #tpu.memory_space<vmem>>, vector<1x16xf32>,
        %parallel_loop3A_341 = vector.shape_cast %parallel_loop3A_340 : vector<1x16xf32> to vector<16xf32>
        %parallel_loop3A_342 = arith.mulf %parallel_loop3A_341, %parallel_loop3A_287 : vector<16xf32>
        %parallel_loop3A_343 = arith.index_cast %parallel_loop3A_266 : i32 to index
        %parallel_loop3A_344 = arith.constant 80 : index
        %parallel_loop3A_345 = tpu.vector_load %arg17[%parallel_loop3A_343, %parallel_loop3A_344] {strides = array<i32>} : memref<64x128xf32, #tpu.memory_space<vmem>>, vector<1x16xf32>,
        %parallel_loop3A_346 = vector.shape_cast %parallel_loop3A_345 : vector<1x16xf32> to vector<16xf32>
        %parallel_loop3A_347 = vector.shape_cast %parallel_loop3A_342 : vector<16xf32> to vector<1x16xf32>
        tpu.vector_store %arg17[%parallel_loop3A_343, %parallel_loop3A_344], %parallel_loop3A_347 {strides = array<i32>} : memref<64x128xf32, #tpu.memory_space<vmem>>, vector<1x16xf32>,
        %parallel_loop3A_348 = arith.index_cast %parallel_loop3A_266 : i32 to index
        %parallel_loop3A_349 = arith.constant 96 : index
        %parallel_loop3A_350 = tpu.vector_load %arg17[%parallel_loop3A_348, %parallel_loop3A_349] {strides = array<i32>} : memref<64x128xf32, #tpu.memory_space<vmem>>, vector<1x16xf32>,
        %parallel_loop3A_351 = vector.shape_cast %parallel_loop3A_350 : vector<1x16xf32> to vector<16xf32>
        %parallel_loop3A_352 = arith.mulf %parallel_loop3A_351, %parallel_loop3A_287 : vector<16xf32>
        %parallel_loop3A_353 = arith.index_cast %parallel_loop3A_266 : i32 to index
        %parallel_loop3A_354 = arith.constant 96 : index
        %parallel_loop3A_355 = tpu.vector_load %arg17[%parallel_loop3A_353, %parallel_loop3A_354] {strides = array<i32>} : memref<64x128xf32, #tpu.memory_space<vmem>>, vector<1x16xf32>,
        %parallel_loop3A_356 = vector.shape_cast %parallel_loop3A_355 : vector<1x16xf32> to vector<16xf32>
        %parallel_loop3A_357 = vector.shape_cast %parallel_loop3A_352 : vector<16xf32> to vector<1x16xf32>
        tpu.vector_store %arg17[%parallel_loop3A_353, %parallel_loop3A_354], %parallel_loop3A_357 {strides = array<i32>} : memref<64x128xf32, #tpu.memory_space<vmem>>, vector<1x16xf32>,
        %parallel_loop3A_358 = arith.index_cast %parallel_loop3A_266 : i32 to index
        %parallel_loop3A_359 = arith.constant 112 : index
        %parallel_loop3A_360 = tpu.vector_load %arg17[%parallel_loop3A_358, %parallel_loop3A_359] {strides = array<i32>} : memref<64x128xf32, #tpu.memory_space<vmem>>, vector<1x16xf32>,
        %parallel_loop3A_361 = vector.shape_cast %parallel_loop3A_360 : vector<1x16xf32> to vector<16xf32>
        %parallel_loop3A_362 = arith.mulf %parallel_loop3A_361, %parallel_loop3A_287 : vector<16xf32>
        %parallel_loop3A_363 = arith.index_cast %parallel_loop3A_266 : i32 to index
        %parallel_loop3A_364 = arith.constant 112 : index
        %parallel_loop3A_365 = tpu.vector_load %arg17[%parallel_loop3A_363, %parallel_loop3A_364] {strides = array<i32>} : memref<64x128xf32, #tpu.memory_space<vmem>>, vector<1x16xf32>,
        %parallel_loop3A_366 = vector.shape_cast %parallel_loop3A_365 : vector<1x16xf32> to vector<16xf32>
        %parallel_loop3A_367 = vector.shape_cast %parallel_loop3A_362 : vector<16xf32> to vector<1x16xf32>
        tpu.vector_store %arg17[%parallel_loop3A_363, %parallel_loop3A_364], %parallel_loop3A_367 {strides = array<i32>} : memref<64x128xf32, #tpu.memory_space<vmem>>, vector<1x16xf32>,
      } {sc.loop_unroll_factor = 4 : i64, sc.parallel_access}
      %dma_start3A_240 = arith.constant 0 : i32
      %dma_start3A_241 = arith.constant 0 : i32
      %dma_start3A_242 = tpu.memref_slice %arg27[%dma_start3A_240, %dma_start3A_241] : memref<10240x128xf32, #tpu.memory_space<vmem_shared>> -> memref<10240x128xf32, #tpu.memory_space<vmem_shared>>
      tpu.enqueue_indirect_dma source(%arg17 : memref<64x128xf32, #tpu.memory_space<vmem>>) target(%dma_start3A_242 : memref<10240x128xf32, #tpu.memory_space<vmem_shared>>) offsets(%arg14 : memref<64xi32, #tpu.memory_space<vmem>>) semaphore(%arg37 : memref<!tpu.dma_semaphore, #tpu.memory_space<semaphore_mem>>) {add = true}
      %dma_start3A_243 = arith.constant 0 : i32
      %dma_start3A_244 = arith.constant 0 : i32
      %dma_start3A_245 = tpu.memref_slice %arg28[%dma_start3A_243, %dma_start3A_244] : memref<10240x16xf32, #tpu.memory_space<vmem_shared>> -> memref<10240x16xf32, #tpu.memory_space<vmem_shared>>
      tpu.enqueue_indirect_dma source(%arg26 : memref<64x16xf32, #tpu.memory_space<vmem>>) target(%dma_start3A_245 : memref<10240x16xf32, #tpu.memory_space<vmem_shared>>) offsets(%arg14 : memref<64xi32, #tpu.memory_space<vmem>>) semaphore(%arg37 : memref<!tpu.dma_semaphore, #tpu.memory_space<semaphore_mem>>) {add = true}
      %gt3A_246 = arith.constant 0 : i32
      %gt3A_247 = arith.cmpi sgt, %add3A_227, %gt3A_246 : i32
      %convert_element_type3A_248 = arith.extui %gt3A_247 : i1 to i32
      %cond3A_249 = arith.constant 0 : i32
      %cond3A_250 = arith.cmpi ne, %convert_element_type3A_248, %cond3A_249 : i32
      scf.if %cond3A_250 {
        %dma_wait3A_266 = arith.constant 0 : i32
        %dma_wait3A_267 = arith.constant 0 : i32
        %dma_wait3A_268 = tpu.memref_slice %arg27[%dma_wait3A_266, %dma_wait3A_267] : memref<10240x128xf32, #tpu.memory_space<vmem_shared>> -> memref<10240x128xf32, #tpu.memory_space<vmem_shared>>
        tpu.wait_indirect_dma semaphore(%arg36 : memref<!tpu.dma_semaphore, #tpu.memory_space<semaphore_mem>>) src(%arg16 : memref<64x128xf32, #tpu.memory_space<vmem>>) dst(%dma_wait3A_268 : memref<10240x128xf32, #tpu.memory_space<vmem_shared>>)
        %dma_wait3A_269 = arith.constant 0 : i32
        %dma_wait3A_270 = arith.constant 0 : i32
        %dma_wait3A_271 = tpu.memref_slice %arg28[%dma_wait3A_269, %dma_wait3A_270] : memref<10240x16xf32, #tpu.memory_space<vmem_shared>> -> memref<10240x16xf32, #tpu.memory_space<vmem_shared>>
        tpu.wait_indirect_dma semaphore(%arg36 : memref<!tpu.dma_semaphore, #tpu.memory_space<semaphore_mem>>) src(%arg25 : memref<64x16xf32, #tpu.memory_space<vmem>>) dst(%dma_wait3A_271 : memref<10240x16xf32, #tpu.memory_space<vmem_shared>>)
      } else {
      }
      %add3A_251 = arith.constant 2 : i32
      %add3A_252 = arith.addi %add3A_227, %add3A_251 : i32
      %lt3A_253 = arith.constant 159 : i32
      %lt3A_254 = arith.cmpi slt, %add3A_252, %lt3A_253 : i32
      %convert_element_type3A_255 = arith.extui %lt3A_254 : i1 to i32
      %cond3A_256 = arith.constant 0 : i32
      %cond3A_257 = arith.cmpi ne, %convert_element_type3A_255, %cond3A_256 : i32
      scf.if %cond3A_257 {
        %add3A_266 = arith.constant 2 : i32
        %add3A_267 = arith.addi %add3A_227, %add3A_266 : i32
        %mul3A_268 = arith.constant 64 : i32
        %mul3A_269 = arith.muli %add3A_267, %mul3A_268 : i32
        %add3A_270 = arith.addi %mul3A_2, %mul3A_269 : i32
        %dma_wait3A_271 = tpu.memref_slice %arg5[%add3A_270] : memref<325632xi32, #tpu.memory_space<hbm>> -> memref<64xi32, #tpu.memory_space<hbm>>
        %dma_wait3A_272 = tpu.memref_slice %arg5[%add3A_270] : memref<325632xi32, #tpu.memory_space<hbm>> -> memref<64xi32, #tpu.memory_space<hbm>>
        tpu.wait_dma2 semaphore(%arg30 : memref<!tpu.dma_semaphore, #tpu.memory_space<semaphore_mem>>) src(%dma_wait3A_272 : memref<64xi32, #tpu.memory_space<hbm>>) dst(%arg10 : memref<64xi32, #tpu.memory_space<vmem>>)
        %dma_wait3A_273 = tpu.memref_slice %arg6[%add3A_270] : memref<325632xi32, #tpu.memory_space<hbm>> -> memref<64xi32, #tpu.memory_space<hbm>>
        %dma_wait3A_274 = tpu.memref_slice %arg6[%add3A_270] : memref<325632xi32, #tpu.memory_space<hbm>> -> memref<64xi32, #tpu.memory_space<hbm>>
        tpu.wait_dma2 semaphore(%arg30 : memref<!tpu.dma_semaphore, #tpu.memory_space<semaphore_mem>>) src(%dma_wait3A_274 : memref<64xi32, #tpu.memory_space<hbm>>) dst(%arg13 : memref<64xi32, #tpu.memory_space<vmem>>)
        %dma_start3A_275 = arith.constant 0 : i32
        %dma_start3A_276 = arith.constant 0 : i32
        %dma_start3A_277 = tpu.memref_slice %arg2[%dma_start3A_275, %dma_start3A_276] : memref<10240x128xf32, #tpu.memory_space<hbm>> -> memref<10240x128xf32, #tpu.memory_space<hbm>>
        tpu.enqueue_indirect_dma source(%dma_start3A_277 : memref<10240x128xf32, #tpu.memory_space<hbm>>) target(%arg16 : memref<64x128xf32, #tpu.memory_space<vmem>>) offsets(%arg10 : memref<64xi32, #tpu.memory_space<vmem>>) semaphore(%arg33 : memref<!tpu.dma_semaphore, #tpu.memory_space<semaphore_mem>>)
        %dma_start3A_278 = arith.constant 0 : i32
        %dma_start3A_279 = arith.constant 0 : i32
        %dma_start3A_280 = tpu.memref_slice %arg3[%dma_start3A_278, %dma_start3A_279] : memref<10240x16xf32, #tpu.memory_space<hbm>> -> memref<10240x16xf32, #tpu.memory_space<hbm>>
        tpu.enqueue_indirect_dma source(%dma_start3A_280 : memref<10240x16xf32, #tpu.memory_space<hbm>>) target(%arg19 : memref<64x16xf32, #tpu.memory_space<vmem>>) offsets(%arg10 : memref<64xi32, #tpu.memory_space<vmem>>) semaphore(%arg33 : memref<!tpu.dma_semaphore, #tpu.memory_space<semaphore_mem>>)
        %dma_start3A_281 = arith.constant 0 : i32
        %dma_start3A_282 = arith.constant 0 : i32
        %dma_start3A_283 = tpu.memref_slice %arg4[%dma_start3A_281, %dma_start3A_282] : memref<10240x16xf32, #tpu.memory_space<hbm>> -> memref<10240x16xf32, #tpu.memory_space<hbm>>
        tpu.enqueue_indirect_dma source(%dma_start3A_283 : memref<10240x16xf32, #tpu.memory_space<hbm>>) target(%arg22 : memref<64x16xf32, #tpu.memory_space<vmem>>) offsets(%arg13 : memref<64xi32, #tpu.memory_space<vmem>>) semaphore(%arg33 : memref<!tpu.dma_semaphore, #tpu.memory_space<semaphore_mem>>)
      } else {
      }
      %add3A_258 = arith.constant 3 : i32
      %add3A_259 = arith.addi %add3A_227, %add3A_258 : i32
      %lt3A_260 = arith.constant 159 : i32
      %lt3A_261 = arith.cmpi slt, %add3A_259, %lt3A_260 : i32
      %convert_element_type3A_262 = arith.extui %lt3A_261 : i1 to i32
      %cond3A_263 = arith.constant 0 : i32
      %cond3A_264 = arith.cmpi ne, %convert_element_type3A_262, %cond3A_263 : i32
      scf.if %cond3A_264 {
        %add3A_266 = arith.constant 3 : i32
        %add3A_267 = arith.addi %add3A_227, %add3A_266 : i32
        %mul3A_268 = arith.constant 64 : i32
        %mul3A_269 = arith.muli %add3A_267, %mul3A_268 : i32
        %add3A_270 = arith.addi %mul3A_2, %mul3A_269 : i32
        %dma_start3A_271 = tpu.memref_slice %arg5[%add3A_270] : memref<325632xi32, #tpu.memory_space<hbm>> -> memref<64xi32, #tpu.memory_space<hbm>>
        %dma_start3A_272 = tpu.memref_slice %arg5[%add3A_270] : memref<325632xi32, #tpu.memory_space<hbm>> -> memref<64xi32, #tpu.memory_space<hbm>>
        tpu.enqueue_dma source(%dma_start3A_272 : memref<64xi32, #tpu.memory_space<hbm>>) target(%arg11 : memref<64xi32, #tpu.memory_space<vmem>>) target_semaphore(%arg31 : memref<!tpu.dma_semaphore, #tpu.memory_space<semaphore_mem>>)
        %dma_start3A_273 = tpu.memref_slice %arg6[%add3A_270] : memref<325632xi32, #tpu.memory_space<hbm>> -> memref<64xi32, #tpu.memory_space<hbm>>
        %dma_start3A_274 = tpu.memref_slice %arg6[%add3A_270] : memref<325632xi32, #tpu.memory_space<hbm>> -> memref<64xi32, #tpu.memory_space<hbm>>
        tpu.enqueue_dma source(%dma_start3A_274 : memref<64xi32, #tpu.memory_space<hbm>>) target(%arg14 : memref<64xi32, #tpu.memory_space<vmem>>) target_semaphore(%arg31 : memref<!tpu.dma_semaphore, #tpu.memory_space<semaphore_mem>>)
      } else {
      }
      %scan3A_265 = arith.constant 0 : i32
      scf.yield %scan3A_265 : i32
    }
    %scan3A_103 = arith.constant 53 : i32
    %dma_wait3A_104 = arith.constant 0 : i32
    %dma_wait3A_105 = arith.constant 0 : i32
    %dma_wait3A_106 = tpu.memref_slice %arg27[%dma_wait3A_104, %dma_wait3A_105] : memref<10240x128xf32, #tpu.memory_space<vmem_shared>> -> memref<10240x128xf32, #tpu.memory_space<vmem_shared>>
    tpu.wait_indirect_dma semaphore(%arg37 : memref<!tpu.dma_semaphore, #tpu.memory_space<semaphore_mem>>) src(%arg17 : memref<64x128xf32, #tpu.memory_space<vmem>>) dst(%dma_wait3A_106 : memref<10240x128xf32, #tpu.memory_space<vmem_shared>>)
    %dma_wait3A_107 = arith.constant 0 : i32
    %dma_wait3A_108 = arith.constant 0 : i32
    %dma_wait3A_109 = tpu.memref_slice %arg28[%dma_wait3A_107, %dma_wait3A_108] : memref<10240x16xf32, #tpu.memory_space<vmem_shared>> -> memref<10240x16xf32, #tpu.memory_space<vmem_shared>>
    tpu.wait_indirect_dma semaphore(%arg37 : memref<!tpu.dma_semaphore, #tpu.memory_space<semaphore_mem>>) src(%arg26 : memref<64x16xf32, #tpu.memory_space<vmem>>) dst(%dma_wait3A_109 : memref<10240x16xf32, #tpu.memory_space<vmem_shared>>)
    %barrier3A_110 = arith.constant 0 : index
    tpu.barrier barrier_id(%barrier3A_110)
    %mul3A_111 = arith.constant 640 : i32
    %mul3A_112 = arith.muli %arg1, %mul3A_111 : i32
    %add3A_113 = arith.constant 0 : i32
    %add3A_114 = arith.addi %mul3A_112, %add3A_113 : i32
    "tpu.region"() ({
      %run_scoped3A = tpu.sem_alloc : memref<!tpu.dma_semaphore, #tpu.memory_space<semaphore_mem>>
      %dma_start3A_151 = arith.constant 0 : i32
      %dma_start3A_152 = tpu.memref_slice %arg27[%add3A_114, %dma_start3A_151] : memref<10240x128xf32, #tpu.memory_space<vmem_shared>> -> memref<64x128xf32, #tpu.memory_space<vmem_shared>>
      %dma_start3A_153 = arith.constant 0 : i32
      %dma_start3A_154 = tpu.memref_slice %arg27[%add3A_114, %dma_start3A_153] : memref<10240x128xf32, #tpu.memory_space<vmem_shared>> -> memref<64x128xf32, #tpu.memory_space<vmem_shared>>
      tpu.enqueue_dma source(%dma_start3A_154 : memref<64x128xf32, #tpu.memory_space<vmem_shared>>) target(%arg15 : memref<64x128xf32, #tpu.memory_space<vmem>>) target_semaphore(%run_scoped3A : memref<!tpu.dma_semaphore, #tpu.memory_space<semaphore_mem>>)
      %dma_wait3A_155 = arith.constant 0 : i32
      %dma_wait3A_156 = tpu.memref_slice %arg27[%add3A_114, %dma_wait3A_155] : memref<10240x128xf32, #tpu.memory_space<vmem_shared>> -> memref<64x128xf32, #tpu.memory_space<vmem_shared>>
      %dma_wait3A_157 = arith.constant 0 : i32
      %dma_wait3A_158 = tpu.memref_slice %arg27[%add3A_114, %dma_wait3A_157] : memref<10240x128xf32, #tpu.memory_space<vmem_shared>> -> memref<64x128xf32, #tpu.memory_space<vmem_shared>>
      tpu.wait_dma2 semaphore(%run_scoped3A : memref<!tpu.dma_semaphore, #tpu.memory_space<semaphore_mem>>) src(%dma_wait3A_158 : memref<64x128xf32, #tpu.memory_space<vmem_shared>>) dst(%arg15 : memref<64x128xf32, #tpu.memory_space<vmem>>)
      tpu.yield
    }) : () -> ()
    "tpu.region"() ({
      %run_scoped3A = tpu.sem_alloc : memref<!tpu.dma_semaphore, #tpu.memory_space<semaphore_mem>>
      %dma_start3A_151 = arith.constant 0 : i32
      %dma_start3A_152 = tpu.memref_slice %arg7[%arg0, %add3A_114, %dma_start3A_151] : memref<2x10240x128xf32, #tpu.memory_space<hbm>> -> memref<1x64x128xf32, #tpu.memory_space<hbm>>
      %dma_start3A_153 = tpu.memref_squeeze %dma_start3A_152 : memref<1x64x128xf32, #tpu.memory_space<hbm>> -> memref<64x128xf32, #tpu.memory_space<hbm>>
      %dma_start3A_154 = arith.constant 0 : i32
      %dma_start3A_155 = tpu.memref_slice %arg7[%arg0, %add3A_114, %dma_start3A_154] : memref<2x10240x128xf32, #tpu.memory_space<hbm>> -> memref<1x64x128xf32, #tpu.memory_space<hbm>>
      %dma_start3A_156 = tpu.memref_squeeze %dma_start3A_155 : memref<1x64x128xf32, #tpu.memory_space<hbm>> -> memref<64x128xf32, #tpu.memory_space<hbm>>
      tpu.enqueue_dma source(%arg15 : memref<64x128xf32, #tpu.memory_space<vmem>>) target(%dma_start3A_156 : memref<64x128xf32, #tpu.memory_space<hbm>>) target_semaphore(%run_scoped3A : memref<!tpu.dma_semaphore, #tpu.memory_space<semaphore_mem>>)
      %dma_wait3A_157 = arith.constant 0 : i32
      %dma_wait3A_158 = tpu.memref_slice %arg7[%arg0, %add3A_114, %dma_wait3A_157] : memref<2x10240x128xf32, #tpu.memory_space<hbm>> -> memref<1x64x128xf32, #tpu.memory_space<hbm>>
      %dma_wait3A_159 = tpu.memref_squeeze %dma_wait3A_158 : memref<1x64x128xf32, #tpu.memory_space<hbm>> -> memref<64x128xf32, #tpu.memory_space<hbm>>
      %dma_wait3A_160 = arith.constant 0 : i32
      %dma_wait3A_161 = tpu.memref_slice %arg7[%arg0, %add3A_114, %dma_wait3A_160] : memref<2x10240x128xf32, #tpu.memory_space<hbm>> -> memref<1x64x128xf32, #tpu.memory_space<hbm>>
      %dma_wait3A_162 = tpu.memref_squeeze %dma_wait3A_161 : memref<1x64x128xf32, #tpu.memory_space<hbm>> -> memref<64x128xf32, #tpu.memory_space<hbm>>
      tpu.wait_dma2 semaphore(%run_scoped3A : memref<!tpu.dma_semaphore, #tpu.memory_space<semaphore_mem>>) src(%arg15 : memref<64x128xf32, #tpu.memory_space<vmem>>) dst(%dma_wait3A_162 : memref<64x128xf32, #tpu.memory_space<hbm>>)
      tpu.yield
    }) : () -> ()
    "tpu.region"() ({
      %run_scoped3A = tpu.sem_alloc : memref<!tpu.dma_semaphore, #tpu.memory_space<semaphore_mem>>
      %dma_start3A_151 = arith.constant 0 : i32
      %dma_start3A_152 = tpu.memref_slice %arg28[%add3A_114, %dma_start3A_151] : memref<10240x16xf32, #tpu.memory_space<vmem_shared>> -> memref<64x16xf32, #tpu.memory_space<vmem_shared>>
      %dma_start3A_153 = arith.constant 0 : i32
      %dma_start3A_154 = tpu.memref_slice %arg28[%add3A_114, %dma_start3A_153] : memref<10240x16xf32, #tpu.memory_space<vmem_shared>> -> memref<64x16xf32, #tpu.memory_space<vmem_shared>>
      tpu.enqueue_dma source(%dma_start3A_154 : memref<64x16xf32, #tpu.memory_space<vmem_shared>>) target(%arg24 : memref<64x16xf32, #tpu.memory_space<vmem>>) target_semaphore(%run_scoped3A : memref<!tpu.dma_semaphore, #tpu.memory_space<semaphore_mem>>)
      %dma_wait3A_155 = arith.constant 0 : i32
      %dma_wait3A_156 = tpu.memref_slice %arg28[%add3A_114, %dma_wait3A_155] : memref<10240x16xf32, #tpu.memory_space<vmem_shared>> -> memref<64x16xf32, #tpu.memory_space<vmem_shared>>
      %dma_wait3A_157 = arith.constant 0 : i32
      %dma_wait3A_158 = tpu.memref_slice %arg28[%add3A_114, %dma_wait3A_157] : memref<10240x16xf32, #tpu.memory_space<vmem_shared>> -> memref<64x16xf32, #tpu.memory_space<vmem_shared>>
      tpu.wait_dma2 semaphore(%run_scoped3A : memref<!tpu.dma_semaphore, #tpu.memory_space<semaphore_mem>>) src(%dma_wait3A_158 : memref<64x16xf32, #tpu.memory_space<vmem_shared>>) dst(%arg24 : memref<64x16xf32, #tpu.memory_space<vmem>>)
      tpu.yield
    }) : () -> ()
    "tpu.region"() ({
      %run_scoped3A = tpu.sem_alloc : memref<!tpu.dma_semaphore, #tpu.memory_space<semaphore_mem>>
      %dma_start3A_151 = arith.constant 0 : i32
      %dma_start3A_152 = tpu.memref_slice %arg8[%arg0, %add3A_114, %dma_start3A_151] : memref<2x10240x16xf32, #tpu.memory_space<hbm>> -> memref<1x64x16xf32, #tpu.memory_space<hbm>>
      %dma_start3A_153 = tpu.memref_squeeze %dma_start3A_152 : memref<1x64x16xf32, #tpu.memory_space<hbm>> -> memref<64x16xf32, #tpu.memory_space<hbm>>
      %dma_start3A_154 = arith.constant 0 : i32
      %dma_start3A_155 = tpu.memref_slice %arg8[%arg0, %add3A_114, %dma_start3A_154] : memref<2x10240x16xf32, #tpu.memory_space<hbm>> -> memref<1x64x16xf32, #tpu.memory_space<hbm>>
      %dma_start3A_156 = tpu.memref_squeeze %dma_start3A_155 : memref<1x64x16xf32, #tpu.memory_space<hbm>> -> memref<64x16xf32, #tpu.memory_space<hbm>>
      tpu.enqueue_dma source(%arg24 : memref<64x16xf32, #tpu.memory_space<vmem>>) target(%dma_start3A_156 : memref<64x16xf32, #tpu.memory_space<hbm>>) target_semaphore(%run_scoped3A : memref<!tpu.dma_semaphore, #tpu.memory_space<semaphore_mem>>)
      %dma_wait3A_157 = arith.constant 0 : i32
      %dma_wait3A_158 = tpu.memref_slice %arg8[%arg0, %add3A_114, %dma_wait3A_157] : memref<2x10240x16xf32, #tpu.memory_space<hbm>> -> memref<1x64x16xf32, #tpu.memory_space<hbm>>
      %dma_wait3A_159 = tpu.memref_squeeze %dma_wait3A_158 : memref<1x64x16xf32, #tpu.memory_space<hbm>> -> memref<64x16xf32, #tpu.memory_space<hbm>>
      %dma_wait3A_160 = arith.constant 0 : i32
      %dma_wait3A_161 = tpu.memref_slice %arg8[%arg0, %add3A_114, %dma_wait3A_160] : memref<2x10240x16xf32, #tpu.memory_space<hbm>> -> memref<1x64x16xf32, #tpu.memory_space<hbm>>
      %dma_wait3A_162 = tpu.memref_squeeze %dma_wait3A_161 : memref<1x64x16xf32, #tpu.memory_space<hbm>> -> memref<64x16xf32, #tpu.memory_space<hbm>>
      tpu.wait_dma2 semaphore(%run_scoped3A : memref<!tpu.dma_semaphore, #tpu.memory_space<semaphore_mem>>) src(%arg24 : memref<64x16xf32, #tpu.memory_space<vmem>>) dst(%dma_wait3A_162 : memref<64x16xf32, #tpu.memory_space<hbm>>)
      tpu.yield
    }) : () -> ()
    %mul3A_115 = arith.constant 640 : i32
    %mul3A_116 = arith.muli %arg1, %mul3A_115 : i32
    %add3A_117 = arith.constant 64 : i32
    %add3A_118 = arith.addi %mul3A_116, %add3A_117 : i32
    "tpu.region"() ({
      %run_scoped3A = tpu.sem_alloc : memref<!tpu.dma_semaphore, #tpu.memory_space<semaphore_mem>>
      %dma_start3A_151 = arith.constant 0 : i32
      %dma_start3A_152 = tpu.memref_slice %arg27[%add3A_118, %dma_start3A_151] : memref<10240x128xf32, #tpu.memory_space<vmem_shared>> -> memref<64x128xf32, #tpu.memory_space<vmem_shared>>
      %dma_start3A_153 = arith.constant 0 : i32
      %dma_start3A_154 = tpu.memref_slice %arg27[%add3A_118, %dma_start3A_153] : memref<10240x128xf32, #tpu.memory_space<vmem_shared>> -> memref<64x128xf32, #tpu.memory_space<vmem_shared>>
      tpu.enqueue_dma source(%dma_start3A_154 : memref<64x128xf32, #tpu.memory_space<vmem_shared>>) target(%arg15 : memref<64x128xf32, #tpu.memory_space<vmem>>) target_semaphore(%run_scoped3A : memref<!tpu.dma_semaphore, #tpu.memory_space<semaphore_mem>>)
      %dma_wait3A_155 = arith.constant 0 : i32
      %dma_wait3A_156 = tpu.memref_slice %arg27[%add3A_118, %dma_wait3A_155] : memref<10240x128xf32, #tpu.memory_space<vmem_shared>> -> memref<64x128xf32, #tpu.memory_space<vmem_shared>>
      %dma_wait3A_157 = arith.constant 0 : i32
      %dma_wait3A_158 = tpu.memref_slice %arg27[%add3A_118, %dma_wait3A_157] : memref<10240x128xf32, #tpu.memory_space<vmem_shared>> -> memref<64x128xf32, #tpu.memory_space<vmem_shared>>
      tpu.wait_dma2 semaphore(%run_scoped3A : memref<!tpu.dma_semaphore, #tpu.memory_space<semaphore_mem>>) src(%dma_wait3A_158 : memref<64x128xf32, #tpu.memory_space<vmem_shared>>) dst(%arg15 : memref<64x128xf32, #tpu.memory_space<vmem>>)
      tpu.yield
    }) : () -> ()
    "tpu.region"() ({
      %run_scoped3A = tpu.sem_alloc : memref<!tpu.dma_semaphore, #tpu.memory_space<semaphore_mem>>
      %dma_start3A_151 = arith.constant 0 : i32
      %dma_start3A_152 = tpu.memref_slice %arg7[%arg0, %add3A_118, %dma_start3A_151] : memref<2x10240x128xf32, #tpu.memory_space<hbm>> -> memref<1x64x128xf32, #tpu.memory_space<hbm>>
      %dma_start3A_153 = tpu.memref_squeeze %dma_start3A_152 : memref<1x64x128xf32, #tpu.memory_space<hbm>> -> memref<64x128xf32, #tpu.memory_space<hbm>>
      %dma_start3A_154 = arith.constant 0 : i32
      %dma_start3A_155 = tpu.memref_slice %arg7[%arg0, %add3A_118, %dma_start3A_154] : memref<2x10240x128xf32, #tpu.memory_space<hbm>> -> memref<1x64x128xf32, #tpu.memory_space<hbm>>
      %dma_start3A_156 = tpu.memref_squeeze %dma_start3A_155 : memref<1x64x128xf32, #tpu.memory_space<hbm>> -> memref<64x128xf32, #tpu.memory_space<hbm>>
      tpu.enqueue_dma source(%arg15 : memref<64x128xf32, #tpu.memory_space<vmem>>) target(%dma_start3A_156 : memref<64x128xf32, #tpu.memory_space<hbm>>) target_semaphore(%run_scoped3A : memref<!tpu.dma_semaphore, #tpu.memory_space<semaphore_mem>>)
      %dma_wait3A_157 = arith.constant 0 : i32
      %dma_wait3A_158 = tpu.memref_slice %arg7[%arg0, %add3A_118, %dma_wait3A_157] : memref<2x10240x128xf32, #tpu.memory_space<hbm>> -> memref<1x64x128xf32, #tpu.memory_space<hbm>>
      %dma_wait3A_159 = tpu.memref_squeeze %dma_wait3A_158 : memref<1x64x128xf32, #tpu.memory_space<hbm>> -> memref<64x128xf32, #tpu.memory_space<hbm>>
      %dma_wait3A_160 = arith.constant 0 : i32
      %dma_wait3A_161 = tpu.memref_slice %arg7[%arg0, %add3A_118, %dma_wait3A_160] : memref<2x10240x128xf32, #tpu.memory_space<hbm>> -> memref<1x64x128xf32, #tpu.memory_space<hbm>>
      %dma_wait3A_162 = tpu.memref_squeeze %dma_wait3A_161 : memref<1x64x128xf32, #tpu.memory_space<hbm>> -> memref<64x128xf32, #tpu.memory_space<hbm>>
      tpu.wait_dma2 semaphore(%run_scoped3A : memref<!tpu.dma_semaphore, #tpu.memory_space<semaphore_mem>>) src(%arg15 : memref<64x128xf32, #tpu.memory_space<vmem>>) dst(%dma_wait3A_162 : memref<64x128xf32, #tpu.memory_space<hbm>>)
      tpu.yield
    }) : () -> ()
    "tpu.region"() ({
      %run_scoped3A = tpu.sem_alloc : memref<!tpu.dma_semaphore, #tpu.memory_space<semaphore_mem>>
      %dma_start3A_151 = arith.constant 0 : i32
      %dma_start3A_152 = tpu.memref_slice %arg28[%add3A_118, %dma_start3A_151] : memref<10240x16xf32, #tpu.memory_space<vmem_shared>> -> memref<64x16xf32, #tpu.memory_space<vmem_shared>>
      %dma_start3A_153 = arith.constant 0 : i32
      %dma_start3A_154 = tpu.memref_slice %arg28[%add3A_118, %dma_start3A_153] : memref<10240x16xf32, #tpu.memory_space<vmem_shared>> -> memref<64x16xf32, #tpu.memory_space<vmem_shared>>
      tpu.enqueue_dma source(%dma_start3A_154 : memref<64x16xf32, #tpu.memory_space<vmem_shared>>) target(%arg24 : memref<64x16xf32, #tpu.memory_space<vmem>>) target_semaphore(%run_scoped3A : memref<!tpu.dma_semaphore, #tpu.memory_space<semaphore_mem>>)
      %dma_wait3A_155 = arith.constant 0 : i32
      %dma_wait3A_156 = tpu.memref_slice %arg28[%add3A_118, %dma_wait3A_155] : memref<10240x16xf32, #tpu.memory_space<vmem_shared>> -> memref<64x16xf32, #tpu.memory_space<vmem_shared>>
      %dma_wait3A_157 = arith.constant 0 : i32
      %dma_wait3A_158 = tpu.memref_slice %arg28[%add3A_118, %dma_wait3A_157] : memref<10240x16xf32, #tpu.memory_space<vmem_shared>> -> memref<64x16xf32, #tpu.memory_space<vmem_shared>>
      tpu.wait_dma2 semaphore(%run_scoped3A : memref<!tpu.dma_semaphore, #tpu.memory_space<semaphore_mem>>) src(%dma_wait3A_158 : memref<64x16xf32, #tpu.memory_space<vmem_shared>>) dst(%arg24 : memref<64x16xf32, #tpu.memory_space<vmem>>)
      tpu.yield
    }) : () -> ()
    "tpu.region"() ({
      %run_scoped3A = tpu.sem_alloc : memref<!tpu.dma_semaphore, #tpu.memory_space<semaphore_mem>>
      %dma_start3A_151 = arith.constant 0 : i32
      %dma_start3A_152 = tpu.memref_slice %arg8[%arg0, %add3A_118, %dma_start3A_151] : memref<2x10240x16xf32, #tpu.memory_space<hbm>> -> memref<1x64x16xf32, #tpu.memory_space<hbm>>
      %dma_start3A_153 = tpu.memref_squeeze %dma_start3A_152 : memref<1x64x16xf32, #tpu.memory_space<hbm>> -> memref<64x16xf32, #tpu.memory_space<hbm>>
      %dma_start3A_154 = arith.constant 0 : i32
      %dma_start3A_155 = tpu.memref_slice %arg8[%arg0, %add3A_118, %dma_start3A_154] : memref<2x10240x16xf32, #tpu.memory_space<hbm>> -> memref<1x64x16xf32, #tpu.memory_space<hbm>>
      %dma_start3A_156 = tpu.memref_squeeze %dma_start3A_155 : memref<1x64x16xf32, #tpu.memory_space<hbm>> -> memref<64x16xf32, #tpu.memory_space<hbm>>
      tpu.enqueue_dma source(%arg24 : memref<64x16xf32, #tpu.memory_space<vmem>>) target(%dma_start3A_156 : memref<64x16xf32, #tpu.memory_space<hbm>>) target_semaphore(%run_scoped3A : memref<!tpu.dma_semaphore, #tpu.memory_space<semaphore_mem>>)
      %dma_wait3A_157 = arith.constant 0 : i32
      %dma_wait3A_158 = tpu.memref_slice %arg8[%arg0, %add3A_118, %dma_wait3A_157] : memref<2x10240x16xf32, #tpu.memory_space<hbm>> -> memref<1x64x16xf32, #tpu.memory_space<hbm>>
      %dma_wait3A_159 = tpu.memref_squeeze %dma_wait3A_158 : memref<1x64x16xf32, #tpu.memory_space<hbm>> -> memref<64x16xf32, #tpu.memory_space<hbm>>
      %dma_wait3A_160 = arith.constant 0 : i32
      %dma_wait3A_161 = tpu.memref_slice %arg8[%arg0, %add3A_118, %dma_wait3A_160] : memref<2x10240x16xf32, #tpu.memory_space<hbm>> -> memref<1x64x16xf32, #tpu.memory_space<hbm>>
      %dma_wait3A_162 = tpu.memref_squeeze %dma_wait3A_161 : memref<1x64x16xf32, #tpu.memory_space<hbm>> -> memref<64x16xf32, #tpu.memory_space<hbm>>
      tpu.wait_dma2 semaphore(%run_scoped3A : memref<!tpu.dma_semaphore, #tpu.memory_space<semaphore_mem>>) src(%arg24 : memref<64x16xf32, #tpu.memory_space<vmem>>) dst(%dma_wait3A_162 : memref<64x16xf32, #tpu.memory_space<hbm>>)
      tpu.yield
    }) : () -> ()
    %mul3A_119 = arith.constant 640 : i32
    %mul3A_120 = arith.muli %arg1, %mul3A_119 : i32
    %add3A_121 = arith.constant 128 : i32
    %add3A_122 = arith.addi %mul3A_120, %add3A_121 : i32
    "tpu.region"() ({
      %run_scoped3A = tpu.sem_alloc : memref<!tpu.dma_semaphore, #tpu.memory_space<semaphore_mem>>
      %dma_start3A_151 = arith.constant 0 : i32
      %dma_start3A_152 = tpu.memref_slice %arg27[%add3A_122, %dma_start3A_151] : memref<10240x128xf32, #tpu.memory_space<vmem_shared>> -> memref<64x128xf32, #tpu.memory_space<vmem_shared>>
      %dma_start3A_153 = arith.constant 0 : i32
      %dma_start3A_154 = tpu.memref_slice %arg27[%add3A_122, %dma_start3A_153] : memref<10240x128xf32, #tpu.memory_space<vmem_shared>> -> memref<64x128xf32, #tpu.memory_space<vmem_shared>>
      tpu.enqueue_dma source(%dma_start3A_154 : memref<64x128xf32, #tpu.memory_space<vmem_shared>>) target(%arg15 : memref<64x128xf32, #tpu.memory_space<vmem>>) target_semaphore(%run_scoped3A : memref<!tpu.dma_semaphore, #tpu.memory_space<semaphore_mem>>)
      %dma_wait3A_155 = arith.constant 0 : i32
      %dma_wait3A_156 = tpu.memref_slice %arg27[%add3A_122, %dma_wait3A_155] : memref<10240x128xf32, #tpu.memory_space<vmem_shared>> -> memref<64x128xf32, #tpu.memory_space<vmem_shared>>
      %dma_wait3A_157 = arith.constant 0 : i32
      %dma_wait3A_158 = tpu.memref_slice %arg27[%add3A_122, %dma_wait3A_157] : memref<10240x128xf32, #tpu.memory_space<vmem_shared>> -> memref<64x128xf32, #tpu.memory_space<vmem_shared>>
      tpu.wait_dma2 semaphore(%run_scoped3A : memref<!tpu.dma_semaphore, #tpu.memory_space<semaphore_mem>>) src(%dma_wait3A_158 : memref<64x128xf32, #tpu.memory_space<vmem_shared>>) dst(%arg15 : memref<64x128xf32, #tpu.memory_space<vmem>>)
      tpu.yield
    }) : () -> ()
    "tpu.region"() ({
      %run_scoped3A = tpu.sem_alloc : memref<!tpu.dma_semaphore, #tpu.memory_space<semaphore_mem>>
      %dma_start3A_151 = arith.constant 0 : i32
      %dma_start3A_152 = tpu.memref_slice %arg7[%arg0, %add3A_122, %dma_start3A_151] : memref<2x10240x128xf32, #tpu.memory_space<hbm>> -> memref<1x64x128xf32, #tpu.memory_space<hbm>>
      %dma_start3A_153 = tpu.memref_squeeze %dma_start3A_152 : memref<1x64x128xf32, #tpu.memory_space<hbm>> -> memref<64x128xf32, #tpu.memory_space<hbm>>
      %dma_start3A_154 = arith.constant 0 : i32
      %dma_start3A_155 = tpu.memref_slice %arg7[%arg0, %add3A_122, %dma_start3A_154] : memref<2x10240x128xf32, #tpu.memory_space<hbm>> -> memref<1x64x128xf32, #tpu.memory_space<hbm>>
      %dma_start3A_156 = tpu.memref_squeeze %dma_start3A_155 : memref<1x64x128xf32, #tpu.memory_space<hbm>> -> memref<64x128xf32, #tpu.memory_space<hbm>>
      tpu.enqueue_dma source(%arg15 : memref<64x128xf32, #tpu.memory_space<vmem>>) target(%dma_start3A_156 : memref<64x128xf32, #tpu.memory_space<hbm>>) target_semaphore(%run_scoped3A : memref<!tpu.dma_semaphore, #tpu.memory_space<semaphore_mem>>)
      %dma_wait3A_157 = arith.constant 0 : i32
      %dma_wait3A_158 = tpu.memref_slice %arg7[%arg0, %add3A_122, %dma_wait3A_157] : memref<2x10240x128xf32, #tpu.memory_space<hbm>> -> memref<1x64x128xf32, #tpu.memory_space<hbm>>
      %dma_wait3A_159 = tpu.memref_squeeze %dma_wait3A_158 : memref<1x64x128xf32, #tpu.memory_space<hbm>> -> memref<64x128xf32, #tpu.memory_space<hbm>>
      %dma_wait3A_160 = arith.constant 0 : i32
      %dma_wait3A_161 = tpu.memref_slice %arg7[%arg0, %add3A_122, %dma_wait3A_160] : memref<2x10240x128xf32, #tpu.memory_space<hbm>> -> memref<1x64x128xf32, #tpu.memory_space<hbm>>
      %dma_wait3A_162 = tpu.memref_squeeze %dma_wait3A_161 : memref<1x64x128xf32, #tpu.memory_space<hbm>> -> memref<64x128xf32, #tpu.memory_space<hbm>>
      tpu.wait_dma2 semaphore(%run_scoped3A : memref<!tpu.dma_semaphore, #tpu.memory_space<semaphore_mem>>) src(%arg15 : memref<64x128xf32, #tpu.memory_space<vmem>>) dst(%dma_wait3A_162 : memref<64x128xf32, #tpu.memory_space<hbm>>)
      tpu.yield
    }) : () -> ()
    "tpu.region"() ({
      %run_scoped3A = tpu.sem_alloc : memref<!tpu.dma_semaphore, #tpu.memory_space<semaphore_mem>>
      %dma_start3A_151 = arith.constant 0 : i32
      %dma_start3A_152 = tpu.memref_slice %arg28[%add3A_122, %dma_start3A_151] : memref<10240x16xf32, #tpu.memory_space<vmem_shared>> -> memref<64x16xf32, #tpu.memory_space<vmem_shared>>
      %dma_start3A_153 = arith.constant 0 : i32
      %dma_start3A_154 = tpu.memref_slice %arg28[%add3A_122, %dma_start3A_153] : memref<10240x16xf32, #tpu.memory_space<vmem_shared>> -> memref<64x16xf32, #tpu.memory_space<vmem_shared>>
      tpu.enqueue_dma source(%dma_start3A_154 : memref<64x16xf32, #tpu.memory_space<vmem_shared>>) target(%arg24 : memref<64x16xf32, #tpu.memory_space<vmem>>) target_semaphore(%run_scoped3A : memref<!tpu.dma_semaphore, #tpu.memory_space<semaphore_mem>>)
      %dma_wait3A_155 = arith.constant 0 : i32
      %dma_wait3A_156 = tpu.memref_slice %arg28[%add3A_122, %dma_wait3A_155] : memref<10240x16xf32, #tpu.memory_space<vmem_shared>> -> memref<64x16xf32, #tpu.memory_space<vmem_shared>>
      %dma_wait3A_157 = arith.constant 0 : i32
      %dma_wait3A_158 = tpu.memref_slice %arg28[%add3A_122, %dma_wait3A_157] : memref<10240x16xf32, #tpu.memory_space<vmem_shared>> -> memref<64x16xf32, #tpu.memory_space<vmem_shared>>
      tpu.wait_dma2 semaphore(%run_scoped3A : memref<!tpu.dma_semaphore, #tpu.memory_space<semaphore_mem>>) src(%dma_wait3A_158 : memref<64x16xf32, #tpu.memory_space<vmem_shared>>) dst(%arg24 : memref<64x16xf32, #tpu.memory_space<vmem>>)
      tpu.yield
    }) : () -> ()
    "tpu.region"() ({
      %run_scoped3A = tpu.sem_alloc : memref<!tpu.dma_semaphore, #tpu.memory_space<semaphore_mem>>
      %dma_start3A_151 = arith.constant 0 : i32
      %dma_start3A_152 = tpu.memref_slice %arg8[%arg0, %add3A_122, %dma_start3A_151] : memref<2x10240x16xf32, #tpu.memory_space<hbm>> -> memref<1x64x16xf32, #tpu.memory_space<hbm>>
      %dma_start3A_153 = tpu.memref_squeeze %dma_start3A_152 : memref<1x64x16xf32, #tpu.memory_space<hbm>> -> memref<64x16xf32, #tpu.memory_space<hbm>>
      %dma_start3A_154 = arith.constant 0 : i32
      %dma_start3A_155 = tpu.memref_slice %arg8[%arg0, %add3A_122, %dma_start3A_154] : memref<2x10240x16xf32, #tpu.memory_space<hbm>> -> memref<1x64x16xf32, #tpu.memory_space<hbm>>
      %dma_start3A_156 = tpu.memref_squeeze %dma_start3A_155 : memref<1x64x16xf32, #tpu.memory_space<hbm>> -> memref<64x16xf32, #tpu.memory_space<hbm>>
      tpu.enqueue_dma source(%arg24 : memref<64x16xf32, #tpu.memory_space<vmem>>) target(%dma_start3A_156 : memref<64x16xf32, #tpu.memory_space<hbm>>) target_semaphore(%run_scoped3A : memref<!tpu.dma_semaphore, #tpu.memory_space<semaphore_mem>>)
      %dma_wait3A_157 = arith.constant 0 : i32
      %dma_wait3A_158 = tpu.memref_slice %arg8[%arg0, %add3A_122, %dma_wait3A_157] : memref<2x10240x16xf32, #tpu.memory_space<hbm>> -> memref<1x64x16xf32, #tpu.memory_space<hbm>>
      %dma_wait3A_159 = tpu.memref_squeeze %dma_wait3A_158 : memref<1x64x16xf32, #tpu.memory_space<hbm>> -> memref<64x16xf32, #tpu.memory_space<hbm>>
      %dma_wait3A_160 = arith.constant 0 : i32
      %dma_wait3A_161 = tpu.memref_slice %arg8[%arg0, %add3A_122, %dma_wait3A_160] : memref<2x10240x16xf32, #tpu.memory_space<hbm>> -> memref<1x64x16xf32, #tpu.memory_space<hbm>>
      %dma_wait3A_162 = tpu.memref_squeeze %dma_wait3A_161 : memref<1x64x16xf32, #tpu.memory_space<hbm>> -> memref<64x16xf32, #tpu.memory_space<hbm>>
      tpu.wait_dma2 semaphore(%run_scoped3A : memref<!tpu.dma_semaphore, #tpu.memory_space<semaphore_mem>>) src(%arg24 : memref<64x16xf32, #tpu.memory_space<vmem>>) dst(%dma_wait3A_162 : memref<64x16xf32, #tpu.memory_space<hbm>>)
      tpu.yield
    }) : () -> ()
    %mul3A_123 = arith.constant 640 : i32
    %mul3A_124 = arith.muli %arg1, %mul3A_123 : i32
    %add3A_125 = arith.constant 192 : i32
    %add3A_126 = arith.addi %mul3A_124, %add3A_125 : i32
    "tpu.region"() ({
      %run_scoped3A = tpu.sem_alloc : memref<!tpu.dma_semaphore, #tpu.memory_space<semaphore_mem>>
      %dma_start3A_151 = arith.constant 0 : i32
      %dma_start3A_152 = tpu.memref_slice %arg27[%add3A_126, %dma_start3A_151] : memref<10240x128xf32, #tpu.memory_space<vmem_shared>> -> memref<64x128xf32, #tpu.memory_space<vmem_shared>>
      %dma_start3A_153 = arith.constant 0 : i32
      %dma_start3A_154 = tpu.memref_slice %arg27[%add3A_126, %dma_start3A_153] : memref<10240x128xf32, #tpu.memory_space<vmem_shared>> -> memref<64x128xf32, #tpu.memory_space<vmem_shared>>
      tpu.enqueue_dma source(%dma_start3A_154 : memref<64x128xf32, #tpu.memory_space<vmem_shared>>) target(%arg15 : memref<64x128xf32, #tpu.memory_space<vmem>>) target_semaphore(%run_scoped3A : memref<!tpu.dma_semaphore, #tpu.memory_space<semaphore_mem>>)
      %dma_wait3A_155 = arith.constant 0 : i32
      %dma_wait3A_156 = tpu.memref_slice %arg27[%add3A_126, %dma_wait3A_155] : memref<10240x128xf32, #tpu.memory_space<vmem_shared>> -> memref<64x128xf32, #tpu.memory_space<vmem_shared>>
      %dma_wait3A_157 = arith.constant 0 : i32
      %dma_wait3A_158 = tpu.memref_slice %arg27[%add3A_126, %dma_wait3A_157] : memref<10240x128xf32, #tpu.memory_space<vmem_shared>> -> memref<64x128xf32, #tpu.memory_space<vmem_shared>>
      tpu.wait_dma2 semaphore(%run_scoped3A : memref<!tpu.dma_semaphore, #tpu.memory_space<semaphore_mem>>) src(%dma_wait3A_158 : memref<64x128xf32, #tpu.memory_space<vmem_shared>>) dst(%arg15 : memref<64x128xf32, #tpu.memory_space<vmem>>)
      tpu.yield
    }) : () -> ()
    "tpu.region"() ({
      %run_scoped3A = tpu.sem_alloc : memref<!tpu.dma_semaphore, #tpu.memory_space<semaphore_mem>>
      %dma_start3A_151 = arith.constant 0 : i32
      %dma_start3A_152 = tpu.memref_slice %arg7[%arg0, %add3A_126, %dma_start3A_151] : memref<2x10240x128xf32, #tpu.memory_space<hbm>> -> memref<1x64x128xf32, #tpu.memory_space<hbm>>
      %dma_start3A_153 = tpu.memref_squeeze %dma_start3A_152 : memref<1x64x128xf32, #tpu.memory_space<hbm>> -> memref<64x128xf32, #tpu.memory_space<hbm>>
      %dma_start3A_154 = arith.constant 0 : i32
      %dma_start3A_155 = tpu.memref_slice %arg7[%arg0, %add3A_126, %dma_start3A_154] : memref<2x10240x128xf32, #tpu.memory_space<hbm>> -> memref<1x64x128xf32, #tpu.memory_space<hbm>>
      %dma_start3A_156 = tpu.memref_squeeze %dma_start3A_155 : memref<1x64x128xf32, #tpu.memory_space<hbm>> -> memref<64x128xf32, #tpu.memory_space<hbm>>
      tpu.enqueue_dma source(%arg15 : memref<64x128xf32, #tpu.memory_space<vmem>>) target(%dma_start3A_156 : memref<64x128xf32, #tpu.memory_space<hbm>>) target_semaphore(%run_scoped3A : memref<!tpu.dma_semaphore, #tpu.memory_space<semaphore_mem>>)
      %dma_wait3A_157 = arith.constant 0 : i32
      %dma_wait3A_158 = tpu.memref_slice %arg7[%arg0, %add3A_126, %dma_wait3A_157] : memref<2x10240x128xf32, #tpu.memory_space<hbm>> -> memref<1x64x128xf32, #tpu.memory_space<hbm>>
      %dma_wait3A_159 = tpu.memref_squeeze %dma_wait3A_158 : memref<1x64x128xf32, #tpu.memory_space<hbm>> -> memref<64x128xf32, #tpu.memory_space<hbm>>
      %dma_wait3A_160 = arith.constant 0 : i32
      %dma_wait3A_161 = tpu.memref_slice %arg7[%arg0, %add3A_126, %dma_wait3A_160] : memref<2x10240x128xf32, #tpu.memory_space<hbm>> -> memref<1x64x128xf32, #tpu.memory_space<hbm>>
      %dma_wait3A_162 = tpu.memref_squeeze %dma_wait3A_161 : memref<1x64x128xf32, #tpu.memory_space<hbm>> -> memref<64x128xf32, #tpu.memory_space<hbm>>
      tpu.wait_dma2 semaphore(%run_scoped3A : memref<!tpu.dma_semaphore, #tpu.memory_space<semaphore_mem>>) src(%arg15 : memref<64x128xf32, #tpu.memory_space<vmem>>) dst(%dma_wait3A_162 : memref<64x128xf32, #tpu.memory_space<hbm>>)
      tpu.yield
    }) : () -> ()
    "tpu.region"() ({
      %run_scoped3A = tpu.sem_alloc : memref<!tpu.dma_semaphore, #tpu.memory_space<semaphore_mem>>
      %dma_start3A_151 = arith.constant 0 : i32
      %dma_start3A_152 = tpu.memref_slice %arg28[%add3A_126, %dma_start3A_151] : memref<10240x16xf32, #tpu.memory_space<vmem_shared>> -> memref<64x16xf32, #tpu.memory_space<vmem_shared>>
      %dma_start3A_153 = arith.constant 0 : i32
      %dma_start3A_154 = tpu.memref_slice %arg28[%add3A_126, %dma_start3A_153] : memref<10240x16xf32, #tpu.memory_space<vmem_shared>> -> memref<64x16xf32, #tpu.memory_space<vmem_shared>>
      tpu.enqueue_dma source(%dma_start3A_154 : memref<64x16xf32, #tpu.memory_space<vmem_shared>>) target(%arg24 : memref<64x16xf32, #tpu.memory_space<vmem>>) target_semaphore(%run_scoped3A : memref<!tpu.dma_semaphore, #tpu.memory_space<semaphore_mem>>)
      %dma_wait3A_155 = arith.constant 0 : i32
      %dma_wait3A_156 = tpu.memref_slice %arg28[%add3A_126, %dma_wait3A_155] : memref<10240x16xf32, #tpu.memory_space<vmem_shared>> -> memref<64x16xf32, #tpu.memory_space<vmem_shared>>
      %dma_wait3A_157 = arith.constant 0 : i32
      %dma_wait3A_158 = tpu.memref_slice %arg28[%add3A_126, %dma_wait3A_157] : memref<10240x16xf32, #tpu.memory_space<vmem_shared>> -> memref<64x16xf32, #tpu.memory_space<vmem_shared>>
      tpu.wait_dma2 semaphore(%run_scoped3A : memref<!tpu.dma_semaphore, #tpu.memory_space<semaphore_mem>>) src(%dma_wait3A_158 : memref<64x16xf32, #tpu.memory_space<vmem_shared>>) dst(%arg24 : memref<64x16xf32, #tpu.memory_space<vmem>>)
      tpu.yield
    }) : () -> ()
    "tpu.region"() ({
      %run_scoped3A = tpu.sem_alloc : memref<!tpu.dma_semaphore, #tpu.memory_space<semaphore_mem>>
      %dma_start3A_151 = arith.constant 0 : i32
      %dma_start3A_152 = tpu.memref_slice %arg8[%arg0, %add3A_126, %dma_start3A_151] : memref<2x10240x16xf32, #tpu.memory_space<hbm>> -> memref<1x64x16xf32, #tpu.memory_space<hbm>>
      %dma_start3A_153 = tpu.memref_squeeze %dma_start3A_152 : memref<1x64x16xf32, #tpu.memory_space<hbm>> -> memref<64x16xf32, #tpu.memory_space<hbm>>
      %dma_start3A_154 = arith.constant 0 : i32
      %dma_start3A_155 = tpu.memref_slice %arg8[%arg0, %add3A_126, %dma_start3A_154] : memref<2x10240x16xf32, #tpu.memory_space<hbm>> -> memref<1x64x16xf32, #tpu.memory_space<hbm>>
      %dma_start3A_156 = tpu.memref_squeeze %dma_start3A_155 : memref<1x64x16xf32, #tpu.memory_space<hbm>> -> memref<64x16xf32, #tpu.memory_space<hbm>>
      tpu.enqueue_dma source(%arg24 : memref<64x16xf32, #tpu.memory_space<vmem>>) target(%dma_start3A_156 : memref<64x16xf32, #tpu.memory_space<hbm>>) target_semaphore(%run_scoped3A : memref<!tpu.dma_semaphore, #tpu.memory_space<semaphore_mem>>)
      %dma_wait3A_157 = arith.constant 0 : i32
      %dma_wait3A_158 = tpu.memref_slice %arg8[%arg0, %add3A_126, %dma_wait3A_157] : memref<2x10240x16xf32, #tpu.memory_space<hbm>> -> memref<1x64x16xf32, #tpu.memory_space<hbm>>
      %dma_wait3A_159 = tpu.memref_squeeze %dma_wait3A_158 : memref<1x64x16xf32, #tpu.memory_space<hbm>> -> memref<64x16xf32, #tpu.memory_space<hbm>>
      %dma_wait3A_160 = arith.constant 0 : i32
      %dma_wait3A_161 = tpu.memref_slice %arg8[%arg0, %add3A_126, %dma_wait3A_160] : memref<2x10240x16xf32, #tpu.memory_space<hbm>> -> memref<1x64x16xf32, #tpu.memory_space<hbm>>
      %dma_wait3A_162 = tpu.memref_squeeze %dma_wait3A_161 : memref<1x64x16xf32, #tpu.memory_space<hbm>> -> memref<64x16xf32, #tpu.memory_space<hbm>>
      tpu.wait_dma2 semaphore(%run_scoped3A : memref<!tpu.dma_semaphore, #tpu.memory_space<semaphore_mem>>) src(%arg24 : memref<64x16xf32, #tpu.memory_space<vmem>>) dst(%dma_wait3A_162 : memref<64x16xf32, #tpu.memory_space<hbm>>)
      tpu.yield
    }) : () -> ()
    %mul3A_127 = arith.constant 640 : i32
    %mul3A_128 = arith.muli %arg1, %mul3A_127 : i32
    %add3A_129 = arith.constant 256 : i32
    %add3A_130 = arith.addi %mul3A_128, %add3A_129 : i32
    "tpu.region"() ({
      %run_scoped3A = tpu.sem_alloc : memref<!tpu.dma_semaphore, #tpu.memory_space<semaphore_mem>>
      %dma_start3A_151 = arith.constant 0 : i32
      %dma_start3A_152 = tpu.memref_slice %arg27[%add3A_130, %dma_start3A_151] : memref<10240x128xf32, #tpu.memory_space<vmem_shared>> -> memref<64x128xf32, #tpu.memory_space<vmem_shared>>
      %dma_start3A_153 = arith.constant 0 : i32
      %dma_start3A_154 = tpu.memref_slice %arg27[%add3A_130, %dma_start3A_153] : memref<10240x128xf32, #tpu.memory_space<vmem_shared>> -> memref<64x128xf32, #tpu.memory_space<vmem_shared>>
      tpu.enqueue_dma source(%dma_start3A_154 : memref<64x128xf32, #tpu.memory_space<vmem_shared>>) target(%arg15 : memref<64x128xf32, #tpu.memory_space<vmem>>) target_semaphore(%run_scoped3A : memref<!tpu.dma_semaphore, #tpu.memory_space<semaphore_mem>>)
      %dma_wait3A_155 = arith.constant 0 : i32
      %dma_wait3A_156 = tpu.memref_slice %arg27[%add3A_130, %dma_wait3A_155] : memref<10240x128xf32, #tpu.memory_space<vmem_shared>> -> memref<64x128xf32, #tpu.memory_space<vmem_shared>>
      %dma_wait3A_157 = arith.constant 0 : i32
      %dma_wait3A_158 = tpu.memref_slice %arg27[%add3A_130, %dma_wait3A_157] : memref<10240x128xf32, #tpu.memory_space<vmem_shared>> -> memref<64x128xf32, #tpu.memory_space<vmem_shared>>
      tpu.wait_dma2 semaphore(%run_scoped3A : memref<!tpu.dma_semaphore, #tpu.memory_space<semaphore_mem>>) src(%dma_wait3A_158 : memref<64x128xf32, #tpu.memory_space<vmem_shared>>) dst(%arg15 : memref<64x128xf32, #tpu.memory_space<vmem>>)
      tpu.yield
    }) : () -> ()
    "tpu.region"() ({
      %run_scoped3A = tpu.sem_alloc : memref<!tpu.dma_semaphore, #tpu.memory_space<semaphore_mem>>
      %dma_start3A_151 = arith.constant 0 : i32
      %dma_start3A_152 = tpu.memref_slice %arg7[%arg0, %add3A_130, %dma_start3A_151] : memref<2x10240x128xf32, #tpu.memory_space<hbm>> -> memref<1x64x128xf32, #tpu.memory_space<hbm>>
      %dma_start3A_153 = tpu.memref_squeeze %dma_start3A_152 : memref<1x64x128xf32, #tpu.memory_space<hbm>> -> memref<64x128xf32, #tpu.memory_space<hbm>>
      %dma_start3A_154 = arith.constant 0 : i32
      %dma_start3A_155 = tpu.memref_slice %arg7[%arg0, %add3A_130, %dma_start3A_154] : memref<2x10240x128xf32, #tpu.memory_space<hbm>> -> memref<1x64x128xf32, #tpu.memory_space<hbm>>
      %dma_start3A_156 = tpu.memref_squeeze %dma_start3A_155 : memref<1x64x128xf32, #tpu.memory_space<hbm>> -> memref<64x128xf32, #tpu.memory_space<hbm>>
      tpu.enqueue_dma source(%arg15 : memref<64x128xf32, #tpu.memory_space<vmem>>) target(%dma_start3A_156 : memref<64x128xf32, #tpu.memory_space<hbm>>) target_semaphore(%run_scoped3A : memref<!tpu.dma_semaphore, #tpu.memory_space<semaphore_mem>>)
      %dma_wait3A_157 = arith.constant 0 : i32
      %dma_wait3A_158 = tpu.memref_slice %arg7[%arg0, %add3A_130, %dma_wait3A_157] : memref<2x10240x128xf32, #tpu.memory_space<hbm>> -> memref<1x64x128xf32, #tpu.memory_space<hbm>>
      %dma_wait3A_159 = tpu.memref_squeeze %dma_wait3A_158 : memref<1x64x128xf32, #tpu.memory_space<hbm>> -> memref<64x128xf32, #tpu.memory_space<hbm>>
      %dma_wait3A_160 = arith.constant 0 : i32
      %dma_wait3A_161 = tpu.memref_slice %arg7[%arg0, %add3A_130, %dma_wait3A_160] : memref<2x10240x128xf32, #tpu.memory_space<hbm>> -> memref<1x64x128xf32, #tpu.memory_space<hbm>>
      %dma_wait3A_162 = tpu.memref_squeeze %dma_wait3A_161 : memref<1x64x128xf32, #tpu.memory_space<hbm>> -> memref<64x128xf32, #tpu.memory_space<hbm>>
      tpu.wait_dma2 semaphore(%run_scoped3A : memref<!tpu.dma_semaphore, #tpu.memory_space<semaphore_mem>>) src(%arg15 : memref<64x128xf32, #tpu.memory_space<vmem>>) dst(%dma_wait3A_162 : memref<64x128xf32, #tpu.memory_space<hbm>>)
      tpu.yield
    }) : () -> ()
    "tpu.region"() ({
      %run_scoped3A = tpu.sem_alloc : memref<!tpu.dma_semaphore, #tpu.memory_space<semaphore_mem>>
      %dma_start3A_151 = arith.constant 0 : i32
      %dma_start3A_152 = tpu.memref_slice %arg28[%add3A_130, %dma_start3A_151] : memref<10240x16xf32, #tpu.memory_space<vmem_shared>> -> memref<64x16xf32, #tpu.memory_space<vmem_shared>>
      %dma_start3A_153 = arith.constant 0 : i32
      %dma_start3A_154 = tpu.memref_slice %arg28[%add3A_130, %dma_start3A_153] : memref<10240x16xf32, #tpu.memory_space<vmem_shared>> -> memref<64x16xf32, #tpu.memory_space<vmem_shared>>
      tpu.enqueue_dma source(%dma_start3A_154 : memref<64x16xf32, #tpu.memory_space<vmem_shared>>) target(%arg24 : memref<64x16xf32, #tpu.memory_space<vmem>>) target_semaphore(%run_scoped3A : memref<!tpu.dma_semaphore, #tpu.memory_space<semaphore_mem>>)
      %dma_wait3A_155 = arith.constant 0 : i32
      %dma_wait3A_156 = tpu.memref_slice %arg28[%add3A_130, %dma_wait3A_155] : memref<10240x16xf32, #tpu.memory_space<vmem_shared>> -> memref<64x16xf32, #tpu.memory_space<vmem_shared>>
      %dma_wait3A_157 = arith.constant 0 : i32
      %dma_wait3A_158 = tpu.memref_slice %arg28[%add3A_130, %dma_wait3A_157] : memref<10240x16xf32, #tpu.memory_space<vmem_shared>> -> memref<64x16xf32, #tpu.memory_space<vmem_shared>>
      tpu.wait_dma2 semaphore(%run_scoped3A : memref<!tpu.dma_semaphore, #tpu.memory_space<semaphore_mem>>) src(%dma_wait3A_158 : memref<64x16xf32, #tpu.memory_space<vmem_shared>>) dst(%arg24 : memref<64x16xf32, #tpu.memory_space<vmem>>)
      tpu.yield
    }) : () -> ()
    "tpu.region"() ({
      %run_scoped3A = tpu.sem_alloc : memref<!tpu.dma_semaphore, #tpu.memory_space<semaphore_mem>>
      %dma_start3A_151 = arith.constant 0 : i32
      %dma_start3A_152 = tpu.memref_slice %arg8[%arg0, %add3A_130, %dma_start3A_151] : memref<2x10240x16xf32, #tpu.memory_space<hbm>> -> memref<1x64x16xf32, #tpu.memory_space<hbm>>
      %dma_start3A_153 = tpu.memref_squeeze %dma_start3A_152 : memref<1x64x16xf32, #tpu.memory_space<hbm>> -> memref<64x16xf32, #tpu.memory_space<hbm>>
      %dma_start3A_154 = arith.constant 0 : i32
      %dma_start3A_155 = tpu.memref_slice %arg8[%arg0, %add3A_130, %dma_start3A_154] : memref<2x10240x16xf32, #tpu.memory_space<hbm>> -> memref<1x64x16xf32, #tpu.memory_space<hbm>>
      %dma_start3A_156 = tpu.memref_squeeze %dma_start3A_155 : memref<1x64x16xf32, #tpu.memory_space<hbm>> -> memref<64x16xf32, #tpu.memory_space<hbm>>
      tpu.enqueue_dma source(%arg24 : memref<64x16xf32, #tpu.memory_space<vmem>>) target(%dma_start3A_156 : memref<64x16xf32, #tpu.memory_space<hbm>>) target_semaphore(%run_scoped3A : memref<!tpu.dma_semaphore, #tpu.memory_space<semaphore_mem>>)
      %dma_wait3A_157 = arith.constant 0 : i32
      %dma_wait3A_158 = tpu.memref_slice %arg8[%arg0, %add3A_130, %dma_wait3A_157] : memref<2x10240x16xf32, #tpu.memory_space<hbm>> -> memref<1x64x16xf32, #tpu.memory_space<hbm>>
      %dma_wait3A_159 = tpu.memref_squeeze %dma_wait3A_158 : memref<1x64x16xf32, #tpu.memory_space<hbm>> -> memref<64x16xf32, #tpu.memory_space<hbm>>
      %dma_wait3A_160 = arith.constant 0 : i32
      %dma_wait3A_161 = tpu.memref_slice %arg8[%arg0, %add3A_130, %dma_wait3A_160] : memref<2x10240x16xf32, #tpu.memory_space<hbm>> -> memref<1x64x16xf32, #tpu.memory_space<hbm>>
      %dma_wait3A_162 = tpu.memref_squeeze %dma_wait3A_161 : memref<1x64x16xf32, #tpu.memory_space<hbm>> -> memref<64x16xf32, #tpu.memory_space<hbm>>
      tpu.wait_dma2 semaphore(%run_scoped3A : memref<!tpu.dma_semaphore, #tpu.memory_space<semaphore_mem>>) src(%arg24 : memref<64x16xf32, #tpu.memory_space<vmem>>) dst(%dma_wait3A_162 : memref<64x16xf32, #tpu.memory_space<hbm>>)
      tpu.yield
    }) : () -> ()
    %mul3A_131 = arith.constant 640 : i32
    %mul3A_132 = arith.muli %arg1, %mul3A_131 : i32
    %add3A_133 = arith.constant 320 : i32
    %add3A_134 = arith.addi %mul3A_132, %add3A_133 : i32
    "tpu.region"() ({
      %run_scoped3A = tpu.sem_alloc : memref<!tpu.dma_semaphore, #tpu.memory_space<semaphore_mem>>
      %dma_start3A_151 = arith.constant 0 : i32
      %dma_start3A_152 = tpu.memref_slice %arg27[%add3A_134, %dma_start3A_151] : memref<10240x128xf32, #tpu.memory_space<vmem_shared>> -> memref<64x128xf32, #tpu.memory_space<vmem_shared>>
      %dma_start3A_153 = arith.constant 0 : i32
      %dma_start3A_154 = tpu.memref_slice %arg27[%add3A_134, %dma_start3A_153] : memref<10240x128xf32, #tpu.memory_space<vmem_shared>> -> memref<64x128xf32, #tpu.memory_space<vmem_shared>>
      tpu.enqueue_dma source(%dma_start3A_154 : memref<64x128xf32, #tpu.memory_space<vmem_shared>>) target(%arg15 : memref<64x128xf32, #tpu.memory_space<vmem>>) target_semaphore(%run_scoped3A : memref<!tpu.dma_semaphore, #tpu.memory_space<semaphore_mem>>)
      %dma_wait3A_155 = arith.constant 0 : i32
      %dma_wait3A_156 = tpu.memref_slice %arg27[%add3A_134, %dma_wait3A_155] : memref<10240x128xf32, #tpu.memory_space<vmem_shared>> -> memref<64x128xf32, #tpu.memory_space<vmem_shared>>
      %dma_wait3A_157 = arith.constant 0 : i32
      %dma_wait3A_158 = tpu.memref_slice %arg27[%add3A_134, %dma_wait3A_157] : memref<10240x128xf32, #tpu.memory_space<vmem_shared>> -> memref<64x128xf32, #tpu.memory_space<vmem_shared>>
      tpu.wait_dma2 semaphore(%run_scoped3A : memref<!tpu.dma_semaphore, #tpu.memory_space<semaphore_mem>>) src(%dma_wait3A_158 : memref<64x128xf32, #tpu.memory_space<vmem_shared>>) dst(%arg15 : memref<64x128xf32, #tpu.memory_space<vmem>>)
      tpu.yield
    }) : () -> ()
    "tpu.region"() ({
      %run_scoped3A = tpu.sem_alloc : memref<!tpu.dma_semaphore, #tpu.memory_space<semaphore_mem>>
      %dma_start3A_151 = arith.constant 0 : i32
      %dma_start3A_152 = tpu.memref_slice %arg7[%arg0, %add3A_134, %dma_start3A_151] : memref<2x10240x128xf32, #tpu.memory_space<hbm>> -> memref<1x64x128xf32, #tpu.memory_space<hbm>>
      %dma_start3A_153 = tpu.memref_squeeze %dma_start3A_152 : memref<1x64x128xf32, #tpu.memory_space<hbm>> -> memref<64x128xf32, #tpu.memory_space<hbm>>
      %dma_start3A_154 = arith.constant 0 : i32
      %dma_start3A_155 = tpu.memref_slice %arg7[%arg0, %add3A_134, %dma_start3A_154] : memref<2x10240x128xf32, #tpu.memory_space<hbm>> -> memref<1x64x128xf32, #tpu.memory_space<hbm>>
      %dma_start3A_156 = tpu.memref_squeeze %dma_start3A_155 : memref<1x64x128xf32, #tpu.memory_space<hbm>> -> memref<64x128xf32, #tpu.memory_space<hbm>>
      tpu.enqueue_dma source(%arg15 : memref<64x128xf32, #tpu.memory_space<vmem>>) target(%dma_start3A_156 : memref<64x128xf32, #tpu.memory_space<hbm>>) target_semaphore(%run_scoped3A : memref<!tpu.dma_semaphore, #tpu.memory_space<semaphore_mem>>)
      %dma_wait3A_157 = arith.constant 0 : i32
      %dma_wait3A_158 = tpu.memref_slice %arg7[%arg0, %add3A_134, %dma_wait3A_157] : memref<2x10240x128xf32, #tpu.memory_space<hbm>> -> memref<1x64x128xf32, #tpu.memory_space<hbm>>
      %dma_wait3A_159 = tpu.memref_squeeze %dma_wait3A_158 : memref<1x64x128xf32, #tpu.memory_space<hbm>> -> memref<64x128xf32, #tpu.memory_space<hbm>>
      %dma_wait3A_160 = arith.constant 0 : i32
      %dma_wait3A_161 = tpu.memref_slice %arg7[%arg0, %add3A_134, %dma_wait3A_160] : memref<2x10240x128xf32, #tpu.memory_space<hbm>> -> memref<1x64x128xf32, #tpu.memory_space<hbm>>
      %dma_wait3A_162 = tpu.memref_squeeze %dma_wait3A_161 : memref<1x64x128xf32, #tpu.memory_space<hbm>> -> memref<64x128xf32, #tpu.memory_space<hbm>>
      tpu.wait_dma2 semaphore(%run_scoped3A : memref<!tpu.dma_semaphore, #tpu.memory_space<semaphore_mem>>) src(%arg15 : memref<64x128xf32, #tpu.memory_space<vmem>>) dst(%dma_wait3A_162 : memref<64x128xf32, #tpu.memory_space<hbm>>)
      tpu.yield
    }) : () -> ()
    "tpu.region"() ({
      %run_scoped3A = tpu.sem_alloc : memref<!tpu.dma_semaphore, #tpu.memory_space<semaphore_mem>>
      %dma_start3A_151 = arith.constant 0 : i32
      %dma_start3A_152 = tpu.memref_slice %arg28[%add3A_134, %dma_start3A_151] : memref<10240x16xf32, #tpu.memory_space<vmem_shared>> -> memref<64x16xf32, #tpu.memory_space<vmem_shared>>
      %dma_start3A_153 = arith.constant 0 : i32
      %dma_start3A_154 = tpu.memref_slice %arg28[%add3A_134, %dma_start3A_153] : memref<10240x16xf32, #tpu.memory_space<vmem_shared>> -> memref<64x16xf32, #tpu.memory_space<vmem_shared>>
      tpu.enqueue_dma source(%dma_start3A_154 : memref<64x16xf32, #tpu.memory_space<vmem_shared>>) target(%arg24 : memref<64x16xf32, #tpu.memory_space<vmem>>) target_semaphore(%run_scoped3A : memref<!tpu.dma_semaphore, #tpu.memory_space<semaphore_mem>>)
      %dma_wait3A_155 = arith.constant 0 : i32
      %dma_wait3A_156 = tpu.memref_slice %arg28[%add3A_134, %dma_wait3A_155] : memref<10240x16xf32, #tpu.memory_space<vmem_shared>> -> memref<64x16xf32, #tpu.memory_space<vmem_shared>>
      %dma_wait3A_157 = arith.constant 0 : i32
      %dma_wait3A_158 = tpu.memref_slice %arg28[%add3A_134, %dma_wait3A_157] : memref<10240x16xf32, #tpu.memory_space<vmem_shared>> -> memref<64x16xf32, #tpu.memory_space<vmem_shared>>
      tpu.wait_dma2 semaphore(%run_scoped3A : memref<!tpu.dma_semaphore, #tpu.memory_space<semaphore_mem>>) src(%dma_wait3A_158 : memref<64x16xf32, #tpu.memory_space<vmem_shared>>) dst(%arg24 : memref<64x16xf32, #tpu.memory_space<vmem>>)
      tpu.yield
    }) : () -> ()
    "tpu.region"() ({
      %run_scoped3A = tpu.sem_alloc : memref<!tpu.dma_semaphore, #tpu.memory_space<semaphore_mem>>
      %dma_start3A_151 = arith.constant 0 : i32
      %dma_start3A_152 = tpu.memref_slice %arg8[%arg0, %add3A_134, %dma_start3A_151] : memref<2x10240x16xf32, #tpu.memory_space<hbm>> -> memref<1x64x16xf32, #tpu.memory_space<hbm>>
      %dma_start3A_153 = tpu.memref_squeeze %dma_start3A_152 : memref<1x64x16xf32, #tpu.memory_space<hbm>> -> memref<64x16xf32, #tpu.memory_space<hbm>>
      %dma_start3A_154 = arith.constant 0 : i32
      %dma_start3A_155 = tpu.memref_slice %arg8[%arg0, %add3A_134, %dma_start3A_154] : memref<2x10240x16xf32, #tpu.memory_space<hbm>> -> memref<1x64x16xf32, #tpu.memory_space<hbm>>
      %dma_start3A_156 = tpu.memref_squeeze %dma_start3A_155 : memref<1x64x16xf32, #tpu.memory_space<hbm>> -> memref<64x16xf32, #tpu.memory_space<hbm>>
      tpu.enqueue_dma source(%arg24 : memref<64x16xf32, #tpu.memory_space<vmem>>) target(%dma_start3A_156 : memref<64x16xf32, #tpu.memory_space<hbm>>) target_semaphore(%run_scoped3A : memref<!tpu.dma_semaphore, #tpu.memory_space<semaphore_mem>>)
      %dma_wait3A_157 = arith.constant 0 : i32
      %dma_wait3A_158 = tpu.memref_slice %arg8[%arg0, %add3A_134, %dma_wait3A_157] : memref<2x10240x16xf32, #tpu.memory_space<hbm>> -> memref<1x64x16xf32, #tpu.memory_space<hbm>>
      %dma_wait3A_159 = tpu.memref_squeeze %dma_wait3A_158 : memref<1x64x16xf32, #tpu.memory_space<hbm>> -> memref<64x16xf32, #tpu.memory_space<hbm>>
      %dma_wait3A_160 = arith.constant 0 : i32
      %dma_wait3A_161 = tpu.memref_slice %arg8[%arg0, %add3A_134, %dma_wait3A_160] : memref<2x10240x16xf32, #tpu.memory_space<hbm>> -> memref<1x64x16xf32, #tpu.memory_space<hbm>>
      %dma_wait3A_162 = tpu.memref_squeeze %dma_wait3A_161 : memref<1x64x16xf32, #tpu.memory_space<hbm>> -> memref<64x16xf32, #tpu.memory_space<hbm>>
      tpu.wait_dma2 semaphore(%run_scoped3A : memref<!tpu.dma_semaphore, #tpu.memory_space<semaphore_mem>>) src(%arg24 : memref<64x16xf32, #tpu.memory_space<vmem>>) dst(%dma_wait3A_162 : memref<64x16xf32, #tpu.memory_space<hbm>>)
      tpu.yield
    }) : () -> ()
    %mul3A_135 = arith.constant 640 : i32
    %mul3A_136 = arith.muli %arg1, %mul3A_135 : i32
    %add3A_137 = arith.constant 384 : i32
    %add3A_138 = arith.addi %mul3A_136, %add3A_137 : i32
    "tpu.region"() ({
      %run_scoped3A = tpu.sem_alloc : memref<!tpu.dma_semaphore, #tpu.memory_space<semaphore_mem>>
      %dma_start3A_151 = arith.constant 0 : i32
      %dma_start3A_152 = tpu.memref_slice %arg27[%add3A_138, %dma_start3A_151] : memref<10240x128xf32, #tpu.memory_space<vmem_shared>> -> memref<64x128xf32, #tpu.memory_space<vmem_shared>>
      %dma_start3A_153 = arith.constant 0 : i32
      %dma_start3A_154 = tpu.memref_slice %arg27[%add3A_138, %dma_start3A_153] : memref<10240x128xf32, #tpu.memory_space<vmem_shared>> -> memref<64x128xf32, #tpu.memory_space<vmem_shared>>
      tpu.enqueue_dma source(%dma_start3A_154 : memref<64x128xf32, #tpu.memory_space<vmem_shared>>) target(%arg15 : memref<64x128xf32, #tpu.memory_space<vmem>>) target_semaphore(%run_scoped3A : memref<!tpu.dma_semaphore, #tpu.memory_space<semaphore_mem>>)
      %dma_wait3A_155 = arith.constant 0 : i32
      %dma_wait3A_156 = tpu.memref_slice %arg27[%add3A_138, %dma_wait3A_155] : memref<10240x128xf32, #tpu.memory_space<vmem_shared>> -> memref<64x128xf32, #tpu.memory_space<vmem_shared>>
      %dma_wait3A_157 = arith.constant 0 : i32
      %dma_wait3A_158 = tpu.memref_slice %arg27[%add3A_138, %dma_wait3A_157] : memref<10240x128xf32, #tpu.memory_space<vmem_shared>> -> memref<64x128xf32, #tpu.memory_space<vmem_shared>>
      tpu.wait_dma2 semaphore(%run_scoped3A : memref<!tpu.dma_semaphore, #tpu.memory_space<semaphore_mem>>) src(%dma_wait3A_158 : memref<64x128xf32, #tpu.memory_space<vmem_shared>>) dst(%arg15 : memref<64x128xf32, #tpu.memory_space<vmem>>)
      tpu.yield
    }) : () -> ()
    "tpu.region"() ({
      %run_scoped3A = tpu.sem_alloc : memref<!tpu.dma_semaphore, #tpu.memory_space<semaphore_mem>>
      %dma_start3A_151 = arith.constant 0 : i32
      %dma_start3A_152 = tpu.memref_slice %arg7[%arg0, %add3A_138, %dma_start3A_151] : memref<2x10240x128xf32, #tpu.memory_space<hbm>> -> memref<1x64x128xf32, #tpu.memory_space<hbm>>
      %dma_start3A_153 = tpu.memref_squeeze %dma_start3A_152 : memref<1x64x128xf32, #tpu.memory_space<hbm>> -> memref<64x128xf32, #tpu.memory_space<hbm>>
      %dma_start3A_154 = arith.constant 0 : i32
      %dma_start3A_155 = tpu.memref_slice %arg7[%arg0, %add3A_138, %dma_start3A_154] : memref<2x10240x128xf32, #tpu.memory_space<hbm>> -> memref<1x64x128xf32, #tpu.memory_space<hbm>>
      %dma_start3A_156 = tpu.memref_squeeze %dma_start3A_155 : memref<1x64x128xf32, #tpu.memory_space<hbm>> -> memref<64x128xf32, #tpu.memory_space<hbm>>
      tpu.enqueue_dma source(%arg15 : memref<64x128xf32, #tpu.memory_space<vmem>>) target(%dma_start3A_156 : memref<64x128xf32, #tpu.memory_space<hbm>>) target_semaphore(%run_scoped3A : memref<!tpu.dma_semaphore, #tpu.memory_space<semaphore_mem>>)
      %dma_wait3A_157 = arith.constant 0 : i32
      %dma_wait3A_158 = tpu.memref_slice %arg7[%arg0, %add3A_138, %dma_wait3A_157] : memref<2x10240x128xf32, #tpu.memory_space<hbm>> -> memref<1x64x128xf32, #tpu.memory_space<hbm>>
      %dma_wait3A_159 = tpu.memref_squeeze %dma_wait3A_158 : memref<1x64x128xf32, #tpu.memory_space<hbm>> -> memref<64x128xf32, #tpu.memory_space<hbm>>
      %dma_wait3A_160 = arith.constant 0 : i32
      %dma_wait3A_161 = tpu.memref_slice %arg7[%arg0, %add3A_138, %dma_wait3A_160] : memref<2x10240x128xf32, #tpu.memory_space<hbm>> -> memref<1x64x128xf32, #tpu.memory_space<hbm>>
      %dma_wait3A_162 = tpu.memref_squeeze %dma_wait3A_161 : memref<1x64x128xf32, #tpu.memory_space<hbm>> -> memref<64x128xf32, #tpu.memory_space<hbm>>
      tpu.wait_dma2 semaphore(%run_scoped3A : memref<!tpu.dma_semaphore, #tpu.memory_space<semaphore_mem>>) src(%arg15 : memref<64x128xf32, #tpu.memory_space<vmem>>) dst(%dma_wait3A_162 : memref<64x128xf32, #tpu.memory_space<hbm>>)
      tpu.yield
    }) : () -> ()
    "tpu.region"() ({
      %run_scoped3A = tpu.sem_alloc : memref<!tpu.dma_semaphore, #tpu.memory_space<semaphore_mem>>
      %dma_start3A_151 = arith.constant 0 : i32
      %dma_start3A_152 = tpu.memref_slice %arg28[%add3A_138, %dma_start3A_151] : memref<10240x16xf32, #tpu.memory_space<vmem_shared>> -> memref<64x16xf32, #tpu.memory_space<vmem_shared>>
      %dma_start3A_153 = arith.constant 0 : i32
      %dma_start3A_154 = tpu.memref_slice %arg28[%add3A_138, %dma_start3A_153] : memref<10240x16xf32, #tpu.memory_space<vmem_shared>> -> memref<64x16xf32, #tpu.memory_space<vmem_shared>>
      tpu.enqueue_dma source(%dma_start3A_154 : memref<64x16xf32, #tpu.memory_space<vmem_shared>>) target(%arg24 : memref<64x16xf32, #tpu.memory_space<vmem>>) target_semaphore(%run_scoped3A : memref<!tpu.dma_semaphore, #tpu.memory_space<semaphore_mem>>)
      %dma_wait3A_155 = arith.constant 0 : i32
      %dma_wait3A_156 = tpu.memref_slice %arg28[%add3A_138, %dma_wait3A_155] : memref<10240x16xf32, #tpu.memory_space<vmem_shared>> -> memref<64x16xf32, #tpu.memory_space<vmem_shared>>
      %dma_wait3A_157 = arith.constant 0 : i32
      %dma_wait3A_158 = tpu.memref_slice %arg28[%add3A_138, %dma_wait3A_157] : memref<10240x16xf32, #tpu.memory_space<vmem_shared>> -> memref<64x16xf32, #tpu.memory_space<vmem_shared>>
      tpu.wait_dma2 semaphore(%run_scoped3A : memref<!tpu.dma_semaphore, #tpu.memory_space<semaphore_mem>>) src(%dma_wait3A_158 : memref<64x16xf32, #tpu.memory_space<vmem_shared>>) dst(%arg24 : memref<64x16xf32, #tpu.memory_space<vmem>>)
      tpu.yield
    }) : () -> ()
    "tpu.region"() ({
      %run_scoped3A = tpu.sem_alloc : memref<!tpu.dma_semaphore, #tpu.memory_space<semaphore_mem>>
      %dma_start3A_151 = arith.constant 0 : i32
      %dma_start3A_152 = tpu.memref_slice %arg8[%arg0, %add3A_138, %dma_start3A_151] : memref<2x10240x16xf32, #tpu.memory_space<hbm>> -> memref<1x64x16xf32, #tpu.memory_space<hbm>>
      %dma_start3A_153 = tpu.memref_squeeze %dma_start3A_152 : memref<1x64x16xf32, #tpu.memory_space<hbm>> -> memref<64x16xf32, #tpu.memory_space<hbm>>
      %dma_start3A_154 = arith.constant 0 : i32
      %dma_start3A_155 = tpu.memref_slice %arg8[%arg0, %add3A_138, %dma_start3A_154] : memref<2x10240x16xf32, #tpu.memory_space<hbm>> -> memref<1x64x16xf32, #tpu.memory_space<hbm>>
      %dma_start3A_156 = tpu.memref_squeeze %dma_start3A_155 : memref<1x64x16xf32, #tpu.memory_space<hbm>> -> memref<64x16xf32, #tpu.memory_space<hbm>>
      tpu.enqueue_dma source(%arg24 : memref<64x16xf32, #tpu.memory_space<vmem>>) target(%dma_start3A_156 : memref<64x16xf32, #tpu.memory_space<hbm>>) target_semaphore(%run_scoped3A : memref<!tpu.dma_semaphore, #tpu.memory_space<semaphore_mem>>)
      %dma_wait3A_157 = arith.constant 0 : i32
      %dma_wait3A_158 = tpu.memref_slice %arg8[%arg0, %add3A_138, %dma_wait3A_157] : memref<2x10240x16xf32, #tpu.memory_space<hbm>> -> memref<1x64x16xf32, #tpu.memory_space<hbm>>
      %dma_wait3A_159 = tpu.memref_squeeze %dma_wait3A_158 : memref<1x64x16xf32, #tpu.memory_space<hbm>> -> memref<64x16xf32, #tpu.memory_space<hbm>>
      %dma_wait3A_160 = arith.constant 0 : i32
      %dma_wait3A_161 = tpu.memref_slice %arg8[%arg0, %add3A_138, %dma_wait3A_160] : memref<2x10240x16xf32, #tpu.memory_space<hbm>> -> memref<1x64x16xf32, #tpu.memory_space<hbm>>
      %dma_wait3A_162 = tpu.memref_squeeze %dma_wait3A_161 : memref<1x64x16xf32, #tpu.memory_space<hbm>> -> memref<64x16xf32, #tpu.memory_space<hbm>>
      tpu.wait_dma2 semaphore(%run_scoped3A : memref<!tpu.dma_semaphore, #tpu.memory_space<semaphore_mem>>) src(%arg24 : memref<64x16xf32, #tpu.memory_space<vmem>>) dst(%dma_wait3A_162 : memref<64x16xf32, #tpu.memory_space<hbm>>)
      tpu.yield
    }) : () -> ()
    %mul3A_139 = arith.constant 640 : i32
    %mul3A_140 = arith.muli %arg1, %mul3A_139 : i32
    %add3A_141 = arith.constant 448 : i32
    %add3A_142 = arith.addi %mul3A_140, %add3A_141 : i32
    "tpu.region"() ({
      %run_scoped3A = tpu.sem_alloc : memref<!tpu.dma_semaphore, #tpu.memory_space<semaphore_mem>>
      %dma_start3A_151 = arith.constant 0 : i32
      %dma_start3A_152 = tpu.memref_slice %arg27[%add3A_142, %dma_start3A_151] : memref<10240x128xf32, #tpu.memory_space<vmem_shared>> -> memref<64x128xf32, #tpu.memory_space<vmem_shared>>
      %dma_start3A_153 = arith.constant 0 : i32
      %dma_start3A_154 = tpu.memref_slice %arg27[%add3A_142, %dma_start3A_153] : memref<10240x128xf32, #tpu.memory_space<vmem_shared>> -> memref<64x128xf32, #tpu.memory_space<vmem_shared>>
      tpu.enqueue_dma source(%dma_start3A_154 : memref<64x128xf32, #tpu.memory_space<vmem_shared>>) target(%arg15 : memref<64x128xf32, #tpu.memory_space<vmem>>) target_semaphore(%run_scoped3A : memref<!tpu.dma_semaphore, #tpu.memory_space<semaphore_mem>>)
      %dma_wait3A_155 = arith.constant 0 : i32
      %dma_wait3A_156 = tpu.memref_slice %arg27[%add3A_142, %dma_wait3A_155] : memref<10240x128xf32, #tpu.memory_space<vmem_shared>> -> memref<64x128xf32, #tpu.memory_space<vmem_shared>>
      %dma_wait3A_157 = arith.constant 0 : i32
      %dma_wait3A_158 = tpu.memref_slice %arg27[%add3A_142, %dma_wait3A_157] : memref<10240x128xf32, #tpu.memory_space<vmem_shared>> -> memref<64x128xf32, #tpu.memory_space<vmem_shared>>
      tpu.wait_dma2 semaphore(%run_scoped3A : memref<!tpu.dma_semaphore, #tpu.memory_space<semaphore_mem>>) src(%dma_wait3A_158 : memref<64x128xf32, #tpu.memory_space<vmem_shared>>) dst(%arg15 : memref<64x128xf32, #tpu.memory_space<vmem>>)
      tpu.yield
    }) : () -> ()
    "tpu.region"() ({
      %run_scoped3A = tpu.sem_alloc : memref<!tpu.dma_semaphore, #tpu.memory_space<semaphore_mem>>
      %dma_start3A_151 = arith.constant 0 : i32
      %dma_start3A_152 = tpu.memref_slice %arg7[%arg0, %add3A_142, %dma_start3A_151] : memref<2x10240x128xf32, #tpu.memory_space<hbm>> -> memref<1x64x128xf32, #tpu.memory_space<hbm>>
      %dma_start3A_153 = tpu.memref_squeeze %dma_start3A_152 : memref<1x64x128xf32, #tpu.memory_space<hbm>> -> memref<64x128xf32, #tpu.memory_space<hbm>>
      %dma_start3A_154 = arith.constant 0 : i32
      %dma_start3A_155 = tpu.memref_slice %arg7[%arg0, %add3A_142, %dma_start3A_154] : memref<2x10240x128xf32, #tpu.memory_space<hbm>> -> memref<1x64x128xf32, #tpu.memory_space<hbm>>
      %dma_start3A_156 = tpu.memref_squeeze %dma_start3A_155 : memref<1x64x128xf32, #tpu.memory_space<hbm>> -> memref<64x128xf32, #tpu.memory_space<hbm>>
      tpu.enqueue_dma source(%arg15 : memref<64x128xf32, #tpu.memory_space<vmem>>) target(%dma_start3A_156 : memref<64x128xf32, #tpu.memory_space<hbm>>) target_semaphore(%run_scoped3A : memref<!tpu.dma_semaphore, #tpu.memory_space<semaphore_mem>>)
      %dma_wait3A_157 = arith.constant 0 : i32
      %dma_wait3A_158 = tpu.memref_slice %arg7[%arg0, %add3A_142, %dma_wait3A_157] : memref<2x10240x128xf32, #tpu.memory_space<hbm>> -> memref<1x64x128xf32, #tpu.memory_space<hbm>>
      %dma_wait3A_159 = tpu.memref_squeeze %dma_wait3A_158 : memref<1x64x128xf32, #tpu.memory_space<hbm>> -> memref<64x128xf32, #tpu.memory_space<hbm>>
      %dma_wait3A_160 = arith.constant 0 : i32
      %dma_wait3A_161 = tpu.memref_slice %arg7[%arg0, %add3A_142, %dma_wait3A_160] : memref<2x10240x128xf32, #tpu.memory_space<hbm>> -> memref<1x64x128xf32, #tpu.memory_space<hbm>>
      %dma_wait3A_162 = tpu.memref_squeeze %dma_wait3A_161 : memref<1x64x128xf32, #tpu.memory_space<hbm>> -> memref<64x128xf32, #tpu.memory_space<hbm>>
      tpu.wait_dma2 semaphore(%run_scoped3A : memref<!tpu.dma_semaphore, #tpu.memory_space<semaphore_mem>>) src(%arg15 : memref<64x128xf32, #tpu.memory_space<vmem>>) dst(%dma_wait3A_162 : memref<64x128xf32, #tpu.memory_space<hbm>>)
      tpu.yield
    }) : () -> ()
    "tpu.region"() ({
      %run_scoped3A = tpu.sem_alloc : memref<!tpu.dma_semaphore, #tpu.memory_space<semaphore_mem>>
      %dma_start3A_151 = arith.constant 0 : i32
      %dma_start3A_152 = tpu.memref_slice %arg28[%add3A_142, %dma_start3A_151] : memref<10240x16xf32, #tpu.memory_space<vmem_shared>> -> memref<64x16xf32, #tpu.memory_space<vmem_shared>>
      %dma_start3A_153 = arith.constant 0 : i32
      %dma_start3A_154 = tpu.memref_slice %arg28[%add3A_142, %dma_start3A_153] : memref<10240x16xf32, #tpu.memory_space<vmem_shared>> -> memref<64x16xf32, #tpu.memory_space<vmem_shared>>
      tpu.enqueue_dma source(%dma_start3A_154 : memref<64x16xf32, #tpu.memory_space<vmem_shared>>) target(%arg24 : memref<64x16xf32, #tpu.memory_space<vmem>>) target_semaphore(%run_scoped3A : memref<!tpu.dma_semaphore, #tpu.memory_space<semaphore_mem>>)
      %dma_wait3A_155 = arith.constant 0 : i32
      %dma_wait3A_156 = tpu.memref_slice %arg28[%add3A_142, %dma_wait3A_155] : memref<10240x16xf32, #tpu.memory_space<vmem_shared>> -> memref<64x16xf32, #tpu.memory_space<vmem_shared>>
      %dma_wait3A_157 = arith.constant 0 : i32
      %dma_wait3A_158 = tpu.memref_slice %arg28[%add3A_142, %dma_wait3A_157] : memref<10240x16xf32, #tpu.memory_space<vmem_shared>> -> memref<64x16xf32, #tpu.memory_space<vmem_shared>>
      tpu.wait_dma2 semaphore(%run_scoped3A : memref<!tpu.dma_semaphore, #tpu.memory_space<semaphore_mem>>) src(%dma_wait3A_158 : memref<64x16xf32, #tpu.memory_space<vmem_shared>>) dst(%arg24 : memref<64x16xf32, #tpu.memory_space<vmem>>)
      tpu.yield
    }) : () -> ()
    "tpu.region"() ({
      %run_scoped3A = tpu.sem_alloc : memref<!tpu.dma_semaphore, #tpu.memory_space<semaphore_mem>>
      %dma_start3A_151 = arith.constant 0 : i32
      %dma_start3A_152 = tpu.memref_slice %arg8[%arg0, %add3A_142, %dma_start3A_151] : memref<2x10240x16xf32, #tpu.memory_space<hbm>> -> memref<1x64x16xf32, #tpu.memory_space<hbm>>
      %dma_start3A_153 = tpu.memref_squeeze %dma_start3A_152 : memref<1x64x16xf32, #tpu.memory_space<hbm>> -> memref<64x16xf32, #tpu.memory_space<hbm>>
      %dma_start3A_154 = arith.constant 0 : i32
      %dma_start3A_155 = tpu.memref_slice %arg8[%arg0, %add3A_142, %dma_start3A_154] : memref<2x10240x16xf32, #tpu.memory_space<hbm>> -> memref<1x64x16xf32, #tpu.memory_space<hbm>>
      %dma_start3A_156 = tpu.memref_squeeze %dma_start3A_155 : memref<1x64x16xf32, #tpu.memory_space<hbm>> -> memref<64x16xf32, #tpu.memory_space<hbm>>
      tpu.enqueue_dma source(%arg24 : memref<64x16xf32, #tpu.memory_space<vmem>>) target(%dma_start3A_156 : memref<64x16xf32, #tpu.memory_space<hbm>>) target_semaphore(%run_scoped3A : memref<!tpu.dma_semaphore, #tpu.memory_space<semaphore_mem>>)
      %dma_wait3A_157 = arith.constant 0 : i32
      %dma_wait3A_158 = tpu.memref_slice %arg8[%arg0, %add3A_142, %dma_wait3A_157] : memref<2x10240x16xf32, #tpu.memory_space<hbm>> -> memref<1x64x16xf32, #tpu.memory_space<hbm>>
      %dma_wait3A_159 = tpu.memref_squeeze %dma_wait3A_158 : memref<1x64x16xf32, #tpu.memory_space<hbm>> -> memref<64x16xf32, #tpu.memory_space<hbm>>
      %dma_wait3A_160 = arith.constant 0 : i32
      %dma_wait3A_161 = tpu.memref_slice %arg8[%arg0, %add3A_142, %dma_wait3A_160] : memref<2x10240x16xf32, #tpu.memory_space<hbm>> -> memref<1x64x16xf32, #tpu.memory_space<hbm>>
      %dma_wait3A_162 = tpu.memref_squeeze %dma_wait3A_161 : memref<1x64x16xf32, #tpu.memory_space<hbm>> -> memref<64x16xf32, #tpu.memory_space<hbm>>
      tpu.wait_dma2 semaphore(%run_scoped3A : memref<!tpu.dma_semaphore, #tpu.memory_space<semaphore_mem>>) src(%arg24 : memref<64x16xf32, #tpu.memory_space<vmem>>) dst(%dma_wait3A_162 : memref<64x16xf32, #tpu.memory_space<hbm>>)
      tpu.yield
    }) : () -> ()
    %mul3A_143 = arith.constant 640 : i32
    %mul3A_144 = arith.muli %arg1, %mul3A_143 : i32
    %add3A_145 = arith.constant 512 : i32
    %add3A_146 = arith.addi %mul3A_144, %add3A_145 : i32
    "tpu.region"() ({
      %run_scoped3A = tpu.sem_alloc : memref<!tpu.dma_semaphore, #tpu.memory_space<semaphore_mem>>
      %dma_start3A_151 = arith.constant 0 : i32
      %dma_start3A_152 = tpu.memref_slice %arg27[%add3A_146, %dma_start3A_151] : memref<10240x128xf32, #tpu.memory_space<vmem_shared>> -> memref<64x128xf32, #tpu.memory_space<vmem_shared>>
      %dma_start3A_153 = arith.constant 0 : i32
      %dma_start3A_154 = tpu.memref_slice %arg27[%add3A_146, %dma_start3A_153] : memref<10240x128xf32, #tpu.memory_space<vmem_shared>> -> memref<64x128xf32, #tpu.memory_space<vmem_shared>>
      tpu.enqueue_dma source(%dma_start3A_154 : memref<64x128xf32, #tpu.memory_space<vmem_shared>>) target(%arg15 : memref<64x128xf32, #tpu.memory_space<vmem>>) target_semaphore(%run_scoped3A : memref<!tpu.dma_semaphore, #tpu.memory_space<semaphore_mem>>)
      %dma_wait3A_155 = arith.constant 0 : i32
      %dma_wait3A_156 = tpu.memref_slice %arg27[%add3A_146, %dma_wait3A_155] : memref<10240x128xf32, #tpu.memory_space<vmem_shared>> -> memref<64x128xf32, #tpu.memory_space<vmem_shared>>
      %dma_wait3A_157 = arith.constant 0 : i32
      %dma_wait3A_158 = tpu.memref_slice %arg27[%add3A_146, %dma_wait3A_157] : memref<10240x128xf32, #tpu.memory_space<vmem_shared>> -> memref<64x128xf32, #tpu.memory_space<vmem_shared>>
      tpu.wait_dma2 semaphore(%run_scoped3A : memref<!tpu.dma_semaphore, #tpu.memory_space<semaphore_mem>>) src(%dma_wait3A_158 : memref<64x128xf32, #tpu.memory_space<vmem_shared>>) dst(%arg15 : memref<64x128xf32, #tpu.memory_space<vmem>>)
      tpu.yield
    }) : () -> ()
    "tpu.region"() ({
      %run_scoped3A = tpu.sem_alloc : memref<!tpu.dma_semaphore, #tpu.memory_space<semaphore_mem>>
      %dma_start3A_151 = arith.constant 0 : i32
      %dma_start3A_152 = tpu.memref_slice %arg7[%arg0, %add3A_146, %dma_start3A_151] : memref<2x10240x128xf32, #tpu.memory_space<hbm>> -> memref<1x64x128xf32, #tpu.memory_space<hbm>>
      %dma_start3A_153 = tpu.memref_squeeze %dma_start3A_152 : memref<1x64x128xf32, #tpu.memory_space<hbm>> -> memref<64x128xf32, #tpu.memory_space<hbm>>
      %dma_start3A_154 = arith.constant 0 : i32
      %dma_start3A_155 = tpu.memref_slice %arg7[%arg0, %add3A_146, %dma_start3A_154] : memref<2x10240x128xf32, #tpu.memory_space<hbm>> -> memref<1x64x128xf32, #tpu.memory_space<hbm>>
      %dma_start3A_156 = tpu.memref_squeeze %dma_start3A_155 : memref<1x64x128xf32, #tpu.memory_space<hbm>> -> memref<64x128xf32, #tpu.memory_space<hbm>>
      tpu.enqueue_dma source(%arg15 : memref<64x128xf32, #tpu.memory_space<vmem>>) target(%dma_start3A_156 : memref<64x128xf32, #tpu.memory_space<hbm>>) target_semaphore(%run_scoped3A : memref<!tpu.dma_semaphore, #tpu.memory_space<semaphore_mem>>)
      %dma_wait3A_157 = arith.constant 0 : i32
      %dma_wait3A_158 = tpu.memref_slice %arg7[%arg0, %add3A_146, %dma_wait3A_157] : memref<2x10240x128xf32, #tpu.memory_space<hbm>> -> memref<1x64x128xf32, #tpu.memory_space<hbm>>
      %dma_wait3A_159 = tpu.memref_squeeze %dma_wait3A_158 : memref<1x64x128xf32, #tpu.memory_space<hbm>> -> memref<64x128xf32, #tpu.memory_space<hbm>>
      %dma_wait3A_160 = arith.constant 0 : i32
      %dma_wait3A_161 = tpu.memref_slice %arg7[%arg0, %add3A_146, %dma_wait3A_160] : memref<2x10240x128xf32, #tpu.memory_space<hbm>> -> memref<1x64x128xf32, #tpu.memory_space<hbm>>
      %dma_wait3A_162 = tpu.memref_squeeze %dma_wait3A_161 : memref<1x64x128xf32, #tpu.memory_space<hbm>> -> memref<64x128xf32, #tpu.memory_space<hbm>>
      tpu.wait_dma2 semaphore(%run_scoped3A : memref<!tpu.dma_semaphore, #tpu.memory_space<semaphore_mem>>) src(%arg15 : memref<64x128xf32, #tpu.memory_space<vmem>>) dst(%dma_wait3A_162 : memref<64x128xf32, #tpu.memory_space<hbm>>)
      tpu.yield
    }) : () -> ()
    "tpu.region"() ({
      %run_scoped3A = tpu.sem_alloc : memref<!tpu.dma_semaphore, #tpu.memory_space<semaphore_mem>>
      %dma_start3A_151 = arith.constant 0 : i32
      %dma_start3A_152 = tpu.memref_slice %arg28[%add3A_146, %dma_start3A_151] : memref<10240x16xf32, #tpu.memory_space<vmem_shared>> -> memref<64x16xf32, #tpu.memory_space<vmem_shared>>
      %dma_start3A_153 = arith.constant 0 : i32
      %dma_start3A_154 = tpu.memref_slice %arg28[%add3A_146, %dma_start3A_153] : memref<10240x16xf32, #tpu.memory_space<vmem_shared>> -> memref<64x16xf32, #tpu.memory_space<vmem_shared>>
      tpu.enqueue_dma source(%dma_start3A_154 : memref<64x16xf32, #tpu.memory_space<vmem_shared>>) target(%arg24 : memref<64x16xf32, #tpu.memory_space<vmem>>) target_semaphore(%run_scoped3A : memref<!tpu.dma_semaphore, #tpu.memory_space<semaphore_mem>>)
      %dma_wait3A_155 = arith.constant 0 : i32
      %dma_wait3A_156 = tpu.memref_slice %arg28[%add3A_146, %dma_wait3A_155] : memref<10240x16xf32, #tpu.memory_space<vmem_shared>> -> memref<64x16xf32, #tpu.memory_space<vmem_shared>>
      %dma_wait3A_157 = arith.constant 0 : i32
      %dma_wait3A_158 = tpu.memref_slice %arg28[%add3A_146, %dma_wait3A_157] : memref<10240x16xf32, #tpu.memory_space<vmem_shared>> -> memref<64x16xf32, #tpu.memory_space<vmem_shared>>
      tpu.wait_dma2 semaphore(%run_scoped3A : memref<!tpu.dma_semaphore, #tpu.memory_space<semaphore_mem>>) src(%dma_wait3A_158 : memref<64x16xf32, #tpu.memory_space<vmem_shared>>) dst(%arg24 : memref<64x16xf32, #tpu.memory_space<vmem>>)
      tpu.yield
    }) : () -> ()
    "tpu.region"() ({
      %run_scoped3A = tpu.sem_alloc : memref<!tpu.dma_semaphore, #tpu.memory_space<semaphore_mem>>
      %dma_start3A_151 = arith.constant 0 : i32
      %dma_start3A_152 = tpu.memref_slice %arg8[%arg0, %add3A_146, %dma_start3A_151] : memref<2x10240x16xf32, #tpu.memory_space<hbm>> -> memref<1x64x16xf32, #tpu.memory_space<hbm>>
      %dma_start3A_153 = tpu.memref_squeeze %dma_start3A_152 : memref<1x64x16xf32, #tpu.memory_space<hbm>> -> memref<64x16xf32, #tpu.memory_space<hbm>>
      %dma_start3A_154 = arith.constant 0 : i32
      %dma_start3A_155 = tpu.memref_slice %arg8[%arg0, %add3A_146, %dma_start3A_154] : memref<2x10240x16xf32, #tpu.memory_space<hbm>> -> memref<1x64x16xf32, #tpu.memory_space<hbm>>
      %dma_start3A_156 = tpu.memref_squeeze %dma_start3A_155 : memref<1x64x16xf32, #tpu.memory_space<hbm>> -> memref<64x16xf32, #tpu.memory_space<hbm>>
      tpu.enqueue_dma source(%arg24 : memref<64x16xf32, #tpu.memory_space<vmem>>) target(%dma_start3A_156 : memref<64x16xf32, #tpu.memory_space<hbm>>) target_semaphore(%run_scoped3A : memref<!tpu.dma_semaphore, #tpu.memory_space<semaphore_mem>>)
      %dma_wait3A_157 = arith.constant 0 : i32
      %dma_wait3A_158 = tpu.memref_slice %arg8[%arg0, %add3A_146, %dma_wait3A_157] : memref<2x10240x16xf32, #tpu.memory_space<hbm>> -> memref<1x64x16xf32, #tpu.memory_space<hbm>>
      %dma_wait3A_159 = tpu.memref_squeeze %dma_wait3A_158 : memref<1x64x16xf32, #tpu.memory_space<hbm>> -> memref<64x16xf32, #tpu.memory_space<hbm>>
      %dma_wait3A_160 = arith.constant 0 : i32
      %dma_wait3A_161 = tpu.memref_slice %arg8[%arg0, %add3A_146, %dma_wait3A_160] : memref<2x10240x16xf32, #tpu.memory_space<hbm>> -> memref<1x64x16xf32, #tpu.memory_space<hbm>>
      %dma_wait3A_162 = tpu.memref_squeeze %dma_wait3A_161 : memref<1x64x16xf32, #tpu.memory_space<hbm>> -> memref<64x16xf32, #tpu.memory_space<hbm>>
      tpu.wait_dma2 semaphore(%run_scoped3A : memref<!tpu.dma_semaphore, #tpu.memory_space<semaphore_mem>>) src(%arg24 : memref<64x16xf32, #tpu.memory_space<vmem>>) dst(%dma_wait3A_162 : memref<64x16xf32, #tpu.memory_space<hbm>>)
      tpu.yield
    }) : () -> ()
    %mul3A_147 = arith.constant 640 : i32
    %mul3A_148 = arith.muli %arg1, %mul3A_147 : i32
    %add3A_149 = arith.constant 576 : i32
    %add3A_150 = arith.addi %mul3A_148, %add3A_149 : i32
    "tpu.region"() ({
      %run_scoped3A = tpu.sem_alloc : memref<!tpu.dma_semaphore, #tpu.memory_space<semaphore_mem>>
      %dma_start3A_151 = arith.constant 0 : i32
      %dma_start3A_152 = tpu.memref_slice %arg27[%add3A_150, %dma_start3A_151] : memref<10240x128xf32, #tpu.memory_space<vmem_shared>> -> memref<64x128xf32, #tpu.memory_space<vmem_shared>>
      %dma_start3A_153 = arith.constant 0 : i32
      %dma_start3A_154 = tpu.memref_slice %arg27[%add3A_150, %dma_start3A_153] : memref<10240x128xf32, #tpu.memory_space<vmem_shared>> -> memref<64x128xf32, #tpu.memory_space<vmem_shared>>
      tpu.enqueue_dma source(%dma_start3A_154 : memref<64x128xf32, #tpu.memory_space<vmem_shared>>) target(%arg15 : memref<64x128xf32, #tpu.memory_space<vmem>>) target_semaphore(%run_scoped3A : memref<!tpu.dma_semaphore, #tpu.memory_space<semaphore_mem>>)
      %dma_wait3A_155 = arith.constant 0 : i32
      %dma_wait3A_156 = tpu.memref_slice %arg27[%add3A_150, %dma_wait3A_155] : memref<10240x128xf32, #tpu.memory_space<vmem_shared>> -> memref<64x128xf32, #tpu.memory_space<vmem_shared>>
      %dma_wait3A_157 = arith.constant 0 : i32
      %dma_wait3A_158 = tpu.memref_slice %arg27[%add3A_150, %dma_wait3A_157] : memref<10240x128xf32, #tpu.memory_space<vmem_shared>> -> memref<64x128xf32, #tpu.memory_space<vmem_shared>>
      tpu.wait_dma2 semaphore(%run_scoped3A : memref<!tpu.dma_semaphore, #tpu.memory_space<semaphore_mem>>) src(%dma_wait3A_158 : memref<64x128xf32, #tpu.memory_space<vmem_shared>>) dst(%arg15 : memref<64x128xf32, #tpu.memory_space<vmem>>)
      tpu.yield
    }) : () -> ()
    "tpu.region"() ({
      %run_scoped3A = tpu.sem_alloc : memref<!tpu.dma_semaphore, #tpu.memory_space<semaphore_mem>>
      %dma_start3A_151 = arith.constant 0 : i32
      %dma_start3A_152 = tpu.memref_slice %arg7[%arg0, %add3A_150, %dma_start3A_151] : memref<2x10240x128xf32, #tpu.memory_space<hbm>> -> memref<1x64x128xf32, #tpu.memory_space<hbm>>
      %dma_start3A_153 = tpu.memref_squeeze %dma_start3A_152 : memref<1x64x128xf32, #tpu.memory_space<hbm>> -> memref<64x128xf32, #tpu.memory_space<hbm>>
      %dma_start3A_154 = arith.constant 0 : i32
      %dma_start3A_155 = tpu.memref_slice %arg7[%arg0, %add3A_150, %dma_start3A_154] : memref<2x10240x128xf32, #tpu.memory_space<hbm>> -> memref<1x64x128xf32, #tpu.memory_space<hbm>>
      %dma_start3A_156 = tpu.memref_squeeze %dma_start3A_155 : memref<1x64x128xf32, #tpu.memory_space<hbm>> -> memref<64x128xf32, #tpu.memory_space<hbm>>
      tpu.enqueue_dma source(%arg15 : memref<64x128xf32, #tpu.memory_space<vmem>>) target(%dma_start3A_156 : memref<64x128xf32, #tpu.memory_space<hbm>>) target_semaphore(%run_scoped3A : memref<!tpu.dma_semaphore, #tpu.memory_space<semaphore_mem>>)
      %dma_wait3A_157 = arith.constant 0 : i32
      %dma_wait3A_158 = tpu.memref_slice %arg7[%arg0, %add3A_150, %dma_wait3A_157] : memref<2x10240x128xf32, #tpu.memory_space<hbm>> -> memref<1x64x128xf32, #tpu.memory_space<hbm>>
      %dma_wait3A_159 = tpu.memref_squeeze %dma_wait3A_158 : memref<1x64x128xf32, #tpu.memory_space<hbm>> -> memref<64x128xf32, #tpu.memory_space<hbm>>
      %dma_wait3A_160 = arith.constant 0 : i32
      %dma_wait3A_161 = tpu.memref_slice %arg7[%arg0, %add3A_150, %dma_wait3A_160] : memref<2x10240x128xf32, #tpu.memory_space<hbm>> -> memref<1x64x128xf32, #tpu.memory_space<hbm>>
      %dma_wait3A_162 = tpu.memref_squeeze %dma_wait3A_161 : memref<1x64x128xf32, #tpu.memory_space<hbm>> -> memref<64x128xf32, #tpu.memory_space<hbm>>
      tpu.wait_dma2 semaphore(%run_scoped3A : memref<!tpu.dma_semaphore, #tpu.memory_space<semaphore_mem>>) src(%arg15 : memref<64x128xf32, #tpu.memory_space<vmem>>) dst(%dma_wait3A_162 : memref<64x128xf32, #tpu.memory_space<hbm>>)
      tpu.yield
    }) : () -> ()
    "tpu.region"() ({
      %run_scoped3A = tpu.sem_alloc : memref<!tpu.dma_semaphore, #tpu.memory_space<semaphore_mem>>
      %dma_start3A_151 = arith.constant 0 : i32
      %dma_start3A_152 = tpu.memref_slice %arg28[%add3A_150, %dma_start3A_151] : memref<10240x16xf32, #tpu.memory_space<vmem_shared>> -> memref<64x16xf32, #tpu.memory_space<vmem_shared>>
      %dma_start3A_153 = arith.constant 0 : i32
      %dma_start3A_154 = tpu.memref_slice %arg28[%add3A_150, %dma_start3A_153] : memref<10240x16xf32, #tpu.memory_space<vmem_shared>> -> memref<64x16xf32, #tpu.memory_space<vmem_shared>>
      tpu.enqueue_dma source(%dma_start3A_154 : memref<64x16xf32, #tpu.memory_space<vmem_shared>>) target(%arg24 : memref<64x16xf32, #tpu.memory_space<vmem>>) target_semaphore(%run_scoped3A : memref<!tpu.dma_semaphore, #tpu.memory_space<semaphore_mem>>)
      %dma_wait3A_155 = arith.constant 0 : i32
      %dma_wait3A_156 = tpu.memref_slice %arg28[%add3A_150, %dma_wait3A_155] : memref<10240x16xf32, #tpu.memory_space<vmem_shared>> -> memref<64x16xf32, #tpu.memory_space<vmem_shared>>
      %dma_wait3A_157 = arith.constant 0 : i32
      %dma_wait3A_158 = tpu.memref_slice %arg28[%add3A_150, %dma_wait3A_157] : memref<10240x16xf32, #tpu.memory_space<vmem_shared>> -> memref<64x16xf32, #tpu.memory_space<vmem_shared>>
      tpu.wait_dma2 semaphore(%run_scoped3A : memref<!tpu.dma_semaphore, #tpu.memory_space<semaphore_mem>>) src(%dma_wait3A_158 : memref<64x16xf32, #tpu.memory_space<vmem_shared>>) dst(%arg24 : memref<64x16xf32, #tpu.memory_space<vmem>>)
      tpu.yield
    }) : () -> ()
    "tpu.region"() ({
      %run_scoped3A = tpu.sem_alloc : memref<!tpu.dma_semaphore, #tpu.memory_space<semaphore_mem>>
      %dma_start3A_151 = arith.constant 0 : i32
      %dma_start3A_152 = tpu.memref_slice %arg8[%arg0, %add3A_150, %dma_start3A_151] : memref<2x10240x16xf32, #tpu.memory_space<hbm>> -> memref<1x64x16xf32, #tpu.memory_space<hbm>>
      %dma_start3A_153 = tpu.memref_squeeze %dma_start3A_152 : memref<1x64x16xf32, #tpu.memory_space<hbm>> -> memref<64x16xf32, #tpu.memory_space<hbm>>
      %dma_start3A_154 = arith.constant 0 : i32
      %dma_start3A_155 = tpu.memref_slice %arg8[%arg0, %add3A_150, %dma_start3A_154] : memref<2x10240x16xf32, #tpu.memory_space<hbm>> -> memref<1x64x16xf32, #tpu.memory_space<hbm>>
      %dma_start3A_156 = tpu.memref_squeeze %dma_start3A_155 : memref<1x64x16xf32, #tpu.memory_space<hbm>> -> memref<64x16xf32, #tpu.memory_space<hbm>>
      tpu.enqueue_dma source(%arg24 : memref<64x16xf32, #tpu.memory_space<vmem>>) target(%dma_start3A_156 : memref<64x16xf32, #tpu.memory_space<hbm>>) target_semaphore(%run_scoped3A : memref<!tpu.dma_semaphore, #tpu.memory_space<semaphore_mem>>)
      %dma_wait3A_157 = arith.constant 0 : i32
      %dma_wait3A_158 = tpu.memref_slice %arg8[%arg0, %add3A_150, %dma_wait3A_157] : memref<2x10240x16xf32, #tpu.memory_space<hbm>> -> memref<1x64x16xf32, #tpu.memory_space<hbm>>
      %dma_wait3A_159 = tpu.memref_squeeze %dma_wait3A_158 : memref<1x64x16xf32, #tpu.memory_space<hbm>> -> memref<64x16xf32, #tpu.memory_space<hbm>>
      %dma_wait3A_160 = arith.constant 0 : i32
      %dma_wait3A_161 = tpu.memref_slice %arg8[%arg0, %add3A_150, %dma_wait3A_160] : memref<2x10240x16xf32, #tpu.memory_space<hbm>> -> memref<1x64x16xf32, #tpu.memory_space<hbm>>
      %dma_wait3A_162 = tpu.memref_squeeze %dma_wait3A_161 : memref<1x64x16xf32, #tpu.memory_space<hbm>> -> memref<64x16xf32, #tpu.memory_space<hbm>>
      tpu.wait_dma2 semaphore(%run_scoped3A : memref<!tpu.dma_semaphore, #tpu.memory_space<semaphore_mem>>) src(%arg24 : memref<64x16xf32, #tpu.memory_space<vmem>>) dst(%dma_wait3A_162 : memref<64x16xf32, #tpu.memory_space<hbm>>)
      tpu.yield
    }) : () -> ()
    return
  }
}

module attributes {stable_mosaic.version = 14 : i64} {
  func.func @_tc1_body(%arg0: i32, %arg1: memref<400x128xf32, #tpu.memory_space<vmem>>, %arg2: memref<128x128xf32, #tpu.memory_space<vmem>>, %arg3: memref<1x128xf32, #tpu.memory_space<vmem>>, %arg4: memref<128x16xf32, #tpu.memory_space<vmem>>, %arg5: memref<1x16xf32, #tpu.memory_space<vmem>>, %arg6: memref<128x16xf32, #tpu.memory_space<vmem>>, %arg7: memref<1x16xf32, #tpu.memory_space<vmem>>, %arg8: memref<400x128xf32, #tpu.memory_space<vmem>>, %arg9: memref<400x16xf32, #tpu.memory_space<vmem>>, %arg10: memref<400x16xf32, #tpu.memory_space<vmem>>) attributes {dimension_semantics = [#tpu.dimension_semantics<arbitrary>], iteration_bounds = array<i64: 26>, scalar_prefetch = 0 : i64, scratch_operands = 0 : i64, tpu.core_type = #tpu.core_type<tc>, window_params = [{transform_indices = @transform_0, window_bounds = array<i64: 400, 128>}, {pipeline_mode = #tpu.pipeline_mode<synchronous>, transform_indices = @transform_1, window_bounds = array<i64: 128, 128>}, {pipeline_mode = #tpu.pipeline_mode<synchronous>, transform_indices = @transform_2, window_bounds = array<i64: 1, 128>}, {pipeline_mode = #tpu.pipeline_mode<synchronous>, transform_indices = @transform_3, window_bounds = array<i64: 128, 16>}, {pipeline_mode = #tpu.pipeline_mode<synchronous>, transform_indices = @transform_4, window_bounds = array<i64: 1, 16>}, {pipeline_mode = #tpu.pipeline_mode<synchronous>, transform_indices = @transform_5, window_bounds = array<i64: 128, 16>}, {pipeline_mode = #tpu.pipeline_mode<synchronous>, transform_indices = @transform_6, window_bounds = array<i64: 1, 16>}, {transform_indices = @transform_7, window_bounds = array<i64: 400, 128>}, {transform_indices = @transform_8, window_bounds = array<i64: 400, 16>}, {transform_indices = @transform_9, window_bounds = array<i64: 400, 16>}]} {
    %get3A = arith.constant 0 : index
    %get3A_0 = arith.constant 0 : index
    %get3A_1 = vector.load %arg1[%get3A, %get3A_0] : memref<400x128xf32, #tpu.memory_space<vmem>>, vector<400x128xf32>
    %get3A_2 = arith.constant 0 : index
    %get3A_3 = arith.constant 0 : index
    %get3A_4 = vector.load %arg2[%get3A_2, %get3A_3] : memref<128x128xf32, #tpu.memory_space<vmem>>, vector<128x128xf32>
    %dot_general3A = arith.constant dense<0.000000e+00> : vector<400x128xf32>
    %dot_general3A_5 = tpu.matmul %get3A_1, %get3A_4, %dot_general3A {dimension_numbers = #tpu.dot_dimension_numbers<[1], [0], [0], [1], [0, 0, 1, 1], [], []>, transpose_lhs_hint = false} : vector<400x128xf32>, vector<128x128xf32>, vector<400x128xf32> -> vector<400x128xf32>
    %get3A_6 = arith.constant 0 : index
    %get3A_7 = arith.constant 0 : index
    %get3A_8 = vector.load %arg3[%get3A_6, %get3A_7] : memref<1x128xf32, #tpu.memory_space<vmem>>, vector<1x128xf32>
    %add3A = vector.broadcast %get3A_8 : vector<1x128xf32> to vector<400x128xf32>
    %add3A_9 = arith.addf %dot_general3A_5, %add3A : vector<400x128xf32>
    %swap3A = arith.constant 0 : index
    %swap3A_10 = arith.constant 0 : index
    %swap3A_11 = vector.load %arg8[%swap3A, %swap3A_10] : memref<400x128xf32, #tpu.memory_space<vmem>>, vector<400x128xf32>
    tpu.vector_store %arg8[%swap3A, %swap3A_10], %add3A_9 {strides = array<i32>} : memref<400x128xf32, #tpu.memory_space<vmem>>, vector<400x128xf32>,
    %get3A_12 = arith.constant 0 : index
    %get3A_13 = arith.constant 0 : index
    %get3A_14 = vector.load %arg4[%get3A_12, %get3A_13] : memref<128x16xf32, #tpu.memory_space<vmem>>, vector<128x16xf32>
    %dot_general3A_15 = arith.constant dense<0.000000e+00> : vector<400x16xf32>
    %dot_general3A_16 = tpu.matmul %get3A_1, %get3A_14, %dot_general3A_15 {dimension_numbers = #tpu.dot_dimension_numbers<[1], [0], [0], [1], [0, 0, 1, 1], [], []>, transpose_lhs_hint = false} : vector<400x128xf32>, vector<128x16xf32>, vector<400x16xf32> -> vector<400x16xf32>
    %get3A_17 = arith.constant 0 : index
    %get3A_18 = arith.constant 0 : index
    %get3A_19 = vector.load %arg5[%get3A_17, %get3A_18] : memref<1x16xf32, #tpu.memory_space<vmem>>, vector<1x16xf32>
    %add3A_20 = vector.broadcast %get3A_19 : vector<1x16xf32> to vector<400x16xf32>
    %add3A_21 = arith.addf %dot_general3A_16, %add3A_20 : vector<400x16xf32>
    %swap3A_22 = arith.constant 0 : index
    %swap3A_23 = arith.constant 0 : index
    %swap3A_24 = vector.load %arg9[%swap3A_22, %swap3A_23] : memref<400x16xf32, #tpu.memory_space<vmem>>, vector<400x16xf32>
    tpu.vector_store %arg9[%swap3A_22, %swap3A_23], %add3A_21 {strides = array<i32>} : memref<400x16xf32, #tpu.memory_space<vmem>>, vector<400x16xf32>,
    %get3A_25 = arith.constant 0 : index
    %get3A_26 = arith.constant 0 : index
    %get3A_27 = vector.load %arg6[%get3A_25, %get3A_26] : memref<128x16xf32, #tpu.memory_space<vmem>>, vector<128x16xf32>
    %dot_general3A_28 = arith.constant dense<0.000000e+00> : vector<400x16xf32>
    %dot_general3A_29 = tpu.matmul %get3A_1, %get3A_27, %dot_general3A_28 {dimension_numbers = #tpu.dot_dimension_numbers<[1], [0], [0], [1], [0, 0, 1, 1], [], []>, transpose_lhs_hint = false} : vector<400x128xf32>, vector<128x16xf32>, vector<400x16xf32> -> vector<400x16xf32>
    %get3A_30 = arith.constant 0 : index
    %get3A_31 = arith.constant 0 : index
    %get3A_32 = vector.load %arg7[%get3A_30, %get3A_31] : memref<1x16xf32, #tpu.memory_space<vmem>>, vector<1x16xf32>
    %add3A_33 = vector.broadcast %get3A_32 : vector<1x16xf32> to vector<400x16xf32>
    %add3A_34 = arith.addf %dot_general3A_29, %add3A_33 : vector<400x16xf32>
    %swap3A_35 = arith.constant 0 : index
    %swap3A_36 = arith.constant 0 : index
    %swap3A_37 = vector.load %arg10[%swap3A_35, %swap3A_36] : memref<400x16xf32, #tpu.memory_space<vmem>>, vector<400x16xf32>
    tpu.vector_store %arg10[%swap3A_35, %swap3A_36], %add3A_34 {strides = array<i32>} : memref<400x16xf32, #tpu.memory_space<vmem>>, vector<400x16xf32>,
    return
  }
  func.func @transform_0(%arg0: i32) -> (i32, i32) {
    %c0_i32 = arith.constant 0 : i32
    %c0_i32_0 = arith.constant 0 : i32
    return %arg0, %c0_i32 : i32, i32
  }
  func.func @transform_1(%arg0: i32) -> (i32, i32) {
    %c0_i32 = arith.constant 0 : i32
    %c0_i32_0 = arith.constant 0 : i32
    %c0_i32_1 = arith.constant 0 : i32
    return %c0_i32, %c0_i32_0 : i32, i32
  }
  func.func @transform_2(%arg0: i32) -> (i32, i32) {
    %c0_i32 = arith.constant 0 : i32
    %c0_i32_0 = arith.constant 0 : i32
    %c0_i32_1 = arith.constant 0 : i32
    return %c0_i32, %c0_i32_0 : i32, i32
  }
  func.func @transform_3(%arg0: i32) -> (i32, i32) {
    %c0_i32 = arith.constant 0 : i32
    %c0_i32_0 = arith.constant 0 : i32
    %c0_i32_1 = arith.constant 0 : i32
    return %c0_i32, %c0_i32_0 : i32, i32
  }
  func.func @transform_4(%arg0: i32) -> (i32, i32) {
    %c0_i32 = arith.constant 0 : i32
    %c0_i32_0 = arith.constant 0 : i32
    %c0_i32_1 = arith.constant 0 : i32
    return %c0_i32, %c0_i32_0 : i32, i32
  }
  func.func @transform_5(%arg0: i32) -> (i32, i32) {
    %c0_i32 = arith.constant 0 : i32
    %c0_i32_0 = arith.constant 0 : i32
    %c0_i32_1 = arith.constant 0 : i32
    return %c0_i32, %c0_i32_0 : i32, i32
  }
  func.func @transform_6(%arg0: i32) -> (i32, i32) {
    %c0_i32 = arith.constant 0 : i32
    %c0_i32_0 = arith.constant 0 : i32
    %c0_i32_1 = arith.constant 0 : i32
    return %c0_i32, %c0_i32_0 : i32, i32
  }
  func.func @transform_7(%arg0: i32) -> (i32, i32) {
    %c0_i32 = arith.constant 0 : i32
    %c0_i32_0 = arith.constant 0 : i32
    return %arg0, %c0_i32 : i32, i32
  }
  func.func @transform_8(%arg0: i32) -> (i32, i32) {
    %c0_i32 = arith.constant 0 : i32
    %c0_i32_0 = arith.constant 0 : i32
    return %arg0, %c0_i32 : i32, i32
  }
  func.func @transform_9(%arg0: i32) -> (i32, i32) {
    %c0_i32 = arith.constant 0 : i32
    %c0_i32_0 = arith.constant 0 : i32
    return %arg0, %c0_i32 : i32, i32
  }
}

module attributes {stable_mosaic.version = 14 : i64} {
  func.func @_tc2_body(%arg0: i32, %arg1: memref<2x400x128xf32, #tpu.memory_space<vmem>>, %arg2: memref<2x400x16xf32, #tpu.memory_space<vmem>>, %arg3: memref<400x128xf32, #tpu.memory_space<vmem>>, %arg4: memref<8x128xf32, #tpu.memory_space<vmem>>, %arg5: memref<128x512xf32, #tpu.memory_space<vmem>>, %arg6: memref<128x512xf32, #tpu.memory_space<vmem>>, %arg7: memref<1x512xf32, #tpu.memory_space<vmem>>, %arg8: memref<512x128xf32, #tpu.memory_space<vmem>>, %arg9: memref<1x128xf32, #tpu.memory_space<vmem>>, %arg10: memref<400x128xf32, #tpu.memory_space<vmem>>) attributes {dimension_semantics = [#tpu.dimension_semantics<arbitrary>], iteration_bounds = array<i64: 25>, scalar_prefetch = 0 : i64, scratch_operands = 0 : i64, tpu.core_type = #tpu.core_type<tc>, window_params = [{transform_indices = @transform_0, window_bounds = array<i64: 2, 400, 128>}, {transform_indices = @transform_1, window_bounds = array<i64: 2, 400, 16>}, {transform_indices = @transform_2, window_bounds = array<i64: 400, 128>}, {pipeline_mode = #tpu.pipeline_mode<synchronous>, transform_indices = @transform_3, window_bounds = array<i64: 8, 128>}, {pipeline_mode = #tpu.pipeline_mode<synchronous>, transform_indices = @transform_4, window_bounds = array<i64: 128, 512>}, {pipeline_mode = #tpu.pipeline_mode<synchronous>, transform_indices = @transform_5, window_bounds = array<i64: 128, 512>}, {pipeline_mode = #tpu.pipeline_mode<synchronous>, transform_indices = @transform_6, window_bounds = array<i64: 1, 512>}, {pipeline_mode = #tpu.pipeline_mode<synchronous>, transform_indices = @transform_7, window_bounds = array<i64: 512, 128>}, {pipeline_mode = #tpu.pipeline_mode<synchronous>, transform_indices = @transform_8, window_bounds = array<i64: 1, 128>}, {transform_indices = @transform_9, window_bounds = array<i64: 400, 128>}]} {
    %get3A = arith.constant 0 : index
    %get3A_0 = arith.constant 0 : index
    %get3A_1 = arith.constant 0 : index
    %get3A_2 = vector.load %arg1[%get3A, %get3A_0, %get3A_1] : memref<2x400x128xf32, #tpu.memory_space<vmem>>, vector<1x400x128xf32>
    %get3A_3 = vector.shape_cast %get3A_2 : vector<1x400x128xf32> to vector<400x128xf32>
    %get3A_4 = arith.constant 1 : index
    %get3A_5 = arith.constant 0 : index
    %get3A_6 = arith.constant 0 : index
    %get3A_7 = vector.load %arg1[%get3A_4, %get3A_5, %get3A_6] : memref<2x400x128xf32, #tpu.memory_space<vmem>>, vector<1x400x128xf32>
    %get3A_8 = vector.shape_cast %get3A_7 : vector<1x400x128xf32> to vector<400x128xf32>
    %add3A = arith.addf %get3A_3, %get3A_8 : vector<400x128xf32>
    %get3A_9 = arith.constant 0 : index
    %get3A_10 = arith.constant 0 : index
    %get3A_11 = arith.constant 0 : index
    %get3A_12 = vector.load %arg2[%get3A_9, %get3A_10, %get3A_11] : memref<2x400x16xf32, #tpu.memory_space<vmem>>, vector<1x400x16xf32>
    %get3A_13 = vector.shape_cast %get3A_12 : vector<1x400x16xf32> to vector<400x16xf32>
    %get3A_14 = arith.constant 1 : index
    %get3A_15 = arith.constant 0 : index
    %get3A_16 = arith.constant 0 : index
    %get3A_17 = vector.load %arg2[%get3A_14, %get3A_15, %get3A_16] : memref<2x400x16xf32, #tpu.memory_space<vmem>>, vector<1x400x16xf32>
    %get3A_18 = vector.shape_cast %get3A_17 : vector<1x400x16xf32> to vector<400x16xf32>
    %add3A_19 = arith.addf %get3A_13, %get3A_18 : vector<400x16xf32>
    %slice3A = vector.extract_strided_slice %add3A_19 {offsets = [0, 0], sizes = [400, 8], strides = [1, 1]} : vector<400x16xf32> to vector<400x8xf32>
    %gt3A = arith.constant 0.000000e+00 : f32
    %gt3A_20 = vector.broadcast %gt3A : f32 to vector<400x8xf32>
    %gt3A_21 = arith.cmpf ogt, %slice3A, %gt3A_20 : vector<400x8xf32>
    %div3A = arith.constant 1.000000e+00 : f32
    %div3A_22 = vector.broadcast %div3A : f32 to vector<400x8xf32>
    %div3A_23 = arith.divf %div3A_22, %slice3A : vector<400x8xf32>
    %jit3A = arith.constant 0.000000e+00 : f32
    %broadcast_in_dim3A = vector.broadcast %jit3A : f32 to vector<400x8xf32>
    %select_n3A = arith.select %gt3A_21, %div3A_23, %broadcast_in_dim3A : vector<400x8xi1>, vector<400x8xf32>
    %get3A_24 = arith.constant 0 : index
    %get3A_25 = arith.constant 0 : index
    %get3A_26 = vector.load %arg4[%get3A_24, %get3A_25] : memref<8x128xf32, #tpu.memory_space<vmem>>, vector<8x128xf32>
    %dot_general3A = arith.constant dense<0.000000e+00> : vector<400x128xf32>
    %dot_general3A_27 = tpu.matmul %select_n3A, %get3A_26, %dot_general3A {dimension_numbers = #tpu.dot_dimension_numbers<[1], [0], [0], [1], [0, 0, 1, 1], [], []>, transpose_lhs_hint = false} : vector<400x8xf32>, vector<8x128xf32>, vector<400x128xf32> -> vector<400x128xf32>
    %mul3A = arith.mulf %add3A, %dot_general3A_27 : vector<400x128xf32>
    %get3A_28 = arith.constant 0 : index
    %get3A_29 = arith.constant 0 : index
    %get3A_30 = vector.load %arg3[%get3A_28, %get3A_29] : memref<400x128xf32, #tpu.memory_space<vmem>>, vector<400x128xf32>
    %get3A_31 = arith.constant 0 : index
    %get3A_32 = arith.constant 0 : index
    %get3A_33 = vector.load %arg5[%get3A_31, %get3A_32] : memref<128x512xf32, #tpu.memory_space<vmem>>, vector<128x512xf32>
    %dot_general3A_34 = arith.constant dense<0.000000e+00> : vector<400x512xf32>
    %dot_general3A_35 = tpu.matmul %get3A_30, %get3A_33, %dot_general3A_34 {dimension_numbers = #tpu.dot_dimension_numbers<[1], [0], [0], [1], [0, 0, 1, 1], [], []>, transpose_lhs_hint = false} : vector<400x128xf32>, vector<128x512xf32>, vector<400x512xf32> -> vector<400x512xf32>
    %get3A_36 = arith.constant 0 : index
    %get3A_37 = arith.constant 0 : index
    %get3A_38 = vector.load %arg6[%get3A_36, %get3A_37] : memref<128x512xf32, #tpu.memory_space<vmem>>, vector<128x512xf32>
    %dot_general3A_39 = arith.constant dense<0.000000e+00> : vector<400x512xf32>
    %dot_general3A_40 = tpu.matmul %mul3A, %get3A_38, %dot_general3A_39 {dimension_numbers = #tpu.dot_dimension_numbers<[1], [0], [0], [1], [0, 0, 1, 1], [], []>, transpose_lhs_hint = false} : vector<400x128xf32>, vector<128x512xf32>, vector<400x512xf32> -> vector<400x512xf32>
    %add3A_41 = arith.addf %dot_general3A_35, %dot_general3A_40 : vector<400x512xf32>
    %get3A_42 = arith.constant 0 : index
    %get3A_43 = arith.constant 0 : index
    %get3A_44 = vector.load %arg7[%get3A_42, %get3A_43] : memref<1x512xf32, #tpu.memory_space<vmem>>, vector<1x512xf32>
    %add3A_45 = vector.broadcast %get3A_44 : vector<1x512xf32> to vector<400x512xf32>
    %add3A_46 = arith.addf %add3A_41, %add3A_45 : vector<400x512xf32>
    %mul3A_47 = arith.constant 5.000000e-01 : f32
    %mul3A_48 = vector.broadcast %mul3A_47 : f32 to vector<400x512xf32>
    %mul3A_49 = arith.mulf %add3A_46, %mul3A_48 : vector<400x512xf32>
    %mul3A_50 = arith.constant 0.707106769 : f32
    %mul3A_51 = vector.broadcast %mul3A_50 : f32 to vector<400x512xf32>
    %mul3A_52 = arith.mulf %add3A_46, %mul3A_51 : vector<400x512xf32>
    %erf3A = math.erf %mul3A_52 : vector<400x512xf32>
    %add3A_53 = arith.constant 1.000000e+00 : f32
    %add3A_54 = vector.broadcast %add3A_53 : f32 to vector<400x512xf32>
    %add3A_55 = arith.addf %add3A_54, %erf3A : vector<400x512xf32>
    %mul3A_56 = arith.mulf %mul3A_49, %add3A_55 : vector<400x512xf32>
    %get3A_57 = arith.constant 0 : index
    %get3A_58 = arith.constant 0 : index
    %get3A_59 = vector.load %arg8[%get3A_57, %get3A_58] : memref<512x128xf32, #tpu.memory_space<vmem>>, vector<512x128xf32>
    %dot_general3A_60 = arith.constant dense<0.000000e+00> : vector<400x128xf32>
    %dot_general3A_61 = tpu.matmul %mul3A_56, %get3A_59, %dot_general3A_60 {dimension_numbers = #tpu.dot_dimension_numbers<[1], [0], [0], [1], [0, 0, 1, 1], [], []>, transpose_lhs_hint = false} : vector<400x512xf32>, vector<512x128xf32>, vector<400x128xf32> -> vector<400x128xf32>
    %get3A_62 = arith.constant 0 : index
    %get3A_63 = arith.constant 0 : index
    %get3A_64 = vector.load %arg9[%get3A_62, %get3A_63] : memref<1x128xf32, #tpu.memory_space<vmem>>, vector<1x128xf32>
    %add3A_65 = vector.broadcast %get3A_64 : vector<1x128xf32> to vector<400x128xf32>
    %add3A_66 = arith.addf %dot_general3A_61, %add3A_65 : vector<400x128xf32>
    %swap3A = arith.constant 0 : index
    %swap3A_67 = arith.constant 0 : index
    %swap3A_68 = vector.load %arg10[%swap3A, %swap3A_67] : memref<400x128xf32, #tpu.memory_space<vmem>>, vector<400x128xf32>
    tpu.vector_store %arg10[%swap3A, %swap3A_67], %add3A_66 {strides = array<i32>} : memref<400x128xf32, #tpu.memory_space<vmem>>, vector<400x128xf32>,
    return
  }
  func.func @transform_0(%arg0: i32) -> (i32, i32, i32) {
    %c0_i32 = arith.constant 0 : i32
    %c0_i32_0 = arith.constant 0 : i32
    %c0_i32_1 = arith.constant 0 : i32
    return %c0_i32, %arg0, %c0_i32_0 : i32, i32, i32
  }
  func.func @transform_1(%arg0: i32) -> (i32, i32, i32) {
    %c0_i32 = arith.constant 0 : i32
    %c0_i32_0 = arith.constant 0 : i32
    %c0_i32_1 = arith.constant 0 : i32
    return %c0_i32, %arg0, %c0_i32_0 : i32, i32, i32
  }
  func.func @transform_2(%arg0: i32) -> (i32, i32) {
    %c0_i32 = arith.constant 0 : i32
    %c0_i32_0 = arith.constant 0 : i32
    return %arg0, %c0_i32 : i32, i32
  }
  func.func @transform_3(%arg0: i32) -> (i32, i32) {
    %c0_i32 = arith.constant 0 : i32
    %c0_i32_0 = arith.constant 0 : i32
    %c0_i32_1 = arith.constant 0 : i32
    return %c0_i32, %c0_i32_0 : i32, i32
  }
  func.func @transform_4(%arg0: i32) -> (i32, i32) {
    %c0_i32 = arith.constant 0 : i32
    %c0_i32_0 = arith.constant 0 : i32
    %c0_i32_1 = arith.constant 0 : i32
    return %c0_i32, %c0_i32_0 : i32, i32
  }
  func.func @transform_5(%arg0: i32) -> (i32, i32) {
    %c0_i32 = arith.constant 0 : i32
    %c0_i32_0 = arith.constant 0 : i32
    %c0_i32_1 = arith.constant 0 : i32
    return %c0_i32, %c0_i32_0 : i32, i32
  }
  func.func @transform_6(%arg0: i32) -> (i32, i32) {
    %c0_i32 = arith.constant 0 : i32
    %c0_i32_0 = arith.constant 0 : i32
    %c0_i32_1 = arith.constant 0 : i32
    return %c0_i32, %c0_i32_0 : i32, i32
  }
  func.func @transform_7(%arg0: i32) -> (i32, i32) {
    %c0_i32 = arith.constant 0 : i32
    %c0_i32_0 = arith.constant 0 : i32
    %c0_i32_1 = arith.constant 0 : i32
    return %c0_i32, %c0_i32_0 : i32, i32
  }
  func.func @transform_8(%arg0: i32) -> (i32, i32) {
    %c0_i32 = arith.constant 0 : i32
    %c0_i32_0 = arith.constant 0 : i32
    %c0_i32_1 = arith.constant 0 : i32
    return %c0_i32, %c0_i32_0 : i32, i32
  }
  func.func @transform_9(%arg0: i32) -> (i32, i32) {
    %c0_i32 = arith.constant 0 : i32
    %c0_i32_0 = arith.constant 0 : i32
    return %arg0, %c0_i32 : i32, i32
  }
}

</mosaic_0001>

<sc_bundles>
// kernel: kernel.5.cloned.1.call-start
scs
__scs_entry_jumppad:
0x0: {  	(pc) =	sbr.rel $0x88, $3  }
0x1: {  	(tag) =	ssettag $0x0;
	lr =	simm.s32 $0x1  }
0x2: {  	[smem:$0x3F96] =	sst lr;
	_ =	strace $0xD0000000  }
0x3: {  	_ = 	snop  }
0x4: {  	_ = 	snop  }
0x5: {  	_ = 	snop  }
0x6: {  	_ = 	snop  }
0x7: {  	_ = 	snop  }
__scs_overlays_trampoline_lowered:
0x8: {  	[smem:$0x3FA5] =	sst s0  }
0x9: {  	[smem:$0x3FA6] =	sst s1  }
0xa: {  	[smem:$0x3FA7] =	sst s2  }
0xb: {  	[smem:$0x3FA8] =	sst s3  }
0xc: {  	[smem:$0x3FA9] =	sst s4  }
0xd: {  	[smem:$0x3FAA] =	sst s5  }
0xe: {  	[smem:$0x3FAB] =	sst s6  }
0xf: {  	[smem:$0x3FAC] =	sst s7  }
0x10: {  	[smem:$0x3FAD] =	sst s8  }
0x11: {  	[smem:$0x3FAE] =	sst s9;
	s0 =	simm.s32 @!p0 $0x0  }
0x12: {  	s1 =	sld [smem:$0x3F94];
	s0 =	simm.s32 @p0 $0x1  }
0x13: {  	[smem:$0x3FAF] =	sst s0;
	s0 =	simm.s32 @!p1 $0x0  }
0x14: {  	s2 =	sld [smem:$0x3F93];
	s0 =	simm.s32 @p1 $0x1  }
0x15: {  	[smem:$0x3FB0] =	sst s0;
	s0 =	simm.s32 @!p2 $0x0  }
0x16: {  	s3 =	sld [smem:$0x3FDB];
	s0 =	simm.s32 @p2 $0x1  }
0x17: {  	s4 =	simm.s32 $0x1BF5;
	[smem:$0x3FB2] =	sst s0  }
0x18: {  	s0 =	sld [smem:$0x3F95];
	_ =	swait.ge [sflag:s4], $0x0  }
0x19: {  	s7 =	sld [smem:$0x3F96]  }
0x1a: {  	s8 =	sadd.s32 $0xFFFFE003, lr  }
0x1b: {  	s9 =	sadd.s32 $0xFFFFFEF7, lr;
	s5 =	simm.s32 $0xFFFFFFFF;
	p2 =	slt.u32 s8, $0xFFFFF086  }
0x1c: {  	p1 =	slt.u32 s9, $0xF7A;
	s5 =	simm.s32 @!p2 $0x0  }
0x1d: {  	s5 =	simm.s32 @p1 $0x1;
	p0 =	seq.s32 s7, s2  }
0x1e: {  	s7 =	smul.u32 @!p0 $0xF7A, s2;
	p2 =	seq.s32 @!p0 s5, $0x0  }
0x1f: {  	s9 =	smul.u32 $0xF7A, s1;
	s8 =	simm.s32 @!p0 $0x1BF5;
	p2 =	por !p2, p0  }
0x20: {  	[sflag:s8] =	ssyncset.s32 @!p0 $0xFFFFF086;
	s6 =	sadd.s32 @!p0 s3, s7;
	s7 =	simm.s32 @!p0 $0x108  }
0x21: {  	s3 =	sadd.s32 s3, s9;
	s6 =	sadd.s32 @!p0 $0x88, s6;
	s7 =	simm.s32 @p2 $0x1082  }
0x22: {  	[simem:s7], [sflag:s8] =	dma.local @!p0 [hbm:s6], $0xF7A  }
0x23: {  	s9 =	sor.u32 $0xD0000000, s2;
	s6 =	simm.s32 $0x108;
	_ =	swait.ge @!p0 [sflag:s8], $0x0  }
0x24: {  	s3 =	sadd.s32 $0x88, s3;
	s6 =	simm.s32 @!p1 $0x1082;
	[sflag:s4] =	ssyncset.s32 $0xFFFFF086  }
0x25: {  	[simem:s6], [sflag:s4] =	dma.local [hbm:s3], $0xF7A  }
0x26: {  	[smem:$0x3F96] =	sst s1;
	(tag) =	ssettag s2;
	_ =	strace s9  }
0x27: {  	s1 =	sld [smem:$0x3FA6]  }
0x28: {  	s2 =	sld [smem:$0x3FA7]  }
0x29: {  	s4 =	sld [smem:$0x3FA9]  }
0x2a: {  	p0 =	seq.s32 s5, $0x0;
	s5 =	sld [smem:$0x3FAA]  }
0x2b: {  	s6 =	sld [smem:$0x3FAB]  }
0x2c: {  	s7 =	sld [smem:$0x3FAC]  }
0x2d: {  	s3 =	simm.s32 $0x108;
	s8 =	sld [smem:$0x3FAD]  }
0x2e: {  	s3 =	simm.s32 @!p0 $0x1082;
	s9 =	sld [smem:$0x3FAE]  }
0x2f: {  	lr =	sadd.s32 s0, s3;
	s0 =	sld [smem:$0x3FA5]  }
0x30: {  	s3 =	sld [smem:$0x3FA8]  }
0x31: {  	[smem:$0x3FB1] =	sst s10  }
0x32: {  	s10 =	sld [smem:$0x3FAF];
	_ =	sdelay $0x3  }
0x33: {  	p0 =	seq.s32 s10, $0x1;
	s10 =	sld [smem:$0x3FB1];
	_ =	sdelay $0x3  }
0x34: {  	[smem:$0x3FB1] =	sst s10  }
0x35: {  	s10 =	sld [smem:$0x3FB0];
	_ =	sdelay $0x3  }
0x36: {  	p1 =	seq.s32 s10, $0x1;
	s10 =	sld [smem:$0x3FB1];
	_ =	sdelay $0x3  }
0x37: {  	[smem:$0x3FB1] =	sst s10  }
0x38: {  	s10 =	sld [smem:$0x3FB2]  }
0x39: {  	_ = 	snop;
	(pc) =	sbr.ind lr, $3  }
0x3a: {  	_ = 	snop  }
0x3b: {  	_ = 	snop  }
0x3c: {  	p2 =	seq.s32 s10, $0x1;
	s10 =	sld [smem:$0x3FB1]  }
0x3d: {  	_ =	shalt  }
0x3e: {  	_ =	shalt  }
0x3f: {  	_ =	shalt  }
0x40: {  	_ =	shalt  }
0x41: {  	_ =	shalt  }
0x42: {  	_ =	shalt  }
0x43: {  	_ =	shalt  }
0x44: {  	_ =	shalt  }
0x45: {  	_ =	shalt  }
0x46: {  	_ =	shalt  }
0x47: {  	_ =	shalt  }
0x48: {  	_ =	shalt  }
0x49: {  	_ =	shalt  }
0x4a: {  	_ =	shalt  }
0x4b: {  	_ =	shalt  }
0x4c: {  	_ =	shalt  }
0x4d: {  	_ =	shalt  }
0x4e: {  	_ =	shalt  }
0x4f: {  	_ =	shalt  }
0x50: {  	_ =	shalt  }
0x51: {  	_ =	shalt  }
0x52: {  	_ =	shalt  }
0x53: {  	_ =	shalt  }
0x54: {  	_ =	shalt  }
0x55: {  	_ =	shalt  }
0x56: {  	_ =	shalt  }
0x57: {  	_ =	shalt  }
0x58: {  	_ =	shalt  }
0x59: {  	_ =	shalt  }
0x5a: {  	_ =	shalt  }
0x5b: {  	_ =	shalt  }
0x5c: {  	_ =	shalt  }
0x5d: {  	_ =	shalt  }
0x5e: {  	_ =	shalt  }
0x5f: {  	_ =	shalt  }
0x60: {  	_ =	shalt  }
0x61: {  	_ =	shalt  }
0x62: {  	_ =	shalt  }
0x63: {  	_ =	shalt  }
0x64: {  	_ =	shalt  }
0x65: {  	_ =	shalt  }
0x66: {  	_ =	shalt  }
0x67: {  	_ =	shalt  }
0x68: {  	_ =	shalt  }
0x69: {  	_ =	shalt  }
0x6a: {  	_ =	shalt  }
0x6b: {  	_ =	shalt  }
0x6c: {  	_ =	shalt  }
0x6d: {  	_ =	shalt  }
0x6e: {  	_ =	shalt  }
0x6f: {  	_ =	shalt  }
0x70: {  	_ =	shalt  }
0x71: {  	_ =	shalt  }
0x72: {  	_ =	shalt  }
0x73: {  	_ =	shalt  }
0x74: {  	_ =	shalt  }
0x75: {  	_ =	shalt  }
0x76: {  	_ =	shalt  }
0x77: {  	_ =	shalt  }
0x78: {  	_ =	shalt  }
0x79: {  	_ =	shalt  }
0x7a: {  	_ =	shalt  }
0x7b: {  	_ =	shalt  }
0x7c: {  	_ =	shalt  }
0x7d: {  	_ =	shalt  }
0x7e: {  	_ =	shalt  }
0x7f: {  	_ =	shalt  }
0x80: {  	_ =	shalt  }
0x81: {  	_ =	shalt  }
0x82: {  	_ =	shalt  }
0x83: {  	_ =	shalt  }
0x84: {  	_ =	shalt  }
0x85: {  	_ =	shalt  }
0x86: {  	_ =	shalt  }
0x87: {  	_ =	shalt  }
.Lfunc_end0:
.L_simem_size_0:
called_computation_lowered:
.L_overlay_start_0:
0x88: {  	s2 =	sld [smem:$0x3FD9]  }
0x89: {  	s3 =	sld [smem:$0x3FFE];
	_ =	sdelay $0x1  }
0x8a: {  	s1 =	srdreg.scid  }
0x8b: {  	s0 =	sand.u32 $0x1, s1  }
0x8c: {  	s17 =	sshll.u32 s0, $0xA;
	s2 =	sadd.s32 s3, s2  }
0x8d: {  	s2 =	sadd.s32 s2, s17  }
0x8e: {  	[smem:$0x3FBD] =	sst s2  }
0x8f: {  	_ = 	snop  }
0x90: {  	s2 =	sld [smem:$0x3FD0];
	(tm) =	ssettm $0x1  }
0x91: {  	s18 =	sld [smem:$0x3FFB];
	_ =	sdelay $0x3  }
0x92: {  	_ =	strace s18  }
0x93: {  	s3 =	sld [smem:$0x3FFC];
	_ =	sdelay $0x3  }
0x94: {  	_ =	strace s3  }
0x95: {  	s3 =	sld [smem:$0x3FFD];
	_ =	sdelay $0x3  }
0x96: {  	_ =	strace s3  }
0x97: {  	_ =	strace $0x8FFFFFFF  }
0x98: {  	s19 =	sld [smem:$0x3FDB];
	_ =	sdelay $0x1  }
0x99: {  	s4 =	simm.s32 $_scs_section_size  }
0x9a: {  	s5 =	simm.s32 $_size__tile_overlayer_lowered;
	s6 =	simm.s32 $_tile_overlayer_lowered  }
0x9b: {  	s22 =	simm.s32 $0x1BFF;
	s21 =	sshll.u32 s6, $0x1;
	s3 =	sadd.s32 s4, s19  }
0x9c: {  	s7 =	simm.s32 $0x0;
	s20 =	sshll.u32 s5, $0x1;
	s5 =	sadd.s32 s21, s3  }
0x9d: {  	[timem:s7], [sflag:s22] =	dma.local [hbm:s5], s20  }
0x9e: {  	_ =	swait.ge [sflag:s22], s20  }
0x9f: {  	s4 =	ssub.s32 $0x0, s20;
	[sflag:s22] =	ssyncset.done $0x0  }
0xa0: {  	[sflag:s22] =	ssyncadd.s32 s4;
	_ =	sdelay $0x1  }
0xa1: {  	s23 =	simm.s32 $0x1B8B  }
0xa2: {  	_ =	swait.ge [sflag:s23], $0x1  }
0xa3: {  	[sflag:s23] =	ssyncset.done $0x0  }
0xa4: {  	s25 =	simm.s32 $0x1B8E;
	s24 =	sld [smem:$0x3FFE];
	[sflag:s23] =	ssyncadd.s32 $0xFFFFFFFF  }
0xa5: {  	s26 =	simm.s32 $execute0_lowered;
	[smem:$0x3FD2] =	sst s25  }
0xa6: {  	s5 =	sshll.u32 s26, $0x1;
	_ =	strace $0x80000046;
	[dreg:$0x1] =	wrdreg $0xFFFFFFFF  }
0xa7: {  	s28 =	simm.s32 $_size_execute0_lowered;
	s3 =	sadd.s32 s3, s5;
	[dreg:$0x0] =	wrdreg $0x0  }
0xa8: {  	s5 =	sshll.u32 s28, $0x1;
	[dreg:$0x2] =	wrdreg s3  }
0xa9: {  	[dreg:$0x3] =	wrdreg s5  }
0xaa: {  	[dreg:$0x4] =	wrdreg $0xC0  }
0xab: {  	_ =	task [dreg:s7], $0x5FFFF  }
0xac: {  	[dreg:$0x1] =	wrdreg $0xFFFFFFFF  }
0xad: {  	[dreg:$0x0] =	wrdreg $0x60  }
0xae: {  	[dreg:$0x2] =	wrdreg s24  }
0xaf: {  	[dreg:$0x3] =	wrdreg s2  }
0xb0: {  	[dreg:$0x4] =	wrdreg $0x85800  }
0xb1: {  	[dreg:$0x5] =	wrdreg $0x1C5800  }
0xb2: {  	[dreg:$0x6] =	wrdreg $0x9  }
0xb3: {  	_ =	task.clear_ibuf [dreg:s7], $0x7FFFF;
	_ =	strace $0x90000046  }
0xb4: {  	s29 =	simm.s32 $0x9;
	_ =	strace $0x80000048  }
0xb5: {  	_ =	swait.ge [sflag:s29], $0x1  }
0xb6: {  	[sflag:s29] =	ssyncadd.s32 $0xFFFFFFFF  }
0xb7: {  	_ =	strace $0x90000048  }
0xb8: {  	_ =	sfence  }
0xb9: {  	s30 =	sld [smem:$0x0];
	_ =	sdelay $0x2  }
0xba: {  	s31 =	sshll.u32 s1, $0xD;
	s1 =	sshrl.u32 s1, $0x2  }
0xbb: {  	s3 =	sand.u32 $0x4000, s31;
	s1 =	sadd.s32 s1, s30  }
0xbc: {  	s0 =	sor.u32 s3, s0;
	s1 =	sshll.u32 s1, $0x11  }
0xbd: {  	s0 =	sor.u32 s1, s0  }
0xbe: {  	s0 =	sadd.s32 $0x8F2B, s0  }
0xbf: {  	[sflag:s0] =	ssyncadd.remote.s32 $0x1  }
0xc0: {  	_ =	sfence.sel $0xFFFF  }
0xc1: {  	[dreg:$0x0] =	wrdreg $0xFFFFFFFF;
	(pc) =	sbr.abs _section_cstart, $3  }
0xc2: {  	[dreg:$0x1] =	wrdreg $0xFFFFFFFF  }
0xc3: {  	_ =	task.clear_ibuf [dreg:s7], $0x2FFFF;
	_ =	strace $0x9FFFFFFF  }
0xc4: {  	(tm) =	ssettm $0x7FFFFFFF  }
0xc5: {  	_ =	shalt  }
tec
execute0_lowered:
.L_overlay_start_1:
0x0: {  	(tag) =	ssettag $0x1  }
0x1: {  	s0 =	srdreg.scid;
	s29 =	stileid.u32  }
0x2: {  	s8 =	sand.u32 $0x1, s0;
	s9 =	smul.u32 $0x280, s29  }
0x3: {  	s1 =	rddreg [dreg:$0x0];
	s6 =	smul.u32 $0x14000, s29;
	s0 =	ssub.s32 $0x2, s8  }
0x4: {  	s14 =	sadd.s32 $0x48A00, s1;
	s10 =	smul.u32 $0x140000, s8;
	s2 =	sshrl.u32 s0, $0x1  }
0x5: {  	s15 =	sor.u32 $0x40, s9;
	s16 =	sadd.s32 $0x80, s9;
	s17 =	sadd.s32 $0xC0, s9  }
0x6: {  	s18 =	sadd.s32 $0x100, s9;
	s19 =	sadd.s32 $0x140, s9;
	s20 =	sadd.s32 $0x180, s9  }
0x7: {  	s21 =	sadd.s32 $0x1C0, s9;
	s22 =	sadd.s32 $0x200, s9;
	s23 =	sadd.s32 $0x240, s9  }
0x8: {  	s0 =	ssub.s32 s0, s2;
	s3 =	sshll.u32 s15, $0x7;
	s2 =	sshll.u32 s16, $0x7  }
0x9: {  	s7 =	sshll.u32 s17, $0x7;
	s4 =	sshll.u32 s18, $0x7;
	s11 =	sadd.s32 s6, s10  }
0xa: {  	s5 =	sshll.u32 s19, $0x7;
	s11 =	sshrl.u32 s11, $0x3;
	s13 =	sadd.s32 s10, s3  }
0xb: {  	s24 =	sadd.s32 s10, s2;
	s12 =	sadd.s32 s14, s11;
	s9 =	sshrl.u32 s13, $0x3  }
0xc: {  	s25 =	sshrl.u32 s24, $0x3;
	s11 =	sadd.s32 s10, s4;
	s13 =	sadd.s32 s10, s5  }
0xd: {  	[dreg:$0x5] =	wrdreg s12;
	s12 =	sadd.s32 s10, s7;
	s9 =	sadd.s32 s14, s9  }
0xe: {  	s24 =	sshrl.u32 s13, $0x3;
	[dreg:$0x6] =	wrdreg s9;
	s9 =	sadd.s32 s14, s25  }
0xf: {  	s26 =	sshrl.u32 s12, $0x3;
	s12 =	sshrl.u32 s11, $0x3;
	[dreg:$0x7] =	wrdreg s9  }
0x10: {  	s31 =	sadd.s32 s14, s26;
	s9 =	sshll.u32 s20, $0x7;
	s11 =	sadd.s32 s14, s12  }
0x11: {  	[dreg:$0x9] =	wrdreg s11;
	s25 =	sadd.s32 s10, s9;
	s11 =	sadd.s32 s14, s24  }
0x12: {  	[dreg:$0xa] =	wrdreg s11;
	s12 =	sshrl.u32 s25, $0x3;
	s11 =	sshll.u32 s21, $0x7  }
0x13: {  	[dreg:$0x8] =	wrdreg s31;
	s12 =	sadd.s32 s14, s12;
	s13 =	sadd.s32 s10, s11  }
0x14: {  	[dreg:$0xb] =	wrdreg s12;
	s12 =	sshll.u32 s22, $0x7;
	s24 =	sshrl.u32 s13, $0x3  }
0x15: {  	s13 =	sshll.u32 s23, $0x7;
	s25 =	sadd.s32 s10, s12;
	s24 =	sadd.s32 s14, s24  }
0x16: {  	s10 =	sadd.s32 s10, s13;
	[dreg:$0xc] =	wrdreg s24;
	s26 =	sshrl.u32 s25, $0x3  }
0x17: {  	s31 =	sshrl.u32 s10, $0x3;
	s25 =	smul.u32 $0x28000, s8;
	s24 =	sadd.s32 s14, s26  }
0x18: {  	s14 =	sadd.s32 s14, s31;
	[dreg:$0xd] =	wrdreg s24;
	s24 =	smul.u32 $0x2800, s29  }
0x19: {  	s15 =	sshll.u32 s15, $0x4;
	s31 =	sshll.u32 s21, $0x4;
	[dreg:$0xe] =	wrdreg s14  }
0x1a: {  	s14 =	sshll.u32 s23, $0x4;
	s26 =	sadd.s32 s25, s15;
	s23 =	sadd.s32 s24, s25  }
0x1b: {  	s21 =	sshrl.u32 s23, $0x3;
	s23 =	sshrl.u32 s26, $0x3;
	s26 =	rddreg [dreg:$0x1]  }
0x1c: {  	s16 =	sshll.u32 s16, $0x4;
	s17 =	sshll.u32 s17, $0x4;
	s23 =	sadd.s32 s26, s23  }
0x1d: {  	s21 =	sadd.s32 s26, s21;
	[dreg:$0x10] =	wrdreg s23;
	s23 =	sadd.s32 s25, s16  }
0x1e: {  	s18 =	sshll.u32 s18, $0x4;
	[dreg:$0xf] =	wrdreg s21;
	s21 =	sshrl.u32 s23, $0x3  }
0x1f: {  	s28 =	sadd.s32 s25, s18;
	s23 =	sadd.s32 s25, s17;
	s21 =	sadd.s32 s26, s21  }
0x20: {  	[dreg:$0x11] =	wrdreg s21;
	s21 =	sshrl.u32 s23, $0x3;
	s23 =	sshrl.u32 s28, $0x3  }
0x21: {  	s19 =	sshll.u32 s19, $0x4;
	s20 =	sshll.u32 s20, $0x4;
	s23 =	sadd.s32 s26, s23  }
0x22: {  	s21 =	sadd.s32 s26, s21;
	[dreg:$0x13] =	wrdreg s23;
	s23 =	sadd.s32 s25, s19  }
0x23: {  	s10 =	simm.s32 $0x0;
	[dreg:$0x12] =	wrdreg s21;
	s21 =	sshrl.u32 s23, $0x3  }
0x24: {  	s28 =	sadd.s32 s25, s31;
	s23 =	sadd.s32 s25, s20;
	s21 =	sadd.s32 s26, s21  }
0x25: {  	[dreg:$0x14] =	wrdreg s21;
	s21 =	sshrl.u32 s23, $0x3;
	s23 =	sshrl.u32 s28, $0x3  }
0x26: {  	s22 =	sshll.u32 s22, $0x4;
	[smem:$0x7FF] =	sst s10;
	s23 =	sadd.s32 s26, s23  }
0x27: {  	s21 =	sadd.s32 s26, s21;
	[dreg:$0x16] =	wrdreg s23;
	s23 =	sadd.s32 s25, s22  }
0x28: {  	s30 =	sadd.s32 $0x2A00, s1;
	[dreg:$0x15] =	wrdreg s21;
	s23 =	sshrl.u32 s23, $0x3  }
0x29: {  	s25 =	sadd.s32 s25, s14;
	s21 =	rddreg [dreg:$0x2];
	s23 =	sadd.s32 s26, s23  }
0x2a: {  	s0 =	smax.u32 s0, $0x1;
	s25 =	sshrl.u32 s25, $0x3;
	[dreg:$0x17] =	wrdreg s23  }
0x2b: {  	s8 =	sshll.u32 s8, $0x4;
	s25 =	sadd.s32 s26, s25;
	s23 =	rddreg [dreg:$0x3]  }
0x2c: {  	s8 =	sor.u32 s29, s8;
	s6 =	sadd.s32 s6, s21;
	[dreg:$0x18] =	wrdreg s25  }
0x2d: {  	s3 =	sadd.s32 s3, s21;
	_ =	strace $0x80000047;
	[dreg:$0x19] =	wrdreg s6  }
0x2e: {  	s29 =	sadd.s32 $0xCA00, s1;
	s2 =	sadd.s32 s2, s21;
	[dreg:$0x1b] =	wrdreg s3  }
0x2f: {  	s28 =	sadd.s32 $0x43A00, s1;
	s26 =	sadd.s32 $0x3EA00, s1;
	[dreg:$0x1d] =	wrdreg s2  }
0x30: {  	s25 =	sadd.s32 $0x16A00, s1;
	s6 =	sadd.s32 s15, s23;
	[smem:$0x7FB] =	sst s0  }
0x31: {  	s1 =	smul.u32 $0x27C0, s8;
	s8 =	sadd.s32 s16, s23;
	[dreg:$0x1c] =	wrdreg s6  }
0x32: {  	s15 =	sadd.s32 s7, s21;
	[dreg:$0x1e] =	wrdreg s8  }
0x33: {  	s16 =	sadd.s32 s17, s23;
	[dreg:$0x1f] =	wrdreg s15  }
0x34: {  	s17 =	sadd.s32 s4, s21;
	[smem:$0x7E7] =	sst s16  }
0x35: {  	s3 =	sadd.s32 s5, s21;
	[smem:$0x7E8] =	sst s17  }
0x36: {  	s4 =	sadd.s32 s9, s21;
	[smem:$0x7E9] =	sst s3  }
0x37: {  	s5 =	sadd.s32 s20, s23;
	[smem:$0x7EA] =	sst s4  }
0x38: {  	s7 =	sadd.s32 s31, s23;
	[smem:$0x7EB] =	sst s5  }
0x39: {  	s9 =	sadd.s32 s22, s23;
	[smem:$0x7ED] =	sst s7  }
0x3a: {  	s24 =	sadd.s32 s24, s23;
	[smem:$0x7EF] =	sst s9  }
0x3b: {  	s18 =	sadd.s32 s18, s23;
	s19 =	sadd.s32 s19, s23;
	[dreg:$0x1a] =	wrdreg s24  }
0x3c: {  	s6 =	sadd.s32 s11, s21;
	s8 =	sadd.s32 s12, s21;
	[smem:$0x7FC] =	sst s18  }
0x3d: {  	s11 =	sshrl.u32 s1, $0x3;
	s12 =	sadd.s32 s13, s21;
	[smem:$0x7FD] =	sst s19  }
0x3e: {  	s13 =	sadd.s32 s14, s23;
	s22 =	sadd.s32 $0xC0, s1;
	[smem:$0x7EC] =	sst s6  }
0x3f: {  	s31 =	sadd.s32 $0x100, s1;
	s1 =	sadd.s32 $0x140, s1;
	[smem:$0x7EE] =	sst s8  }
0x40: {  	s4 =	simm.s32 $0x80;
	s5 =	simm.s32 $0x140;
	[smem:$0x7F0] =	sst s12  }
0x41: {  	s7 =	simm.s32 $0x2;
	s9 =	simm.s32 $0x6;
	[smem:$0x7F1] =	sst s13  }
0x42: {  	s14 =	sadd.s32 s29, s11;
	s15 =	sadd.s32 s30, s11;
	[smem:$0x7F8] =	sst s22  }
0x43: {  	s16 =	sadd.s32 $0x8, s11;
	s2 =	sadd.s32 $0x10, s11;
	[smem:$0x7F9] =	sst s31  }
0x44: {  	[smem:$0x7FA] =	sst s1;
	s1 =	simm.s32 $0xC0;
	s8 =	simm.s32 $0x2180  }
0x45: {  	s12 =	simm.s32 $0x4;
	s13 =	simm.s32 $0x3;
	[smem:$0x7F2] =	sst s14  }
0x46: {  	s6 =	simm.s32 $0x7;
	[smem:$0x7F3] =	sst s15;
	s17 =	sadd.s32 s29, s16  }
.Ltmp0:
0x47: {  	s3 =	sadd.s32 s30, s16;
	[smem:$0x7F4] =	sst s17;
	(pc) =	sbr.rel .LBB2_1-.Ltmp0, $4  }
0x48: {  	s11 =	simm.s32 $0x0;
	s20 =	sadd.s32 s29, s2;
	[smem:$0x7F5] =	sst s3  }
0x49: {  	s2 =	sadd.s32 s30, s2;
	s14 =	simm.s32 $0x4180;
	[smem:$0x7F6] =	sst s20  }
0x4a: {  	v1 =	vlaneseq.u32;
	s15 =	simm.s32 $0x8;
	[smem:$0x7F7] =	sst s2;
	s20 =	simm.s32 $0xA  }
0x4b: {  	v0 =	vimm.f32 $0.0e+00;
	v1 =	vand.u32 $0x7, v1;
	s2 =	simm.s32 $0x40;
	s3 =	simm.s32 $0x100;
	s17 =	simm.s32 $0x5  }
.LBB2_12:
0x4c: {  	s0 =	simm.s32 $0x9  }
0x4d: {  	_ =	swait.ge [sflag:s0], $0x2000  }
0x4e: {  	[sflag:s0] =	ssyncset.done $0x0  }
0x4f: {  	[sflag:s0] =	ssyncadd.s32 $0xFFFFE000  }
0x50: {  	_ =	swait.ge [sflag:s0], $0x400  }
0x51: {  	[sflag:s0] =	ssyncset.done $0x0  }
0x52: {  	[sflag:s0] =	ssyncadd.s32 $0xFFFFFC00  }
0x53: {  	[bflag:$0x0] =	sbarrier.arrive $0xFFFF  }
0x54: {  	s11 =	simm.s32 $0x180;
	s22 =	rddreg [dreg:$0x19]  }
0x55: {  	[tilespmem:s11], [sflag:$0xA] =	stream.linear.gather [spmem:s22], $0x2000, $0x38;
	[tilespmem:$0x1ED80] =	vst v63  }
0x56: {  	_ =	swait.ge [sflag:s20], $0x2000  }
0x57: {  	[sflag:s20] =	ssyncset.done $0x0  }
0x58: {  	s24 =	rddreg [dreg:$0x5];
	[sflag:s20] =	ssyncadd.s32 $0xFFFFE000  }
0x59: {  	[hbm4b:s24+s10] =	stream.linear.scatter [tilespmem:s11], [sflag:$0xA], $0x2000, $0x38;
	[tilespmem:$0x1ED80] =	vst v63  }
0x5a: {  	_ =	swait.ge [sflag:s20], $0x2000  }
0x5b: {  	[sflag:s20] =	ssyncset.done $0x0  }
0x5c: {  	s16 =	simm.s32 $0x7980;
	s24 =	rddreg [dreg:$0x1a];
	[sflag:s20] =	ssyncadd.s32 $0xFFFFE000  }
0x5d: {  	[tilespmem:s16], [sflag:$0xA] =	stream.linear.gather [spmem:s24], $0x400, $0x38;
	[tilespmem:$0x1ED80] =	vst v63  }
0x5e: {  	_ =	swait.ge [sflag:s20], $0x400  }
0x5f: {  	[sflag:s20] =	ssyncset.done $0x0  }
0x60: {  	s31 =	rddreg [dreg:$0xf];
	[sflag:s20] =	ssyncadd.s32 $0xFFFFFC00  }
0x61: {  	[hbm4b:s31+s10] =	stream.linear.scatter [tilespmem:s16], [sflag:$0xA], $0x400, $0x38;
	[tilespmem:$0x1ED80] =	vst v63  }
0x62: {  	_ =	swait.ge [sflag:s20], $0x400  }
0x63: {  	[sflag:s20] =	ssyncset.done $0x0  }
0x64: {  	s18 =	rddreg [dreg:$0x1b];
	[sflag:s20] =	ssyncadd.s32 $0xFFFFFC00  }
0x65: {  	[tilespmem:s11], [sflag:$0xA] =	stream.linear.gather [spmem:s18], $0x2000, $0x38;
	[tilespmem:$0x1ED80] =	vst v63  }
0x66: {  	_ =	swait.ge [sflag:s20], $0x2000  }
0x67: {  	[sflag:s20] =	ssyncset.done $0x0  }
0x68: {  	s19 =	rddreg [dreg:$0x6];
	[sflag:s20] =	ssyncadd.s32 $0xFFFFE000  }
0x69: {  	[hbm4b:s19+s10] =	stream.linear.scatter [tilespmem:s11], [sflag:$0xA], $0x2000, $0x38;
	[tilespmem:$0x1ED80] =	vst v63  }
0x6a: {  	_ =	swait.ge [sflag:s20], $0x2000  }
0x6b: {  	[sflag:s20] =	ssyncset.done $0x0  }
0x6c: {  	s22 =	rddreg [dreg:$0x1c];
	[sflag:s20] =	ssyncadd.s32 $0xFFFFE000  }
0x6d: {  	[tilespmem:s16], [sflag:$0xA] =	stream.linear.gather [spmem:s22], $0x400, $0x38;
	[tilespmem:$0x1ED80] =	vst v63  }
0x6e: {  	_ =	swait.ge [sflag:s20], $0x400  }
0x6f: {  	[sflag:s20] =	ssyncset.done $0x0  }
0x70: {  	s31 =	rddreg [dreg:$0x10];
	[sflag:s20] =	ssyncadd.s32 $0xFFFFFC00  }
0x71: {  	[hbm4b:s31+s10] =	stream.linear.scatter [tilespmem:s16], [sflag:$0xA], $0x400, $0x38;
	[tilespmem:$0x1ED80] =	vst v63  }
0x72: {  	_ =	swait.ge [sflag:s20], $0x400  }
0x73: {  	[sflag:s20] =	ssyncset.done $0x0  }
0x74: {  	s18 =	rddreg [dreg:$0x1d];
	[sflag:s20] =	ssyncadd.s32 $0xFFFFFC00  }
0x75: {  	[tilespmem:s11], [sflag:$0xA] =	stream.linear.gather [spmem:s18], $0x2000, $0x38;
	[tilespmem:$0x1ED80] =	vst v63  }
0x76: {  	_ =	swait.ge [sflag:s20], $0x2000  }
0x77: {  	[sflag:s20] =	ssyncset.done $0x0  }
0x78: {  	s19 =	rddreg [dreg:$0x7];
	[sflag:s20] =	ssyncadd.s32 $0xFFFFE000  }
0x79: {  	[hbm4b:s19+s10] =	stream.linear.scatter [tilespmem:s11], [sflag:$0xA], $0x2000, $0x38;
	[tilespmem:$0x1ED80] =	vst v63  }
0x7a: {  	_ =	swait.ge [sflag:s20], $0x2000  }
0x7b: {  	[sflag:s20] =	ssyncset.done $0x0  }
0x7c: {  	s22 =	rddreg [dreg:$0x1e];
	[sflag:s20] =	ssyncadd.s32 $0xFFFFE000  }
0x7d: {  	[tilespmem:s16], [sflag:$0xA] =	stream.linear.gather [spmem:s22], $0x400, $0x38;
	[tilespmem:$0x1ED80] =	vst v63  }
0x7e: {  	_ =	swait.ge [sflag:s20], $0x400  }
0x7f: {  	[sflag:s20] =	ssyncset.done $0x0  }
0x80: {  	s31 =	rddreg [dreg:$0x11];
	[sflag:s20] =	ssyncadd.s32 $0xFFFFFC00  }
0x81: {  	[hbm4b:s31+s10] =	stream.linear.scatter [tilespmem:s16], [sflag:$0xA], $0x400, $0x38;
	[tilespmem:$0x1ED80] =	vst v63  }
0x82: {  	_ =	swait.ge [sflag:s20], $0x400  }
0x83: {  	[sflag:s20] =	ssyncset.done $0x0  }
0x84: {  	s18 =	rddreg [dreg:$0x1f];
	[sflag:s20] =	ssyncadd.s32 $0xFFFFFC00  }
0x85: {  	[tilespmem:s11], [sflag:$0xA] =	stream.linear.gather [spmem:s18], $0x2000, $0x38;
	[tilespmem:$0x1ED80] =	vst v63  }
0x86: {  	_ =	swait.ge [sflag:s20], $0x2000  }
0x87: {  	[sflag:s20] =	ssyncset.done $0x0  }
0x88: {  	s19 =	rddreg [dreg:$0x8];
	[sflag:s20] =	ssyncadd.s32 $0xFFFFE000  }
0x89: {  	[hbm4b:s19+s10] =	stream.linear.scatter [tilespmem:s11], [sflag:$0xA], $0x2000, $0x38;
	[tilespmem:$0x1ED80] =	vst v63  }
0x8a: {  	_ =	swait.ge [sflag:s20], $0x2000  }
0x8b: {  	s22 =	sld [smem:$0x7E7]  }
0x8c: {  	[sflag:s20] =	ssyncset.done $0x0  }
0x8d: {  	[sflag:s20] =	ssyncadd.s32 $0xFFFFE000  }
0x8e: {  	[tilespmem:s16], [sflag:$0xA] =	stream.linear.gather [spmem:s22], $0x400, $0x38;
	[tilespmem:$0x1ED80] =	vst v63  }
0x8f: {  	_ =	swait.ge [sflag:s20], $0x400  }
0x90: {  	[sflag:s20] =	ssyncset.done $0x0  }
0x91: {  	s31 =	rddreg [dreg:$0x12];
	[sflag:s20] =	ssyncadd.s32 $0xFFFFFC00  }
0x92: {  	[hbm4b:s31+s10] =	stream.linear.scatter [tilespmem:s16], [sflag:$0xA], $0x400, $0x38;
	[tilespmem:$0x1ED80] =	vst v63  }
0x93: {  	_ =	swait.ge [sflag:s20], $0x400  }
0x94: {  	s18 =	sld [smem:$0x7E8]  }
0x95: {  	[sflag:s20] =	ssyncset.done $0x0  }
0x96: {  	[sflag:s20] =	ssyncadd.s32 $0xFFFFFC00  }
0x97: {  	[tilespmem:s11], [sflag:$0xA] =	stream.linear.gather [spmem:s18], $0x2000, $0x38;
	[tilespmem:$0x1ED80] =	vst v63  }
0x98: {  	_ =	swait.ge [sflag:s20], $0x2000  }
0x99: {  	[sflag:s20] =	ssyncset.done $0x0  }
0x9a: {  	s19 =	rddreg [dreg:$0x9];
	[sflag:s20] =	ssyncadd.s32 $0xFFFFE000  }
0x9b: {  	[hbm4b:s19+s10] =	stream.linear.scatter [tilespmem:s11], [sflag:$0xA], $0x2000, $0x38;
	[tilespmem:$0x1ED80] =	vst v63  }
0x9c: {  	_ =	swait.ge [sflag:s20], $0x2000  }
0x9d: {  	s18 =	sld [smem:$0x7FC]  }
0x9e: {  	[sflag:s20] =	ssyncset.done $0x0  }
0x9f: {  	[sflag:s20] =	ssyncadd.s32 $0xFFFFE000  }
0xa0: {  	[tilespmem:s16], [sflag:$0xA] =	stream.linear.gather [spmem:s18], $0x400, $0x38;
	[tilespmem:$0x1ED80] =	vst v63  }
0xa1: {  	_ =	swait.ge [sflag:s20], $0x400  }
0xa2: {  	[sflag:s20] =	ssyncset.done $0x0  }
0xa3: {  	s22 =	rddreg [dreg:$0x13];
	[sflag:s20] =	ssyncadd.s32 $0xFFFFFC00  }
0xa4: {  	[hbm4b:s22+s10] =	stream.linear.scatter [tilespmem:s16], [sflag:$0xA], $0x400, $0x38;
	[tilespmem:$0x1ED80] =	vst v63  }
0xa5: {  	_ =	swait.ge [sflag:s20], $0x400  }
0xa6: {  	s31 =	sld [smem:$0x7E9]  }
0xa7: {  	[sflag:s20] =	ssyncset.done $0x0  }
0xa8: {  	[sflag:s20] =	ssyncadd.s32 $0xFFFFFC00  }
0xa9: {  	[tilespmem:s11], [sflag:$0xA] =	stream.linear.gather [spmem:s31], $0x2000, $0x38;
	[tilespmem:$0x1ED80] =	vst v63  }
0xaa: {  	_ =	swait.ge [sflag:s20], $0x2000  }
0xab: {  	[sflag:s20] =	ssyncset.done $0x0  }
0xac: {  	s19 =	rddreg [dreg:$0xa];
	[sflag:s20] =	ssyncadd.s32 $0xFFFFE000  }
0xad: {  	[hbm4b:s19+s10] =	stream.linear.scatter [tilespmem:s11], [sflag:$0xA], $0x2000, $0x38;
	[tilespmem:$0x1ED80] =	vst v63  }
0xae: {  	_ =	swait.ge [sflag:s20], $0x2000  }
0xaf: {  	s19 =	sld [smem:$0x7FD]  }
0xb0: {  	[sflag:s20] =	ssyncset.done $0x0  }
0xb1: {  	[sflag:s20] =	ssyncadd.s32 $0xFFFFE000  }
0xb2: {  	[tilespmem:s16], [sflag:$0xA] =	stream.linear.gather [spmem:s19], $0x400, $0x38;
	[tilespmem:$0x1ED80] =	vst v63  }
0xb3: {  	_ =	swait.ge [sflag:s20], $0x400  }
0xb4: {  	[sflag:s20] =	ssyncset.done $0x0  }
0xb5: {  	s22 =	rddreg [dreg:$0x14];
	[sflag:s20] =	ssyncadd.s32 $0xFFFFFC00  }
0xb6: {  	[hbm4b:s22+s10] =	stream.linear.scatter [tilespmem:s16], [sflag:$0xA], $0x400, $0x38;
	[tilespmem:$0x1ED80] =	vst v63  }
0xb7: {  	_ =	swait.ge [sflag:s20], $0x400  }
0xb8: {  	s31 =	sld [smem:$0x7EA]  }
0xb9: {  	[sflag:s20] =	ssyncset.done $0x0  }
0xba: {  	[sflag:s20] =	ssyncadd.s32 $0xFFFFFC00  }
0xbb: {  	[tilespmem:s11], [sflag:$0xA] =	stream.linear.gather [spmem:s31], $0x2000, $0x38;
	[tilespmem:$0x1ED80] =	vst v63  }
0xbc: {  	_ =	swait.ge [sflag:s20], $0x2000  }
0xbd: {  	[sflag:s20] =	ssyncset.done $0x0  }
0xbe: {  	s22 =	rddreg [dreg:$0xb];
	[sflag:s20] =	ssyncadd.s32 $0xFFFFE000  }
0xbf: {  	[hbm4b:s22+s10] =	stream.linear.scatter [tilespmem:s11], [sflag:$0xA], $0x2000, $0x38;
	[tilespmem:$0x1ED80] =	vst v63  }
0xc0: {  	_ =	swait.ge [sflag:s20], $0x2000  }
0xc1: {  	s31 =	sld [smem:$0x7EB]  }
0xc2: {  	[sflag:s20] =	ssyncset.done $0x0  }
0xc3: {  	[sflag:s20] =	ssyncadd.s32 $0xFFFFE000  }
0xc4: {  	[tilespmem:s16], [sflag:$0xA] =	stream.linear.gather [spmem:s31], $0x400, $0x38;
	[tilespmem:$0x1ED80] =	vst v63  }
0xc5: {  	_ =	swait.ge [sflag:s20], $0x400  }
0xc6: {  	[sflag:s20] =	ssyncset.done $0x0  }
0xc7: {  	s22 =	rddreg [dreg:$0x15];
	[sflag:s20] =	ssyncadd.s32 $0xFFFFFC00  }
0xc8: {  	[hbm4b:s22+s10] =	stream.linear.scatter [tilespmem:s16], [sflag:$0xA], $0x400, $0x38;
	[tilespmem:$0x1ED80] =	vst v63  }
0xc9: {  	_ =	swait.ge [sflag:s20], $0x400  }
0xca: {  	s31 =	sld [smem:$0x7EC]  }
0xcb: {  	[sflag:s20] =	ssyncset.done $0x0  }
0xcc: {  	[sflag:s20] =	ssyncadd.s32 $0xFFFFFC00  }
0xcd: {  	[tilespmem:s11], [sflag:$0xA] =	stream.linear.gather [spmem:s31], $0x2000, $0x38;
	[tilespmem:$0x1ED80] =	vst v63  }
0xce: {  	_ =	swait.ge [sflag:s20], $0x2000  }
0xcf: {  	[sflag:s20] =	ssyncset.done $0x0  }
0xd0: {  	s22 =	rddreg [dreg:$0xc];
	[sflag:s20] =	ssyncadd.s32 $0xFFFFE000  }
0xd1: {  	[hbm4b:s22+s10] =	stream.linear.scatter [tilespmem:s11], [sflag:$0xA], $0x2000, $0x38;
	[tilespmem:$0x1ED80] =	vst v63  }
0xd2: {  	_ =	swait.ge [sflag:s20], $0x2000  }
0xd3: {  	s31 =	sld [smem:$0x7ED]  }
0xd4: {  	[sflag:s20] =	ssyncset.done $0x0  }
0xd5: {  	[sflag:s20] =	ssyncadd.s32 $0xFFFFE000  }
0xd6: {  	[tilespmem:s16], [sflag:$0xA] =	stream.linear.gather [spmem:s31], $0x400, $0x38;
	[tilespmem:$0x1ED80] =	vst v63  }
0xd7: {  	_ =	swait.ge [sflag:s20], $0x400  }
0xd8: {  	[sflag:s20] =	ssyncset.done $0x0  }
0xd9: {  	s22 =	rddreg [dreg:$0x16];
	[sflag:s20] =	ssyncadd.s32 $0xFFFFFC00  }
0xda: {  	[hbm4b:s22+s10] =	stream.linear.scatter [tilespmem:s16], [sflag:$0xA], $0x400, $0x38;
	[tilespmem:$0x1ED80] =	vst v63  }
0xdb: {  	_ =	swait.ge [sflag:s20], $0x400  }
0xdc: {  	s31 =	sld [smem:$0x7EE]  }
0xdd: {  	[sflag:s20] =	ssyncset.done $0x0  }
0xde: {  	[sflag:s20] =	ssyncadd.s32 $0xFFFFFC00  }
0xdf: {  	[tilespmem:s11], [sflag:$0xA] =	stream.linear.gather [spmem:s31], $0x2000, $0x38;
	[tilespmem:$0x1ED80] =	vst v63  }
0xe0: {  	_ =	swait.ge [sflag:s20], $0x2000  }
0xe1: {  	[sflag:s20] =	ssyncset.done $0x0  }
0xe2: {  	s22 =	rddreg [dreg:$0xd];
	[sflag:s20] =	ssyncadd.s32 $0xFFFFE000  }
0xe3: {  	[hbm4b:s22+s10] =	stream.linear.scatter [tilespmem:s11], [sflag:$0xA], $0x2000, $0x38;
	[tilespmem:$0x1ED80] =	vst v63  }
0xe4: {  	_ =	swait.ge [sflag:s20], $0x2000  }
0xe5: {  	s31 =	sld [smem:$0x7EF]  }
0xe6: {  	[sflag:s20] =	ssyncset.done $0x0  }
0xe7: {  	[sflag:s20] =	ssyncadd.s32 $0xFFFFE000  }
0xe8: {  	[tilespmem:s16], [sflag:$0xA] =	stream.linear.gather [spmem:s31], $0x400, $0x38;
	[tilespmem:$0x1ED80] =	vst v63  }
0xe9: {  	_ =	swait.ge [sflag:s20], $0x400  }
0xea: {  	[sflag:s20] =	ssyncset.done $0x0  }
0xeb: {  	s22 =	rddreg [dreg:$0x17];
	[sflag:s20] =	ssyncadd.s32 $0xFFFFFC00  }
0xec: {  	[hbm4b:s22+s10] =	stream.linear.scatter [tilespmem:s16], [sflag:$0xA], $0x400, $0x38;
	[tilespmem:$0x1ED80] =	vst v63  }
0xed: {  	_ =	swait.ge [sflag:s20], $0x400  }
0xee: {  	s31 =	sld [smem:$0x7F0]  }
0xef: {  	[sflag:s20] =	ssyncset.done $0x0  }
0xf0: {  	[sflag:s20] =	ssyncadd.s32 $0xFFFFFC00  }
0xf1: {  	[tilespmem:s11], [sflag:$0xA] =	stream.linear.gather [spmem:s31], $0x2000, $0x38;
	[tilespmem:$0x1ED80] =	vst v63  }
0xf2: {  	_ =	swait.ge [sflag:s20], $0x2000  }
0xf3: {  	[sflag:s20] =	ssyncset.done $0x0  }
0xf4: {  	s22 =	rddreg [dreg:$0xe];
	[sflag:s20] =	ssyncadd.s32 $0xFFFFE000  }
0xf5: {  	[hbm4b:s22+s10] =	stream.linear.scatter [tilespmem:s11], [sflag:$0xA], $0x2000, $0x38;
	[tilespmem:$0x1ED80] =	vst v63  }
0xf6: {  	_ =	swait.ge [sflag:s20], $0x2000  }
0xf7: {  	s31 =	sld [smem:$0x7F1]  }
0xf8: {  	[sflag:s20] =	ssyncset.done $0x0  }
0xf9: {  	[sflag:s20] =	ssyncadd.s32 $0xFFFFE000  }
0xfa: {  	[tilespmem:s16], [sflag:$0xA] =	stream.linear.gather [spmem:s31], $0x400, $0x38;
	[tilespmem:$0x1ED80] =	vst v63  }
0xfb: {  	_ =	swait.ge [sflag:s20], $0x400  }
0xfc: {  	[sflag:s20] =	ssyncset.done $0x0  }
0xfd: {  	s11 =	rddreg [dreg:$0x18];
	[sflag:s20] =	ssyncadd.s32 $0xFFFFFC00  }
0xfe: {  	[hbm4b:s11+s10] =	stream.linear.scatter [tilespmem:s16], [sflag:$0xA], $0x400, $0x38;
	[tilespmem:$0x1ED80] =	vst v63  }
0xff: {  	_ =	swait.ge [sflag:s20], $0x400  }
0x100: {  	s22 =	sld [smem:$0x7E6]  }
0x101: {  	s31 =	sld [smem:$0x7FB];
	_ =	sdelay $0x1  }
0x102: {  	s11 =	sadd.s32 $0x1, s22  }
0x103: {  	p0 =	sne.s32 s11, s31  }
.Ltmp1:
0x104: {  	_ = 	snop;
	(pc) =	sbr.rel @!p0 .LBB2_13-.Ltmp1, $3  }
0x105: {  	_ =	sdelay $0x1  }
0x106: {  	[sflag:s20] =	ssyncset.done $0x0  }
0x107: {  	[sflag:s20] =	ssyncadd.s32 $0xFFFFFC00  }
.LBB2_1:
0x108: {  	s0 =	simm.s32 $0x1C0  }
0x109: {  	[tilespmem:s0+$0xFFFFFFD0] =	vst v0  }
0x10a: {  	[tilespmem:s0+$0xFFFFFFE0] =	vst v0  }
0x10b: {  	[tilespmem:s0+$0xFFFFFFF0] =	vst v0  }
0x10c: {  	[tilespmem:s0+$0x0] =	vst v0  }
0x10d: {  	[tilespmem:s0+$0x10] =	vst v0  }
0x10e: {  	[tilespmem:s0+$0x20] =	vst v0  }
0x10f: {  	[tilespmem:s0+$0x30] =	vst v0  }
0x110: {  	[smem:$0x7E6] =	sst s11;
	s16 =	simm.s32 $0x0;
	s11 =	simm.s32 $0x40;
	[tilespmem:s0+$0xFFFFFFC0] =	vst v0  }
.LBB2_2:
0x111: {  	p0 =	sne.s32 s11, $0xFC0;
	[tilespmem:s16+$0x7980] =	vst v0;
	s0 =	sadd.s32 $0x80, s0  }
0x112: {  	[tilespmem:s0+$0xFFFFFFD0] =	vst v0  }
0x113: {  	[tilespmem:s0+$0xFFFFFFE0] =	vst v0  }
0x114: {  	[tilespmem:s0+$0xFFFFFFF0] =	vst v0  }
.Ltmp2:
0x115: {  	[tilespmem:s0+$0x0] =	vst v0;
	(pc) =	sbr.rel @p0 .LBB2_2-.Ltmp2, $4  }
0x116: {  	[tilespmem:s0+$0x10] =	vst v0  }
0x117: {  	[tilespmem:s0+$0x20] =	vst v0  }
0x118: {  	[tilespmem:s0+$0x30] =	vst v0  }
0x119: {  	s16 =	sshra.s32 s11, $0x2;
	s11 =	sadd.s32 $0x40, s11;
	[tilespmem:s0+$0xFFFFFFC0] =	vst v0  }
0x11a: {  	[tilespmem:s16+$0x7980] =	vst v0;
	s0 =	rddreg [dreg:$0x19];
	s11 =	simm.s32 $0x180  }
0x11b: {  	[spmem:s0] =	stream.linear.scatter [tilespmem:s11], [sflag:$0xA], $0x2000, $0x38;
	[tilespmem:$0x1ED80] =	vst v63  }
0x11c: {  	_ =	swait.ge [sflag:s20], $0x2000  }
0x11d: {  	[sflag:s20] =	ssyncset.done $0x0  }
0x11e: {  	s16 =	simm.s32 $0x7980;
	[sflag:s20] =	ssyncadd.s32 $0xFFFFE000  }
0x11f: {  	[spmem:s24] =	stream.linear.scatter [tilespmem:s16], [sflag:$0xA], $0x400, $0x38;
	[tilespmem:$0x1ED80] =	vst v63  }
0x120: {  	_ =	swait.ge [sflag:s20], $0x400  }
0x121: {  	[sflag:s20] =	ssyncset.done $0x0  }
0x122: {  	s31 =	rddreg [dreg:$0x1b];
	[sflag:s20] =	ssyncadd.s32 $0xFFFFFC00  }
0x123: {  	[spmem:s31] =	stream.linear.scatter [tilespmem:s11], [sflag:$0xA], $0x2000, $0x38;
	[tilespmem:$0x1ED80] =	vst v63  }
0x124: {  	_ =	swait.ge [sflag:s20], $0x2000  }
0x125: {  	[sflag:s20] =	ssyncset.done $0x0  }
0x126: {  	s22 =	rddreg [dreg:$0x1c];
	[sflag:s20] =	ssyncadd.s32 $0xFFFFE000  }
0x127: {  	[spmem:s22] =	stream.linear.scatter [tilespmem:s16], [sflag:$0xA], $0x400, $0x38;
	[tilespmem:$0x1ED80] =	vst v63  }
0x128: {  	_ =	swait.ge [sflag:s20], $0x400  }
0x129: {  	[sflag:s20] =	ssyncset.done $0x0  }
0x12a: {  	s24 =	rddreg [dreg:$0x1d];
	[sflag:s20] =	ssyncadd.s32 $0xFFFFFC00  }
0x12b: {  	[spmem:s24] =	stream.linear.scatter [tilespmem:s11], [sflag:$0xA], $0x2000, $0x38;
	[tilespmem:$0x1ED80] =	vst v63  }
0x12c: {  	_ =	swait.ge [sflag:s20], $0x2000  }
0x12d: {  	[sflag:s20] =	ssyncset.done $0x0  }
0x12e: {  	s31 =	rddreg [dreg:$0x1e];
	[sflag:s20] =	ssyncadd.s32 $0xFFFFE000  }
0x12f: {  	[spmem:s31] =	stream.linear.scatter [tilespmem:s16], [sflag:$0xA], $0x400, $0x38;
	[tilespmem:$0x1ED80] =	vst v63  }
0x130: {  	_ =	swait.ge [sflag:s20], $0x400  }
0x131: {  	[sflag:s20] =	ssyncset.done $0x0  }
0x132: {  	s22 =	rddreg [dreg:$0x1f];
	[sflag:s20] =	ssyncadd.s32 $0xFFFFFC00  }
0x133: {  	[spmem:s22] =	stream.linear.scatter [tilespmem:s11], [sflag:$0xA], $0x2000, $0x38;
	[tilespmem:$0x1ED80] =	vst v63  }
0x134: {  	_ =	swait.ge [sflag:s20], $0x2000  }
0x135: {  	s24 =	sld [smem:$0x7E7]  }
0x136: {  	[sflag:s20] =	ssyncset.done $0x0  }
0x137: {  	[sflag:s20] =	ssyncadd.s32 $0xFFFFE000  }
0x138: {  	[spmem:s24] =	stream.linear.scatter [tilespmem:s16], [sflag:$0xA], $0x400, $0x38;
	[tilespmem:$0x1ED80] =	vst v63  }
0x139: {  	_ =	swait.ge [sflag:s20], $0x400  }
0x13a: {  	s31 =	sld [smem:$0x7E8]  }
0x13b: {  	[sflag:s20] =	ssyncset.done $0x0  }
0x13c: {  	[sflag:s20] =	ssyncadd.s32 $0xFFFFFC00  }
0x13d: {  	[spmem:s31] =	stream.linear.scatter [tilespmem:s11], [sflag:$0xA], $0x2000, $0x38;
	[tilespmem:$0x1ED80] =	vst v63  }
0x13e: {  	_ =	swait.ge [sflag:s20], $0x2000  }
0x13f: {  	[sflag:s20] =	ssyncset.done $0x0  }
0x140: {  	[sflag:s20] =	ssyncadd.s32 $0xFFFFE000  }
0x141: {  	[spmem:s18] =	stream.linear.scatter [tilespmem:s16], [sflag:$0xA], $0x400, $0x38;
	[tilespmem:$0x1ED80] =	vst v63  }
0x142: {  	_ =	swait.ge [sflag:s20], $0x400  }
0x143: {  	s18 =	sld [smem:$0x7E9]  }
0x144: {  	[sflag:s20] =	ssyncset.done $0x0  }
0x145: {  	[sflag:s20] =	ssyncadd.s32 $0xFFFFFC00  }
0x146: {  	[spmem:s18] =	stream.linear.scatter [tilespmem:s11], [sflag:$0xA], $0x2000, $0x38;
	[tilespmem:$0x1ED80] =	vst v63  }
0x147: {  	_ =	swait.ge [sflag:s20], $0x2000  }
0x148: {  	[sflag:s20] =	ssyncset.done $0x0  }
0x149: {  	[sflag:s20] =	ssyncadd.s32 $0xFFFFE000  }
0x14a: {  	[spmem:s19] =	stream.linear.scatter [tilespmem:s16], [sflag:$0xA], $0x400, $0x38;
	[tilespmem:$0x1ED80] =	vst v63  }
0x14b: {  	_ =	swait.ge [sflag:s20], $0x400  }
0x14c: {  	s19 =	sld [smem:$0x7EA]  }
0x14d: {  	[sflag:s20] =	ssyncset.done $0x0  }
0x14e: {  	[sflag:s20] =	ssyncadd.s32 $0xFFFFFC00  }
0x14f: {  	[spmem:s19] =	stream.linear.scatter [tilespmem:s11], [sflag:$0xA], $0x2000, $0x38;
	[tilespmem:$0x1ED80] =	vst v63  }
0x150: {  	_ =	swait.ge [sflag:s20], $0x2000  }
0x151: {  	s22 =	sld [smem:$0x7EB]  }
0x152: {  	[sflag:s20] =	ssyncset.done $0x0  }
0x153: {  	[sflag:s20] =	ssyncadd.s32 $0xFFFFE000  }
0x154: {  	[spmem:s22] =	stream.linear.scatter [tilespmem:s16], [sflag:$0xA], $0x400, $0x38;
	[tilespmem:$0x1ED80] =	vst v63  }
0x155: {  	_ =	swait.ge [sflag:s20], $0x400  }
0x156: {  	s24 =	sld [smem:$0x7EC]  }
0x157: {  	[sflag:s20] =	ssyncset.done $0x0  }
0x158: {  	[sflag:s20] =	ssyncadd.s32 $0xFFFFFC00  }
0x159: {  	[spmem:s24] =	stream.linear.scatter [tilespmem:s11], [sflag:$0xA], $0x2000, $0x38;
	[tilespmem:$0x1ED80] =	vst v63  }
0x15a: {  	_ =	swait.ge [sflag:s20], $0x2000  }
0x15b: {  	s31 =	sld [smem:$0x7ED]  }
0x15c: {  	[sflag:s20] =	ssyncset.done $0x0  }
0x15d: {  	[sflag:s20] =	ssyncadd.s32 $0xFFFFE000  }
0x15e: {  	[spmem:s31] =	stream.linear.scatter [tilespmem:s16], [sflag:$0xA], $0x400, $0x38;
	[tilespmem:$0x1ED80] =	vst v63  }
0x15f: {  	_ =	swait.ge [sflag:s20], $0x400  }
0x160: {  	s18 =	sld [smem:$0x7EE]  }
0x161: {  	[sflag:s20] =	ssyncset.done $0x0  }
0x162: {  	[sflag:s20] =	ssyncadd.s32 $0xFFFFFC00  }
0x163: {  	[spmem:s18] =	stream.linear.scatter [tilespmem:s11], [sflag:$0xA], $0x2000, $0x38;
	[tilespmem:$0x1ED80] =	vst v63  }
0x164: {  	_ =	swait.ge [sflag:s20], $0x2000  }
0x165: {  	s19 =	sld [smem:$0x7EF]  }
0x166: {  	[sflag:s20] =	ssyncset.done $0x0  }
0x167: {  	[sflag:s20] =	ssyncadd.s32 $0xFFFFE000  }
0x168: {  	[spmem:s19] =	stream.linear.scatter [tilespmem:s16], [sflag:$0xA], $0x400, $0x38;
	[tilespmem:$0x1ED80] =	vst v63  }
0x169: {  	_ =	swait.ge [sflag:s20], $0x400  }
0x16a: {  	s22 =	sld [smem:$0x7F0]  }
0x16b: {  	[sflag:s20] =	ssyncset.done $0x0  }
0x16c: {  	[sflag:s20] =	ssyncadd.s32 $0xFFFFFC00  }
0x16d: {  	[spmem:s22] =	stream.linear.scatter [tilespmem:s11], [sflag:$0xA], $0x2000, $0x38;
	[tilespmem:$0x1ED80] =	vst v63  }
0x16e: {  	_ =	swait.ge [sflag:s20], $0x2000  }
0x16f: {  	s24 =	sld [smem:$0x7F1]  }
0x170: {  	[sflag:s20] =	ssyncset.done $0x0  }
0x171: {  	[sflag:s20] =	ssyncadd.s32 $0xFFFFE000  }
0x172: {  	[spmem:s24] =	stream.linear.scatter [tilespmem:s16], [sflag:$0xA], $0x400, $0x38;
	[tilespmem:$0x1ED80] =	vst v63  }
0x173: {  	_ =	swait.ge [sflag:s20], $0x400  }
0x174: {  	[sflag:s20] =	ssyncset.done $0x0  }
0x175: {  	[sflag:s20] =	ssyncadd.s32 $0xFFFFFC00  }
0x176: {  	[bflag:$0x0] =	sbarrier.arrive $0xFFFF  }
0x177: {  	s31 =	sld [smem:$0x7F2];
	_ =	sdelay $0x1  }
0x178: {  	s16 =	simm.s32 $0x0;
	s18 =	sld [smem:$0x7F3]  }
0x179: {  	[tilespmem:s16], [sflag:$0x1] =	stream.linear.gather [hbm4b:s31+s16], $0x40, $0x38;
	[tilespmem:$0x1ED80] =	vst v63  }
0x17a: {  	s19 =	sld [smem:$0x7F4]  }
0x17b: {  	[tilespmem:s1], [sflag:$0x1] =	stream.linear.gather [hbm4b:s18+s16], $0x40, $0x38;
	[tilespmem:$0x1ED80] =	vst v63  }
0x17c: {  	s22 =	sld [smem:$0x7F5]  }
0x17d: {  	[tilespmem:s2], [sflag:$0x2] =	stream.linear.gather [hbm4b:s19+s16], $0x40, $0x38;
	[tilespmem:$0x1ED80] =	vst v63  }
0x17e: {  	s24 =	sld [smem:$0x7F6]  }
0x17f: {  	[tilespmem:s3], [sflag:$0x2] =	stream.linear.gather [hbm4b:s22+s16], $0x40, $0x38;
	[tilespmem:$0x1ED80] =	vst v63  }
0x180: {  	s31 =	sld [smem:$0x7F7]  }
0x181: {  	[tilespmem:s4], [sflag:$0x3] =	stream.linear.gather [hbm4b:s24+s16], $0x40, $0x38;
	[tilespmem:$0x1ED80] =	vst v63  }
0x182: {  	s18 =	simm.s32 $0x1  }
0x183: {  	[tilespmem:s5], [sflag:$0x3] =	stream.linear.gather [hbm4b:s31+s16], $0x40, $0x38;
	[tilespmem:$0x1ED80] =	vst v63  }
0x184: {  	_ =	swait.ge [sflag:s18], $0x40  }
0x185: {  	[sflag:s18] =	ssyncset.done $0x0  }
0x186: {  	[sflag:s18] =	ssyncadd.s32 $0xFFFFFFC0  }
0x187: {  	_ =	swait.ge [sflag:s18], $0x40  }
0x188: {  	[sflag:s18] =	ssyncset.done $0x0  }
0x189: {  	[sflag:s18] =	ssyncadd.s32 $0xFFFFFFC0  }
0x18a: {  	[tilespmem:s11], [sflag:$0x4] =	stream.indirect.gather [hbm4b:s25+s2], $0x80, s16, s2, $0xb8;
	[tilespmem:$0x1ED80] =	vst v63  }
0x18b: {  	s19 =	simm.s32 $0x6180  }
0x18c: {  	[tilespmem:s19], [sflag:$0x4] =	stream.indirect.gather [hbm4b:s26+s2], $0x10, s16, s2, $0xb8;
	[tilespmem:$0x1ED80] =	vst v63  }
0x18d: {  	s22 =	simm.s32 $0x6D80  }
0x18e: {  	[tilespmem:s22], [sflag:$0x4] =	stream.indirect.gather [hbm4b:s28+s2], $0x10, s1, s2, $0xb8;
	[tilespmem:$0x1ED80] =	vst v63  }
0x18f: {  	_ =	swait.ge [sflag:s7], $0x40  }
0x190: {  	[sflag:s7] =	ssyncset.done $0x0  }
0x191: {  	[sflag:s7] =	ssyncadd.s32 $0xFFFFFFC0  }
0x192: {  	_ =	swait.ge [sflag:s7], $0x40  }
0x193: {  	[sflag:s7] =	ssyncset.done $0x0  }
0x194: {  	[sflag:s7] =	ssyncadd.s32 $0xFFFFFFC0  }
0x195: {  	[tilespmem:s8], [sflag:$0x5] =	stream.indirect.gather [hbm4b:s25+s2], $0x80, s2, s2, $0xb8;
	[tilespmem:$0x1ED80] =	vst v63  }
0x196: {  	s24 =	simm.s32 $0x6580  }
0x197: {  	[tilespmem:s24], [sflag:$0x5] =	stream.indirect.gather [hbm4b:s26+s2], $0x10, s2, s2, $0xb8;
	[tilespmem:$0x1ED80] =	vst v63  }
0x198: {  	s31 =	simm.s32 $0x7180  }
0x199: {  	[tilespmem:s31], [sflag:$0x5] =	stream.indirect.gather [hbm4b:s28+s2], $0x10, s3, s2, $0xb8;
	[tilespmem:$0x1ED80] =	vst v63  }
.LBB2_4:
0x19a: {  	_ =	swait.ge [sflag:s12], $0x2000  }
0x19b: {  	[sflag:s12] =	ssyncset.done $0x0  }
0x19c: {  	[sflag:s12] =	ssyncadd.s32 $0xFFFFE000  }
0x19d: {  	_ =	swait.ge [sflag:s12], $0x400  }
0x19e: {  	[sflag:s12] =	ssyncset.done $0x0  }
0x19f: {  	[sflag:s12] =	ssyncadd.s32 $0xFFFFFC00  }
0x1a0: {  	_ =	swait.ge [sflag:s12], $0x400  }
0x1a1: {  	[sflag:s12] =	ssyncset.done $0x0  }
0x1a2: {  	s0 =	simm.s32 $0x61A0;
	[sflag:s12] =	ssyncadd.s32 $0xFFFFFC00  }
0x1a3: {  	s11 =	simm.s32 $0x6DA0;
	v2 =	vld [tilespmem:s0+$0x10]  }
0x1a4: {  	v3 =	vld [tilespmem:s11+$0x10]  }
0x1a5: {  	v5 =	vld [tilespmem:s0+$0xFFFFFFF0]  }
0x1a6: {  	v6 =	vld [tilespmem:s11+$0xFFFFFFF0]  }
0x1a7: {  	v4 =	vld [tilespmem:s11+$0xFFFFFFE0]  }
0x1a8: {  	v7 =	vld [tilespmem:s0+$0x0]  }
0x1a9: {  	v8 =	vld [tilespmem:s11+$0x0]  }
0x1aa: {  	v2 =	vadd.f32 v3, v2;
	v3 =	vld [tilespmem:s0+$0xFFFFFFE0]  }
0x1ab: {  	v5 =	vadd.f32 v6, v5  }
0x1ac: {  	v9 =	vmul.f32 $2.000000030e-01, v2  }
0x1ad: {  	v6 =	vmul.f32 $2.000000030e-01, v5  }
0x1ae: {  	v7 =	vadd.f32 v8, v7;
	v2 =	vmax.f32 v2, v9  }
0x1af: {  	v2 =	vmul.f32 $1.442695020e+00, v2;
	v3 =	vadd.f32 v4, v3;
	v4 =	vmax.f32 v5, v6  }
0x1b0: {  	v4 =	vmul.f32 $1.442695020e+00, v4  }
0x1b1: {  	v5 =	vmul.f32 $2.000000030e-01, v7;
	(erf) = vpow2.f32 v2  }
0x1b2: {  	v2 =	vmul.f32 $2.000000030e-01, v3;
	(erf) = vpow2.f32 v4  }
0x1b3: {  	v5 =	vmax.f32 v7, v5  }
0x1b4: {  	v2 =	vmax.f32 v3, v2;
	v3 =	vmul.f32 $1.442695020e+00, v5  }
0x1b5: {  	s19 =	simm.s32 $0x61E0;
	v2 =	vmul.f32 $1.442695020e+00, v2  }
0x1b6: {  	v18 =	vld [tilespmem:s19+$0x10];
	(erf) = vpow2.f32 v3  }
0x1b7: {  	s11 =	simm.s32 $0x6DE0;
	v21 =	vld [tilespmem:s19+$0xFFFFFFF0];
	(erf) = vpow2.f32 v2  }
0x1b8: {  	v19 =	vld [tilespmem:s11+$0x10]  }
0x1b9: {  	v20 =	vld [tilespmem:s11+$0xFFFFFFE0]  }
0x1ba: {  	s24 =	simm.s32 $0x79A0;
	v23 =	vld [tilespmem:s11+$0xFFFFFFF0];
	v2 =	vpop (erf)  }
0x1bb: {  	s18 =	simm.s32 $0x280;
	v58 =	vld [tilespmem:s11+$0x0];
	[tilespmem:s24+$0x10] =	vst v2;
	v4 =	vpop (erf)  }
0x1bc: {  	v3 =	vld [tilespmem:s18+$0xF0];
	[tilespmem:s24+$0xFFFFFFF0] =	vst v4  }
0x1bd: {  	v10 =	vld [tilespmem:s18+$0xFFFFFFA0]  }
0x1be: {  	v5 =	vld [tilespmem:s18+$0x80]  }
0x1bf: {  	v18 =	vadd.f32 v19, v18;
	v8 =	vld [tilespmem:s18+$0xFFFFFF90];
	v7 =	vpop (erf)  }
0x1c0: {  	v4 =	vperm.xlane v4, v1;
	v6 =	vld [tilespmem:s18+$0xFFFFFF80];
	v9 =	vpop (erf);
	[tilespmem:s24+$0x0] =	vst v7  }
0x1c1: {  	v17 =	vld [tilespmem:s18+$0xFFFFFFC0];
	v19 =	vperm.xlane v7, v1;
	v7 =	vmul.f32 $2.000000030e-01, v18;
	[tilespmem:s24+$0xFFFFFFE0] =	vst v9  }
0x1c2: {  	v14 =	vperm.xlane v9, v1;
	v11 =	vld [tilespmem:s18+$0xFFFFFF00];
	v9 =	vmul.f32 v10, v4  }
0x1c3: {  	v12 =	vld [tilespmem:s18+$0xFFFFFF10]  }
0x1c4: {  	v7 =	vmax.f32 v18, v7;
	v8 =	vmul.f32 v8, v4;
	[tilespmem:s18+$0xFFFFFFA0] =	vst v9;
	v9 =	vld [tilespmem:s18+$0xFFFFFFB0]  }
0x1c5: {  	v13 =	vld [tilespmem:s18+$0xFFFFFF20];
	v7 =	vmul.f32 $1.442695020e+00, v7  }
0x1c6: {  	v6 =	vmul.f32 v6, v4;
	[tilespmem:s18+$0xFFFFFF90] =	vst v8;
	v8 =	vld [tilespmem:s18+$0xFFFFFF60]  }
0x1c7: {  	(erf) = vpow2.f32 v7;
	v7 =	vld [tilespmem:s18+$0x20]  }
0x1c8: {  	v15 =	vld [tilespmem:s18+$0xFFFFFF30];
	[tilespmem:s18+$0xFFFFFF80] =	vst v6;
	v6 =	vmul.f32 v11, v14  }
0x1c9: {  	v10 =	vld [tilespmem:s18+$0x90];
	v22 =	vmul.f32 v9, v4  }
0x1ca: {  	v11 =	vld [tilespmem:s18+$0xFFFFFF50];
	[tilespmem:s18+$0xFFFFFF00] =	vst v6;
	v9 =	vperm.xlane v2, v1;
	v2 =	vmul.f32 v17, v4  }
0x1cb: {  	v17 =	vld [tilespmem:s19+$0x0];
	v8 =	vmul.f32 v8, v14;
	[tilespmem:s18+$0xFFFFFFB0] =	vst v22  }
0x1cc: {  	v7 =	vmul.f32 v7, v19;
	[tilespmem:s18+$0xFFFFFFC0] =	vst v2;
	v2 =	vld [tilespmem:s19+$0xFFFFFFE0]  }
0x1cd: {  	v16 =	vld [tilespmem:s18+$0xFFFFFF40];
	v3 =	vmul.f32 v3, v9;
	[tilespmem:s18+$0xFFFFFF60] =	vst v8  }
0x1ce: {  	v6 =	vld [tilespmem:s18+$0xFFFFFF70];
	v5 =	vmul.f32 v5, v9;
	[tilespmem:s18+$0x20] =	vst v7  }
0x1cf: {  	v59 =	vld [tilespmem:s18+$0xFFFFFFE0];
	[tilespmem:s18+$0xF0] =	vst v3;
	v3 =	vmul.f32 v12, v14;
	v12 =	vmul.f32 v13, v14;
	v13 =	vadd.f32 v23, v21  }
0x1d0: {  	v24 =	vld [tilespmem:s18+$0xFFFFFFD0];
	v11 =	vmul.f32 v11, v14;
	[tilespmem:s18+$0x80] =	vst v5;
	v5 =	vmul.f32 v15, v14;
	v17 =	vadd.f32 v58, v17  }
0x1d1: {  	v18 =	vld [tilespmem:s18+$0x0];
	v10 =	vmul.f32 v10, v9;
	[tilespmem:s18+$0xFFFFFF10] =	vst v3;
	v3 =	vmul.f32 $2.000000030e-01, v13;
	v2 =	vadd.f32 v20, v2  }
0x1d2: {  	v8 =	vld [tilespmem:s18+$0x60];
	v15 =	vmul.f32 v16, v14;
	[tilespmem:s18+$0xFFFFFF30] =	vst v5;
	v5 =	vmul.f32 $2.000000030e-01, v17  }
0x1d3: {  	v16 =	vld [tilespmem:s18+$0xFFFFFFF0];
	[tilespmem:s18+$0xFFFFFF50] =	vst v11;
	v6 =	vmul.f32 v6, v14;
	v3 =	vmax.f32 v13, v3;
	v13 =	vmul.f32 $2.000000030e-01, v2  }
0x1d4: {  	v11 =	vld [tilespmem:s18+$0x40];
	[tilespmem:s18+$0x90] =	vst v10;
	v10 =	vmul.f32 v59, v4;
	v3 =	vmul.f32 $1.442695020e+00, v3;
	v5 =	vmax.f32 v17, v5  }
0x1d5: {  	v14 =	vld [tilespmem:s18+$0xB0];
	[tilespmem:s18+$0xFFFFFF70] =	vst v6;
	v6 =	vmul.f32 v24, v4;
	v5 =	vmul.f32 $1.442695020e+00, v5;
	v2 =	vmax.f32 v2, v13  }
0x1d6: {  	[tilespmem:s18+$0xFFFFFF20] =	vst v12;
	v12 =	vld [tilespmem:s18+$0x10];
	(erf) = vpow2.f32 v3;
	v2 =	vmul.f32 $1.442695020e+00, v2  }
0x1d7: {  	[tilespmem:s18+$0xFFFFFF40] =	vst v15;
	v15 =	vld [tilespmem:s18+$0x30];
	v8 =	vmul.f32 v8, v19;
	(erf) = vpow2.f32 v5  }
0x1d8: {  	[tilespmem:s18+$0xFFFFFFD0] =	vst v6;
	v6 =	vld [tilespmem:s18+$0xA0];
	(erf) = vpow2.f32 v2;
	v2 =	vmul.f32 v18, v19  }
0x1d9: {  	[tilespmem:s18+$0xFFFFFFE0] =	vst v10;
	v4 =	vmul.f32 v16, v4;
	v16 =	vld [tilespmem:s18+$0xC0]  }
0x1da: {  	v17 =	vld [tilespmem:s18+$0xD0];
	[tilespmem:s18+$0x60] =	vst v8  }
0x1db: {  	v3 =	vld [tilespmem:s18+$0x50];
	[tilespmem:s18+$0xFFFFFFF0] =	vst v4  }
0x1dc: {  	s0 =	simm.s32 $0x79E0;
	v4 =	vmul.f32 v12, v19;
	v5 =	vld [tilespmem:s18+$0x70];
	[tilespmem:s18+$0x0] =	vst v2;
	v2 =	vpop (erf)  }
0x1dd: {  	s24 =	simm.s32 $0x480;
	v11 =	vmul.f32 v11, v19;
	v18 =	vld [tilespmem:s18+$0xE0];
	[tilespmem:s0+$0x10] =	vst v2  }
0x1de: {  	v10 =	vmul.f32 v15, v19;
	[tilespmem:s18+$0x10] =	vst v4;
	v4 =	vld [tilespmem:s24+$0xF0]  }
0x1df: {  	[tilespmem:s18+$0x40] =	vst v11;
	v7 =	vld [tilespmem:s24+$0x80];
	v12 =	vpop (erf)  }
0x1e0: {  	v3 =	vmul.f32 v3, v19;
	v15 =	vld [tilespmem:s24+$0x90];
	[tilespmem:s0+$0xFFFFFFF0] =	vst v12  }
0x1e1: {  	[tilespmem:s18+$0x30] =	vst v10;
	v20 =	vpop (erf);
	v13 =	vld [tilespmem:s24+$0xFFFFFF80]  }
0x1e2: {  	v5 =	vmul.f32 v5, v19;
	[tilespmem:s18+$0x50] =	vst v3;
	v2 =	vperm.xlane v2, v1;
	v11 =	vld [tilespmem:s24+$0xFFFFFF90];
	v10 =	vpop (erf)  }
0x1e3: {  	v60 =	vld [tilespmem:s24+$0xFFFFFFA0];
	[tilespmem:s0+$0xFFFFFFE0] =	vst v10  }
0x1e4: {  	[tilespmem:s18+$0x70] =	vst v5;
	v3 =	vmul.f32 v4, v2;
	v61 =	vld [tilespmem:s24+$0xFFFFFF00];
	v4 =	vperm.xlane v12, v1  }
0x1e5: {  	[tilespmem:s0+$0x0] =	vst v20;
	v19 =	vld [tilespmem:s24+$0xFFFFFF10];
	v7 =	vmul.f32 v7, v2  }
0x1e6: {  	v5 =	vmul.f32 v6, v9;
	v62 =	vld [tilespmem:s24+$0xFFFFFF20];
	[tilespmem:s24+$0xF0] =	vst v3;
	v3 =	vmul.f32 v13, v4  }
0x1e7: {  	v10 =	vperm.xlane v10, v1;
	v63 =	vld [tilespmem:s24+$0xFFFFFF30];
	v8 =	vmul.f32 v11, v4;
	[tilespmem:s24+$0x80] =	vst v7  }
0x1e8: {  	v6 =	vmul.f32 v14, v9;
	v25 =	vld [tilespmem:s24+$0xFFFFFF40];
	v11 =	vmul.f32 v60, v4;
	[tilespmem:s24+$0xFFFFFF80] =	vst v3  }
0x1e9: {  	v13 =	vld [tilespmem:s24+$0xFFFFFF50];
	v7 =	vmul.f32 v16, v9;
	[tilespmem:s24+$0xFFFFFF90] =	vst v8;
	v3 =	vmul.f32 v61, v10  }
0x1ea: {  	v12 =	vld [tilespmem:s24+$0xFFFFFF60];
	v8 =	vmul.f32 v17, v9;
	[tilespmem:s24+$0xFFFFFFA0] =	vst v11;
	v16 =	vmul.f32 v19, v10  }
0x1eb: {  	v14 =	vld [tilespmem:s24+$0xFFFFFF70];
	v9 =	vmul.f32 v18, v9;
	v17 =	vmul.f32 v62, v10;
	[tilespmem:s24+$0xFFFFFF00] =	vst v3  }
0x1ec: {  	v11 =	vmul.f32 v15, v2;
	v15 =	vld [tilespmem:s24+$0xFFFFFFB0];
	v18 =	vmul.f32 v63, v10;
	[tilespmem:s24+$0xFFFFFF10] =	vst v16  }
0x1ed: {  	s31 =	simm.s32 $0x4;
	s19 =	simm.s32 $0x6220;
	v3 =	vperm.xlane v20, v1;
	[tilespmem:s24+$0xFFFFFF20] =	vst v17;
	v17 =	vmul.f32 v25, v10;
	v16 =	vld [tilespmem:s24+$0xFFFFFFC0]  }
.LBB2_5:
0x1ee: {  	v19 =	vld [tilespmem:s19+$0x10];
	[tilespmem:s24+$0xFFFFFF30] =	vst v18;
	v13 =	vmul.f32 v13, v10;
	s11 =	sadd.s32 $0x40, s11  }
0x1ef: {  	s31 =	sadd.s32 $0x4, s31;
	v18 =	vld [tilespmem:s11+$0x10];
	[tilespmem:s24+$0xFFFFFF40] =	vst v17;
	v12 =	vmul.f32 v12, v10  }
0x1f0: {  	p0 =	slt.u32 s31, $0x3C;
	v17 =	vld [tilespmem:s11+$0xFFFFFFE0];
	[tilespmem:s24+$0xFFFFFF50] =	vst v13;
	v10 =	vmul.f32 v14, v10  }
0x1f1: {  	v13 =	vld [tilespmem:s19+$0xFFFFFFF0];
	[tilespmem:s24+$0xFFFFFF60] =	vst v12;
	v12 =	vmul.f32 v15, v4  }
0x1f2: {  	v14 =	vld [tilespmem:s11+$0xFFFFFFF0];
	[tilespmem:s24+$0xFFFFFF70] =	vst v10;
	v10 =	vmul.f32 v16, v4  }
0x1f3: {  	v15 =	vld [tilespmem:s19+$0x0];
	[tilespmem:s24+$0xFFFFFFB0] =	vst v12  }
0x1f4: {  	v12 =	vld [tilespmem:s11+$0x0];
	v16 =	vadd.f32 v18, v19;
	[tilespmem:s24+$0xFFFFFFC0] =	vst v10  }
0x1f5: {  	v10 =	vld [tilespmem:s19+$0xFFFFFFE0];
	[tilespmem:s24+$0x90] =	vst v11  }
0x1f6: {  	v11 =	vmul.f32 $2.000000030e-01, v16;
	v18 =	vld [tilespmem:s24+$0xFFFFFFD0];
	[tilespmem:s18+$0xA0] =	vst v5  }
0x1f7: {  	v5 =	vadd.f32 v14, v13;
	v13 =	vld [tilespmem:s24+$0xFFFFFFE0];
	[tilespmem:s18+$0xB0] =	vst v6  }
0x1f8: {  	v6 =	vmax.f32 v16, v11;
	v11 =	vld [tilespmem:s24+$0xFFFFFFF0];
	[tilespmem:s18+$0xC0] =	vst v7  }
0x1f9: {  	v7 =	vmul.f32 $2.000000030e-01, v5;
	v12 =	vadd.f32 v12, v15;
	v6 =	vmul.f32 $1.442695020e+00, v6;
	v14 =	vld [tilespmem:s24+$0x0];
	[tilespmem:s18+$0xD0] =	vst v8  }
0x1fa: {  	v8 =	vadd.f32 v17, v10;
	v10 =	vld [tilespmem:s24+$0x10];
	[tilespmem:s18+$0xE0] =	vst v9;
	s18 =	smov.u32 s24  }
0x1fb: {  	v5 =	vmax.f32 v5, v7;
	v7 =	vmul.f32 $2.000000030e-01, v12;
	(erf) = vpow2.f32 v6;
	v6 =	vld [tilespmem:s24+$0x20]  }
0x1fc: {  	v9 =	vmul.f32 $2.000000030e-01, v8;
	v5 =	vmul.f32 $1.442695020e+00, v5;
	v15 =	vld [tilespmem:s24+$0x30]  }
0x1fd: {  	v13 =	vmul.f32 v13, v4;
	v7 =	vmax.f32 v12, v7;
	v12 =	vmul.f32 v18, v4;
	v16 =	vld [tilespmem:s24+$0x40]  }
0x1fe: {  	v8 =	vmax.f32 v8, v9;
	v7 =	vmul.f32 $1.442695020e+00, v7;
	(erf) = vpow2.f32 v5;
	v5 =	vld [tilespmem:s24+$0x50]  }
0x1ff: {  	v4 =	vmul.f32 v11, v4;
	v8 =	vmul.f32 $1.442695020e+00, v8;
	[tilespmem:s24+$0xFFFFFFD0] =	vst v12;
	v9 =	vld [tilespmem:s24+$0x60]  }
0x200: {  	(erf) = vpow2.f32 v7;
	[tilespmem:s24+$0xFFFFFFE0] =	vst v13;
	v7 =	vmul.f32 v14, v3;
	v11 =	vld [tilespmem:s24+$0x70]  }
0x201: {  	(erf) = vpow2.f32 v8;
	[tilespmem:s24+$0xFFFFFFF0] =	vst v4;
	v4 =	vmul.f32 v10, v3;
	v8 =	vld [tilespmem:s24+$0xA0]  }
0x202: {  	v6 =	vmul.f32 v6, v3;
	[tilespmem:s24+$0x0] =	vst v7;
	v7 =	vmul.f32 v15, v3;
	v10 =	vld [tilespmem:s24+$0xB0]  }
0x203: {  	[tilespmem:s24+$0x10] =	vst v4;
	v4 =	vmul.f32 v16, v3;
	v12 =	vmul.f32 v5, v3;
	v13 =	vld [tilespmem:s24+$0xC0]  }
0x204: {  	s0 =	sadd.s32 $0x40, s0;
	v14 =	vpop (erf);
	[tilespmem:s24+$0x20] =	vst v6;
	v15 =	vmul.f32 v9, v3;
	v9 =	vld [tilespmem:s24+$0xD0]  }
0x205: {  	s24 =	sadd.s32 $0x200, s24;
	[tilespmem:s0+$0x10] =	vst v14;
	v16 =	vmul.f32 v11, v3;
	v11 =	vld [tilespmem:s18+$0xE0]  }
0x206: {  	v17 =	vld [tilespmem:s24+$0xF0];
	[tilespmem:s18+$0x30] =	vst v7;
	v5 =	vmul.f32 v8, v2  }
0x207: {  	v18 =	vld [tilespmem:s24+$0x80];
	v3 =	vpop (erf);
	[tilespmem:s18+$0x40] =	vst v4;
	v6 =	vmul.f32 v10, v2  }
0x208: {  	[tilespmem:s0+$0xFFFFFFF0] =	vst v3;
	v4 =	vperm.xlane v3, v1;
	v19 =	vld [tilespmem:s24+$0x90];
	v7 =	vmul.f32 v13, v2  }
0x209: {  	v14 =	vperm.xlane v14, v1;
	v13 =	vld [tilespmem:s24+$0xFFFFFF80];
	v3 =	vpop (erf);
	[tilespmem:s18+$0x50] =	vst v12;
	v8 =	vmul.f32 v9, v2  }
0x20a: {  	v12 =	vld [tilespmem:s24+$0xFFFFFF90];
	[tilespmem:s0+$0x0] =	vst v3;
	v3 =	vperm.xlane v3, v1;
	v10 =	vpop (erf);
	v9 =	vmul.f32 v11, v2  }
0x20b: {  	v2 =	vmov v14;
	[tilespmem:s0+$0xFFFFFFE0] =	vst v10;
	v10 =	vperm.xlane v10, v1;
	v20 =	vld [tilespmem:s24+$0xFFFFFFA0];
	v17 =	vmul.f32 v17, v14  }
0x20c: {  	v14 =	vld [tilespmem:s24+$0xFFFFFF00];
	v18 =	vmul.f32 v18, v2;
	[tilespmem:s18+$0x60] =	vst v15  }
0x20d: {  	v15 =	vld [tilespmem:s24+$0xFFFFFF10];
	v11 =	vmul.f32 v19, v2;
	[tilespmem:s24+$0xF0] =	vst v17  }
0x20e: {  	v17 =	vld [tilespmem:s24+$0xFFFFFF20];
	v13 =	vmul.f32 v13, v4;
	[tilespmem:s18+$0x70] =	vst v16  }
0x20f: {  	v16 =	vld [tilespmem:s24+$0xFFFFFF30];
	v12 =	vmul.f32 v12, v4;
	[tilespmem:s24+$0x80] =	vst v18  }
0x210: {  	v19 =	vld [tilespmem:s24+$0xFFFFFF40];
	[tilespmem:s24+$0xFFFFFF80] =	vst v13;
	v18 =	vmul.f32 v20, v4  }
.Ltmp3:
0x211: {  	v14 =	vmul.f32 v14, v10;
	v13 =	vld [tilespmem:s24+$0xFFFFFF50];
	[tilespmem:s24+$0xFFFFFF90] =	vst v12;
	(pc) =	sbr.rel @p0 .LBB2_5-.Ltmp3, $4  }
0x212: {  	v15 =	vmul.f32 v15, v10;
	v12 =	vld [tilespmem:s24+$0xFFFFFF60];
	[tilespmem:s24+$0xFFFFFFA0] =	vst v18  }
0x213: {  	[tilespmem:s24+$0xFFFFFF00] =	vst v14;
	v17 =	vmul.f32 v17, v10;
	v14 =	vld [tilespmem:s24+$0xFFFFFF70]  }
0x214: {  	[tilespmem:s24+$0xFFFFFF10] =	vst v15;
	v18 =	vmul.f32 v16, v10;
	v15 =	vld [tilespmem:s24+$0xFFFFFFB0]  }
0x215: {  	s19 =	sadd.s32 $0x40, s19;
	[tilespmem:s24+$0xFFFFFF20] =	vst v17;
	v17 =	vmul.f32 v19, v10;
	v16 =	vld [tilespmem:s24+$0xFFFFFFC0]  }
0x216: {  	[tilespmem:s24+$0xFFFFFF30] =	vst v18  }
0x217: {  	[tilespmem:s24+$0x90] =	vst v11  }
0x218: {  	[tilespmem:s18+$0xA0] =	vst v5  }
0x219: {  	[tilespmem:s18+$0xB0] =	vst v6  }
0x21a: {  	[tilespmem:s18+$0xC0] =	vst v7  }
0x21b: {  	v13 =	vmul.f32 v13, v10;
	v5 =	vld [tilespmem:s24+$0x0];
	[tilespmem:s18+$0xD0] =	vst v8  }
0x21c: {  	v11 =	vld [tilespmem:s24+$0xFFFFFFF0];
	[tilespmem:s18+$0xE0] =	vst v9;
	v12 =	vmul.f32 v12, v10;
	v10 =	vmul.f32 v14, v10  }
0x21d: {  	v7 =	vld [tilespmem:s24+$0x20];
	[tilespmem:s24+$0xFFFFFF40] =	vst v17  }
0x21e: {  	[tilespmem:s24+$0xFFFFFF70] =	vst v10;
	v10 =	vld [tilespmem:s24+$0xFFFFFFE0]  }
0x21f: {  	v15 =	vmul.f32 v15, v4;
	[tilespmem:s24+$0xFFFFFF60] =	vst v12;
	v12 =	vld [tilespmem:s24+$0xFFFFFFD0]  }
0x220: {  	v8 =	vld [tilespmem:s24+$0x30];
	[tilespmem:s24+$0xFFFFFF50] =	vst v13;
	v5 =	vmul.f32 v5, v3  }
0x221: {  	v6 =	vld [tilespmem:s24+$0x10];
	v13 =	vmul.f32 v16, v4;
	[tilespmem:s24+$0xFFFFFFB0] =	vst v15  }
0x222: {  	[tilespmem:s24+$0x0] =	vst v5;
	v5 =	vmul.f32 v7, v3  }
0x223: {  	[tilespmem:s24+$0xFFFFFFC0] =	vst v13;
	v13 =	vld [tilespmem:s24+$0x50];
	v9 =	vmul.f32 v10, v4  }
0x224: {  	v12 =	vmul.f32 v12, v4;
	v10 =	vld [tilespmem:s24+$0x40];
	v4 =	vmul.f32 v11, v4;
	[tilespmem:s24+$0x20] =	vst v5  }
0x225: {  	v7 =	vmul.f32 v8, v3;
	v11 =	vld [tilespmem:s24+$0x60];
	[tilespmem:s24+$0xFFFFFFE0] =	vst v9  }
0x226: {  	v9 =	vld [tilespmem:s24+$0x70];
	[tilespmem:s24+$0xFFFFFFF0] =	vst v4;
	v4 =	vmul.f32 v6, v3  }
0x227: {  	[tilespmem:s24+$0x30] =	vst v7;
	v6 =	vld [tilespmem:s24+$0xA0]  }
0x228: {  	v5 =	vmul.f32 v13, v3;
	[tilespmem:s24+$0x10] =	vst v4;
	v4 =	vld [tilespmem:s24+$0xB0]  }
0x229: {  	[tilespmem:s24+$0xFFFFFFD0] =	vst v12;
	v8 =	vmul.f32 v10, v3;
	v10 =	vld [tilespmem:s24+$0xC0]  }
0x22a: {  	[tilespmem:s24+$0x50] =	vst v5;
	v7 =	vmul.f32 v11, v3;
	v11 =	vld [tilespmem:s24+$0xD0]  }
0x22b: {  	[tilespmem:s24+$0x40] =	vst v8;
	v3 =	vmul.f32 v9, v3;
	v8 =	vld [tilespmem:s24+$0xE0]  }
0x22c: {  	v5 =	vmul.f32 v6, v2;
	[tilespmem:s24+$0x60] =	vst v7  }
0x22d: {  	v4 =	vmul.f32 v4, v2;
	[tilespmem:s24+$0x70] =	vst v3  }
0x22e: {  	[tilespmem:s24+$0xA0] =	vst v5;
	v3 =	vmul.f32 v10, v2  }
0x22f: {  	v5 =	vmul.f32 v11, v2;
	[tilespmem:s24+$0xB0] =	vst v4  }
0x230: {  	v2 =	vmul.f32 v8, v2;
	[tilespmem:s24+$0xC0] =	vst v3  }
0x231: {  	[tilespmem:s24+$0xD0] =	vst v5  }
0x232: {  	s0 =	simm.s32 $0x180;
	p0 =	seq.s32 s16, $0x0;
	[tilespmem:s24+$0xE0] =	vst v2  }
0x233: {  	[spmem:s21] =	stream.indirect.scatter.add.f32 [tilespmem:s0], [sflag:$0x7], $0x80, s1, s2, $0xb8;
	[tilespmem:$0x1ED80] =	vst v63  }
0x234: {  	s18 =	simm.s32 $0x7980;
	s0 =	simm.s32 @!p0 $0x9  }
0x235: {  	[spmem:s23] =	stream.indirect.scatter.add.f32 [tilespmem:s18], [sflag:$0x7], $0x10, s1, s2, $0xb8;
	[tilespmem:$0x1ED80] =	vst v63  }
0x236: {  	_ =	swait.ge @!p0 [sflag:s0], $0x2000  }
0x237: {  	[sflag:s0] =	ssyncset.done @!p0 $0x0  }
0x238: {  	[sflag:s0] =	ssyncadd.s32 @!p0 $0xFFFFE000  }
0x239: {  	_ =	swait.ge @!p0 [sflag:s0], $0x400  }
0x23a: {  	[sflag:s0] =	ssyncset.done @!p0 $0x0  }
0x23b: {  	[sflag:s0] =	ssyncadd.s32 @!p0 $0xFFFFFC00  }
0x23c: {  	_ =	swait.ge [sflag:s13], $0x40  }
0x23d: {  	[sflag:s13] =	ssyncset.done $0x0  }
0x23e: {  	[sflag:s13] =	ssyncadd.s32 $0xFFFFFFC0  }
0x23f: {  	_ =	swait.ge [sflag:s13], $0x40  }
0x240: {  	p0 =	seq.s32 s16, $0x34;
	[sflag:s13] =	ssyncset.done $0x0;
	s0 =	sld [smem:$0x7F8]  }
0x241: {  	s18 =	smul.u32 @!p0 $0xC0, s16;
	[sflag:s13] =	ssyncadd.s32 $0xFFFFFFC0  }
0x242: {  	[tilespmem:s14], [sflag:$0x6] =	stream.indirect.gather [hbm4b:s25+s2], $0x80, s4, s2, $0xb8;
	[tilespmem:$0x1ED80] =	vst v63  }
0x243: {  	s19 =	simm.s32 $0x6980;
	s0 =	sadd.s32 @!p0 s18, s0  }
0x244: {  	[tilespmem:s19], [sflag:$0x6] =	stream.indirect.gather [hbm4b:s26+s2], $0x10, s4, s2, $0xb8;
	[tilespmem:$0x1ED80] =	vst v63  }
0x245: {  	s22 =	simm.s32 $0x7580;
	s0 =	sshrl.u32 @!p0 s0, $0x3  }
0x246: {  	[tilespmem:s22], [sflag:$0x6] =	stream.indirect.gather [hbm4b:s28+s2], $0x10, s5, s2, $0xb8;
	[tilespmem:$0x1ED80] =	vst v63  }
0x247: {  	s19 =	simm.s32 @!p0 $0x0;
	s11 =	sadd.s32 @!p0 s29, s0  }
0x248: {  	[tilespmem:s19], [sflag:$0x1] =	stream.linear.gather @!p0 [hbm4b:s11+s19], $0x40, $0x38;
	[tilespmem:$0x1ED80] =	vst v63  }
0x249: {  	s0 =	sadd.s32 @!p0 s30, s0;
	s11 =	simm.s32 @!p0 $0xC0  }
0x24a: {  	[tilespmem:s11], [sflag:$0x1] =	stream.linear.gather @!p0 [hbm4b:s0+s19], $0x40, $0x38;
	[tilespmem:$0x1ED80] =	vst v63  }
0x24b: {  	_ =	swait.ge [sflag:s17], $0x2000  }
0x24c: {  	[sflag:s17] =	ssyncset.done $0x0  }
0x24d: {  	[sflag:s17] =	ssyncadd.s32 $0xFFFFE000  }
0x24e: {  	_ =	swait.ge [sflag:s17], $0x400  }
0x24f: {  	[sflag:s17] =	ssyncset.done $0x0  }
0x250: {  	[sflag:s17] =	ssyncadd.s32 $0xFFFFFC00  }
0x251: {  	_ =	swait.ge [sflag:s17], $0x400  }
0x252: {  	[sflag:s17] =	ssyncset.done $0x0  }
0x253: {  	s24 =	simm.s32 $0x65A0;
	[sflag:s17] =	ssyncadd.s32 $0xFFFFFC00  }
0x254: {  	s19 =	simm.s32 $0x71A0;
	v2 =	vld [tilespmem:s24+$0x10]  }
0x255: {  	v3 =	vld [tilespmem:s19+$0x10]  }
0x256: {  	v5 =	vld [tilespmem:s24+$0xFFFFFFF0]  }
0x257: {  	v6 =	vld [tilespmem:s19+$0xFFFFFFF0]  }
0x258: {  	v4 =	vld [tilespmem:s19+$0xFFFFFFE0]  }
0x259: {  	v7 =	vld [tilespmem:s24+$0x0]  }
0x25a: {  	v8 =	vld [tilespmem:s19+$0x0]  }
0x25b: {  	v2 =	vadd.f32 v3, v2;
	v3 =	vld [tilespmem:s24+$0xFFFFFFE0]  }
0x25c: {  	v5 =	vadd.f32 v6, v5  }
0x25d: {  	v9 =	vmul.f32 $2.000000030e-01, v2  }
0x25e: {  	v6 =	vmul.f32 $2.000000030e-01, v5  }
0x25f: {  	v7 =	vadd.f32 v8, v7;
	v2 =	vmax.f32 v2, v9  }
0x260: {  	v2 =	vmul.f32 $1.442695020e+00, v2;
	v3 =	vadd.f32 v4, v3;
	v4 =	vmax.f32 v5, v6  }
0x261: {  	v4 =	vmul.f32 $1.442695020e+00, v4  }
0x262: {  	v5 =	vmul.f32 $2.000000030e-01, v7;
	(erf) = vpow2.f32 v2  }
0x263: {  	v2 =	vmul.f32 $2.000000030e-01, v3;
	(erf) = vpow2.f32 v4  }
0x264: {  	v5 =	vmax.f32 v7, v5  }
0x265: {  	v2 =	vmax.f32 v3, v2;
	v3 =	vmul.f32 $1.442695020e+00, v5  }
0x266: {  	s22 =	simm.s32 $0x65E0;
	v2 =	vmul.f32 $1.442695020e+00, v2  }
0x267: {  	v18 =	vld [tilespmem:s22+$0x10];
	(erf) = vpow2.f32 v3  }
0x268: {  	v21 =	vld [tilespmem:s22+$0xFFFFFFF0];
	s24 =	simm.s32 $0x71E0;
	(erf) = vpow2.f32 v2  }
0x269: {  	v19 =	vld [tilespmem:s24+$0x10]  }
0x26a: {  	v20 =	vld [tilespmem:s24+$0xFFFFFFE0]  }
0x26b: {  	s0 =	simm.s32 $0x7DA0;
	v23 =	vld [tilespmem:s24+$0xFFFFFFF0];
	v2 =	vpop (erf)  }
0x26c: {  	s11 =	simm.s32 $0x2280;
	v58 =	vld [tilespmem:s24+$0x0];
	[tilespmem:s0+$0x10] =	vst v2;
	v4 =	vpop (erf)  }
0x26d: {  	v3 =	vld [tilespmem:s11+$0xF0];
	[tilespmem:s0+$0xFFFFFFF0] =	vst v4  }
0x26e: {  	v10 =	vld [tilespmem:s11+$0xFFFFFFA0]  }
0x26f: {  	v5 =	vld [tilespmem:s11+$0x80]  }
0x270: {  	v18 =	vadd.f32 v19, v18;
	v8 =	vld [tilespmem:s11+$0xFFFFFF90];
	v7 =	vpop (erf)  }
0x271: {  	v4 =	vperm.xlane v4, v1;
	v6 =	vld [tilespmem:s11+$0xFFFFFF80];
	v9 =	vpop (erf);
	[tilespmem:s0+$0x0] =	vst v7  }
0x272: {  	v17 =	vld [tilespmem:s11+$0xFFFFFFC0];
	v19 =	vperm.xlane v7, v1;
	v7 =	vmul.f32 $2.000000030e-01, v18;
	[tilespmem:s0+$0xFFFFFFE0] =	vst v9  }
0x273: {  	v14 =	vperm.xlane v9, v1;
	v11 =	vld [tilespmem:s11+$0xFFFFFF00];
	v9 =	vmul.f32 v10, v4  }
0x274: {  	v12 =	vld [tilespmem:s11+$0xFFFFFF10]  }
0x275: {  	v7 =	vmax.f32 v18, v7;
	v8 =	vmul.f32 v8, v4;
	[tilespmem:s11+$0xFFFFFFA0] =	vst v9;
	v9 =	vld [tilespmem:s11+$0xFFFFFFB0]  }
0x276: {  	v13 =	vld [tilespmem:s11+$0xFFFFFF20];
	v7 =	vmul.f32 $1.442695020e+00, v7  }
0x277: {  	v6 =	vmul.f32 v6, v4;
	[tilespmem:s11+$0xFFFFFF90] =	vst v8;
	v8 =	vld [tilespmem:s11+$0xFFFFFF60]  }
0x278: {  	(erf) = vpow2.f32 v7;
	v7 =	vld [tilespmem:s11+$0x20]  }
0x279: {  	v15 =	vld [tilespmem:s11+$0xFFFFFF30];
	[tilespmem:s11+$0xFFFFFF80] =	vst v6;
	v6 =	vmul.f32 v11, v14  }
0x27a: {  	v10 =	vld [tilespmem:s11+$0x90];
	v22 =	vmul.f32 v9, v4  }
0x27b: {  	v11 =	vld [tilespmem:s11+$0xFFFFFF50];
	[tilespmem:s11+$0xFFFFFF00] =	vst v6;
	v9 =	vperm.xlane v2, v1;
	v2 =	vmul.f32 v17, v4  }
0x27c: {  	v17 =	vld [tilespmem:s22+$0x0];
	v8 =	vmul.f32 v8, v14;
	[tilespmem:s11+$0xFFFFFFB0] =	vst v22  }
0x27d: {  	v7 =	vmul.f32 v7, v19;
	[tilespmem:s11+$0xFFFFFFC0] =	vst v2;
	v2 =	vld [tilespmem:s22+$0xFFFFFFE0]  }
0x27e: {  	v16 =	vld [tilespmem:s11+$0xFFFFFF40];
	v3 =	vmul.f32 v3, v9;
	[tilespmem:s11+$0xFFFFFF60] =	vst v8  }
0x27f: {  	v6 =	vld [tilespmem:s11+$0xFFFFFF70];
	v5 =	vmul.f32 v5, v9;
	[tilespmem:s11+$0x20] =	vst v7  }
0x280: {  	v59 =	vld [tilespmem:s11+$0xFFFFFFE0];
	[tilespmem:s11+$0xF0] =	vst v3;
	v3 =	vmul.f32 v12, v14;
	v12 =	vmul.f32 v13, v14;
	v13 =	vadd.f32 v23, v21  }
0x281: {  	v24 =	vld [tilespmem:s11+$0xFFFFFFD0];
	v11 =	vmul.f32 v11, v14;
	[tilespmem:s11+$0x80] =	vst v5;
	v5 =	vmul.f32 v15, v14;
	v17 =	vadd.f32 v58, v17  }
0x282: {  	v18 =	vld [tilespmem:s11+$0x0];
	v10 =	vmul.f32 v10, v9;
	[tilespmem:s11+$0xFFFFFF10] =	vst v3;
	v3 =	vmul.f32 $2.000000030e-01, v13;
	v2 =	vadd.f32 v20, v2  }
0x283: {  	v8 =	vld [tilespmem:s11+$0x60];
	v15 =	vmul.f32 v16, v14;
	[tilespmem:s11+$0xFFFFFF30] =	vst v5;
	v5 =	vmul.f32 $2.000000030e-01, v17  }
0x284: {  	v16 =	vld [tilespmem:s11+$0xFFFFFFF0];
	[tilespmem:s11+$0xFFFFFF50] =	vst v11;
	v6 =	vmul.f32 v6, v14;
	v3 =	vmax.f32 v13, v3;
	v13 =	vmul.f32 $2.000000030e-01, v2  }
0x285: {  	v11 =	vld [tilespmem:s11+$0x40];
	[tilespmem:s11+$0x90] =	vst v10;
	v10 =	vmul.f32 v59, v4;
	v3 =	vmul.f32 $1.442695020e+00, v3;
	v5 =	vmax.f32 v17, v5  }
0x286: {  	v14 =	vld [tilespmem:s11+$0xB0];
	[tilespmem:s11+$0xFFFFFF70] =	vst v6;
	v6 =	vmul.f32 v24, v4;
	v5 =	vmul.f32 $1.442695020e+00, v5;
	v2 =	vmax.f32 v2, v13  }
0x287: {  	[tilespmem:s11+$0xFFFFFF20] =	vst v12;
	v12 =	vld [tilespmem:s11+$0x10];
	(erf) = vpow2.f32 v3;
	v2 =	vmul.f32 $1.442695020e+00, v2  }
0x288: {  	[tilespmem:s11+$0xFFFFFF40] =	vst v15;
	v15 =	vld [tilespmem:s11+$0x30];
	v8 =	vmul.f32 v8, v19;
	(erf) = vpow2.f32 v5  }
0x289: {  	[tilespmem:s11+$0xFFFFFFD0] =	vst v6;
	v6 =	vld [tilespmem:s11+$0xA0];
	(erf) = vpow2.f32 v2;
	v2 =	vmul.f32 v18, v19  }
0x28a: {  	[tilespmem:s11+$0xFFFFFFE0] =	vst v10;
	v4 =	vmul.f32 v16, v4;
	v16 =	vld [tilespmem:s11+$0xC0]  }
0x28b: {  	v17 =	vld [tilespmem:s11+$0xD0];
	[tilespmem:s11+$0x60] =	vst v8  }
0x28c: {  	v3 =	vld [tilespmem:s11+$0x50];
	[tilespmem:s11+$0xFFFFFFF0] =	vst v4  }
0x28d: {  	s31 =	simm.s32 $0x7DE0;
	v4 =	vmul.f32 v12, v19;
	v5 =	vld [tilespmem:s11+$0x70];
	[tilespmem:s11+$0x0] =	vst v2;
	v2 =	vpop (erf)  }
0x28e: {  	s0 =	simm.s32 $0x2480;
	v11 =	vmul.f32 v11, v19;
	v18 =	vld [tilespmem:s11+$0xE0];
	[tilespmem:s31+$0x10] =	vst v2  }
0x28f: {  	v10 =	vmul.f32 v15, v19;
	[tilespmem:s11+$0x10] =	vst v4;
	v4 =	vld [tilespmem:s0+$0xF0]  }
0x290: {  	[tilespmem:s11+$0x40] =	vst v11;
	v7 =	vld [tilespmem:s0+$0x80];
	v12 =	vpop (erf)  }
0x291: {  	v3 =	vmul.f32 v3, v19;
	v15 =	vld [tilespmem:s0+$0x90];
	[tilespmem:s31+$0xFFFFFFF0] =	vst v12  }
0x292: {  	[tilespmem:s11+$0x30] =	vst v10;
	v20 =	vpop (erf);
	v13 =	vld [tilespmem:s0+$0xFFFFFF80]  }
0x293: {  	v5 =	vmul.f32 v5, v19;
	[tilespmem:s11+$0x50] =	vst v3;
	v2 =	vperm.xlane v2, v1;
	v11 =	vld [tilespmem:s0+$0xFFFFFF90];
	v10 =	vpop (erf)  }
0x294: {  	v60 =	vld [tilespmem:s0+$0xFFFFFFA0];
	[tilespmem:s31+$0xFFFFFFE0] =	vst v10  }
0x295: {  	[tilespmem:s11+$0x70] =	vst v5;
	v3 =	vmul.f32 v4, v2;
	v61 =	vld [tilespmem:s0+$0xFFFFFF00];
	v4 =	vperm.xlane v12, v1  }
0x296: {  	[tilespmem:s31+$0x0] =	vst v20;
	v19 =	vld [tilespmem:s0+$0xFFFFFF10];
	v7 =	vmul.f32 v7, v2  }
0x297: {  	v5 =	vmul.f32 v6, v9;
	v62 =	vld [tilespmem:s0+$0xFFFFFF20];
	[tilespmem:s0+$0xF0] =	vst v3;
	v3 =	vmul.f32 v13, v4  }
0x298: {  	v10 =	vperm.xlane v10, v1;
	v63 =	vld [tilespmem:s0+$0xFFFFFF30];
	v8 =	vmul.f32 v11, v4;
	[tilespmem:s0+$0x80] =	vst v7  }
0x299: {  	v6 =	vmul.f32 v14, v9;
	v25 =	vld [tilespmem:s0+$0xFFFFFF40];
	v11 =	vmul.f32 v60, v4;
	[tilespmem:s0+$0xFFFFFF80] =	vst v3  }
0x29a: {  	v13 =	vld [tilespmem:s0+$0xFFFFFF50];
	v7 =	vmul.f32 v16, v9;
	[tilespmem:s0+$0xFFFFFF90] =	vst v8;
	v3 =	vmul.f32 v61, v10  }
0x29b: {  	v12 =	vld [tilespmem:s0+$0xFFFFFF60];
	v8 =	vmul.f32 v17, v9;
	[tilespmem:s0+$0xFFFFFFA0] =	vst v11;
	v16 =	vmul.f32 v19, v10  }
0x29c: {  	v14 =	vld [tilespmem:s0+$0xFFFFFF70];
	v9 =	vmul.f32 v18, v9;
	v17 =	vmul.f32 v62, v10;
	[tilespmem:s0+$0xFFFFFF00] =	vst v3  }
0x29d: {  	v11 =	vmul.f32 v15, v2;
	v15 =	vld [tilespmem:s0+$0xFFFFFFB0];
	v18 =	vmul.f32 v63, v10;
	[tilespmem:s0+$0xFFFFFF10] =	vst v16  }
0x29e: {  	s19 =	simm.s32 $0x4;
	s22 =	simm.s32 $0x6620;
	v3 =	vperm.xlane v20, v1;
	[tilespmem:s0+$0xFFFFFF20] =	vst v17;
	v17 =	vmul.f32 v25, v10;
	v16 =	vld [tilespmem:s0+$0xFFFFFFC0]  }
.LBB2_7:
0x29f: {  	v19 =	vld [tilespmem:s22+$0x10];
	[tilespmem:s0+$0xFFFFFF30] =	vst v18;
	v13 =	vmul.f32 v13, v10;
	s24 =	sadd.s32 $0x40, s24  }
0x2a0: {  	s19 =	sadd.s32 $0x4, s19;
	v18 =	vld [tilespmem:s24+$0x10];
	[tilespmem:s0+$0xFFFFFF40] =	vst v17;
	v12 =	vmul.f32 v12, v10  }
0x2a1: {  	p1 =	slt.u32 s19, $0x3C;
	v17 =	vld [tilespmem:s24+$0xFFFFFFE0];
	[tilespmem:s0+$0xFFFFFF50] =	vst v13;
	v10 =	vmul.f32 v14, v10  }
0x2a2: {  	v13 =	vld [tilespmem:s22+$0xFFFFFFF0];
	[tilespmem:s0+$0xFFFFFF60] =	vst v12;
	v12 =	vmul.f32 v15, v4  }
0x2a3: {  	v14 =	vld [tilespmem:s24+$0xFFFFFFF0];
	[tilespmem:s0+$0xFFFFFF70] =	vst v10;
	v10 =	vmul.f32 v16, v4  }
0x2a4: {  	v15 =	vld [tilespmem:s22+$0x0];
	[tilespmem:s0+$0xFFFFFFB0] =	vst v12  }
0x2a5: {  	v12 =	vld [tilespmem:s24+$0x0];
	v16 =	vadd.f32 v18, v19;
	[tilespmem:s0+$0xFFFFFFC0] =	vst v10  }
0x2a6: {  	v10 =	vld [tilespmem:s22+$0xFFFFFFE0];
	[tilespmem:s0+$0x90] =	vst v11  }
0x2a7: {  	v11 =	vmul.f32 $2.000000030e-01, v16;
	v18 =	vld [tilespmem:s0+$0xFFFFFFD0];
	[tilespmem:s11+$0xA0] =	vst v5  }
0x2a8: {  	v5 =	vadd.f32 v14, v13;
	v13 =	vld [tilespmem:s0+$0xFFFFFFE0];
	[tilespmem:s11+$0xB0] =	vst v6  }
0x2a9: {  	v6 =	vmax.f32 v16, v11;
	v11 =	vld [tilespmem:s0+$0xFFFFFFF0];
	[tilespmem:s11+$0xC0] =	vst v7  }
0x2aa: {  	v7 =	vmul.f32 $2.000000030e-01, v5;
	v12 =	vadd.f32 v12, v15;
	v6 =	vmul.f32 $1.442695020e+00, v6;
	v14 =	vld [tilespmem:s0+$0x0];
	[tilespmem:s11+$0xD0] =	vst v8  }
0x2ab: {  	v8 =	vadd.f32 v17, v10;
	v10 =	vld [tilespmem:s0+$0x10];
	[tilespmem:s11+$0xE0] =	vst v9;
	s11 =	smov.u32 s0  }
0x2ac: {  	v5 =	vmax.f32 v5, v7;
	v7 =	vmul.f32 $2.000000030e-01, v12;
	(erf) = vpow2.f32 v6;
	v6 =	vld [tilespmem:s0+$0x20]  }
0x2ad: {  	v9 =	vmul.f32 $2.000000030e-01, v8;
	v5 =	vmul.f32 $1.442695020e+00, v5;
	v15 =	vld [tilespmem:s0+$0x30]  }
0x2ae: {  	v13 =	vmul.f32 v13, v4;
	v7 =	vmax.f32 v12, v7;
	v12 =	vmul.f32 v18, v4;
	v16 =	vld [tilespmem:s0+$0x40]  }
0x2af: {  	v8 =	vmax.f32 v8, v9;
	v7 =	vmul.f32 $1.442695020e+00, v7;
	(erf) = vpow2.f32 v5;
	v5 =	vld [tilespmem:s0+$0x50]  }
0x2b0: {  	v4 =	vmul.f32 v11, v4;
	v8 =	vmul.f32 $1.442695020e+00, v8;
	[tilespmem:s0+$0xFFFFFFD0] =	vst v12;
	v9 =	vld [tilespmem:s0+$0x60]  }
0x2b1: {  	(erf) = vpow2.f32 v7;
	[tilespmem:s0+$0xFFFFFFE0] =	vst v13;
	v7 =	vmul.f32 v14, v3;
	v11 =	vld [tilespmem:s0+$0x70]  }
0x2b2: {  	(erf) = vpow2.f32 v8;
	[tilespmem:s0+$0xFFFFFFF0] =	vst v4;
	v4 =	vmul.f32 v10, v3;
	v8 =	vld [tilespmem:s0+$0xA0]  }
0x2b3: {  	v6 =	vmul.f32 v6, v3;
	[tilespmem:s0+$0x0] =	vst v7;
	v7 =	vmul.f32 v15, v3;
	v10 =	vld [tilespmem:s0+$0xB0]  }
0x2b4: {  	[tilespmem:s0+$0x10] =	vst v4;
	v4 =	vmul.f32 v16, v3;
	v12 =	vmul.f32 v5, v3;
	v13 =	vld [tilespmem:s0+$0xC0]  }
0x2b5: {  	s31 =	sadd.s32 $0x40, s31;
	v14 =	vpop (erf);
	[tilespmem:s0+$0x20] =	vst v6;
	v15 =	vmul.f32 v9, v3;
	v9 =	vld [tilespmem:s0+$0xD0]  }
0x2b6: {  	s0 =	sadd.s32 $0x200, s0;
	[tilespmem:s31+$0x10] =	vst v14;
	v16 =	vmul.f32 v11, v3;
	v11 =	vld [tilespmem:s11+$0xE0]  }
0x2b7: {  	v17 =	vld [tilespmem:s0+$0xF0];
	[tilespmem:s11+$0x30] =	vst v7;
	v5 =	vmul.f32 v8, v2  }
0x2b8: {  	v18 =	vld [tilespmem:s0+$0x80];
	v3 =	vpop (erf);
	[tilespmem:s11+$0x40] =	vst v4;
	v6 =	vmul.f32 v10, v2  }
0x2b9: {  	[tilespmem:s31+$0xFFFFFFF0] =	vst v3;
	v4 =	vperm.xlane v3, v1;
	v19 =	vld [tilespmem:s0+$0x90];
	v7 =	vmul.f32 v13, v2  }
0x2ba: {  	v14 =	vperm.xlane v14, v1;
	v13 =	vld [tilespmem:s0+$0xFFFFFF80];
	v3 =	vpop (erf);
	[tilespmem:s11+$0x50] =	vst v12;
	v8 =	vmul.f32 v9, v2  }
0x2bb: {  	v12 =	vld [tilespmem:s0+$0xFFFFFF90];
	[tilespmem:s31+$0x0] =	vst v3;
	v3 =	vperm.xlane v3, v1;
	v10 =	vpop (erf);
	v9 =	vmul.f32 v11, v2  }
0x2bc: {  	v2 =	vmov v14;
	[tilespmem:s31+$0xFFFFFFE0] =	vst v10;
	v10 =	vperm.xlane v10, v1;
	v20 =	vld [tilespmem:s0+$0xFFFFFFA0];
	v17 =	vmul.f32 v17, v14  }
0x2bd: {  	v14 =	vld [tilespmem:s0+$0xFFFFFF00];
	v18 =	vmul.f32 v18, v2;
	[tilespmem:s11+$0x60] =	vst v15  }
0x2be: {  	v15 =	vld [tilespmem:s0+$0xFFFFFF10];
	v11 =	vmul.f32 v19, v2;
	[tilespmem:s0+$0xF0] =	vst v17  }
0x2bf: {  	v17 =	vld [tilespmem:s0+$0xFFFFFF20];
	v13 =	vmul.f32 v13, v4;
	[tilespmem:s11+$0x70] =	vst v16  }
0x2c0: {  	v16 =	vld [tilespmem:s0+$0xFFFFFF30];
	v12 =	vmul.f32 v12, v4;
	[tilespmem:s0+$0x80] =	vst v18  }
0x2c1: {  	v19 =	vld [tilespmem:s0+$0xFFFFFF40];
	[tilespmem:s0+$0xFFFFFF80] =	vst v13;
	v18 =	vmul.f32 v20, v4  }
.Ltmp4:
0x2c2: {  	v14 =	vmul.f32 v14, v10;
	v13 =	vld [tilespmem:s0+$0xFFFFFF50];
	[tilespmem:s0+$0xFFFFFF90] =	vst v12;
	(pc) =	sbr.rel @p1 .LBB2_7-.Ltmp4, $4  }
0x2c3: {  	v15 =	vmul.f32 v15, v10;
	v12 =	vld [tilespmem:s0+$0xFFFFFF60];
	[tilespmem:s0+$0xFFFFFFA0] =	vst v18  }
0x2c4: {  	[tilespmem:s0+$0xFFFFFF00] =	vst v14;
	v17 =	vmul.f32 v17, v10;
	v14 =	vld [tilespmem:s0+$0xFFFFFF70]  }
0x2c5: {  	[tilespmem:s0+$0xFFFFFF10] =	vst v15;
	v18 =	vmul.f32 v16, v10;
	v15 =	vld [tilespmem:s0+$0xFFFFFFB0]  }
0x2c6: {  	s22 =	sadd.s32 $0x40, s22;
	[tilespmem:s0+$0xFFFFFF20] =	vst v17;
	v17 =	vmul.f32 v19, v10;
	v16 =	vld [tilespmem:s0+$0xFFFFFFC0]  }
0x2c7: {  	[tilespmem:s0+$0xFFFFFF30] =	vst v18  }
0x2c8: {  	[tilespmem:s0+$0x90] =	vst v11  }
0x2c9: {  	[tilespmem:s11+$0xA0] =	vst v5  }
0x2ca: {  	[tilespmem:s11+$0xB0] =	vst v6  }
0x2cb: {  	[tilespmem:s11+$0xC0] =	vst v7  }
0x2cc: {  	v13 =	vmul.f32 v13, v10;
	v5 =	vld [tilespmem:s0+$0x0];
	[tilespmem:s11+$0xD0] =	vst v8  }
0x2cd: {  	v11 =	vld [tilespmem:s0+$0xFFFFFFF0];
	[tilespmem:s11+$0xE0] =	vst v9;
	v12 =	vmul.f32 v12, v10;
	v10 =	vmul.f32 v14, v10  }
0x2ce: {  	v7 =	vld [tilespmem:s0+$0x20];
	[tilespmem:s0+$0xFFFFFF40] =	vst v17  }
0x2cf: {  	[tilespmem:s0+$0xFFFFFF70] =	vst v10;
	v10 =	vld [tilespmem:s0+$0xFFFFFFE0]  }
0x2d0: {  	v15 =	vmul.f32 v15, v4;
	[tilespmem:s0+$0xFFFFFF60] =	vst v12;
	v12 =	vld [tilespmem:s0+$0xFFFFFFD0]  }
0x2d1: {  	v8 =	vld [tilespmem:s0+$0x30];
	[tilespmem:s0+$0xFFFFFF50] =	vst v13;
	v5 =	vmul.f32 v5, v3  }
0x2d2: {  	v6 =	vld [tilespmem:s0+$0x10];
	v13 =	vmul.f32 v16, v4;
	[tilespmem:s0+$0xFFFFFFB0] =	vst v15  }
0x2d3: {  	[tilespmem:s0+$0x0] =	vst v5;
	v5 =	vmul.f32 v7, v3  }
0x2d4: {  	[tilespmem:s0+$0xFFFFFFC0] =	vst v13;
	v13 =	vld [tilespmem:s0+$0x50];
	v9 =	vmul.f32 v10, v4  }
0x2d5: {  	v12 =	vmul.f32 v12, v4;
	v10 =	vld [tilespmem:s0+$0x40];
	v4 =	vmul.f32 v11, v4;
	[tilespmem:s0+$0x20] =	vst v5  }
0x2d6: {  	v7 =	vmul.f32 v8, v3;
	v11 =	vld [tilespmem:s0+$0x60];
	[tilespmem:s0+$0xFFFFFFE0] =	vst v9  }
0x2d7: {  	v9 =	vld [tilespmem:s0+$0x70];
	[tilespmem:s0+$0xFFFFFFF0] =	vst v4;
	v4 =	vmul.f32 v6, v3  }
0x2d8: {  	[tilespmem:s0+$0x30] =	vst v7;
	v6 =	vld [tilespmem:s0+$0xA0]  }
0x2d9: {  	v5 =	vmul.f32 v13, v3;
	[tilespmem:s0+$0x10] =	vst v4;
	v4 =	vld [tilespmem:s0+$0xB0]  }
0x2da: {  	[tilespmem:s0+$0xFFFFFFD0] =	vst v12;
	v8 =	vmul.f32 v10, v3;
	v10 =	vld [tilespmem:s0+$0xC0]  }
0x2db: {  	[tilespmem:s0+$0x50] =	vst v5;
	v7 =	vmul.f32 v11, v3;
	v11 =	vld [tilespmem:s0+$0xD0]  }
0x2dc: {  	[tilespmem:s0+$0x40] =	vst v8;
	v3 =	vmul.f32 v9, v3;
	v8 =	vld [tilespmem:s0+$0xE0]  }
0x2dd: {  	v5 =	vmul.f32 v6, v2;
	[tilespmem:s0+$0x60] =	vst v7  }
0x2de: {  	v4 =	vmul.f32 v4, v2;
	[tilespmem:s0+$0x70] =	vst v3  }
0x2df: {  	[tilespmem:s0+$0xA0] =	vst v5;
	v3 =	vmul.f32 v10, v2  }
0x2e0: {  	v5 =	vmul.f32 v11, v2;
	[tilespmem:s0+$0xB0] =	vst v4  }
0x2e1: {  	v2 =	vmul.f32 v8, v2;
	[tilespmem:s0+$0xC0] =	vst v3  }
0x2e2: {  	[tilespmem:s0+$0xD0] =	vst v5  }
0x2e3: {  	[tilespmem:s0+$0xE0] =	vst v2  }
0x2e4: {  	[spmem:s21] =	stream.indirect.scatter.add.f32 [tilespmem:s8], [sflag:$0x8], $0x80, s3, s2, $0xb8;
	[tilespmem:$0x1ED80] =	vst v63  }
0x2e5: {  	s11 =	simm.s32 $0x7D80  }
0x2e6: {  	[spmem:s23] =	stream.indirect.scatter.add.f32 [tilespmem:s11], [sflag:$0x8], $0x10, s3, s2, $0xb8;
	[tilespmem:$0x1ED80] =	vst v63  }
0x2e7: {  	_ =	swait.ge [sflag:s6], $0x2000  }
0x2e8: {  	[sflag:s6] =	ssyncset.done $0x0  }
0x2e9: {  	[sflag:s6] =	ssyncadd.s32 $0xFFFFE000  }
0x2ea: {  	_ =	swait.ge [sflag:s6], $0x400  }
0x2eb: {  	[sflag:s6] =	ssyncset.done $0x0  }
0x2ec: {  	s0 =	simm.s32 @!p0 $0x1;
	[sflag:s6] =	ssyncadd.s32 $0xFFFFFC00  }
0x2ed: {  	_ =	swait.ge @!p0 [sflag:s0], $0x40  }
0x2ee: {  	[sflag:s0] =	ssyncset.done @!p0 $0x0  }
0x2ef: {  	[sflag:s0] =	ssyncadd.s32 @!p0 $0xFFFFFFC0  }
0x2f0: {  	_ =	swait.ge @!p0 [sflag:s0], $0x40  }
0x2f1: {  	s19 =	simm.s32 @!p0 $0x180;
	[sflag:s0] =	ssyncset.done @!p0 $0x0  }
0x2f2: {  	s11 =	simm.s32 @!p0 $0x0;
	[sflag:s0] =	ssyncadd.s32 @!p0 $0xFFFFFFC0;
	s0 =	simm.s32 @!p0 $0x40  }
0x2f3: {  	[tilespmem:s19], [sflag:$0x4] =	stream.indirect.gather @!p0 [hbm4b:s25+s0], $0x80, s11, s0, $0xb8;
	[tilespmem:$0x1ED80] =	vst v63  }
0x2f4: {  	s19 =	simm.s32 @!p0 $0x6180  }
0x2f5: {  	[tilespmem:s19], [sflag:$0x4] =	stream.indirect.gather @!p0 [hbm4b:s26+s0], $0x10, s11, s0, $0xb8;
	[tilespmem:$0x1ED80] =	vst v63  }
0x2f6: {  	s22 =	simm.s32 @!p0 $0x6D80;
	s19 =	simm.s32 @!p0 $0xC0  }
0x2f7: {  	[tilespmem:s22], [sflag:$0x4] =	stream.indirect.gather @!p0 [hbm4b:s28+s0], $0x10, s19, s0, $0xb8;
	[tilespmem:$0x1ED80] =	vst v63  }
0x2f8: {  	s19 =	sld [smem:$0x7F9];
	_ =	sdelay $0x2  }
0x2f9: {  	s18 =	sadd.s32 @!p0 s18, s19  }
0x2fa: {  	s18 =	sshrl.u32 @!p0 s18, $0x3  }
0x2fb: {  	s19 =	sadd.s32 @!p0 s29, s18  }
0x2fc: {  	[tilespmem:s0], [sflag:$0x2] =	stream.linear.gather @!p0 [hbm4b:s19+s11], $0x40, $0x38;
	[tilespmem:$0x1ED80] =	vst v63  }
0x2fd: {  	s0 =	sadd.s32 @!p0 s30, s18;
	s18 =	simm.s32 @!p0 $0x100  }
0x2fe: {  	[tilespmem:s18], [sflag:$0x2] =	stream.linear.gather @!p0 [hbm4b:s0+s11], $0x40, $0x38;
	[tilespmem:$0x1ED80] =	vst v63  }
0x2ff: {  	_ =	swait.ge [sflag:s9], $0x2000  }
0x300: {  	[sflag:s9] =	ssyncset.done $0x0  }
0x301: {  	[sflag:s9] =	ssyncadd.s32 $0xFFFFE000  }
0x302: {  	_ =	swait.ge [sflag:s9], $0x400  }
0x303: {  	[sflag:s9] =	ssyncset.done $0x0  }
0x304: {  	[sflag:s9] =	ssyncadd.s32 $0xFFFFFC00  }
0x305: {  	_ =	swait.ge [sflag:s9], $0x400  }
0x306: {  	[sflag:s9] =	ssyncset.done $0x0  }
0x307: {  	s19 =	simm.s32 $0x69A0;
	[sflag:s9] =	ssyncadd.s32 $0xFFFFFC00  }
0x308: {  	s22 =	simm.s32 $0x75A0;
	v2 =	vld [tilespmem:s19+$0x10]  }
0x309: {  	v3 =	vld [tilespmem:s22+$0x10]  }
0x30a: {  	v5 =	vld [tilespmem:s19+$0xFFFFFFF0]  }
0x30b: {  	v6 =	vld [tilespmem:s22+$0xFFFFFFF0]  }
0x30c: {  	v4 =	vld [tilespmem:s22+$0xFFFFFFE0]  }
0x30d: {  	v7 =	vld [tilespmem:s19+$0x0]  }
0x30e: {  	v8 =	vld [tilespmem:s22+$0x0]  }
0x30f: {  	v2 =	vadd.f32 v3, v2;
	v3 =	vld [tilespmem:s19+$0xFFFFFFE0]  }
0x310: {  	v5 =	vadd.f32 v6, v5  }
0x311: {  	v9 =	vmul.f32 $2.000000030e-01, v2  }
0x312: {  	v6 =	vmul.f32 $2.000000030e-01, v5  }
0x313: {  	v7 =	vadd.f32 v8, v7;
	v2 =	vmax.f32 v2, v9  }
0x314: {  	v2 =	vmul.f32 $1.442695020e+00, v2;
	v3 =	vadd.f32 v4, v3;
	v4 =	vmax.f32 v5, v6  }
0x315: {  	v4 =	vmul.f32 $1.442695020e+00, v4  }
0x316: {  	v5 =	vmul.f32 $2.000000030e-01, v7;
	(erf) = vpow2.f32 v2  }
0x317: {  	v2 =	vmul.f32 $2.000000030e-01, v3;
	(erf) = vpow2.f32 v4  }
0x318: {  	v5 =	vmax.f32 v7, v5  }
0x319: {  	v2 =	vmax.f32 v3, v2;
	v3 =	vmul.f32 $1.442695020e+00, v5  }
0x31a: {  	s31 =	simm.s32 $0x69E0;
	v2 =	vmul.f32 $1.442695020e+00, v2  }
0x31b: {  	s18 =	simm.s32 $0x75E0;
	v18 =	vld [tilespmem:s31+$0x10];
	(erf) = vpow2.f32 v3  }
0x31c: {  	v19 =	vld [tilespmem:s18+$0x10];
	(erf) = vpow2.f32 v2  }
0x31d: {  	v20 =	vld [tilespmem:s18+$0xFFFFFFE0]  }
0x31e: {  	v21 =	vld [tilespmem:s31+$0xFFFFFFF0]  }
0x31f: {  	s24 =	simm.s32 $0x81A0;
	v23 =	vld [tilespmem:s18+$0xFFFFFFF0];
	v2 =	vpop (erf)  }
0x320: {  	s11 =	simm.s32 $0x4280;
	v58 =	vld [tilespmem:s18+$0x0];
	[tilespmem:s24+$0x10] =	vst v2;
	v4 =	vpop (erf)  }
0x321: {  	v3 =	vld [tilespmem:s11+$0xF0];
	[tilespmem:s24+$0xFFFFFFF0] =	vst v4  }
0x322: {  	v10 =	vld [tilespmem:s11+$0xFFFFFFA0]  }
0x323: {  	v5 =	vld [tilespmem:s11+$0x80]  }
0x324: {  	v18 =	vadd.f32 v19, v18;
	v8 =	vld [tilespmem:s11+$0xFFFFFF90];
	v7 =	vpop (erf)  }
0x325: {  	v4 =	vperm.xlane v4, v1;
	v6 =	vld [tilespmem:s11+$0xFFFFFF80];
	v9 =	vpop (erf);
	[tilespmem:s24+$0x0] =	vst v7  }
0x326: {  	v17 =	vld [tilespmem:s11+$0xFFFFFFC0];
	v19 =	vperm.xlane v7, v1;
	v7 =	vmul.f32 $2.000000030e-01, v18;
	[tilespmem:s24+$0xFFFFFFE0] =	vst v9  }
0x327: {  	v14 =	vperm.xlane v9, v1;
	v11 =	vld [tilespmem:s11+$0xFFFFFF00];
	v9 =	vmul.f32 v10, v4  }
0x328: {  	v12 =	vld [tilespmem:s11+$0xFFFFFF10]  }
0x329: {  	v7 =	vmax.f32 v18, v7;
	v8 =	vmul.f32 v8, v4;
	[tilespmem:s11+$0xFFFFFFA0] =	vst v9;
	v9 =	vld [tilespmem:s11+$0xFFFFFFB0]  }
0x32a: {  	v13 =	vld [tilespmem:s11+$0xFFFFFF20];
	v7 =	vmul.f32 $1.442695020e+00, v7  }
0x32b: {  	v6 =	vmul.f32 v6, v4;
	[tilespmem:s11+$0xFFFFFF90] =	vst v8;
	v8 =	vld [tilespmem:s11+$0xFFFFFF60]  }
0x32c: {  	(erf) = vpow2.f32 v7;
	v7 =	vld [tilespmem:s11+$0x20]  }
0x32d: {  	v15 =	vld [tilespmem:s11+$0xFFFFFF30];
	[tilespmem:s11+$0xFFFFFF80] =	vst v6;
	v6 =	vmul.f32 v11, v14  }
0x32e: {  	v10 =	vld [tilespmem:s11+$0x90];
	v22 =	vmul.f32 v9, v4  }
0x32f: {  	v11 =	vld [tilespmem:s11+$0xFFFFFF50];
	[tilespmem:s11+$0xFFFFFF00] =	vst v6;
	v9 =	vperm.xlane v2, v1;
	v2 =	vmul.f32 v17, v4  }
0x330: {  	v17 =	vld [tilespmem:s31+$0x0];
	v8 =	vmul.f32 v8, v14;
	[tilespmem:s11+$0xFFFFFFB0] =	vst v22  }
0x331: {  	v7 =	vmul.f32 v7, v19;
	[tilespmem:s11+$0xFFFFFFC0] =	vst v2;
	v2 =	vld [tilespmem:s31+$0xFFFFFFE0]  }
0x332: {  	v16 =	vld [tilespmem:s11+$0xFFFFFF40];
	v3 =	vmul.f32 v3, v9;
	[tilespmem:s11+$0xFFFFFF60] =	vst v8  }
0x333: {  	v6 =	vld [tilespmem:s11+$0xFFFFFF70];
	v5 =	vmul.f32 v5, v9;
	[tilespmem:s11+$0x20] =	vst v7  }
0x334: {  	v59 =	vld [tilespmem:s11+$0xFFFFFFE0];
	[tilespmem:s11+$0xF0] =	vst v3;
	v3 =	vmul.f32 v12, v14;
	v12 =	vmul.f32 v13, v14;
	v13 =	vadd.f32 v23, v21  }
0x335: {  	v24 =	vld [tilespmem:s11+$0xFFFFFFD0];
	v11 =	vmul.f32 v11, v14;
	[tilespmem:s11+$0x80] =	vst v5;
	v5 =	vmul.f32 v15, v14;
	v17 =	vadd.f32 v58, v17  }
0x336: {  	v18 =	vld [tilespmem:s11+$0x0];
	v10 =	vmul.f32 v10, v9;
	[tilespmem:s11+$0xFFFFFF10] =	vst v3;
	v3 =	vmul.f32 $2.000000030e-01, v13;
	v2 =	vadd.f32 v20, v2  }
0x337: {  	v8 =	vld [tilespmem:s11+$0x60];
	v15 =	vmul.f32 v16, v14;
	[tilespmem:s11+$0xFFFFFF30] =	vst v5;
	v5 =	vmul.f32 $2.000000030e-01, v17  }
0x338: {  	v16 =	vld [tilespmem:s11+$0xFFFFFFF0];
	[tilespmem:s11+$0xFFFFFF50] =	vst v11;
	v6 =	vmul.f32 v6, v14;
	v3 =	vmax.f32 v13, v3;
	v13 =	vmul.f32 $2.000000030e-01, v2  }
0x339: {  	v11 =	vld [tilespmem:s11+$0x40];
	[tilespmem:s11+$0x90] =	vst v10;
	v10 =	vmul.f32 v59, v4;
	v3 =	vmul.f32 $1.442695020e+00, v3;
	v5 =	vmax.f32 v17, v5  }
0x33a: {  	v14 =	vld [tilespmem:s11+$0xB0];
	[tilespmem:s11+$0xFFFFFF70] =	vst v6;
	v6 =	vmul.f32 v24, v4;
	v5 =	vmul.f32 $1.442695020e+00, v5;
	v2 =	vmax.f32 v2, v13  }
0x33b: {  	[tilespmem:s11+$0xFFFFFF20] =	vst v12;
	v12 =	vld [tilespmem:s11+$0x10];
	(erf) = vpow2.f32 v3;
	v2 =	vmul.f32 $1.442695020e+00, v2  }
0x33c: {  	[tilespmem:s11+$0xFFFFFF40] =	vst v15;
	v15 =	vld [tilespmem:s11+$0x30];
	v8 =	vmul.f32 v8, v19;
	(erf) = vpow2.f32 v5  }
0x33d: {  	[tilespmem:s11+$0xFFFFFFD0] =	vst v6;
	v6 =	vld [tilespmem:s11+$0xA0];
	(erf) = vpow2.f32 v2;
	v2 =	vmul.f32 v18, v19  }
0x33e: {  	[tilespmem:s11+$0xFFFFFFE0] =	vst v10;
	v4 =	vmul.f32 v16, v4;
	v16 =	vld [tilespmem:s11+$0xC0]  }
0x33f: {  	v17 =	vld [tilespmem:s11+$0xD0];
	[tilespmem:s11+$0x60] =	vst v8  }
0x340: {  	v3 =	vld [tilespmem:s11+$0x50];
	[tilespmem:s11+$0xFFFFFFF0] =	vst v4  }
0x341: {  	s24 =	simm.s32 $0x81E0;
	v4 =	vmul.f32 v12, v19;
	v5 =	vld [tilespmem:s11+$0x70];
	[tilespmem:s11+$0x0] =	vst v2;
	v2 =	vpop (erf)  }
0x342: {  	s0 =	simm.s32 $0x4480;
	v11 =	vmul.f32 v11, v19;
	v18 =	vld [tilespmem:s11+$0xE0];
	[tilespmem:s24+$0x10] =	vst v2  }
0x343: {  	v10 =	vmul.f32 v15, v19;
	[tilespmem:s11+$0x10] =	vst v4;
	v4 =	vld [tilespmem:s0+$0xF0]  }
0x344: {  	[tilespmem:s11+$0x40] =	vst v11;
	v7 =	vld [tilespmem:s0+$0x80];
	v12 =	vpop (erf)  }
0x345: {  	v3 =	vmul.f32 v3, v19;
	v15 =	vld [tilespmem:s0+$0x90];
	[tilespmem:s24+$0xFFFFFFF0] =	vst v12  }
0x346: {  	[tilespmem:s11+$0x30] =	vst v10;
	v20 =	vpop (erf);
	v13 =	vld [tilespmem:s0+$0xFFFFFF80]  }
0x347: {  	v5 =	vmul.f32 v5, v19;
	[tilespmem:s11+$0x50] =	vst v3;
	v2 =	vperm.xlane v2, v1;
	v11 =	vld [tilespmem:s0+$0xFFFFFF90];
	v10 =	vpop (erf)  }
0x348: {  	v60 =	vld [tilespmem:s0+$0xFFFFFFA0];
	[tilespmem:s24+$0xFFFFFFE0] =	vst v10  }
0x349: {  	[tilespmem:s11+$0x70] =	vst v5;
	v3 =	vmul.f32 v4, v2;
	v61 =	vld [tilespmem:s0+$0xFFFFFF00];
	v4 =	vperm.xlane v12, v1  }
0x34a: {  	[tilespmem:s24+$0x0] =	vst v20;
	v19 =	vld [tilespmem:s0+$0xFFFFFF10];
	v7 =	vmul.f32 v7, v2  }
0x34b: {  	v5 =	vmul.f32 v6, v9;
	v62 =	vld [tilespmem:s0+$0xFFFFFF20];
	[tilespmem:s0+$0xF0] =	vst v3;
	v3 =	vmul.f32 v13, v4  }
0x34c: {  	v10 =	vperm.xlane v10, v1;
	v63 =	vld [tilespmem:s0+$0xFFFFFF30];
	v8 =	vmul.f32 v11, v4;
	[tilespmem:s0+$0x80] =	vst v7  }
0x34d: {  	v6 =	vmul.f32 v14, v9;
	v25 =	vld [tilespmem:s0+$0xFFFFFF40];
	v11 =	vmul.f32 v60, v4;
	[tilespmem:s0+$0xFFFFFF80] =	vst v3  }
0x34e: {  	v13 =	vld [tilespmem:s0+$0xFFFFFF50];
	v7 =	vmul.f32 v16, v9;
	[tilespmem:s0+$0xFFFFFF90] =	vst v8;
	v3 =	vmul.f32 v61, v10  }
0x34f: {  	v12 =	vld [tilespmem:s0+$0xFFFFFF60];
	v8 =	vmul.f32 v17, v9;
	[tilespmem:s0+$0xFFFFFFA0] =	vst v11;
	v16 =	vmul.f32 v19, v10  }
0x350: {  	v14 =	vld [tilespmem:s0+$0xFFFFFF70];
	v9 =	vmul.f32 v18, v9;
	v17 =	vmul.f32 v62, v10;
	[tilespmem:s0+$0xFFFFFF00] =	vst v3  }
0x351: {  	v11 =	vmul.f32 v15, v2;
	v15 =	vld [tilespmem:s0+$0xFFFFFFB0];
	v18 =	vmul.f32 v63, v10;
	[tilespmem:s0+$0xFFFFFF10] =	vst v16  }
0x352: {  	s22 =	simm.s32 $0x6A20;
	s19 =	simm.s32 $0x4;
	v3 =	vperm.xlane v20, v1;
	[tilespmem:s0+$0xFFFFFF20] =	vst v17;
	v17 =	vmul.f32 v25, v10;
	v16 =	vld [tilespmem:s0+$0xFFFFFFC0]  }
.LBB2_9:
0x353: {  	v19 =	vld [tilespmem:s22+$0x10];
	[tilespmem:s0+$0xFFFFFF30] =	vst v18;
	v13 =	vmul.f32 v13, v10;
	s18 =	sadd.s32 $0x40, s18  }
0x354: {  	s19 =	sadd.s32 $0x4, s19;
	v18 =	vld [tilespmem:s18+$0x10];
	[tilespmem:s0+$0xFFFFFF40] =	vst v17;
	v12 =	vmul.f32 v12, v10  }
0x355: {  	p1 =	slt.u32 s19, $0x3C;
	v17 =	vld [tilespmem:s18+$0xFFFFFFE0];
	[tilespmem:s0+$0xFFFFFF50] =	vst v13;
	v10 =	vmul.f32 v14, v10  }
0x356: {  	v13 =	vld [tilespmem:s22+$0xFFFFFFF0];
	[tilespmem:s0+$0xFFFFFF60] =	vst v12;
	v12 =	vmul.f32 v15, v4  }
0x357: {  	v14 =	vld [tilespmem:s18+$0xFFFFFFF0];
	[tilespmem:s0+$0xFFFFFF70] =	vst v10;
	v10 =	vmul.f32 v16, v4  }
0x358: {  	v15 =	vld [tilespmem:s22+$0x0];
	[tilespmem:s0+$0xFFFFFFB0] =	vst v12  }
0x359: {  	v12 =	vld [tilespmem:s18+$0x0];
	v16 =	vadd.f32 v18, v19;
	[tilespmem:s0+$0xFFFFFFC0] =	vst v10  }
0x35a: {  	v10 =	vld [tilespmem:s22+$0xFFFFFFE0];
	[tilespmem:s0+$0x90] =	vst v11  }
0x35b: {  	v11 =	vmul.f32 $2.000000030e-01, v16;
	v18 =	vld [tilespmem:s0+$0xFFFFFFD0];
	[tilespmem:s11+$0xA0] =	vst v5  }
0x35c: {  	v5 =	vadd.f32 v14, v13;
	v13 =	vld [tilespmem:s0+$0xFFFFFFE0];
	[tilespmem:s11+$0xB0] =	vst v6  }
0x35d: {  	v6 =	vmax.f32 v16, v11;
	v11 =	vld [tilespmem:s0+$0xFFFFFFF0];
	[tilespmem:s11+$0xC0] =	vst v7  }
0x35e: {  	v7 =	vmul.f32 $2.000000030e-01, v5;
	v12 =	vadd.f32 v12, v15;
	v6 =	vmul.f32 $1.442695020e+00, v6;
	v14 =	vld [tilespmem:s0+$0x0];
	[tilespmem:s11+$0xD0] =	vst v8  }
0x35f: {  	v8 =	vadd.f32 v17, v10;
	v10 =	vld [tilespmem:s0+$0x10];
	[tilespmem:s11+$0xE0] =	vst v9;
	s11 =	smov.u32 s0  }
0x360: {  	v5 =	vmax.f32 v5, v7;
	v7 =	vmul.f32 $2.000000030e-01, v12;
	(erf) = vpow2.f32 v6;
	v6 =	vld [tilespmem:s0+$0x20]  }
0x361: {  	v9 =	vmul.f32 $2.000000030e-01, v8;
	v5 =	vmul.f32 $1.442695020e+00, v5;
	v15 =	vld [tilespmem:s0+$0x30]  }
0x362: {  	v13 =	vmul.f32 v13, v4;
	v7 =	vmax.f32 v12, v7;
	v12 =	vmul.f32 v18, v4;
	v16 =	vld [tilespmem:s0+$0x40]  }
0x363: {  	v8 =	vmax.f32 v8, v9;
	v7 =	vmul.f32 $1.442695020e+00, v7;
	(erf) = vpow2.f32 v5;
	v5 =	vld [tilespmem:s0+$0x50]  }
0x364: {  	v4 =	vmul.f32 v11, v4;
	v8 =	vmul.f32 $1.442695020e+00, v8;
	[tilespmem:s0+$0xFFFFFFD0] =	vst v12;
	v9 =	vld [tilespmem:s0+$0x60]  }
0x365: {  	(erf) = vpow2.f32 v7;
	[tilespmem:s0+$0xFFFFFFE0] =	vst v13;
	v7 =	vmul.f32 v14, v3;
	v11 =	vld [tilespmem:s0+$0x70]  }
0x366: {  	(erf) = vpow2.f32 v8;
	[tilespmem:s0+$0xFFFFFFF0] =	vst v4;
	v4 =	vmul.f32 v10, v3;
	v8 =	vld [tilespmem:s0+$0xA0]  }
0x367: {  	v6 =	vmul.f32 v6, v3;
	[tilespmem:s0+$0x0] =	vst v7;
	v7 =	vmul.f32 v15, v3;
	v10 =	vld [tilespmem:s0+$0xB0]  }
0x368: {  	[tilespmem:s0+$0x10] =	vst v4;
	v4 =	vmul.f32 v16, v3;
	v12 =	vmul.f32 v5, v3;
	v13 =	vld [tilespmem:s0+$0xC0]  }
0x369: {  	s24 =	sadd.s32 $0x40, s24;
	v14 =	vpop (erf);
	[tilespmem:s0+$0x20] =	vst v6;
	v15 =	vmul.f32 v9, v3;
	v9 =	vld [tilespmem:s0+$0xD0]  }
0x36a: {  	s0 =	sadd.s32 $0x200, s0;
	[tilespmem:s24+$0x10] =	vst v14;
	v16 =	vmul.f32 v11, v3;
	v11 =	vld [tilespmem:s11+$0xE0]  }
0x36b: {  	v17 =	vld [tilespmem:s0+$0xF0];
	[tilespmem:s11+$0x30] =	vst v7;
	v5 =	vmul.f32 v8, v2  }
0x36c: {  	v18 =	vld [tilespmem:s0+$0x80];
	v3 =	vpop (erf);
	[tilespmem:s11+$0x40] =	vst v4;
	v6 =	vmul.f32 v10, v2  }
0x36d: {  	[tilespmem:s24+$0xFFFFFFF0] =	vst v3;
	v4 =	vperm.xlane v3, v1;
	v19 =	vld [tilespmem:s0+$0x90];
	v7 =	vmul.f32 v13, v2  }
0x36e: {  	v14 =	vperm.xlane v14, v1;
	v13 =	vld [tilespmem:s0+$0xFFFFFF80];
	v3 =	vpop (erf);
	[tilespmem:s11+$0x50] =	vst v12;
	v8 =	vmul.f32 v9, v2  }
0x36f: {  	v12 =	vld [tilespmem:s0+$0xFFFFFF90];
	[tilespmem:s24+$0x0] =	vst v3;
	v3 =	vperm.xlane v3, v1;
	v10 =	vpop (erf);
	v9 =	vmul.f32 v11, v2  }
0x370: {  	v2 =	vmov v14;
	[tilespmem:s24+$0xFFFFFFE0] =	vst v10;
	v10 =	vperm.xlane v10, v1;
	v20 =	vld [tilespmem:s0+$0xFFFFFFA0];
	v17 =	vmul.f32 v17, v14  }
0x371: {  	v14 =	vld [tilespmem:s0+$0xFFFFFF00];
	v18 =	vmul.f32 v18, v2;
	[tilespmem:s11+$0x60] =	vst v15  }
0x372: {  	v15 =	vld [tilespmem:s0+$0xFFFFFF10];
	v11 =	vmul.f32 v19, v2;
	[tilespmem:s0+$0xF0] =	vst v17  }
0x373: {  	v17 =	vld [tilespmem:s0+$0xFFFFFF20];
	v13 =	vmul.f32 v13, v4;
	[tilespmem:s11+$0x70] =	vst v16  }
0x374: {  	v16 =	vld [tilespmem:s0+$0xFFFFFF30];
	v12 =	vmul.f32 v12, v4;
	[tilespmem:s0+$0x80] =	vst v18  }
0x375: {  	v19 =	vld [tilespmem:s0+$0xFFFFFF40];
	[tilespmem:s0+$0xFFFFFF80] =	vst v13;
	v18 =	vmul.f32 v20, v4  }
.Ltmp5:
0x376: {  	v14 =	vmul.f32 v14, v10;
	v13 =	vld [tilespmem:s0+$0xFFFFFF50];
	[tilespmem:s0+$0xFFFFFF90] =	vst v12;
	(pc) =	sbr.rel @p1 .LBB2_9-.Ltmp5, $4  }
0x377: {  	v15 =	vmul.f32 v15, v10;
	v12 =	vld [tilespmem:s0+$0xFFFFFF60];
	[tilespmem:s0+$0xFFFFFFA0] =	vst v18  }
0x378: {  	[tilespmem:s0+$0xFFFFFF00] =	vst v14;
	v17 =	vmul.f32 v17, v10;
	v14 =	vld [tilespmem:s0+$0xFFFFFF70]  }
0x379: {  	[tilespmem:s0+$0xFFFFFF10] =	vst v15;
	v18 =	vmul.f32 v16, v10;
	v15 =	vld [tilespmem:s0+$0xFFFFFFB0]  }
0x37a: {  	s22 =	sadd.s32 $0x40, s22;
	[tilespmem:s0+$0xFFFFFF20] =	vst v17;
	v17 =	vmul.f32 v19, v10;
	v16 =	vld [tilespmem:s0+$0xFFFFFFC0]  }
0x37b: {  	[tilespmem:s0+$0xFFFFFF30] =	vst v18  }
0x37c: {  	[tilespmem:s0+$0x90] =	vst v11  }
0x37d: {  	[tilespmem:s11+$0xA0] =	vst v5  }
0x37e: {  	[tilespmem:s11+$0xB0] =	vst v6  }
0x37f: {  	[tilespmem:s11+$0xC0] =	vst v7  }
0x380: {  	[tilespmem:s11+$0xD0] =	vst v8  }
0x381: {  	v13 =	vmul.f32 v13, v10;
	v38 =	vld [tilespmem:s0+$0xFFFFFFD0];
	[tilespmem:s11+$0xE0] =	vst v9  }
0x382: {  	v39 =	vld [tilespmem:s0+$0xFFFFFFE0];
	[tilespmem:s0+$0xFFFFFF40] =	vst v17;
	v12 =	vmul.f32 v12, v10  }
0x383: {  	v40 =	vld [tilespmem:s0+$0xFFFFFFF0];
	[tilespmem:s0+$0xFFFFFF50] =	vst v13;
	v37 =	vmul.f32 v14, v10  }
0x384: {  	v41 =	vld [tilespmem:s0+$0x0];
	v15 =	vmul.f32 v15, v4;
	[tilespmem:s0+$0xFFFFFF60] =	vst v12  }
0x385: {  	v42 =	vld [tilespmem:s0+$0x10];
	v36 =	vmul.f32 v16, v4;
	[tilespmem:s0+$0xFFFFFF70] =	vst v37  }
0x386: {  	v43 =	vld [tilespmem:s0+$0x20];
	[tilespmem:s0+$0xFFFFFFB0] =	vst v15;
	v12 =	vmul.f32 v38, v4  }
0x387: {  	v44 =	vld [tilespmem:s0+$0x30];
	v45 =	vmul.f32 v39, v4;
	[tilespmem:s0+$0xFFFFFFC0] =	vst v36  }
0x388: {  	v46 =	vld [tilespmem:s0+$0x40];
	v48 =	vmul.f32 v40, v4;
	[tilespmem:s0+$0xFFFFFFD0] =	vst v12  }
0x389: {  	v47 =	vld [tilespmem:s0+$0x50];
	v5 =	vmul.f32 v41, v3;
	[tilespmem:s0+$0xFFFFFFE0] =	vst v45  }
0x38a: {  	v49 =	vld [tilespmem:s0+$0x60];
	v51 =	vmul.f32 v42, v3;
	[tilespmem:s0+$0xFFFFFFF0] =	vst v48  }
0x38b: {  	v50 =	vld [tilespmem:s0+$0x70];
	v52 =	vmul.f32 v43, v3;
	[tilespmem:s0+$0x0] =	vst v5  }
0x38c: {  	v53 =	vld [tilespmem:s0+$0xA0];
	v54 =	vmul.f32 v44, v3;
	[tilespmem:s0+$0x10] =	vst v51  }
0x38d: {  	v55 =	vld [tilespmem:s0+$0xB0];
	v56 =	vmul.f32 v46, v3;
	[tilespmem:s0+$0x20] =	vst v52  }
0x38e: {  	v60 =	vld [tilespmem:s0+$0xD0];
	v57 =	vmul.f32 v47, v3;
	[tilespmem:s0+$0x30] =	vst v54  }
0x38f: {  	v58 =	vld [tilespmem:s0+$0xC0];
	v59 =	vmul.f32 v49, v3;
	[tilespmem:s0+$0x40] =	vst v56  }
0x390: {  	v61 =	vld [tilespmem:s0+$0xE0];
	v3 =	vmul.f32 v50, v3;
	[tilespmem:s0+$0x50] =	vst v57  }
0x391: {  	v62 =	vmul.f32 v53, v2;
	[tilespmem:s0+$0x60] =	vst v59  }
0x392: {  	v4 =	vmul.f32 v55, v2;
	[tilespmem:s0+$0x70] =	vst v3  }
0x393: {  	v63 =	vmul.f32 v60, v2;
	[tilespmem:s0+$0xA0] =	vst v62  }
0x394: {  	v3 =	vmul.f32 v58, v2;
	[tilespmem:s0+$0xB0] =	vst v4  }
0x395: {  	v2 =	vmul.f32 v61, v2;
	[tilespmem:s0+$0xD0] =	vst v63  }
0x396: {  	[tilespmem:s0+$0xC0] =	vst v3  }
0x397: {  	[tilespmem:s0+$0xE0] =	vst v2  }
0x398: {  	[spmem:s21] =	stream.indirect.scatter.add.f32 [tilespmem:s14], [sflag:$0x9], $0x80, s5, s2, $0xb8;
	[tilespmem:$0x1ED80] =	vst v63  }
0x399: {  	s31 =	simm.s32 $0x8180  }
0x39a: {  	[spmem:s23] =	stream.indirect.scatter.add.f32 [tilespmem:s31], [sflag:$0x9], $0x10, s5, s2, $0xb8;
	[tilespmem:$0x1ED80] =	vst v63  }
0x39b: {  	_ =	swait.ge [sflag:s15], $0x2000  }
.Ltmp6:
0x39c: {  	[sflag:s15] =	ssyncset.done $0x0;
	(pc) =	sbr.rel @p0 .LBB2_12-.Ltmp6, $4  }
0x39d: {  	[sflag:s15] =	ssyncadd.s32 $0xFFFFE000  }
0x39e: {  	_ =	swait.ge [sflag:s15], $0x400  }
0x39f: {  	[sflag:s15] =	ssyncset.done $0x0  }
0x3a0: {  	[sflag:s15] =	ssyncadd.s32 $0xFFFFFC00  }
0x3a1: {  	_ =	swait.ge [sflag:s7], $0x40  }
0x3a2: {  	[sflag:s7] =	ssyncset.done $0x0  }
0x3a3: {  	[sflag:s7] =	ssyncadd.s32 $0xFFFFFFC0  }
0x3a4: {  	_ =	swait.ge [sflag:s7], $0x40  }
0x3a5: {  	[sflag:s7] =	ssyncset.done $0x0  }
0x3a6: {  	s24 =	sld [smem:$0x7FA];
	[sflag:s7] =	ssyncadd.s32 $0xFFFFFFC0  }
0x3a7: {  	[tilespmem:s8], [sflag:$0x5] =	stream.indirect.gather [hbm4b:s25+s2], $0x80, s2, s2, $0xb8;
	[tilespmem:$0x1ED80] =	vst v63  }
0x3a8: {  	s0 =	simm.s32 $0x6580;
	s22 =	smul.u32 $0xC0, s16  }
0x3a9: {  	[tilespmem:s0], [sflag:$0x5] =	stream.indirect.gather [hbm4b:s26+s2], $0x10, s2, s2, $0xb8;
	[tilespmem:$0x1ED80] =	vst v63  }
0x3aa: {  	s11 =	simm.s32 $0x7180;
	s0 =	sadd.s32 s22, s24  }
0x3ab: {  	[tilespmem:s11], [sflag:$0x5] =	stream.indirect.gather [hbm4b:s28+s2], $0x10, s3, s2, $0xb8;
	[tilespmem:$0x1ED80] =	vst v63  }
.Ltmp7:
0x3ac: {  	s0 =	sshrl.u32 s0, $0x3;
	(pc) =	sbr.rel .LBB2_4-.Ltmp7, $4  }
0x3ad: {  	s31 =	sadd.s32 s29, s0  }
0x3ae: {  	[tilespmem:s4], [sflag:$0x3] =	stream.linear.gather [hbm4b:s31+s10], $0x40, $0x38;
	[tilespmem:$0x1ED80] =	vst v63  }
0x3af: {  	s16 =	sadd.s32 $0x1, s16;
	s0 =	sadd.s32 s30, s0  }
0x3b0: {  	[tilespmem:s5], [sflag:$0x3] =	stream.linear.gather [hbm4b:s0+s10], $0x40, $0x38;
	[tilespmem:$0x1ED80] =	vst v63  }
.LBB2_13:
0x3b1: {  	_ =	sfence.sel $0x180000  }
0x3b2: {  	[bflag:$0x0] =	sbarrier.arrive $0xFFFF  }
0x3b3: {  	_ =	strace $0x90000047  }
0x3b4: {  	s0 =	stileid.u32;
	[bflag:$0x2] =	sbarrier.arrive $0xFFFF  }
0x3b5: {  	p0 =	sne.s32 s0, $0x0;
	s0 =	rddreg [dreg:$0x4]  }
0x3b6: {  	s0 =	sadd.s32 @!p0 $0x100000, s0  }
0x3b7: {  	[sflag:s0] =	ssyncadd.tile.s32 @!p0 $0x1;
	_ =	shalt  }
.Lfunc_end2:
_tile_overlayer_lowered:
.L_overlay_start_2:
0x3b8: {  	(tag) =	ssettag $0x2  }
0x3b9: {  	s0 =	rddreg [dreg:$0x0];
	s2 =	stileid.u32  }
0x3ba: {  	s1 =	rddreg [dreg:$0x1];
	p0 =	sne.s32 s2, $0x0  }
0x3bb: {  	s3 =	rddreg [dreg:$0x2];
	[bflag:$0x3] =	sbarrier.arrive $0xFFFF;
	s2 =	simm.s32 @!p0 $0x1C0A  }
0x3bc: {  	[timem:s3], [sflag:s2] =	dma.local @!p0 [hbm:s0], s1  }
0x3bd: {  	s0 =	simm.s32 @!p0 $0xA  }
0x3be: {  	_ =	swait.ge @!p0 [sflag:s0], s1  }
0x3bf: {  	s1 =	ssub.s32 @!p0 $0x0, s1;
	[sflag:s0] =	ssyncset.done @!p0 $0x0  }
0x3c0: {  	[sflag:s0] =	ssyncadd.s32 @!p0 s1  }
0x3c1: {  	[bflag:$0x3] =	sbarrier.arrive $0xFFFF  }
0x3c2: {  	_ =	shalt  }

</sc_bundles>
